<compile_context>
chip_gen: v7x
topology: tpu7x:2x2x1
jax: 0.10.2.dev20260603
libtpu: 0.0.44.dev20260713+nightly
codegen_flags: <defaults>
</compile_context>

<pallas_src>
import functools

import jax
import jax.numpy as jnp
from jax import lax
from jax.experimental import pallas as pl
from jax.experimental.pallas import tpu as pltpu
from jax.experimental.pallas import tpu_sc as plsc

NUM_CORES = 2
NUM_SUBCORES = 16
NUM_WORKERS = NUM_CORES * NUM_SUBCORES
LANES = 16
SR = 8
DC = 512
LSLOTS = 4
OSLOTS = 2
UNROLL = 8


def kernel(x, embedding):
    B, S, D = x.shape
    s_per_w = S // NUM_WORKERS
    dh = D // DC
    chunks = (s_per_w // SR) * dh
    supers = chunks // LSLOTS

    mesh = plsc.VectorSubcoreMesh(core_axis_name="c", subcore_axis_name="s")

    scratch = []
    for _ in range(LSLOTS):
        scratch.append(pltpu.VMEM((SR, DC), jnp.float32))
        scratch.append(pltpu.VMEM((B, SR, DC), jnp.float32))
        scratch.append(pltpu.SemaphoreType.DMA)
    for _ in range(OSLOTS):
        scratch.append(pltpu.VMEM((B, SR, DC), jnp.float32))
        scratch.append(pltpu.SemaphoreType.DMA)

    @functools.partial(
        pl.kernel,
        mesh=mesh,
        out_type=jax.ShapeDtypeStruct((B, S, D), x.dtype),
        scratch_types=scratch,
        compiler_params=pltpu.CompilerParams(use_tc_tiling_on_sc=True),
    )
    def body(x_hbm, emb_hbm, out_hbm, *scr):
        lsets = [scr[3 * i:3 * i + 3] for i in range(LSLOTS)]
        obase = 3 * LSLOTS
        osets = [scr[obase + 2 * i:obase + 2 * i + 2] for i in range(OSLOTS)]
        wid = lax.axis_index("s") * NUM_CORES + lax.axis_index("c")
        s0 = wid * s_per_w

        def rowcol(gg):
            return s0 + (gg // dh) * SR, (gg % dh) * DC

        def issue_loads(ls, gg):
            eb, xb, lsem = lsets[ls]
            sr, dc = rowcol(gg)
            pltpu.async_copy(
                emb_hbm.at[pl.ds(sr, SR), pl.ds(dc, DC)], eb, lsem)
            pltpu.async_copy(
                x_hbm.at[pl.ds(0, B), pl.ds(sr, SR), pl.ds(dc, DC)],
                xb, lsem)

        def wait_loads(ls):
            eb, xb, lsem = lsets[ls]
            pltpu.make_async_copy(
                emb_hbm.at[pl.ds(0, SR), pl.ds(0, DC)], eb, lsem).wait()
            pltpu.make_async_copy(
                x_hbm.at[pl.ds(0, B), pl.ds(0, SR), pl.ds(0, DC)],
                xb, lsem).wait()

        def issue_stores(os_, gg):
            ob, ssem = osets[os_]
            sr, dc = rowcol(gg)
            pltpu.async_copy(
                ob, out_hbm.at[pl.ds(0, B), pl.ds(sr, SR), pl.ds(dc, DC)],
                ssem)

        def wait_stores(os_):
            ob, ssem = osets[os_]
            pltpu.make_async_copy(
                ob, out_hbm.at[pl.ds(0, B), pl.ds(0, SR), pl.ds(0, DC)],
                ssem).wait()

        def compute(ls, os_):
            eb, xb, _ = lsets[ls]
            ob = osets[os_][0]

            @plsc.parallel_loop(0, SR * DC, step=LANES, unroll=UNROLL)
            def iter_body(i):
                r = i // DC
                sl = pl.ds(i % DC, LANES)
                e = eb[r, sl]
                for b in range(B):
                    ob[b, r, sl] = xb[b, r, sl] + e

        def chunk_body(gg, i, do_store_wait, do_load_issue):
            ls, os_ = i % LSLOTS, i % OSLOTS
            wait_loads(ls)
            if do_load_issue:
                issue_loads((i + LSLOTS - 1) % LSLOTS, gg + LSLOTS - 1)
            if do_store_wait:
                wait_stores(os_)
            compute(ls, os_)
            issue_stores(os_, gg)

        for g in range(LSLOTS - 1):
            issue_loads(g, g)

        for i in range(LSLOTS):
            chunk_body(i, i, i >= OSLOTS, True)

        def super_body(s, c):
            base = s * LSLOTS
            for i in range(LSLOTS):
                chunk_body(base + i, i, True, True)
            return c

        lax.fori_loop(1, supers - 1, super_body, 0)

        base = (supers - 1) * LSLOTS
        for i in range(LSLOTS):
            gg = base + i
            chunk_body(gg, i, True, gg + LSLOTS - 1 < chunks)

        for i in range(OSLOTS):
            wait_stores(i)

    return body(x, embedding)

# --- scband reference (transcript-rebuilt; emitter-appended) ---
"""Pipeline reference for scband-positional-encoding-67078799229306 (READ-ONLY COPY).

The authoritative reference and input builder live on the scoring server;
editing this copy changes nothing except your own understanding.
"""

import jax, jax.numpy as jnp
import numpy as np

D_MODEL = 1024
MAX_LEN = 8192
BATCH = 4
SEQ_LEN = 8192


def setup_inputs(seed: int = 0) -> dict:
    key = jax.random.key(seed)
    k_x, k_emb = jax.random.split(key)
    x = jax.random.normal(k_x, (BATCH, SEQ_LEN, D_MODEL), dtype=jnp.float32)
    # learned positional embedding table, init normal(0, 0.02) like the torch module
    embedding = jax.random.normal(k_emb, (MAX_LEN, D_MODEL), dtype=jnp.float32) * 0.02
    return {"x": x, "embedding": embedding}


def reference(x, embedding):
    # learned=True path: positions = arange(seq_len); pos = embedding[positions]
    seq_len = x.shape[1]
    positions = jnp.arange(seq_len)
    pos = jnp.take(embedding, positions, axis=0)  # [S, D] gather (embedding lookup)
    # dropout p=0.0 -> identity
    return x + pos[None, :, :]

if __name__ == "__main__":
    import jax
    _d = setup_inputs()
    print(jax.jit(kernel)(*tuple(_d.values())))

</pallas_src>

<mosaic_0001>
#map = affine_map<(d0, d1) -> (0, 0, 0)>
#map1 = affine_map<(d0, d1) -> (0, 0)>
module attributes {stable_mosaic.version = 14 : i64} {
  func.func @body(%arg0: i32, %arg1: i32, %arg2: memref<4x8192x1024xf32, #tpu.memory_space<hbm>>, %arg3: memref<8192x1024xf32, #tpu.memory_space<hbm>>, %arg4: memref<4x8192x1024xf32, #tpu.memory_space<hbm>>, %arg5: memref<8x512xf32, #tpu.memory_space<vmem>>, %arg6: memref<4x8x512xf32, #tpu.memory_space<vmem>>, %arg7: memref<!tpu.dma_semaphore, #tpu.memory_space<semaphore_mem>>, %arg8: memref<8x512xf32, #tpu.memory_space<vmem>>, %arg9: memref<4x8x512xf32, #tpu.memory_space<vmem>>, %arg10: memref<!tpu.dma_semaphore, #tpu.memory_space<semaphore_mem>>, %arg11: memref<8x512xf32, #tpu.memory_space<vmem>>, %arg12: memref<4x8x512xf32, #tpu.memory_space<vmem>>, %arg13: memref<!tpu.dma_semaphore, #tpu.memory_space<semaphore_mem>>, %arg14: memref<8x512xf32, #tpu.memory_space<vmem>>, %arg15: memref<4x8x512xf32, #tpu.memory_space<vmem>>, %arg16: memref<!tpu.dma_semaphore, #tpu.memory_space<semaphore_mem>>, %arg17: memref<4x8x512xf32, #tpu.memory_space<vmem>>, %arg18: memref<!tpu.dma_semaphore, #tpu.memory_space<semaphore_mem>>, %arg19: memref<4x8x512xf32, #tpu.memory_space<vmem>>, %arg20: memref<!tpu.dma_semaphore, #tpu.memory_space<semaphore_mem>>) attributes {dimension_semantics = [#tpu.dimension_semantics<core_parallel>, #tpu.dimension_semantics<subcore_parallel>], iteration_bounds = array<i64: 2, 16>, scalar_prefetch = 0 : i64, scratch_operands = 16 : i64, tpu.core_type = #tpu.core_type<sc_vector_subcore>, window_params = [{transform_indices = #map}, {transform_indices = #map1}, {transform_indices = #map}]} {
    %mul3A = arith.constant 2 : i32
    %mul3A_0 = arith.muli %arg1, %mul3A : i32
    %add3A = arith.addi %mul3A_0, %arg0 : i32
    %mul3A_1 = arith.constant 256 : i32
    %mul3A_2 = arith.muli %add3A, %mul3A_1 : i32
    %add3A_3 = arith.constant 0 : i32
    %add3A_4 = arith.addi %mul3A_2, %add3A_3 : i32
    %dma_start3A = arith.constant 0 : i32
    %dma_start3A_5 = tpu.memref_slice %arg3[%add3A_4, %dma_start3A] : memref<8192x1024xf32, #tpu.memory_space<hbm>> -> memref<8x512xf32, #tpu.memory_space<hbm>>
    %dma_start3A_6 = arith.constant 0 : i32
    %dma_start3A_7 = tpu.memref_slice %arg3[%add3A_4, %dma_start3A_6] : memref<8192x1024xf32, #tpu.memory_space<hbm>> -> memref<8x512xf32, #tpu.memory_space<hbm>>
    tpu.enqueue_dma source(%dma_start3A_7 : memref<8x512xf32, #tpu.memory_space<hbm>>) target(%arg5 : memref<8x512xf32, #tpu.memory_space<vmem>>) target_semaphore(%arg7 : memref<!tpu.dma_semaphore, #tpu.memory_space<semaphore_mem>>)
    %dma_start3A_8 = arith.constant 0 : i32
    %dma_start3A_9 = arith.constant 0 : i32
    %dma_start3A_10 = tpu.memref_slice %arg2[%dma_start3A_8, %add3A_4, %dma_start3A_9] : memref<4x8192x1024xf32, #tpu.memory_space<hbm>> -> memref<4x8x512xf32, #tpu.memory_space<hbm>>
    %dma_start3A_11 = arith.constant 0 : i32
    %dma_start3A_12 = arith.constant 0 : i32
    %dma_start3A_13 = tpu.memref_slice %arg2[%dma_start3A_11, %add3A_4, %dma_start3A_12] : memref<4x8192x1024xf32, #tpu.memory_space<hbm>> -> memref<4x8x512xf32, #tpu.memory_space<hbm>>
    tpu.enqueue_dma source(%dma_start3A_13 : memref<4x8x512xf32, #tpu.memory_space<hbm>>) target(%arg6 : memref<4x8x512xf32, #tpu.memory_space<vmem>>) target_semaphore(%arg7 : memref<!tpu.dma_semaphore, #tpu.memory_space<semaphore_mem>>)
    %add3A_14 = arith.constant 0 : i32
    %add3A_15 = arith.addi %mul3A_2, %add3A_14 : i32
    %dma_start3A_16 = arith.constant 512 : i32
    %dma_start3A_17 = tpu.memref_slice %arg3[%add3A_15, %dma_start3A_16] : memref<8192x1024xf32, #tpu.memory_space<hbm>> -> memref<8x512xf32, #tpu.memory_space<hbm>>
    %dma_start3A_18 = arith.constant 512 : i32
    %dma_start3A_19 = tpu.memref_slice %arg3[%add3A_15, %dma_start3A_18] : memref<8192x1024xf32, #tpu.memory_space<hbm>> -> memref<8x512xf32, #tpu.memory_space<hbm>>
    tpu.enqueue_dma source(%dma_start3A_19 : memref<8x512xf32, #tpu.memory_space<hbm>>) target(%arg8 : memref<8x512xf32, #tpu.memory_space<vmem>>) target_semaphore(%arg10 : memref<!tpu.dma_semaphore, #tpu.memory_space<semaphore_mem>>)
    %dma_start3A_20 = arith.constant 0 : i32
    %dma_start3A_21 = arith.constant 512 : i32
    %dma_start3A_22 = tpu.memref_slice %arg2[%dma_start3A_20, %add3A_15, %dma_start3A_21] : memref<4x8192x1024xf32, #tpu.memory_space<hbm>> -> memref<4x8x512xf32, #tpu.memory_space<hbm>>
    %dma_start3A_23 = arith.constant 0 : i32
    %dma_start3A_24 = arith.constant 512 : i32
    %dma_start3A_25 = tpu.memref_slice %arg2[%dma_start3A_23, %add3A_15, %dma_start3A_24] : memref<4x8192x1024xf32, #tpu.memory_space<hbm>> -> memref<4x8x512xf32, #tpu.memory_space<hbm>>
    tpu.enqueue_dma source(%dma_start3A_25 : memref<4x8x512xf32, #tpu.memory_space<hbm>>) target(%arg9 : memref<4x8x512xf32, #tpu.memory_space<vmem>>) target_semaphore(%arg10 : memref<!tpu.dma_semaphore, #tpu.memory_space<semaphore_mem>>)
    %add3A_26 = arith.constant 8 : i32
    %add3A_27 = arith.addi %mul3A_2, %add3A_26 : i32
    %dma_start3A_28 = arith.constant 0 : i32
    %dma_start3A_29 = tpu.memref_slice %arg3[%add3A_27, %dma_start3A_28] : memref<8192x1024xf32, #tpu.memory_space<hbm>> -> memref<8x512xf32, #tpu.memory_space<hbm>>
    %dma_start3A_30 = arith.constant 0 : i32
    %dma_start3A_31 = tpu.memref_slice %arg3[%add3A_27, %dma_start3A_30] : memref<8192x1024xf32, #tpu.memory_space<hbm>> -> memref<8x512xf32, #tpu.memory_space<hbm>>
    tpu.enqueue_dma source(%dma_start3A_31 : memref<8x512xf32, #tpu.memory_space<hbm>>) target(%arg11 : memref<8x512xf32, #tpu.memory_space<vmem>>) target_semaphore(%arg13 : memref<!tpu.dma_semaphore, #tpu.memory_space<semaphore_mem>>)
    %dma_start3A_32 = arith.constant 0 : i32
    %dma_start3A_33 = arith.constant 0 : i32
    %dma_start3A_34 = tpu.memref_slice %arg2[%dma_start3A_32, %add3A_27, %dma_start3A_33] : memref<4x8192x1024xf32, #tpu.memory_space<hbm>> -> memref<4x8x512xf32, #tpu.memory_space<hbm>>
    %dma_start3A_35 = arith.constant 0 : i32
    %dma_start3A_36 = arith.constant 0 : i32
    %dma_start3A_37 = tpu.memref_slice %arg2[%dma_start3A_35, %add3A_27, %dma_start3A_36] : memref<4x8192x1024xf32, #tpu.memory_space<hbm>> -> memref<4x8x512xf32, #tpu.memory_space<hbm>>
    tpu.enqueue_dma source(%dma_start3A_37 : memref<4x8x512xf32, #tpu.memory_space<hbm>>) target(%arg12 : memref<4x8x512xf32, #tpu.memory_space<vmem>>) target_semaphore(%arg13 : memref<!tpu.dma_semaphore, #tpu.memory_space<semaphore_mem>>)
    %dma_wait3A = arith.constant 0 : i32
    %dma_wait3A_38 = arith.constant 0 : i32
    %dma_wait3A_39 = tpu.memref_slice %arg3[%dma_wait3A, %dma_wait3A_38] : memref<8192x1024xf32, #tpu.memory_space<hbm>> -> memref<8x512xf32, #tpu.memory_space<hbm>>
    %dma_wait3A_40 = arith.constant 0 : i32
    %dma_wait3A_41 = arith.constant 0 : i32
    %dma_wait3A_42 = tpu.memref_slice %arg3[%dma_wait3A_40, %dma_wait3A_41] : memref<8192x1024xf32, #tpu.memory_space<hbm>> -> memref<8x512xf32, #tpu.memory_space<hbm>>
    tpu.wait_dma2 semaphore(%arg7 : memref<!tpu.dma_semaphore, #tpu.memory_space<semaphore_mem>>) src(%dma_wait3A_42 : memref<8x512xf32, #tpu.memory_space<hbm>>) dst(%arg5 : memref<8x512xf32, #tpu.memory_space<vmem>>)
    %dma_wait3A_43 = arith.constant 0 : i32
    %dma_wait3A_44 = arith.constant 0 : i32
    %dma_wait3A_45 = arith.constant 0 : i32
    %dma_wait3A_46 = tpu.memref_slice %arg2[%dma_wait3A_43, %dma_wait3A_44, %dma_wait3A_45] : memref<4x8192x1024xf32, #tpu.memory_space<hbm>> -> memref<4x8x512xf32, #tpu.memory_space<hbm>>
    %dma_wait3A_47 = arith.constant 0 : i32
    %dma_wait3A_48 = arith.constant 0 : i32
    %dma_wait3A_49 = arith.constant 0 : i32
    %dma_wait3A_50 = tpu.memref_slice %arg2[%dma_wait3A_47, %dma_wait3A_48, %dma_wait3A_49] : memref<4x8192x1024xf32, #tpu.memory_space<hbm>> -> memref<4x8x512xf32, #tpu.memory_space<hbm>>
    tpu.wait_dma2 semaphore(%arg7 : memref<!tpu.dma_semaphore, #tpu.memory_space<semaphore_mem>>) src(%dma_wait3A_50 : memref<4x8x512xf32, #tpu.memory_space<hbm>>) dst(%arg6 : memref<4x8x512xf32, #tpu.memory_space<vmem>>)
    %add3A_51 = arith.constant 8 : i32
    %add3A_52 = arith.addi %mul3A_2, %add3A_51 : i32
    %dma_start3A_53 = arith.constant 512 : i32
    %dma_start3A_54 = tpu.memref_slice %arg3[%add3A_52, %dma_start3A_53] : memref<8192x1024xf32, #tpu.memory_space<hbm>> -> memref<8x512xf32, #tpu.memory_space<hbm>>
    %dma_start3A_55 = arith.constant 512 : i32
    %dma_start3A_56 = tpu.memref_slice %arg3[%add3A_52, %dma_start3A_55] : memref<8192x1024xf32, #tpu.memory_space<hbm>> -> memref<8x512xf32, #tpu.memory_space<hbm>>
    tpu.enqueue_dma source(%dma_start3A_56 : memref<8x512xf32, #tpu.memory_space<hbm>>) target(%arg14 : memref<8x512xf32, #tpu.memory_space<vmem>>) target_semaphore(%arg16 : memref<!tpu.dma_semaphore, #tpu.memory_space<semaphore_mem>>)
    %dma_start3A_57 = arith.constant 0 : i32
    %dma_start3A_58 = arith.constant 512 : i32
    %dma_start3A_59 = tpu.memref_slice %arg2[%dma_start3A_57, %add3A_52, %dma_start3A_58] : memref<4x8192x1024xf32, #tpu.memory_space<hbm>> -> memref<4x8x512xf32, #tpu.memory_space<hbm>>
    %dma_start3A_60 = arith.constant 0 : i32
    %dma_start3A_61 = arith.constant 512 : i32
    %dma_start3A_62 = tpu.memref_slice %arg2[%dma_start3A_60, %add3A_52, %dma_start3A_61] : memref<4x8192x1024xf32, #tpu.memory_space<hbm>> -> memref<4x8x512xf32, #tpu.memory_space<hbm>>
    tpu.enqueue_dma source(%dma_start3A_62 : memref<4x8x512xf32, #tpu.memory_space<hbm>>) target(%arg15 : memref<4x8x512xf32, #tpu.memory_space<vmem>>) target_semaphore(%arg16 : memref<!tpu.dma_semaphore, #tpu.memory_space<semaphore_mem>>)
    %parallel_loop3A = arith.constant 0 : i32
    %parallel_loop3A_63 = arith.constant 4096 : i32
    %parallel_loop3A_64 = arith.constant 16 : i32
    scf.for %parallel_loop3A_365 = %parallel_loop3A to %parallel_loop3A_63 step %parallel_loop3A_64  : i32 {
      %parallel_loop3A_366 = arith.constant 512 : i32
      %parallel_loop3A_367 = arith.divsi %parallel_loop3A_365, %parallel_loop3A_366 : i32
      %parallel_loop3A_368 = arith.constant 0 : i32
      %parallel_loop3A_369 = arith.cmpi sgt, %parallel_loop3A_365, %parallel_loop3A_368 : i32
      %parallel_loop3A_370 = arith.extui %parallel_loop3A_369 : i1 to i32
      %parallel_loop3A_371 = arith.constant 0 : i32
      %parallel_loop3A_372 = arith.cmpi slt, %parallel_loop3A_365, %parallel_loop3A_371 : i32
      %parallel_loop3A_373 = arith.extui %parallel_loop3A_372 : i1 to i32
      %parallel_loop3A_374 = arith.subi %parallel_loop3A_370, %parallel_loop3A_373 : i32
      %parallel_loop3A_375 = arith.constant 0 : i32
      %parallel_loop3A_376 = arith.cmpi sgt, %parallel_loop3A_366, %parallel_loop3A_375 : i32
      %parallel_loop3A_377 = arith.extui %parallel_loop3A_376 : i1 to i32
      %parallel_loop3A_378 = arith.constant 0 : i32
      %parallel_loop3A_379 = arith.cmpi slt, %parallel_loop3A_366, %parallel_loop3A_378 : i32
      %parallel_loop3A_380 = arith.extui %parallel_loop3A_379 : i1 to i32
      %parallel_loop3A_381 = arith.subi %parallel_loop3A_377, %parallel_loop3A_380 : i32
      %parallel_loop3A_382 = arith.cmpi ne, %parallel_loop3A_374, %parallel_loop3A_381 : i32
      %parallel_loop3A_383 = arith.remsi %parallel_loop3A_365, %parallel_loop3A_366 : i32
      %parallel_loop3A_384 = arith.constant 0 : i32
      %parallel_loop3A_385 = arith.cmpi ne, %parallel_loop3A_383, %parallel_loop3A_384 : i32
      %parallel_loop3A_386 = arith.andi %parallel_loop3A_382, %parallel_loop3A_385 : i1
      %parallel_loop3A_387 = arith.constant 1 : i32
      %parallel_loop3A_388 = arith.subi %parallel_loop3A_367, %parallel_loop3A_387 : i32
      %parallel_loop3A_389 = arith.select %parallel_loop3A_386, %parallel_loop3A_388, %parallel_loop3A_367 : i32
      %parallel_loop3A_390 = arith.constant 512 : i32
      %parallel_loop3A_391 = arith.constant 0 : i32
      %parallel_loop3A_392 = arith.cmpi eq, %parallel_loop3A_390, %parallel_loop3A_391 : i32
      %parallel_loop3A_393 = arith.constant 1 : i32
      %parallel_loop3A_394 = arith.select %parallel_loop3A_392, %parallel_loop3A_393, %parallel_loop3A_390 : i32
      %parallel_loop3A_395 = arith.remsi %parallel_loop3A_365, %parallel_loop3A_394 : i32
      %parallel_loop3A_396 = arith.constant 0 : i32
      %parallel_loop3A_397 = arith.cmpi ne, %parallel_loop3A_395, %parallel_loop3A_396 : i32
      %parallel_loop3A_398 = arith.constant 0 : i32
      %parallel_loop3A_399 = arith.cmpi slt, %parallel_loop3A_395, %parallel_loop3A_398 : i32
      %parallel_loop3A_400 = arith.constant 0 : i32
      %parallel_loop3A_401 = arith.cmpi slt, %parallel_loop3A_394, %parallel_loop3A_400 : i32
      %parallel_loop3A_402 = arith.xori %parallel_loop3A_399, %parallel_loop3A_401 : i1
      %parallel_loop3A_403 = arith.andi %parallel_loop3A_402, %parallel_loop3A_397 : i1
      %parallel_loop3A_404 = arith.addi %parallel_loop3A_395, %parallel_loop3A_394 : i32
      %parallel_loop3A_405 = arith.select %parallel_loop3A_403, %parallel_loop3A_404, %parallel_loop3A_395 : i32
      %parallel_loop3A_406 = arith.index_cast %parallel_loop3A_389 : i32 to index
      %parallel_loop3A_407 = arith.index_cast %parallel_loop3A_405 : i32 to index
      %parallel_loop3A_408 = tpu.vector_load %arg5[%parallel_loop3A_406, %parallel_loop3A_407] {strides = array<i32>} : memref<8x512xf32, #tpu.memory_space<vmem>>, vector<1x16xf32>,
      %parallel_loop3A_409 = vector.shape_cast %parallel_loop3A_408 : vector<1x16xf32> to vector<16xf32>
      %parallel_loop3A_410 = arith.constant 0 : i32
      %parallel_loop3A_411 = arith.index_cast %parallel_loop3A_410 : i32 to index
      %parallel_loop3A_412 = arith.index_cast %parallel_loop3A_389 : i32 to index
      %parallel_loop3A_413 = arith.index_cast %parallel_loop3A_405 : i32 to index
      %parallel_loop3A_414 = tpu.vector_load %arg6[%parallel_loop3A_411, %parallel_loop3A_412, %parallel_loop3A_413] {strides = array<i32>} : memref<4x8x512xf32, #tpu.memory_space<vmem>>, vector<1x1x16xf32>,
      %parallel_loop3A_415 = vector.shape_cast %parallel_loop3A_414 : vector<1x1x16xf32> to vector<16xf32>
      %parallel_loop3A_416 = arith.addf %parallel_loop3A_415, %parallel_loop3A_409 : vector<16xf32>
      %parallel_loop3A_417 = arith.constant 0 : i32
      %parallel_loop3A_418 = arith.index_cast %parallel_loop3A_417 : i32 to index
      %parallel_loop3A_419 = arith.index_cast %parallel_loop3A_389 : i32 to index
      %parallel_loop3A_420 = arith.index_cast %parallel_loop3A_405 : i32 to index
      %parallel_loop3A_421 = tpu.vector_load %arg17[%parallel_loop3A_418, %parallel_loop3A_419, %parallel_loop3A_420] {strides = array<i32>} : memref<4x8x512xf32, #tpu.memory_space<vmem>>, vector<1x1x16xf32>,
      %parallel_loop3A_422 = vector.shape_cast %parallel_loop3A_421 : vector<1x1x16xf32> to vector<16xf32>
      %parallel_loop3A_423 = vector.shape_cast %parallel_loop3A_416 : vector<16xf32> to vector<1x1x16xf32>
      tpu.vector_store %arg17[%parallel_loop3A_418, %parallel_loop3A_419, %parallel_loop3A_420], %parallel_loop3A_423 {strides = array<i32>} : memref<4x8x512xf32, #tpu.memory_space<vmem>>, vector<1x1x16xf32>,
      %parallel_loop3A_424 = arith.constant 1 : i32
      %parallel_loop3A_425 = arith.index_cast %parallel_loop3A_424 : i32 to index
      %parallel_loop3A_426 = arith.index_cast %parallel_loop3A_389 : i32 to index
      %parallel_loop3A_427 = arith.index_cast %parallel_loop3A_405 : i32 to index
      %parallel_loop3A_428 = tpu.vector_load %arg6[%parallel_loop3A_425, %parallel_loop3A_426, %parallel_loop3A_427] {strides = array<i32>} : memref<4x8x512xf32, #tpu.memory_space<vmem>>, vector<1x1x16xf32>,
      %parallel_loop3A_429 = vector.shape_cast %parallel_loop3A_428 : vector<1x1x16xf32> to vector<16xf32>
      %parallel_loop3A_430 = arith.addf %parallel_loop3A_429, %parallel_loop3A_409 : vector<16xf32>
      %parallel_loop3A_431 = arith.constant 1 : i32
      %parallel_loop3A_432 = arith.index_cast %parallel_loop3A_431 : i32 to index
      %parallel_loop3A_433 = arith.index_cast %parallel_loop3A_389 : i32 to index
      %parallel_loop3A_434 = arith.index_cast %parallel_loop3A_405 : i32 to index
      %parallel_loop3A_435 = tpu.vector_load %arg17[%parallel_loop3A_432, %parallel_loop3A_433, %parallel_loop3A_434] {strides = array<i32>} : memref<4x8x512xf32, #tpu.memory_space<vmem>>, vector<1x1x16xf32>,
      %parallel_loop3A_436 = vector.shape_cast %parallel_loop3A_435 : vector<1x1x16xf32> to vector<16xf32>
      %parallel_loop3A_437 = vector.shape_cast %parallel_loop3A_430 : vector<16xf32> to vector<1x1x16xf32>
      tpu.vector_store %arg17[%parallel_loop3A_432, %parallel_loop3A_433, %parallel_loop3A_434], %parallel_loop3A_437 {strides = array<i32>} : memref<4x8x512xf32, #tpu.memory_space<vmem>>, vector<1x1x16xf32>,
      %parallel_loop3A_438 = arith.constant 2 : i32
      %parallel_loop3A_439 = arith.index_cast %parallel_loop3A_438 : i32 to index
      %parallel_loop3A_440 = arith.index_cast %parallel_loop3A_389 : i32 to index
      %parallel_loop3A_441 = arith.index_cast %parallel_loop3A_405 : i32 to index
      %parallel_loop3A_442 = tpu.vector_load %arg6[%parallel_loop3A_439, %parallel_loop3A_440, %parallel_loop3A_441] {strides = array<i32>} : memref<4x8x512xf32, #tpu.memory_space<vmem>>, vector<1x1x16xf32>,
      %parallel_loop3A_443 = vector.shape_cast %parallel_loop3A_442 : vector<1x1x16xf32> to vector<16xf32>
      %parallel_loop3A_444 = arith.addf %parallel_loop3A_443, %parallel_loop3A_409 : vector<16xf32>
      %parallel_loop3A_445 = arith.constant 2 : i32
      %parallel_loop3A_446 = arith.index_cast %parallel_loop3A_445 : i32 to index
      %parallel_loop3A_447 = arith.index_cast %parallel_loop3A_389 : i32 to index
      %parallel_loop3A_448 = arith.index_cast %parallel_loop3A_405 : i32 to index
      %parallel_loop3A_449 = tpu.vector_load %arg17[%parallel_loop3A_446, %parallel_loop3A_447, %parallel_loop3A_448] {strides = array<i32>} : memref<4x8x512xf32, #tpu.memory_space<vmem>>, vector<1x1x16xf32>,
      %parallel_loop3A_450 = vector.shape_cast %parallel_loop3A_449 : vector<1x1x16xf32> to vector<16xf32>
      %parallel_loop3A_451 = vector.shape_cast %parallel_loop3A_444 : vector<16xf32> to vector<1x1x16xf32>
      tpu.vector_store %arg17[%parallel_loop3A_446, %parallel_loop3A_447, %parallel_loop3A_448], %parallel_loop3A_451 {strides = array<i32>} : memref<4x8x512xf32, #tpu.memory_space<vmem>>, vector<1x1x16xf32>,
      %parallel_loop3A_452 = arith.constant 3 : i32
      %parallel_loop3A_453 = arith.index_cast %parallel_loop3A_452 : i32 to index
      %parallel_loop3A_454 = arith.index_cast %parallel_loop3A_389 : i32 to index
      %parallel_loop3A_455 = arith.index_cast %parallel_loop3A_405 : i32 to index
      %parallel_loop3A_456 = tpu.vector_load %arg6[%parallel_loop3A_453, %parallel_loop3A_454, %parallel_loop3A_455] {strides = array<i32>} : memref<4x8x512xf32, #tpu.memory_space<vmem>>, vector<1x1x16xf32>,
      %parallel_loop3A_457 = vector.shape_cast %parallel_loop3A_456 : vector<1x1x16xf32> to vector<16xf32>
      %parallel_loop3A_458 = arith.addf %parallel_loop3A_457, %parallel_loop3A_409 : vector<16xf32>
      %parallel_loop3A_459 = arith.constant 3 : i32
      %parallel_loop3A_460 = arith.index_cast %parallel_loop3A_459 : i32 to index
      %parallel_loop3A_461 = arith.index_cast %parallel_loop3A_389 : i32 to index
      %parallel_loop3A_462 = arith.index_cast %parallel_loop3A_405 : i32 to index
      %parallel_loop3A_463 = tpu.vector_load %arg17[%parallel_loop3A_460, %parallel_loop3A_461, %parallel_loop3A_462] {strides = array<i32>} : memref<4x8x512xf32, #tpu.memory_space<vmem>>, vector<1x1x16xf32>,
      %parallel_loop3A_464 = vector.shape_cast %parallel_loop3A_463 : vector<1x1x16xf32> to vector<16xf32>
      %parallel_loop3A_465 = vector.shape_cast %parallel_loop3A_458 : vector<16xf32> to vector<1x1x16xf32>
      tpu.vector_store %arg17[%parallel_loop3A_460, %parallel_loop3A_461, %parallel_loop3A_462], %parallel_loop3A_465 {strides = array<i32>} : memref<4x8x512xf32, #tpu.memory_space<vmem>>, vector<1x1x16xf32>,
    } {sc.loop_unroll_factor = 8 : i64, sc.parallel_access}
    %add3A_65 = arith.constant 0 : i32
    %add3A_66 = arith.addi %mul3A_2, %add3A_65 : i32
    %dma_start3A_67 = arith.constant 0 : i32
    %dma_start3A_68 = arith.constant 0 : i32
    %dma_start3A_69 = tpu.memref_slice %arg4[%dma_start3A_67, %add3A_66, %dma_start3A_68] : memref<4x8192x1024xf32, #tpu.memory_space<hbm>> -> memref<4x8x512xf32, #tpu.memory_space<hbm>>
    %dma_start3A_70 = arith.constant 0 : i32
    %dma_start3A_71 = arith.constant 0 : i32
    %dma_start3A_72 = tpu.memref_slice %arg4[%dma_start3A_70, %add3A_66, %dma_start3A_71] : memref<4x8192x1024xf32, #tpu.memory_space<hbm>> -> memref<4x8x512xf32, #tpu.memory_space<hbm>>
    tpu.enqueue_dma source(%arg17 : memref<4x8x512xf32, #tpu.memory_space<vmem>>) target(%dma_start3A_72 : memref<4x8x512xf32, #tpu.memory_space<hbm>>) target_semaphore(%arg18 : memref<!tpu.dma_semaphore, #tpu.memory_space<semaphore_mem>>)
    %dma_wait3A_73 = arith.constant 0 : i32
    %dma_wait3A_74 = arith.constant 0 : i32
    %dma_wait3A_75 = tpu.memref_slice %arg3[%dma_wait3A_73, %dma_wait3A_74] : memref<8192x1024xf32, #tpu.memory_space<hbm>> -> memref<8x512xf32, #tpu.memory_space<hbm>>
    %dma_wait3A_76 = arith.constant 0 : i32
    %dma_wait3A_77 = arith.constant 0 : i32
    %dma_wait3A_78 = tpu.memref_slice %arg3[%dma_wait3A_76, %dma_wait3A_77] : memref<8192x1024xf32, #tpu.memory_space<hbm>> -> memref<8x512xf32, #tpu.memory_space<hbm>>
    tpu.wait_dma2 semaphore(%arg10 : memref<!tpu.dma_semaphore, #tpu.memory_space<semaphore_mem>>) src(%dma_wait3A_78 : memref<8x512xf32, #tpu.memory_space<hbm>>) dst(%arg8 : memref<8x512xf32, #tpu.memory_space<vmem>>)
    %dma_wait3A_79 = arith.constant 0 : i32
    %dma_wait3A_80 = arith.constant 0 : i32
    %dma_wait3A_81 = arith.constant 0 : i32
    %dma_wait3A_82 = tpu.memref_slice %arg2[%dma_wait3A_79, %dma_wait3A_80, %dma_wait3A_81] : memref<4x8192x1024xf32, #tpu.memory_space<hbm>> -> memref<4x8x512xf32, #tpu.memory_space<hbm>>
    %dma_wait3A_83 = arith.constant 0 : i32
    %dma_wait3A_84 = arith.constant 0 : i32
    %dma_wait3A_85 = arith.constant 0 : i32
    %dma_wait3A_86 = tpu.memref_slice %arg2[%dma_wait3A_83, %dma_wait3A_84, %dma_wait3A_85] : memref<4x8192x1024xf32, #tpu.memory_space<hbm>> -> memref<4x8x512xf32, #tpu.memory_space<hbm>>
    tpu.wait_dma2 semaphore(%arg10 : memref<!tpu.dma_semaphore, #tpu.memory_space<semaphore_mem>>) src(%dma_wait3A_86 : memref<4x8x512xf32, #tpu.memory_space<hbm>>) dst(%arg9 : memref<4x8x512xf32, #tpu.memory_space<vmem>>)
    %add3A_87 = arith.constant 16 : i32
    %add3A_88 = arith.addi %mul3A_2, %add3A_87 : i32
    %dma_start3A_89 = arith.constant 0 : i32
    %dma_start3A_90 = tpu.memref_slice %arg3[%add3A_88, %dma_start3A_89] : memref<8192x1024xf32, #tpu.memory_space<hbm>> -> memref<8x512xf32, #tpu.memory_space<hbm>>
    %dma_start3A_91 = arith.constant 0 : i32
    %dma_start3A_92 = tpu.memref_slice %arg3[%add3A_88, %dma_start3A_91] : memref<8192x1024xf32, #tpu.memory_space<hbm>> -> memref<8x512xf32, #tpu.memory_space<hbm>>
    tpu.enqueue_dma source(%dma_start3A_92 : memref<8x512xf32, #tpu.memory_space<hbm>>) target(%arg5 : memref<8x512xf32, #tpu.memory_space<vmem>>) target_semaphore(%arg7 : memref<!tpu.dma_semaphore, #tpu.memory_space<semaphore_mem>>)
    %dma_start3A_93 = arith.constant 0 : i32
    %dma_start3A_94 = arith.constant 0 : i32
    %dma_start3A_95 = tpu.memref_slice %arg2[%dma_start3A_93, %add3A_88, %dma_start3A_94] : memref<4x8192x1024xf32, #tpu.memory_space<hbm>> -> memref<4x8x512xf32, #tpu.memory_space<hbm>>
    %dma_start3A_96 = arith.constant 0 : i32
    %dma_start3A_97 = arith.constant 0 : i32
    %dma_start3A_98 = tpu.memref_slice %arg2[%dma_start3A_96, %add3A_88, %dma_start3A_97] : memref<4x8192x1024xf32, #tpu.memory_space<hbm>> -> memref<4x8x512xf32, #tpu.memory_space<hbm>>
    tpu.enqueue_dma source(%dma_start3A_98 : memref<4x8x512xf32, #tpu.memory_space<hbm>>) target(%arg6 : memref<4x8x512xf32, #tpu.memory_space<vmem>>) target_semaphore(%arg7 : memref<!tpu.dma_semaphore, #tpu.memory_space<semaphore_mem>>)
    %parallel_loop3A_99 = arith.constant 0 : i32
    %parallel_loop3A_100 = arith.constant 4096 : i32
    %parallel_loop3A_101 = arith.constant 16 : i32
    scf.for %parallel_loop3A_365 = %parallel_loop3A_99 to %parallel_loop3A_100 step %parallel_loop3A_101  : i32 {
      %parallel_loop3A_366 = arith.constant 512 : i32
      %parallel_loop3A_367 = arith.divsi %parallel_loop3A_365, %parallel_loop3A_366 : i32
      %parallel_loop3A_368 = arith.constant 0 : i32
      %parallel_loop3A_369 = arith.cmpi sgt, %parallel_loop3A_365, %parallel_loop3A_368 : i32
      %parallel_loop3A_370 = arith.extui %parallel_loop3A_369 : i1 to i32
      %parallel_loop3A_371 = arith.constant 0 : i32
      %parallel_loop3A_372 = arith.cmpi slt, %parallel_loop3A_365, %parallel_loop3A_371 : i32
      %parallel_loop3A_373 = arith.extui %parallel_loop3A_372 : i1 to i32
      %parallel_loop3A_374 = arith.subi %parallel_loop3A_370, %parallel_loop3A_373 : i32
      %parallel_loop3A_375 = arith.constant 0 : i32
      %parallel_loop3A_376 = arith.cmpi sgt, %parallel_loop3A_366, %parallel_loop3A_375 : i32
      %parallel_loop3A_377 = arith.extui %parallel_loop3A_376 : i1 to i32
      %parallel_loop3A_378 = arith.constant 0 : i32
      %parallel_loop3A_379 = arith.cmpi slt, %parallel_loop3A_366, %parallel_loop3A_378 : i32
      %parallel_loop3A_380 = arith.extui %parallel_loop3A_379 : i1 to i32
      %parallel_loop3A_381 = arith.subi %parallel_loop3A_377, %parallel_loop3A_380 : i32
      %parallel_loop3A_382 = arith.cmpi ne, %parallel_loop3A_374, %parallel_loop3A_381 : i32
      %parallel_loop3A_383 = arith.remsi %parallel_loop3A_365, %parallel_loop3A_366 : i32
      %parallel_loop3A_384 = arith.constant 0 : i32
      %parallel_loop3A_385 = arith.cmpi ne, %parallel_loop3A_383, %parallel_loop3A_384 : i32
      %parallel_loop3A_386 = arith.andi %parallel_loop3A_382, %parallel_loop3A_385 : i1
      %parallel_loop3A_387 = arith.constant 1 : i32
      %parallel_loop3A_388 = arith.subi %parallel_loop3A_367, %parallel_loop3A_387 : i32
      %parallel_loop3A_389 = arith.select %parallel_loop3A_386, %parallel_loop3A_388, %parallel_loop3A_367 : i32
      %parallel_loop3A_390 = arith.constant 512 : i32
      %parallel_loop3A_391 = arith.constant 0 : i32
      %parallel_loop3A_392 = arith.cmpi eq, %parallel_loop3A_390, %parallel_loop3A_391 : i32
      %parallel_loop3A_393 = arith.constant 1 : i32
      %parallel_loop3A_394 = arith.select %parallel_loop3A_392, %parallel_loop3A_393, %parallel_loop3A_390 : i32
      %parallel_loop3A_395 = arith.remsi %parallel_loop3A_365, %parallel_loop3A_394 : i32
      %parallel_loop3A_396 = arith.constant 0 : i32
      %parallel_loop3A_397 = arith.cmpi ne, %parallel_loop3A_395, %parallel_loop3A_396 : i32
      %parallel_loop3A_398 = arith.constant 0 : i32
      %parallel_loop3A_399 = arith.cmpi slt, %parallel_loop3A_395, %parallel_loop3A_398 : i32
      %parallel_loop3A_400 = arith.constant 0 : i32
      %parallel_loop3A_401 = arith.cmpi slt, %parallel_loop3A_394, %parallel_loop3A_400 : i32
      %parallel_loop3A_402 = arith.xori %parallel_loop3A_399, %parallel_loop3A_401 : i1
      %parallel_loop3A_403 = arith.andi %parallel_loop3A_402, %parallel_loop3A_397 : i1
      %parallel_loop3A_404 = arith.addi %parallel_loop3A_395, %parallel_loop3A_394 : i32
      %parallel_loop3A_405 = arith.select %parallel_loop3A_403, %parallel_loop3A_404, %parallel_loop3A_395 : i32
      %parallel_loop3A_406 = arith.index_cast %parallel_loop3A_389 : i32 to index
      %parallel_loop3A_407 = arith.index_cast %parallel_loop3A_405 : i32 to index
      %parallel_loop3A_408 = tpu.vector_load %arg8[%parallel_loop3A_406, %parallel_loop3A_407] {strides = array<i32>} : memref<8x512xf32, #tpu.memory_space<vmem>>, vector<1x16xf32>,
      %parallel_loop3A_409 = vector.shape_cast %parallel_loop3A_408 : vector<1x16xf32> to vector<16xf32>
      %parallel_loop3A_410 = arith.constant 0 : i32
      %parallel_loop3A_411 = arith.index_cast %parallel_loop3A_410 : i32 to index
      %parallel_loop3A_412 = arith.index_cast %parallel_loop3A_389 : i32 to index
      %parallel_loop3A_413 = arith.index_cast %parallel_loop3A_405 : i32 to index
      %parallel_loop3A_414 = tpu.vector_load %arg9[%parallel_loop3A_411, %parallel_loop3A_412, %parallel_loop3A_413] {strides = array<i32>} : memref<4x8x512xf32, #tpu.memory_space<vmem>>, vector<1x1x16xf32>,
      %parallel_loop3A_415 = vector.shape_cast %parallel_loop3A_414 : vector<1x1x16xf32> to vector<16xf32>
      %parallel_loop3A_416 = arith.addf %parallel_loop3A_415, %parallel_loop3A_409 : vector<16xf32>
      %parallel_loop3A_417 = arith.constant 0 : i32
      %parallel_loop3A_418 = arith.index_cast %parallel_loop3A_417 : i32 to index
      %parallel_loop3A_419 = arith.index_cast %parallel_loop3A_389 : i32 to index
      %parallel_loop3A_420 = arith.index_cast %parallel_loop3A_405 : i32 to index
      %parallel_loop3A_421 = tpu.vector_load %arg19[%parallel_loop3A_418, %parallel_loop3A_419, %parallel_loop3A_420] {strides = array<i32>} : memref<4x8x512xf32, #tpu.memory_space<vmem>>, vector<1x1x16xf32>,
      %parallel_loop3A_422 = vector.shape_cast %parallel_loop3A_421 : vector<1x1x16xf32> to vector<16xf32>
      %parallel_loop3A_423 = vector.shape_cast %parallel_loop3A_416 : vector<16xf32> to vector<1x1x16xf32>
      tpu.vector_store %arg19[%parallel_loop3A_418, %parallel_loop3A_419, %parallel_loop3A_420], %parallel_loop3A_423 {strides = array<i32>} : memref<4x8x512xf32, #tpu.memory_space<vmem>>, vector<1x1x16xf32>,
      %parallel_loop3A_424 = arith.constant 1 : i32
      %parallel_loop3A_425 = arith.index_cast %parallel_loop3A_424 : i32 to index
      %parallel_loop3A_426 = arith.index_cast %parallel_loop3A_389 : i32 to index
      %parallel_loop3A_427 = arith.index_cast %parallel_loop3A_405 : i32 to index
      %parallel_loop3A_428 = tpu.vector_load %arg9[%parallel_loop3A_425, %parallel_loop3A_426, %parallel_loop3A_427] {strides = array<i32>} : memref<4x8x512xf32, #tpu.memory_space<vmem>>, vector<1x1x16xf32>,
      %parallel_loop3A_429 = vector.shape_cast %parallel_loop3A_428 : vector<1x1x16xf32> to vector<16xf32>
      %parallel_loop3A_430 = arith.addf %parallel_loop3A_429, %parallel_loop3A_409 : vector<16xf32>
      %parallel_loop3A_431 = arith.constant 1 : i32
      %parallel_loop3A_432 = arith.index_cast %parallel_loop3A_431 : i32 to index
      %parallel_loop3A_433 = arith.index_cast %parallel_loop3A_389 : i32 to index
      %parallel_loop3A_434 = arith.index_cast %parallel_loop3A_405 : i32 to index
      %parallel_loop3A_435 = tpu.vector_load %arg19[%parallel_loop3A_432, %parallel_loop3A_433, %parallel_loop3A_434] {strides = array<i32>} : memref<4x8x512xf32, #tpu.memory_space<vmem>>, vector<1x1x16xf32>,
      %parallel_loop3A_436 = vector.shape_cast %parallel_loop3A_435 : vector<1x1x16xf32> to vector<16xf32>
      %parallel_loop3A_437 = vector.shape_cast %parallel_loop3A_430 : vector<16xf32> to vector<1x1x16xf32>
      tpu.vector_store %arg19[%parallel_loop3A_432, %parallel_loop3A_433, %parallel_loop3A_434], %parallel_loop3A_437 {strides = array<i32>} : memref<4x8x512xf32, #tpu.memory_space<vmem>>, vector<1x1x16xf32>,
      %parallel_loop3A_438 = arith.constant 2 : i32
      %parallel_loop3A_439 = arith.index_cast %parallel_loop3A_438 : i32 to index
      %parallel_loop3A_440 = arith.index_cast %parallel_loop3A_389 : i32 to index
      %parallel_loop3A_441 = arith.index_cast %parallel_loop3A_405 : i32 to index
      %parallel_loop3A_442 = tpu.vector_load %arg9[%parallel_loop3A_439, %parallel_loop3A_440, %parallel_loop3A_441] {strides = array<i32>} : memref<4x8x512xf32, #tpu.memory_space<vmem>>, vector<1x1x16xf32>,
      %parallel_loop3A_443 = vector.shape_cast %parallel_loop3A_442 : vector<1x1x16xf32> to vector<16xf32>
      %parallel_loop3A_444 = arith.addf %parallel_loop3A_443, %parallel_loop3A_409 : vector<16xf32>
      %parallel_loop3A_445 = arith.constant 2 : i32
      %parallel_loop3A_446 = arith.index_cast %parallel_loop3A_445 : i32 to index
      %parallel_loop3A_447 = arith.index_cast %parallel_loop3A_389 : i32 to index
      %parallel_loop3A_448 = arith.index_cast %parallel_loop3A_405 : i32 to index
      %parallel_loop3A_449 = tpu.vector_load %arg19[%parallel_loop3A_446, %parallel_loop3A_447, %parallel_loop3A_448] {strides = array<i32>} : memref<4x8x512xf32, #tpu.memory_space<vmem>>, vector<1x1x16xf32>,
      %parallel_loop3A_450 = vector.shape_cast %parallel_loop3A_449 : vector<1x1x16xf32> to vector<16xf32>
      %parallel_loop3A_451 = vector.shape_cast %parallel_loop3A_444 : vector<16xf32> to vector<1x1x16xf32>
      tpu.vector_store %arg19[%parallel_loop3A_446, %parallel_loop3A_447, %parallel_loop3A_448], %parallel_loop3A_451 {strides = array<i32>} : memref<4x8x512xf32, #tpu.memory_space<vmem>>, vector<1x1x16xf32>,
      %parallel_loop3A_452 = arith.constant 3 : i32
      %parallel_loop3A_453 = arith.index_cast %parallel_loop3A_452 : i32 to index
      %parallel_loop3A_454 = arith.index_cast %parallel_loop3A_389 : i32 to index
      %parallel_loop3A_455 = arith.index_cast %parallel_loop3A_405 : i32 to index
      %parallel_loop3A_456 = tpu.vector_load %arg9[%parallel_loop3A_453, %parallel_loop3A_454, %parallel_loop3A_455] {strides = array<i32>} : memref<4x8x512xf32, #tpu.memory_space<vmem>>, vector<1x1x16xf32>,
      %parallel_loop3A_457 = vector.shape_cast %parallel_loop3A_456 : vector<1x1x16xf32> to vector<16xf32>
      %parallel_loop3A_458 = arith.addf %parallel_loop3A_457, %parallel_loop3A_409 : vector<16xf32>
      %parallel_loop3A_459 = arith.constant 3 : i32
      %parallel_loop3A_460 = arith.index_cast %parallel_loop3A_459 : i32 to index
      %parallel_loop3A_461 = arith.index_cast %parallel_loop3A_389 : i32 to index
      %parallel_loop3A_462 = arith.index_cast %parallel_loop3A_405 : i32 to index
      %parallel_loop3A_463 = tpu.vector_load %arg19[%parallel_loop3A_460, %parallel_loop3A_461, %parallel_loop3A_462] {strides = array<i32>} : memref<4x8x512xf32, #tpu.memory_space<vmem>>, vector<1x1x16xf32>,
      %parallel_loop3A_464 = vector.shape_cast %parallel_loop3A_463 : vector<1x1x16xf32> to vector<16xf32>
      %parallel_loop3A_465 = vector.shape_cast %parallel_loop3A_458 : vector<16xf32> to vector<1x1x16xf32>
      tpu.vector_store %arg19[%parallel_loop3A_460, %parallel_loop3A_461, %parallel_loop3A_462], %parallel_loop3A_465 {strides = array<i32>} : memref<4x8x512xf32, #tpu.memory_space<vmem>>, vector<1x1x16xf32>,
    } {sc.loop_unroll_factor = 8 : i64, sc.parallel_access}
    %add3A_102 = arith.constant 0 : i32
    %add3A_103 = arith.addi %mul3A_2, %add3A_102 : i32
    %dma_start3A_104 = arith.constant 0 : i32
    %dma_start3A_105 = arith.constant 512 : i32
    %dma_start3A_106 = tpu.memref_slice %arg4[%dma_start3A_104, %add3A_103, %dma_start3A_105] : memref<4x8192x1024xf32, #tpu.memory_space<hbm>> -> memref<4x8x512xf32, #tpu.memory_space<hbm>>
    %dma_start3A_107 = arith.constant 0 : i32
    %dma_start3A_108 = arith.constant 512 : i32
    %dma_start3A_109 = tpu.memref_slice %arg4[%dma_start3A_107, %add3A_103, %dma_start3A_108] : memref<4x8192x1024xf32, #tpu.memory_space<hbm>> -> memref<4x8x512xf32, #tpu.memory_space<hbm>>
    tpu.enqueue_dma source(%arg19 : memref<4x8x512xf32, #tpu.memory_space<vmem>>) target(%dma_start3A_109 : memref<4x8x512xf32, #tpu.memory_space<hbm>>) target_semaphore(%arg20 : memref<!tpu.dma_semaphore, #tpu.memory_space<semaphore_mem>>)
    %dma_wait3A_110 = arith.constant 0 : i32
    %dma_wait3A_111 = arith.constant 0 : i32
    %dma_wait3A_112 = tpu.memref_slice %arg3[%dma_wait3A_110, %dma_wait3A_111] : memref<8192x1024xf32, #tpu.memory_space<hbm>> -> memref<8x512xf32, #tpu.memory_space<hbm>>
    %dma_wait3A_113 = arith.constant 0 : i32
    %dma_wait3A_114 = arith.constant 0 : i32
    %dma_wait3A_115 = tpu.memref_slice %arg3[%dma_wait3A_113, %dma_wait3A_114] : memref<8192x1024xf32, #tpu.memory_space<hbm>> -> memref<8x512xf32, #tpu.memory_space<hbm>>
    tpu.wait_dma2 semaphore(%arg13 : memref<!tpu.dma_semaphore, #tpu.memory_space<semaphore_mem>>) src(%dma_wait3A_115 : memref<8x512xf32, #tpu.memory_space<hbm>>) dst(%arg11 : memref<8x512xf32, #tpu.memory_space<vmem>>)
    %dma_wait3A_116 = arith.constant 0 : i32
    %dma_wait3A_117 = arith.constant 0 : i32
    %dma_wait3A_118 = arith.constant 0 : i32
    %dma_wait3A_119 = tpu.memref_slice %arg2[%dma_wait3A_116, %dma_wait3A_117, %dma_wait3A_118] : memref<4x8192x1024xf32, #tpu.memory_space<hbm>> -> memref<4x8x512xf32, #tpu.memory_space<hbm>>
    %dma_wait3A_120 = arith.constant 0 : i32
    %dma_wait3A_121 = arith.constant 0 : i32
    %dma_wait3A_122 = arith.constant 0 : i32
    %dma_wait3A_123 = tpu.memref_slice %arg2[%dma_wait3A_120, %dma_wait3A_121, %dma_wait3A_122] : memref<4x8192x1024xf32, #tpu.memory_space<hbm>> -> memref<4x8x512xf32, #tpu.memory_space<hbm>>
    tpu.wait_dma2 semaphore(%arg13 : memref<!tpu.dma_semaphore, #tpu.memory_space<semaphore_mem>>) src(%dma_wait3A_123 : memref<4x8x512xf32, #tpu.memory_space<hbm>>) dst(%arg12 : memref<4x8x512xf32, #tpu.memory_space<vmem>>)
    %add3A_124 = arith.constant 16 : i32
    %add3A_125 = arith.addi %mul3A_2, %add3A_124 : i32
    %dma_start3A_126 = arith.constant 512 : i32
    %dma_start3A_127 = tpu.memref_slice %arg3[%add3A_125, %dma_start3A_126] : memref<8192x1024xf32, #tpu.memory_space<hbm>> -> memref<8x512xf32, #tpu.memory_space<hbm>>
    %dma_start3A_128 = arith.constant 512 : i32
    %dma_start3A_129 = tpu.memref_slice %arg3[%add3A_125, %dma_start3A_128] : memref<8192x1024xf32, #tpu.memory_space<hbm>> -> memref<8x512xf32, #tpu.memory_space<hbm>>
    tpu.enqueue_dma source(%dma_start3A_129 : memref<8x512xf32, #tpu.memory_space<hbm>>) target(%arg8 : memref<8x512xf32, #tpu.memory_space<vmem>>) target_semaphore(%arg10 : memref<!tpu.dma_semaphore, #tpu.memory_space<semaphore_mem>>)
    %dma_start3A_130 = arith.constant 0 : i32
    %dma_start3A_131 = arith.constant 512 : i32
    %dma_start3A_132 = tpu.memref_slice %arg2[%dma_start3A_130, %add3A_125, %dma_start3A_131] : memref<4x8192x1024xf32, #tpu.memory_space<hbm>> -> memref<4x8x512xf32, #tpu.memory_space<hbm>>
    %dma_start3A_133 = arith.constant 0 : i32
    %dma_start3A_134 = arith.constant 512 : i32
    %dma_start3A_135 = tpu.memref_slice %arg2[%dma_start3A_133, %add3A_125, %dma_start3A_134] : memref<4x8192x1024xf32, #tpu.memory_space<hbm>> -> memref<4x8x512xf32, #tpu.memory_space<hbm>>
    tpu.enqueue_dma source(%dma_start3A_135 : memref<4x8x512xf32, #tpu.memory_space<hbm>>) target(%arg9 : memref<4x8x512xf32, #tpu.memory_space<vmem>>) target_semaphore(%arg10 : memref<!tpu.dma_semaphore, #tpu.memory_space<semaphore_mem>>)
    %dma_wait3A_136 = arith.constant 0 : i32
    %dma_wait3A_137 = arith.constant 0 : i32
    %dma_wait3A_138 = arith.constant 0 : i32
    %dma_wait3A_139 = tpu.memref_slice %arg4[%dma_wait3A_136, %dma_wait3A_137, %dma_wait3A_138] : memref<4x8192x1024xf32, #tpu.memory_space<hbm>> -> memref<4x8x512xf32, #tpu.memory_space<hbm>>
    %dma_wait3A_140 = arith.constant 0 : i32
    %dma_wait3A_141 = arith.constant 0 : i32
    %dma_wait3A_142 = arith.constant 0 : i32
    %dma_wait3A_143 = tpu.memref_slice %arg4[%dma_wait3A_140, %dma_wait3A_141, %dma_wait3A_142] : memref<4x8192x1024xf32, #tpu.memory_space<hbm>> -> memref<4x8x512xf32, #tpu.memory_space<hbm>>
    tpu.wait_dma2 semaphore(%arg18 : memref<!tpu.dma_semaphore, #tpu.memory_space<semaphore_mem>>) src(%arg17 : memref<4x8x512xf32, #tpu.memory_space<vmem>>) dst(%dma_wait3A_143 : memref<4x8x512xf32, #tpu.memory_space<hbm>>)
    %parallel_loop3A_144 = arith.constant 0 : i32
    %parallel_loop3A_145 = arith.constant 4096 : i32
    %parallel_loop3A_146 = arith.constant 16 : i32
    scf.for %parallel_loop3A_365 = %parallel_loop3A_144 to %parallel_loop3A_145 step %parallel_loop3A_146  : i32 {
      %parallel_loop3A_366 = arith.constant 512 : i32
      %parallel_loop3A_367 = arith.divsi %parallel_loop3A_365, %parallel_loop3A_366 : i32
      %parallel_loop3A_368 = arith.constant 0 : i32
      %parallel_loop3A_369 = arith.cmpi sgt, %parallel_loop3A_365, %parallel_loop3A_368 : i32
      %parallel_loop3A_370 = arith.extui %parallel_loop3A_369 : i1 to i32
      %parallel_loop3A_371 = arith.constant 0 : i32
      %parallel_loop3A_372 = arith.cmpi slt, %parallel_loop3A_365, %parallel_loop3A_371 : i32
      %parallel_loop3A_373 = arith.extui %parallel_loop3A_372 : i1 to i32
      %parallel_loop3A_374 = arith.subi %parallel_loop3A_370, %parallel_loop3A_373 : i32
      %parallel_loop3A_375 = arith.constant 0 : i32
      %parallel_loop3A_376 = arith.cmpi sgt, %parallel_loop3A_366, %parallel_loop3A_375 : i32
      %parallel_loop3A_377 = arith.extui %parallel_loop3A_376 : i1 to i32
      %parallel_loop3A_378 = arith.constant 0 : i32
      %parallel_loop3A_379 = arith.cmpi slt, %parallel_loop3A_366, %parallel_loop3A_378 : i32
      %parallel_loop3A_380 = arith.extui %parallel_loop3A_379 : i1 to i32
      %parallel_loop3A_381 = arith.subi %parallel_loop3A_377, %parallel_loop3A_380 : i32
      %parallel_loop3A_382 = arith.cmpi ne, %parallel_loop3A_374, %parallel_loop3A_381 : i32
      %parallel_loop3A_383 = arith.remsi %parallel_loop3A_365, %parallel_loop3A_366 : i32
      %parallel_loop3A_384 = arith.constant 0 : i32
      %parallel_loop3A_385 = arith.cmpi ne, %parallel_loop3A_383, %parallel_loop3A_384 : i32
      %parallel_loop3A_386 = arith.andi %parallel_loop3A_382, %parallel_loop3A_385 : i1
      %parallel_loop3A_387 = arith.constant 1 : i32
      %parallel_loop3A_388 = arith.subi %parallel_loop3A_367, %parallel_loop3A_387 : i32
      %parallel_loop3A_389 = arith.select %parallel_loop3A_386, %parallel_loop3A_388, %parallel_loop3A_367 : i32
      %parallel_loop3A_390 = arith.constant 512 : i32
      %parallel_loop3A_391 = arith.constant 0 : i32
      %parallel_loop3A_392 = arith.cmpi eq, %parallel_loop3A_390, %parallel_loop3A_391 : i32
      %parallel_loop3A_393 = arith.constant 1 : i32
      %parallel_loop3A_394 = arith.select %parallel_loop3A_392, %parallel_loop3A_393, %parallel_loop3A_390 : i32
      %parallel_loop3A_395 = arith.remsi %parallel_loop3A_365, %parallel_loop3A_394 : i32
      %parallel_loop3A_396 = arith.constant 0 : i32
      %parallel_loop3A_397 = arith.cmpi ne, %parallel_loop3A_395, %parallel_loop3A_396 : i32
      %parallel_loop3A_398 = arith.constant 0 : i32
      %parallel_loop3A_399 = arith.cmpi slt, %parallel_loop3A_395, %parallel_loop3A_398 : i32
      %parallel_loop3A_400 = arith.constant 0 : i32
      %parallel_loop3A_401 = arith.cmpi slt, %parallel_loop3A_394, %parallel_loop3A_400 : i32
      %parallel_loop3A_402 = arith.xori %parallel_loop3A_399, %parallel_loop3A_401 : i1
      %parallel_loop3A_403 = arith.andi %parallel_loop3A_402, %parallel_loop3A_397 : i1
      %parallel_loop3A_404 = arith.addi %parallel_loop3A_395, %parallel_loop3A_394 : i32
      %parallel_loop3A_405 = arith.select %parallel_loop3A_403, %parallel_loop3A_404, %parallel_loop3A_395 : i32
      %parallel_loop3A_406 = arith.index_cast %parallel_loop3A_389 : i32 to index
      %parallel_loop3A_407 = arith.index_cast %parallel_loop3A_405 : i32 to index
      %parallel_loop3A_408 = tpu.vector_load %arg11[%parallel_loop3A_406, %parallel_loop3A_407] {strides = array<i32>} : memref<8x512xf32, #tpu.memory_space<vmem>>, vector<1x16xf32>,
      %parallel_loop3A_409 = vector.shape_cast %parallel_loop3A_408 : vector<1x16xf32> to vector<16xf32>
      %parallel_loop3A_410 = arith.constant 0 : i32
      %parallel_loop3A_411 = arith.index_cast %parallel_loop3A_410 : i32 to index
      %parallel_loop3A_412 = arith.index_cast %parallel_loop3A_389 : i32 to index
      %parallel_loop3A_413 = arith.index_cast %parallel_loop3A_405 : i32 to index
      %parallel_loop3A_414 = tpu.vector_load %arg12[%parallel_loop3A_411, %parallel_loop3A_412, %parallel_loop3A_413] {strides = array<i32>} : memref<4x8x512xf32, #tpu.memory_space<vmem>>, vector<1x1x16xf32>,
      %parallel_loop3A_415 = vector.shape_cast %parallel_loop3A_414 : vector<1x1x16xf32> to vector<16xf32>
      %parallel_loop3A_416 = arith.addf %parallel_loop3A_415, %parallel_loop3A_409 : vector<16xf32>
      %parallel_loop3A_417 = arith.constant 0 : i32
      %parallel_loop3A_418 = arith.index_cast %parallel_loop3A_417 : i32 to index
      %parallel_loop3A_419 = arith.index_cast %parallel_loop3A_389 : i32 to index
      %parallel_loop3A_420 = arith.index_cast %parallel_loop3A_405 : i32 to index
      %parallel_loop3A_421 = tpu.vector_load %arg17[%parallel_loop3A_418, %parallel_loop3A_419, %parallel_loop3A_420] {strides = array<i32>} : memref<4x8x512xf32, #tpu.memory_space<vmem>>, vector<1x1x16xf32>,
      %parallel_loop3A_422 = vector.shape_cast %parallel_loop3A_421 : vector<1x1x16xf32> to vector<16xf32>
      %parallel_loop3A_423 = vector.shape_cast %parallel_loop3A_416 : vector<16xf32> to vector<1x1x16xf32>
      tpu.vector_store %arg17[%parallel_loop3A_418, %parallel_loop3A_419, %parallel_loop3A_420], %parallel_loop3A_423 {strides = array<i32>} : memref<4x8x512xf32, #tpu.memory_space<vmem>>, vector<1x1x16xf32>,
      %parallel_loop3A_424 = arith.constant 1 : i32
      %parallel_loop3A_425 = arith.index_cast %parallel_loop3A_424 : i32 to index
      %parallel_loop3A_426 = arith.index_cast %parallel_loop3A_389 : i32 to index
      %parallel_loop3A_427 = arith.index_cast %parallel_loop3A_405 : i32 to index
      %parallel_loop3A_428 = tpu.vector_load %arg12[%parallel_loop3A_425, %parallel_loop3A_426, %parallel_loop3A_427] {strides = array<i32>} : memref<4x8x512xf32, #tpu.memory_space<vmem>>, vector<1x1x16xf32>,
      %parallel_loop3A_429 = vector.shape_cast %parallel_loop3A_428 : vector<1x1x16xf32> to vector<16xf32>
      %parallel_loop3A_430 = arith.addf %parallel_loop3A_429, %parallel_loop3A_409 : vector<16xf32>
      %parallel_loop3A_431 = arith.constant 1 : i32
      %parallel_loop3A_432 = arith.index_cast %parallel_loop3A_431 : i32 to index
      %parallel_loop3A_433 = arith.index_cast %parallel_loop3A_389 : i32 to index
      %parallel_loop3A_434 = arith.index_cast %parallel_loop3A_405 : i32 to index
      %parallel_loop3A_435 = tpu.vector_load %arg17[%parallel_loop3A_432, %parallel_loop3A_433, %parallel_loop3A_434] {strides = array<i32>} : memref<4x8x512xf32, #tpu.memory_space<vmem>>, vector<1x1x16xf32>,
      %parallel_loop3A_436 = vector.shape_cast %parallel_loop3A_435 : vector<1x1x16xf32> to vector<16xf32>
      %parallel_loop3A_437 = vector.shape_cast %parallel_loop3A_430 : vector<16xf32> to vector<1x1x16xf32>
      tpu.vector_store %arg17[%parallel_loop3A_432, %parallel_loop3A_433, %parallel_loop3A_434], %parallel_loop3A_437 {strides = array<i32>} : memref<4x8x512xf32, #tpu.memory_space<vmem>>, vector<1x1x16xf32>,
      %parallel_loop3A_438 = arith.constant 2 : i32
      %parallel_loop3A_439 = arith.index_cast %parallel_loop3A_438 : i32 to index
      %parallel_loop3A_440 = arith.index_cast %parallel_loop3A_389 : i32 to index
      %parallel_loop3A_441 = arith.index_cast %parallel_loop3A_405 : i32 to index
      %parallel_loop3A_442 = tpu.vector_load %arg12[%parallel_loop3A_439, %parallel_loop3A_440, %parallel_loop3A_441] {strides = array<i32>} : memref<4x8x512xf32, #tpu.memory_space<vmem>>, vector<1x1x16xf32>,
      %parallel_loop3A_443 = vector.shape_cast %parallel_loop3A_442 : vector<1x1x16xf32> to vector<16xf32>
      %parallel_loop3A_444 = arith.addf %parallel_loop3A_443, %parallel_loop3A_409 : vector<16xf32>
      %parallel_loop3A_445 = arith.constant 2 : i32
      %parallel_loop3A_446 = arith.index_cast %parallel_loop3A_445 : i32 to index
      %parallel_loop3A_447 = arith.index_cast %parallel_loop3A_389 : i32 to index
      %parallel_loop3A_448 = arith.index_cast %parallel_loop3A_405 : i32 to index
      %parallel_loop3A_449 = tpu.vector_load %arg17[%parallel_loop3A_446, %parallel_loop3A_447, %parallel_loop3A_448] {strides = array<i32>} : memref<4x8x512xf32, #tpu.memory_space<vmem>>, vector<1x1x16xf32>,
      %parallel_loop3A_450 = vector.shape_cast %parallel_loop3A_449 : vector<1x1x16xf32> to vector<16xf32>
      %parallel_loop3A_451 = vector.shape_cast %parallel_loop3A_444 : vector<16xf32> to vector<1x1x16xf32>
      tpu.vector_store %arg17[%parallel_loop3A_446, %parallel_loop3A_447, %parallel_loop3A_448], %parallel_loop3A_451 {strides = array<i32>} : memref<4x8x512xf32, #tpu.memory_space<vmem>>, vector<1x1x16xf32>,
      %parallel_loop3A_452 = arith.constant 3 : i32
      %parallel_loop3A_453 = arith.index_cast %parallel_loop3A_452 : i32 to index
      %parallel_loop3A_454 = arith.index_cast %parallel_loop3A_389 : i32 to index
      %parallel_loop3A_455 = arith.index_cast %parallel_loop3A_405 : i32 to index
      %parallel_loop3A_456 = tpu.vector_load %arg12[%parallel_loop3A_453, %parallel_loop3A_454, %parallel_loop3A_455] {strides = array<i32>} : memref<4x8x512xf32, #tpu.memory_space<vmem>>, vector<1x1x16xf32>,
      %parallel_loop3A_457 = vector.shape_cast %parallel_loop3A_456 : vector<1x1x16xf32> to vector<16xf32>
      %parallel_loop3A_458 = arith.addf %parallel_loop3A_457, %parallel_loop3A_409 : vector<16xf32>
      %parallel_loop3A_459 = arith.constant 3 : i32
      %parallel_loop3A_460 = arith.index_cast %parallel_loop3A_459 : i32 to index
      %parallel_loop3A_461 = arith.index_cast %parallel_loop3A_389 : i32 to index
      %parallel_loop3A_462 = arith.index_cast %parallel_loop3A_405 : i32 to index
      %parallel_loop3A_463 = tpu.vector_load %arg17[%parallel_loop3A_460, %parallel_loop3A_461, %parallel_loop3A_462] {strides = array<i32>} : memref<4x8x512xf32, #tpu.memory_space<vmem>>, vector<1x1x16xf32>,
      %parallel_loop3A_464 = vector.shape_cast %parallel_loop3A_463 : vector<1x1x16xf32> to vector<16xf32>
      %parallel_loop3A_465 = vector.shape_cast %parallel_loop3A_458 : vector<16xf32> to vector<1x1x16xf32>
      tpu.vector_store %arg17[%parallel_loop3A_460, %parallel_loop3A_461, %parallel_loop3A_462], %parallel_loop3A_465 {strides = array<i32>} : memref<4x8x512xf32, #tpu.memory_space<vmem>>, vector<1x1x16xf32>,
    } {sc.loop_unroll_factor = 8 : i64, sc.parallel_access}
    %add3A_147 = arith.constant 8 : i32
    %add3A_148 = arith.addi %mul3A_2, %add3A_147 : i32
    %dma_start3A_149 = arith.constant 0 : i32
    %dma_start3A_150 = arith.constant 0 : i32
    %dma_start3A_151 = tpu.memref_slice %arg4[%dma_start3A_149, %add3A_148, %dma_start3A_150] : memref<4x8192x1024xf32, #tpu.memory_space<hbm>> -> memref<4x8x512xf32, #tpu.memory_space<hbm>>
    %dma_start3A_152 = arith.constant 0 : i32
    %dma_start3A_153 = arith.constant 0 : i32
    %dma_start3A_154 = tpu.memref_slice %arg4[%dma_start3A_152, %add3A_148, %dma_start3A_153] : memref<4x8192x1024xf32, #tpu.memory_space<hbm>> -> memref<4x8x512xf32, #tpu.memory_space<hbm>>
    tpu.enqueue_dma source(%arg17 : memref<4x8x512xf32, #tpu.memory_space<vmem>>) target(%dma_start3A_154 : memref<4x8x512xf32, #tpu.memory_space<hbm>>) target_semaphore(%arg18 : memref<!tpu.dma_semaphore, #tpu.memory_space<semaphore_mem>>)
    %dma_wait3A_155 = arith.constant 0 : i32
    %dma_wait3A_156 = arith.constant 0 : i32
    %dma_wait3A_157 = tpu.memref_slice %arg3[%dma_wait3A_155, %dma_wait3A_156] : memref<8192x1024xf32, #tpu.memory_space<hbm>> -> memref<8x512xf32, #tpu.memory_space<hbm>>
    %dma_wait3A_158 = arith.constant 0 : i32
    %dma_wait3A_159 = arith.constant 0 : i32
    %dma_wait3A_160 = tpu.memref_slice %arg3[%dma_wait3A_158, %dma_wait3A_159] : memref<8192x1024xf32, #tpu.memory_space<hbm>> -> memref<8x512xf32, #tpu.memory_space<hbm>>
    tpu.wait_dma2 semaphore(%arg16 : memref<!tpu.dma_semaphore, #tpu.memory_space<semaphore_mem>>) src(%dma_wait3A_160 : memref<8x512xf32, #tpu.memory_space<hbm>>) dst(%arg14 : memref<8x512xf32, #tpu.memory_space<vmem>>)
    %dma_wait3A_161 = arith.constant 0 : i32
    %dma_wait3A_162 = arith.constant 0 : i32
    %dma_wait3A_163 = arith.constant 0 : i32
    %dma_wait3A_164 = tpu.memref_slice %arg2[%dma_wait3A_161, %dma_wait3A_162, %dma_wait3A_163] : memref<4x8192x1024xf32, #tpu.memory_space<hbm>> -> memref<4x8x512xf32, #tpu.memory_space<hbm>>
    %dma_wait3A_165 = arith.constant 0 : i32
    %dma_wait3A_166 = arith.constant 0 : i32
    %dma_wait3A_167 = arith.constant 0 : i32
    %dma_wait3A_168 = tpu.memref_slice %arg2[%dma_wait3A_165, %dma_wait3A_166, %dma_wait3A_167] : memref<4x8192x1024xf32, #tpu.memory_space<hbm>> -> memref<4x8x512xf32, #tpu.memory_space<hbm>>
    tpu.wait_dma2 semaphore(%arg16 : memref<!tpu.dma_semaphore, #tpu.memory_space<semaphore_mem>>) src(%dma_wait3A_168 : memref<4x8x512xf32, #tpu.memory_space<hbm>>) dst(%arg15 : memref<4x8x512xf32, #tpu.memory_space<vmem>>)
    %add3A_169 = arith.constant 24 : i32
    %add3A_170 = arith.addi %mul3A_2, %add3A_169 : i32
    %dma_start3A_171 = arith.constant 0 : i32
    %dma_start3A_172 = tpu.memref_slice %arg3[%add3A_170, %dma_start3A_171] : memref<8192x1024xf32, #tpu.memory_space<hbm>> -> memref<8x512xf32, #tpu.memory_space<hbm>>
    %dma_start3A_173 = arith.constant 0 : i32
    %dma_start3A_174 = tpu.memref_slice %arg3[%add3A_170, %dma_start3A_173] : memref<8192x1024xf32, #tpu.memory_space<hbm>> -> memref<8x512xf32, #tpu.memory_space<hbm>>
    tpu.enqueue_dma source(%dma_start3A_174 : memref<8x512xf32, #tpu.memory_space<hbm>>) target(%arg11 : memref<8x512xf32, #tpu.memory_space<vmem>>) target_semaphore(%arg13 : memref<!tpu.dma_semaphore, #tpu.memory_space<semaphore_mem>>)
    %dma_start3A_175 = arith.constant 0 : i32
    %dma_start3A_176 = arith.constant 0 : i32
    %dma_start3A_177 = tpu.memref_slice %arg2[%dma_start3A_175, %add3A_170, %dma_start3A_176] : memref<4x8192x1024xf32, #tpu.memory_space<hbm>> -> memref<4x8x512xf32, #tpu.memory_space<hbm>>
    %dma_start3A_178 = arith.constant 0 : i32
    %dma_start3A_179 = arith.constant 0 : i32
    %dma_start3A_180 = tpu.memref_slice %arg2[%dma_start3A_178, %add3A_170, %dma_start3A_179] : memref<4x8192x1024xf32, #tpu.memory_space<hbm>> -> memref<4x8x512xf32, #tpu.memory_space<hbm>>
    tpu.enqueue_dma source(%dma_start3A_180 : memref<4x8x512xf32, #tpu.memory_space<hbm>>) target(%arg12 : memref<4x8x512xf32, #tpu.memory_space<vmem>>) target_semaphore(%arg13 : memref<!tpu.dma_semaphore, #tpu.memory_space<semaphore_mem>>)
    %dma_wait3A_181 = arith.constant 0 : i32
    %dma_wait3A_182 = arith.constant 0 : i32
    %dma_wait3A_183 = arith.constant 0 : i32
    %dma_wait3A_184 = tpu.memref_slice %arg4[%dma_wait3A_181, %dma_wait3A_182, %dma_wait3A_183] : memref<4x8192x1024xf32, #tpu.memory_space<hbm>> -> memref<4x8x512xf32, #tpu.memory_space<hbm>>
    %dma_wait3A_185 = arith.constant 0 : i32
    %dma_wait3A_186 = arith.constant 0 : i32
    %dma_wait3A_187 = arith.constant 0 : i32
    %dma_wait3A_188 = tpu.memref_slice %arg4[%dma_wait3A_185, %dma_wait3A_186, %dma_wait3A_187] : memref<4x8192x1024xf32, #tpu.memory_space<hbm>> -> memref<4x8x512xf32, #tpu.memory_space<hbm>>
    tpu.wait_dma2 semaphore(%arg20 : memref<!tpu.dma_semaphore, #tpu.memory_space<semaphore_mem>>) src(%arg19 : memref<4x8x512xf32, #tpu.memory_space<vmem>>) dst(%dma_wait3A_188 : memref<4x8x512xf32, #tpu.memory_space<hbm>>)
    %parallel_loop3A_189 = arith.constant 0 : i32
    %parallel_loop3A_190 = arith.constant 4096 : i32
    %parallel_loop3A_191 = arith.constant 16 : i32
    scf.for %parallel_loop3A_365 = %parallel_loop3A_189 to %parallel_loop3A_190 step %parallel_loop3A_191  : i32 {
      %parallel_loop3A_366 = arith.constant 512 : i32
      %parallel_loop3A_367 = arith.divsi %parallel_loop3A_365, %parallel_loop3A_366 : i32
      %parallel_loop3A_368 = arith.constant 0 : i32
      %parallel_loop3A_369 = arith.cmpi sgt, %parallel_loop3A_365, %parallel_loop3A_368 : i32
      %parallel_loop3A_370 = arith.extui %parallel_loop3A_369 : i1 to i32
      %parallel_loop3A_371 = arith.constant 0 : i32
      %parallel_loop3A_372 = arith.cmpi slt, %parallel_loop3A_365, %parallel_loop3A_371 : i32
      %parallel_loop3A_373 = arith.extui %parallel_loop3A_372 : i1 to i32
      %parallel_loop3A_374 = arith.subi %parallel_loop3A_370, %parallel_loop3A_373 : i32
      %parallel_loop3A_375 = arith.constant 0 : i32
      %parallel_loop3A_376 = arith.cmpi sgt, %parallel_loop3A_366, %parallel_loop3A_375 : i32
      %parallel_loop3A_377 = arith.extui %parallel_loop3A_376 : i1 to i32
      %parallel_loop3A_378 = arith.constant 0 : i32
      %parallel_loop3A_379 = arith.cmpi slt, %parallel_loop3A_366, %parallel_loop3A_378 : i32
      %parallel_loop3A_380 = arith.extui %parallel_loop3A_379 : i1 to i32
      %parallel_loop3A_381 = arith.subi %parallel_loop3A_377, %parallel_loop3A_380 : i32
      %parallel_loop3A_382 = arith.cmpi ne, %parallel_loop3A_374, %parallel_loop3A_381 : i32
      %parallel_loop3A_383 = arith.remsi %parallel_loop3A_365, %parallel_loop3A_366 : i32
      %parallel_loop3A_384 = arith.constant 0 : i32
      %parallel_loop3A_385 = arith.cmpi ne, %parallel_loop3A_383, %parallel_loop3A_384 : i32
      %parallel_loop3A_386 = arith.andi %parallel_loop3A_382, %parallel_loop3A_385 : i1
      %parallel_loop3A_387 = arith.constant 1 : i32
      %parallel_loop3A_388 = arith.subi %parallel_loop3A_367, %parallel_loop3A_387 : i32
      %parallel_loop3A_389 = arith.select %parallel_loop3A_386, %parallel_loop3A_388, %parallel_loop3A_367 : i32
      %parallel_loop3A_390 = arith.constant 512 : i32
      %parallel_loop3A_391 = arith.constant 0 : i32
      %parallel_loop3A_392 = arith.cmpi eq, %parallel_loop3A_390, %parallel_loop3A_391 : i32
      %parallel_loop3A_393 = arith.constant 1 : i32
      %parallel_loop3A_394 = arith.select %parallel_loop3A_392, %parallel_loop3A_393, %parallel_loop3A_390 : i32
      %parallel_loop3A_395 = arith.remsi %parallel_loop3A_365, %parallel_loop3A_394 : i32
      %parallel_loop3A_396 = arith.constant 0 : i32
      %parallel_loop3A_397 = arith.cmpi ne, %parallel_loop3A_395, %parallel_loop3A_396 : i32
      %parallel_loop3A_398 = arith.constant 0 : i32
      %parallel_loop3A_399 = arith.cmpi slt, %parallel_loop3A_395, %parallel_loop3A_398 : i32
      %parallel_loop3A_400 = arith.constant 0 : i32
      %parallel_loop3A_401 = arith.cmpi slt, %parallel_loop3A_394, %parallel_loop3A_400 : i32
      %parallel_loop3A_402 = arith.xori %parallel_loop3A_399, %parallel_loop3A_401 : i1
      %parallel_loop3A_403 = arith.andi %parallel_loop3A_402, %parallel_loop3A_397 : i1
      %parallel_loop3A_404 = arith.addi %parallel_loop3A_395, %parallel_loop3A_394 : i32
      %parallel_loop3A_405 = arith.select %parallel_loop3A_403, %parallel_loop3A_404, %parallel_loop3A_395 : i32
      %parallel_loop3A_406 = arith.index_cast %parallel_loop3A_389 : i32 to index
      %parallel_loop3A_407 = arith.index_cast %parallel_loop3A_405 : i32 to index
      %parallel_loop3A_408 = tpu.vector_load %arg14[%parallel_loop3A_406, %parallel_loop3A_407] {strides = array<i32>} : memref<8x512xf32, #tpu.memory_space<vmem>>, vector<1x16xf32>,
      %parallel_loop3A_409 = vector.shape_cast %parallel_loop3A_408 : vector<1x16xf32> to vector<16xf32>
      %parallel_loop3A_410 = arith.constant 0 : i32
      %parallel_loop3A_411 = arith.index_cast %parallel_loop3A_410 : i32 to index
      %parallel_loop3A_412 = arith.index_cast %parallel_loop3A_389 : i32 to index
      %parallel_loop3A_413 = arith.index_cast %parallel_loop3A_405 : i32 to index
      %parallel_loop3A_414 = tpu.vector_load %arg15[%parallel_loop3A_411, %parallel_loop3A_412, %parallel_loop3A_413] {strides = array<i32>} : memref<4x8x512xf32, #tpu.memory_space<vmem>>, vector<1x1x16xf32>,
      %parallel_loop3A_415 = vector.shape_cast %parallel_loop3A_414 : vector<1x1x16xf32> to vector<16xf32>
      %parallel_loop3A_416 = arith.addf %parallel_loop3A_415, %parallel_loop3A_409 : vector<16xf32>
      %parallel_loop3A_417 = arith.constant 0 : i32
      %parallel_loop3A_418 = arith.index_cast %parallel_loop3A_417 : i32 to index
      %parallel_loop3A_419 = arith.index_cast %parallel_loop3A_389 : i32 to index
      %parallel_loop3A_420 = arith.index_cast %parallel_loop3A_405 : i32 to index
      %parallel_loop3A_421 = tpu.vector_load %arg19[%parallel_loop3A_418, %parallel_loop3A_419, %parallel_loop3A_420] {strides = array<i32>} : memref<4x8x512xf32, #tpu.memory_space<vmem>>, vector<1x1x16xf32>,
      %parallel_loop3A_422 = vector.shape_cast %parallel_loop3A_421 : vector<1x1x16xf32> to vector<16xf32>
      %parallel_loop3A_423 = vector.shape_cast %parallel_loop3A_416 : vector<16xf32> to vector<1x1x16xf32>
      tpu.vector_store %arg19[%parallel_loop3A_418, %parallel_loop3A_419, %parallel_loop3A_420], %parallel_loop3A_423 {strides = array<i32>} : memref<4x8x512xf32, #tpu.memory_space<vmem>>, vector<1x1x16xf32>,
      %parallel_loop3A_424 = arith.constant 1 : i32
      %parallel_loop3A_425 = arith.index_cast %parallel_loop3A_424 : i32 to index
      %parallel_loop3A_426 = arith.index_cast %parallel_loop3A_389 : i32 to index
      %parallel_loop3A_427 = arith.index_cast %parallel_loop3A_405 : i32 to index
      %parallel_loop3A_428 = tpu.vector_load %arg15[%parallel_loop3A_425, %parallel_loop3A_426, %parallel_loop3A_427] {strides = array<i32>} : memref<4x8x512xf32, #tpu.memory_space<vmem>>, vector<1x1x16xf32>,
      %parallel_loop3A_429 = vector.shape_cast %parallel_loop3A_428 : vector<1x1x16xf32> to vector<16xf32>
      %parallel_loop3A_430 = arith.addf %parallel_loop3A_429, %parallel_loop3A_409 : vector<16xf32>
      %parallel_loop3A_431 = arith.constant 1 : i32
      %parallel_loop3A_432 = arith.index_cast %parallel_loop3A_431 : i32 to index
      %parallel_loop3A_433 = arith.index_cast %parallel_loop3A_389 : i32 to index
      %parallel_loop3A_434 = arith.index_cast %parallel_loop3A_405 : i32 to index
      %parallel_loop3A_435 = tpu.vector_load %arg19[%parallel_loop3A_432, %parallel_loop3A_433, %parallel_loop3A_434] {strides = array<i32>} : memref<4x8x512xf32, #tpu.memory_space<vmem>>, vector<1x1x16xf32>,
      %parallel_loop3A_436 = vector.shape_cast %parallel_loop3A_435 : vector<1x1x16xf32> to vector<16xf32>
      %parallel_loop3A_437 = vector.shape_cast %parallel_loop3A_430 : vector<16xf32> to vector<1x1x16xf32>
      tpu.vector_store %arg19[%parallel_loop3A_432, %parallel_loop3A_433, %parallel_loop3A_434], %parallel_loop3A_437 {strides = array<i32>} : memref<4x8x512xf32, #tpu.memory_space<vmem>>, vector<1x1x16xf32>,
      %parallel_loop3A_438 = arith.constant 2 : i32
      %parallel_loop3A_439 = arith.index_cast %parallel_loop3A_438 : i32 to index
      %parallel_loop3A_440 = arith.index_cast %parallel_loop3A_389 : i32 to index
      %parallel_loop3A_441 = arith.index_cast %parallel_loop3A_405 : i32 to index
      %parallel_loop3A_442 = tpu.vector_load %arg15[%parallel_loop3A_439, %parallel_loop3A_440, %parallel_loop3A_441] {strides = array<i32>} : memref<4x8x512xf32, #tpu.memory_space<vmem>>, vector<1x1x16xf32>,
      %parallel_loop3A_443 = vector.shape_cast %parallel_loop3A_442 : vector<1x1x16xf32> to vector<16xf32>
      %parallel_loop3A_444 = arith.addf %parallel_loop3A_443, %parallel_loop3A_409 : vector<16xf32>
      %parallel_loop3A_445 = arith.constant 2 : i32
      %parallel_loop3A_446 = arith.index_cast %parallel_loop3A_445 : i32 to index
      %parallel_loop3A_447 = arith.index_cast %parallel_loop3A_389 : i32 to index
      %parallel_loop3A_448 = arith.index_cast %parallel_loop3A_405 : i32 to index
      %parallel_loop3A_449 = tpu.vector_load %arg19[%parallel_loop3A_446, %parallel_loop3A_447, %parallel_loop3A_448] {strides = array<i32>} : memref<4x8x512xf32, #tpu.memory_space<vmem>>, vector<1x1x16xf32>,
      %parallel_loop3A_450 = vector.shape_cast %parallel_loop3A_449 : vector<1x1x16xf32> to vector<16xf32>
      %parallel_loop3A_451 = vector.shape_cast %parallel_loop3A_444 : vector<16xf32> to vector<1x1x16xf32>
      tpu.vector_store %arg19[%parallel_loop3A_446, %parallel_loop3A_447, %parallel_loop3A_448], %parallel_loop3A_451 {strides = array<i32>} : memref<4x8x512xf32, #tpu.memory_space<vmem>>, vector<1x1x16xf32>,
      %parallel_loop3A_452 = arith.constant 3 : i32
      %parallel_loop3A_453 = arith.index_cast %parallel_loop3A_452 : i32 to index
      %parallel_loop3A_454 = arith.index_cast %parallel_loop3A_389 : i32 to index
      %parallel_loop3A_455 = arith.index_cast %parallel_loop3A_405 : i32 to index
      %parallel_loop3A_456 = tpu.vector_load %arg15[%parallel_loop3A_453, %parallel_loop3A_454, %parallel_loop3A_455] {strides = array<i32>} : memref<4x8x512xf32, #tpu.memory_space<vmem>>, vector<1x1x16xf32>,
      %parallel_loop3A_457 = vector.shape_cast %parallel_loop3A_456 : vector<1x1x16xf32> to vector<16xf32>
      %parallel_loop3A_458 = arith.addf %parallel_loop3A_457, %parallel_loop3A_409 : vector<16xf32>
      %parallel_loop3A_459 = arith.constant 3 : i32
      %parallel_loop3A_460 = arith.index_cast %parallel_loop3A_459 : i32 to index
      %parallel_loop3A_461 = arith.index_cast %parallel_loop3A_389 : i32 to index
      %parallel_loop3A_462 = arith.index_cast %parallel_loop3A_405 : i32 to index
      %parallel_loop3A_463 = tpu.vector_load %arg19[%parallel_loop3A_460, %parallel_loop3A_461, %parallel_loop3A_462] {strides = array<i32>} : memref<4x8x512xf32, #tpu.memory_space<vmem>>, vector<1x1x16xf32>,
      %parallel_loop3A_464 = vector.shape_cast %parallel_loop3A_463 : vector<1x1x16xf32> to vector<16xf32>
      %parallel_loop3A_465 = vector.shape_cast %parallel_loop3A_458 : vector<16xf32> to vector<1x1x16xf32>
      tpu.vector_store %arg19[%parallel_loop3A_460, %parallel_loop3A_461, %parallel_loop3A_462], %parallel_loop3A_465 {strides = array<i32>} : memref<4x8x512xf32, #tpu.memory_space<vmem>>, vector<1x1x16xf32>,
    } {sc.loop_unroll_factor = 8 : i64, sc.parallel_access}
    %add3A_192 = arith.constant 8 : i32
    %add3A_193 = arith.addi %mul3A_2, %add3A_192 : i32
    %dma_start3A_194 = arith.constant 0 : i32
    %dma_start3A_195 = arith.constant 512 : i32
    %dma_start3A_196 = tpu.memref_slice %arg4[%dma_start3A_194, %add3A_193, %dma_start3A_195] : memref<4x8192x1024xf32, #tpu.memory_space<hbm>> -> memref<4x8x512xf32, #tpu.memory_space<hbm>>
    %dma_start3A_197 = arith.constant 0 : i32
    %dma_start3A_198 = arith.constant 512 : i32
    %dma_start3A_199 = tpu.memref_slice %arg4[%dma_start3A_197, %add3A_193, %dma_start3A_198] : memref<4x8192x1024xf32, #tpu.memory_space<hbm>> -> memref<4x8x512xf32, #tpu.memory_space<hbm>>
    tpu.enqueue_dma source(%arg19 : memref<4x8x512xf32, #tpu.memory_space<vmem>>) target(%dma_start3A_199 : memref<4x8x512xf32, #tpu.memory_space<hbm>>) target_semaphore(%arg20 : memref<!tpu.dma_semaphore, #tpu.memory_space<semaphore_mem>>)
    %scan3A = arith.constant 0 : i32
    %scan3A_200 = arith.constant 1 : i32
    %scan3A_201 = arith.constant 14 : i32
    %scan3A_202 = arith.addi %scan3A_200, %scan3A_201 : i32
    %scan3A_203 = arith.constant 1 : i32
    scf.for %scan3A_365 = %scan3A_200 to %scan3A_202 step %scan3A_203  : i32 {
      %mul3A_366 = arith.constant 4 : i32
      %mul3A_367 = arith.muli %scan3A_365, %mul3A_366 : i32
      %add3A_368 = arith.constant 0 : i32
      %add3A_369 = arith.addi %mul3A_367, %add3A_368 : i32
      %dma_wait3A_370 = arith.constant 0 : i32
      %dma_wait3A_371 = arith.constant 0 : i32
      %dma_wait3A_372 = tpu.memref_slice %arg3[%dma_wait3A_370, %dma_wait3A_371] : memref<8192x1024xf32, #tpu.memory_space<hbm>> -> memref<8x512xf32, #tpu.memory_space<hbm>>
      %dma_wait3A_373 = arith.constant 0 : i32
      %dma_wait3A_374 = arith.constant 0 : i32
      %dma_wait3A_375 = tpu.memref_slice %arg3[%dma_wait3A_373, %dma_wait3A_374] : memref<8192x1024xf32, #tpu.memory_space<hbm>> -> memref<8x512xf32, #tpu.memory_space<hbm>>
      tpu.wait_dma2 semaphore(%arg7 : memref<!tpu.dma_semaphore, #tpu.memory_space<semaphore_mem>>) src(%dma_wait3A_375 : memref<8x512xf32, #tpu.memory_space<hbm>>) dst(%arg5 : memref<8x512xf32, #tpu.memory_space<vmem>>)
      %dma_wait3A_376 = arith.constant 0 : i32
      %dma_wait3A_377 = arith.constant 0 : i32
      %dma_wait3A_378 = arith.constant 0 : i32
      %dma_wait3A_379 = tpu.memref_slice %arg2[%dma_wait3A_376, %dma_wait3A_377, %dma_wait3A_378] : memref<4x8192x1024xf32, #tpu.memory_space<hbm>> -> memref<4x8x512xf32, #tpu.memory_space<hbm>>
      %dma_wait3A_380 = arith.constant 0 : i32
      %dma_wait3A_381 = arith.constant 0 : i32
      %dma_wait3A_382 = arith.constant 0 : i32
      %dma_wait3A_383 = tpu.memref_slice %arg2[%dma_wait3A_380, %dma_wait3A_381, %dma_wait3A_382] : memref<4x8192x1024xf32, #tpu.memory_space<hbm>> -> memref<4x8x512xf32, #tpu.memory_space<hbm>>
      tpu.wait_dma2 semaphore(%arg7 : memref<!tpu.dma_semaphore, #tpu.memory_space<semaphore_mem>>) src(%dma_wait3A_383 : memref<4x8x512xf32, #tpu.memory_space<hbm>>) dst(%arg6 : memref<4x8x512xf32, #tpu.memory_space<vmem>>)
      %add3A_384 = arith.constant 4 : i32
      %add3A_385 = arith.addi %add3A_369, %add3A_384 : i32
      %sub3A = arith.constant 1 : i32
      %sub3A_386 = arith.subi %add3A_385, %sub3A : i32
      %jit3A = arith.constant 2 : i32
      %div3A = arith.divsi %sub3A_386, %jit3A : i32
      %sign3A = arith.constant 0 : i32
      %sign3A_387 = arith.cmpi sgt, %sub3A_386, %sign3A : i32
      %sign3A_388 = arith.extui %sign3A_387 : i1 to i32
      %sign3A_389 = arith.constant 0 : i32
      %sign3A_390 = arith.cmpi slt, %sub3A_386, %sign3A_389 : i32
      %sign3A_391 = arith.extui %sign3A_390 : i1 to i32
      %sign3A_392 = arith.subi %sign3A_388, %sign3A_391 : i32
      %sign3A_393 = arith.constant 0 : i32
      %sign3A_394 = arith.cmpi sgt, %jit3A, %sign3A_393 : i32
      %sign3A_395 = arith.extui %sign3A_394 : i1 to i32
      %sign3A_396 = arith.constant 0 : i32
      %sign3A_397 = arith.cmpi slt, %jit3A, %sign3A_396 : i32
      %sign3A_398 = arith.extui %sign3A_397 : i1 to i32
      %sign3A_399 = arith.subi %sign3A_395, %sign3A_398 : i32
      %ne3A = arith.cmpi ne, %sign3A_392, %sign3A_399 : i32
      %rem3A = arith.remsi %sub3A_386, %jit3A : i32
      %ne3A_400 = arith.constant 0 : i32
      %ne3A_401 = arith.cmpi ne, %rem3A, %ne3A_400 : i32
      %and3A = arith.andi %ne3A, %ne3A_401 : i1
      %sub3A_402 = arith.constant 1 : i32
      %sub3A_403 = arith.subi %div3A, %sub3A_402 : i32
      %select_n3A = arith.select %and3A, %sub3A_403, %div3A : i32
      %mul3A_404 = arith.constant 8 : i32
      %mul3A_405 = arith.muli %select_n3A, %mul3A_404 : i32
      %add3A_406 = arith.addi %mul3A_2, %mul3A_405 : i32
      %jit3A_407 = arith.constant 2 : i32
      %eq3A = arith.constant 0 : i32
      %eq3A_408 = arith.cmpi eq, %jit3A_407, %eq3A : i32
      %jit3A_409 = arith.constant 1 : i32
      %select_n3A_410 = arith.select %eq3A_408, %jit3A_409, %jit3A_407 : i32
      %rem3A_411 = arith.remsi %sub3A_386, %select_n3A_410 : i32
      %ne3A_412 = arith.constant 0 : i32
      %ne3A_413 = arith.cmpi ne, %rem3A_411, %ne3A_412 : i32
      %lt3A = arith.constant 0 : i32
      %lt3A_414 = arith.cmpi slt, %rem3A_411, %lt3A : i32
      %lt3A_415 = arith.constant 0 : i32
      %lt3A_416 = arith.cmpi slt, %select_n3A_410, %lt3A_415 : i32
      %ne3A_417 = arith.xori %lt3A_414, %lt3A_416 : i1
      %and3A_418 = arith.andi %ne3A_417, %ne3A_413 : i1
      %add3A_419 = arith.addi %rem3A_411, %select_n3A_410 : i32
      %select_n3A_420 = arith.select %and3A_418, %add3A_419, %rem3A_411 : i32
      %mul3A_421 = arith.constant 512 : i32
      %mul3A_422 = arith.muli %select_n3A_420, %mul3A_421 : i32
      %dma_start3A_423 = tpu.memref_slice %arg3[%add3A_406, %mul3A_422] : memref<8192x1024xf32, #tpu.memory_space<hbm>> -> memref<8x512xf32, #tpu.memory_space<hbm>>
      %dma_start3A_424 = tpu.memref_slice %arg3[%add3A_406, %mul3A_422] : memref<8192x1024xf32, #tpu.memory_space<hbm>> -> memref<8x512xf32, #tpu.memory_space<hbm>>
      tpu.enqueue_dma source(%dma_start3A_424 : memref<8x512xf32, #tpu.memory_space<hbm>>) target(%arg14 : memref<8x512xf32, #tpu.memory_space<vmem>>) target_semaphore(%arg16 : memref<!tpu.dma_semaphore, #tpu.memory_space<semaphore_mem>>)
      %dma_start3A_425 = arith.constant 0 : i32
      %dma_start3A_426 = tpu.memref_slice %arg2[%dma_start3A_425, %add3A_406, %mul3A_422] : memref<4x8192x1024xf32, #tpu.memory_space<hbm>> -> memref<4x8x512xf32, #tpu.memory_space<hbm>>
      %dma_start3A_427 = arith.constant 0 : i32
      %dma_start3A_428 = tpu.memref_slice %arg2[%dma_start3A_427, %add3A_406, %mul3A_422] : memref<4x8192x1024xf32, #tpu.memory_space<hbm>> -> memref<4x8x512xf32, #tpu.memory_space<hbm>>
      tpu.enqueue_dma source(%dma_start3A_428 : memref<4x8x512xf32, #tpu.memory_space<hbm>>) target(%arg15 : memref<4x8x512xf32, #tpu.memory_space<vmem>>) target_semaphore(%arg16 : memref<!tpu.dma_semaphore, #tpu.memory_space<semaphore_mem>>)
      %dma_wait3A_429 = arith.constant 0 : i32
      %dma_wait3A_430 = arith.constant 0 : i32
      %dma_wait3A_431 = arith.constant 0 : i32
      %dma_wait3A_432 = tpu.memref_slice %arg4[%dma_wait3A_429, %dma_wait3A_430, %dma_wait3A_431] : memref<4x8192x1024xf32, #tpu.memory_space<hbm>> -> memref<4x8x512xf32, #tpu.memory_space<hbm>>
      %dma_wait3A_433 = arith.constant 0 : i32
      %dma_wait3A_434 = arith.constant 0 : i32
      %dma_wait3A_435 = arith.constant 0 : i32
      %dma_wait3A_436 = tpu.memref_slice %arg4[%dma_wait3A_433, %dma_wait3A_434, %dma_wait3A_435] : memref<4x8192x1024xf32, #tpu.memory_space<hbm>> -> memref<4x8x512xf32, #tpu.memory_space<hbm>>
      tpu.wait_dma2 semaphore(%arg18 : memref<!tpu.dma_semaphore, #tpu.memory_space<semaphore_mem>>) src(%arg17 : memref<4x8x512xf32, #tpu.memory_space<vmem>>) dst(%dma_wait3A_436 : memref<4x8x512xf32, #tpu.memory_space<hbm>>)
      %parallel_loop3A_437 = arith.constant 0 : i32
      %parallel_loop3A_438 = arith.constant 4096 : i32
      %parallel_loop3A_439 = arith.constant 16 : i32
      scf.for %parallel_loop3A_882 = %parallel_loop3A_437 to %parallel_loop3A_438 step %parallel_loop3A_439  : i32 {
        %parallel_loop3A_883 = arith.constant 512 : i32
        %parallel_loop3A_884 = arith.divsi %parallel_loop3A_882, %parallel_loop3A_883 : i32
        %parallel_loop3A_885 = arith.constant 0 : i32
        %parallel_loop3A_886 = arith.cmpi sgt, %parallel_loop3A_882, %parallel_loop3A_885 : i32
        %parallel_loop3A_887 = arith.extui %parallel_loop3A_886 : i1 to i32
        %parallel_loop3A_888 = arith.constant 0 : i32
        %parallel_loop3A_889 = arith.cmpi slt, %parallel_loop3A_882, %parallel_loop3A_888 : i32
        %parallel_loop3A_890 = arith.extui %parallel_loop3A_889 : i1 to i32
        %parallel_loop3A_891 = arith.subi %parallel_loop3A_887, %parallel_loop3A_890 : i32
        %parallel_loop3A_892 = arith.constant 0 : i32
        %parallel_loop3A_893 = arith.cmpi sgt, %parallel_loop3A_883, %parallel_loop3A_892 : i32
        %parallel_loop3A_894 = arith.extui %parallel_loop3A_893 : i1 to i32
        %parallel_loop3A_895 = arith.constant 0 : i32
        %parallel_loop3A_896 = arith.cmpi slt, %parallel_loop3A_883, %parallel_loop3A_895 : i32
        %parallel_loop3A_897 = arith.extui %parallel_loop3A_896 : i1 to i32
        %parallel_loop3A_898 = arith.subi %parallel_loop3A_894, %parallel_loop3A_897 : i32
        %parallel_loop3A_899 = arith.cmpi ne, %parallel_loop3A_891, %parallel_loop3A_898 : i32
        %parallel_loop3A_900 = arith.remsi %parallel_loop3A_882, %parallel_loop3A_883 : i32
        %parallel_loop3A_901 = arith.constant 0 : i32
        %parallel_loop3A_902 = arith.cmpi ne, %parallel_loop3A_900, %parallel_loop3A_901 : i32
        %parallel_loop3A_903 = arith.andi %parallel_loop3A_899, %parallel_loop3A_902 : i1
        %parallel_loop3A_904 = arith.constant 1 : i32
        %parallel_loop3A_905 = arith.subi %parallel_loop3A_884, %parallel_loop3A_904 : i32
        %parallel_loop3A_906 = arith.select %parallel_loop3A_903, %parallel_loop3A_905, %parallel_loop3A_884 : i32
        %parallel_loop3A_907 = arith.constant 512 : i32
        %parallel_loop3A_908 = arith.constant 0 : i32
        %parallel_loop3A_909 = arith.cmpi eq, %parallel_loop3A_907, %parallel_loop3A_908 : i32
        %parallel_loop3A_910 = arith.constant 1 : i32
        %parallel_loop3A_911 = arith.select %parallel_loop3A_909, %parallel_loop3A_910, %parallel_loop3A_907 : i32
        %parallel_loop3A_912 = arith.remsi %parallel_loop3A_882, %parallel_loop3A_911 : i32
        %parallel_loop3A_913 = arith.constant 0 : i32
        %parallel_loop3A_914 = arith.cmpi ne, %parallel_loop3A_912, %parallel_loop3A_913 : i32
        %parallel_loop3A_915 = arith.constant 0 : i32
        %parallel_loop3A_916 = arith.cmpi slt, %parallel_loop3A_912, %parallel_loop3A_915 : i32
        %parallel_loop3A_917 = arith.constant 0 : i32
        %parallel_loop3A_918 = arith.cmpi slt, %parallel_loop3A_911, %parallel_loop3A_917 : i32
        %parallel_loop3A_919 = arith.xori %parallel_loop3A_916, %parallel_loop3A_918 : i1
        %parallel_loop3A_920 = arith.andi %parallel_loop3A_919, %parallel_loop3A_914 : i1
        %parallel_loop3A_921 = arith.addi %parallel_loop3A_912, %parallel_loop3A_911 : i32
        %parallel_loop3A_922 = arith.select %parallel_loop3A_920, %parallel_loop3A_921, %parallel_loop3A_912 : i32
        %parallel_loop3A_923 = arith.index_cast %parallel_loop3A_906 : i32 to index
        %parallel_loop3A_924 = arith.index_cast %parallel_loop3A_922 : i32 to index
        %parallel_loop3A_925 = tpu.vector_load %arg5[%parallel_loop3A_923, %parallel_loop3A_924] {strides = array<i32>} : memref<8x512xf32, #tpu.memory_space<vmem>>, vector<1x16xf32>,
        %parallel_loop3A_926 = vector.shape_cast %parallel_loop3A_925 : vector<1x16xf32> to vector<16xf32>
        %parallel_loop3A_927 = arith.constant 0 : i32
        %parallel_loop3A_928 = arith.index_cast %parallel_loop3A_927 : i32 to index
        %parallel_loop3A_929 = arith.index_cast %parallel_loop3A_906 : i32 to index
        %parallel_loop3A_930 = arith.index_cast %parallel_loop3A_922 : i32 to index
        %parallel_loop3A_931 = tpu.vector_load %arg6[%parallel_loop3A_928, %parallel_loop3A_929, %parallel_loop3A_930] {strides = array<i32>} : memref<4x8x512xf32, #tpu.memory_space<vmem>>, vector<1x1x16xf32>,
        %parallel_loop3A_932 = vector.shape_cast %parallel_loop3A_931 : vector<1x1x16xf32> to vector<16xf32>
        %parallel_loop3A_933 = arith.addf %parallel_loop3A_932, %parallel_loop3A_926 : vector<16xf32>
        %parallel_loop3A_934 = arith.constant 0 : i32
        %parallel_loop3A_935 = arith.index_cast %parallel_loop3A_934 : i32 to index
        %parallel_loop3A_936 = arith.index_cast %parallel_loop3A_906 : i32 to index
        %parallel_loop3A_937 = arith.index_cast %parallel_loop3A_922 : i32 to index
        %parallel_loop3A_938 = tpu.vector_load %arg17[%parallel_loop3A_935, %parallel_loop3A_936, %parallel_loop3A_937] {strides = array<i32>} : memref<4x8x512xf32, #tpu.memory_space<vmem>>, vector<1x1x16xf32>,
        %parallel_loop3A_939 = vector.shape_cast %parallel_loop3A_938 : vector<1x1x16xf32> to vector<16xf32>
        %parallel_loop3A_940 = vector.shape_cast %parallel_loop3A_933 : vector<16xf32> to vector<1x1x16xf32>
        tpu.vector_store %arg17[%parallel_loop3A_935, %parallel_loop3A_936, %parallel_loop3A_937], %parallel_loop3A_940 {strides = array<i32>} : memref<4x8x512xf32, #tpu.memory_space<vmem>>, vector<1x1x16xf32>,
        %parallel_loop3A_941 = arith.constant 1 : i32
        %parallel_loop3A_942 = arith.index_cast %parallel_loop3A_941 : i32 to index
        %parallel_loop3A_943 = arith.index_cast %parallel_loop3A_906 : i32 to index
        %parallel_loop3A_944 = arith.index_cast %parallel_loop3A_922 : i32 to index
        %parallel_loop3A_945 = tpu.vector_load %arg6[%parallel_loop3A_942, %parallel_loop3A_943, %parallel_loop3A_944] {strides = array<i32>} : memref<4x8x512xf32, #tpu.memory_space<vmem>>, vector<1x1x16xf32>,
        %parallel_loop3A_946 = vector.shape_cast %parallel_loop3A_945 : vector<1x1x16xf32> to vector<16xf32>
        %parallel_loop3A_947 = arith.addf %parallel_loop3A_946, %parallel_loop3A_926 : vector<16xf32>
        %parallel_loop3A_948 = arith.constant 1 : i32
        %parallel_loop3A_949 = arith.index_cast %parallel_loop3A_948 : i32 to index
        %parallel_loop3A_950 = arith.index_cast %parallel_loop3A_906 : i32 to index
        %parallel_loop3A_951 = arith.index_cast %parallel_loop3A_922 : i32 to index
        %parallel_loop3A_952 = tpu.vector_load %arg17[%parallel_loop3A_949, %parallel_loop3A_950, %parallel_loop3A_951] {strides = array<i32>} : memref<4x8x512xf32, #tpu.memory_space<vmem>>, vector<1x1x16xf32>,
        %parallel_loop3A_953 = vector.shape_cast %parallel_loop3A_952 : vector<1x1x16xf32> to vector<16xf32>
        %parallel_loop3A_954 = vector.shape_cast %parallel_loop3A_947 : vector<16xf32> to vector<1x1x16xf32>
        tpu.vector_store %arg17[%parallel_loop3A_949, %parallel_loop3A_950, %parallel_loop3A_951], %parallel_loop3A_954 {strides = array<i32>} : memref<4x8x512xf32, #tpu.memory_space<vmem>>, vector<1x1x16xf32>,
        %parallel_loop3A_955 = arith.constant 2 : i32
        %parallel_loop3A_956 = arith.index_cast %parallel_loop3A_955 : i32 to index
        %parallel_loop3A_957 = arith.index_cast %parallel_loop3A_906 : i32 to index
        %parallel_loop3A_958 = arith.index_cast %parallel_loop3A_922 : i32 to index
        %parallel_loop3A_959 = tpu.vector_load %arg6[%parallel_loop3A_956, %parallel_loop3A_957, %parallel_loop3A_958] {strides = array<i32>} : memref<4x8x512xf32, #tpu.memory_space<vmem>>, vector<1x1x16xf32>,
        %parallel_loop3A_960 = vector.shape_cast %parallel_loop3A_959 : vector<1x1x16xf32> to vector<16xf32>
        %parallel_loop3A_961 = arith.addf %parallel_loop3A_960, %parallel_loop3A_926 : vector<16xf32>
        %parallel_loop3A_962 = arith.constant 2 : i32
        %parallel_loop3A_963 = arith.index_cast %parallel_loop3A_962 : i32 to index
        %parallel_loop3A_964 = arith.index_cast %parallel_loop3A_906 : i32 to index
        %parallel_loop3A_965 = arith.index_cast %parallel_loop3A_922 : i32 to index
        %parallel_loop3A_966 = tpu.vector_load %arg17[%parallel_loop3A_963, %parallel_loop3A_964, %parallel_loop3A_965] {strides = array<i32>} : memref<4x8x512xf32, #tpu.memory_space<vmem>>, vector<1x1x16xf32>,
        %parallel_loop3A_967 = vector.shape_cast %parallel_loop3A_966 : vector<1x1x16xf32> to vector<16xf32>
        %parallel_loop3A_968 = vector.shape_cast %parallel_loop3A_961 : vector<16xf32> to vector<1x1x16xf32>
        tpu.vector_store %arg17[%parallel_loop3A_963, %parallel_loop3A_964, %parallel_loop3A_965], %parallel_loop3A_968 {strides = array<i32>} : memref<4x8x512xf32, #tpu.memory_space<vmem>>, vector<1x1x16xf32>,
        %parallel_loop3A_969 = arith.constant 3 : i32
        %parallel_loop3A_970 = arith.index_cast %parallel_loop3A_969 : i32 to index
        %parallel_loop3A_971 = arith.index_cast %parallel_loop3A_906 : i32 to index
        %parallel_loop3A_972 = arith.index_cast %parallel_loop3A_922 : i32 to index
        %parallel_loop3A_973 = tpu.vector_load %arg6[%parallel_loop3A_970, %parallel_loop3A_971, %parallel_loop3A_972] {strides = array<i32>} : memref<4x8x512xf32, #tpu.memory_space<vmem>>, vector<1x1x16xf32>,
        %parallel_loop3A_974 = vector.shape_cast %parallel_loop3A_973 : vector<1x1x16xf32> to vector<16xf32>
        %parallel_loop3A_975 = arith.addf %parallel_loop3A_974, %parallel_loop3A_926 : vector<16xf32>
        %parallel_loop3A_976 = arith.constant 3 : i32
        %parallel_loop3A_977 = arith.index_cast %parallel_loop3A_976 : i32 to index
        %parallel_loop3A_978 = arith.index_cast %parallel_loop3A_906 : i32 to index
        %parallel_loop3A_979 = arith.index_cast %parallel_loop3A_922 : i32 to index
        %parallel_loop3A_980 = tpu.vector_load %arg17[%parallel_loop3A_977, %parallel_loop3A_978, %parallel_loop3A_979] {strides = array<i32>} : memref<4x8x512xf32, #tpu.memory_space<vmem>>, vector<1x1x16xf32>,
        %parallel_loop3A_981 = vector.shape_cast %parallel_loop3A_980 : vector<1x1x16xf32> to vector<16xf32>
        %parallel_loop3A_982 = vector.shape_cast %parallel_loop3A_975 : vector<16xf32> to vector<1x1x16xf32>
        tpu.vector_store %arg17[%parallel_loop3A_977, %parallel_loop3A_978, %parallel_loop3A_979], %parallel_loop3A_982 {strides = array<i32>} : memref<4x8x512xf32, #tpu.memory_space<vmem>>, vector<1x1x16xf32>,
      } {sc.loop_unroll_factor = 8 : i64, sc.parallel_access}
      %jit3A_440 = arith.constant 2 : i32
      %div3A_441 = arith.divsi %add3A_369, %jit3A_440 : i32
      %sign3A_442 = arith.constant 0 : i32
      %sign3A_443 = arith.cmpi sgt, %add3A_369, %sign3A_442 : i32
      %sign3A_444 = arith.extui %sign3A_443 : i1 to i32
      %sign3A_445 = arith.constant 0 : i32
      %sign3A_446 = arith.cmpi slt, %add3A_369, %sign3A_445 : i32
      %sign3A_447 = arith.extui %sign3A_446 : i1 to i32
      %sign3A_448 = arith.subi %sign3A_444, %sign3A_447 : i32
      %sign3A_449 = arith.constant 0 : i32
      %sign3A_450 = arith.cmpi sgt, %jit3A_440, %sign3A_449 : i32
      %sign3A_451 = arith.extui %sign3A_450 : i1 to i32
      %sign3A_452 = arith.constant 0 : i32
      %sign3A_453 = arith.cmpi slt, %jit3A_440, %sign3A_452 : i32
      %sign3A_454 = arith.extui %sign3A_453 : i1 to i32
      %sign3A_455 = arith.subi %sign3A_451, %sign3A_454 : i32
      %ne3A_456 = arith.cmpi ne, %sign3A_448, %sign3A_455 : i32
      %rem3A_457 = arith.remsi %add3A_369, %jit3A_440 : i32
      %ne3A_458 = arith.constant 0 : i32
      %ne3A_459 = arith.cmpi ne, %rem3A_457, %ne3A_458 : i32
      %and3A_460 = arith.andi %ne3A_456, %ne3A_459 : i1
      %sub3A_461 = arith.constant 1 : i32
      %sub3A_462 = arith.subi %div3A_441, %sub3A_461 : i32
      %select_n3A_463 = arith.select %and3A_460, %sub3A_462, %div3A_441 : i32
      %mul3A_464 = arith.constant 8 : i32
      %mul3A_465 = arith.muli %select_n3A_463, %mul3A_464 : i32
      %add3A_466 = arith.addi %mul3A_2, %mul3A_465 : i32
      %jit3A_467 = arith.constant 2 : i32
      %eq3A_468 = arith.constant 0 : i32
      %eq3A_469 = arith.cmpi eq, %jit3A_467, %eq3A_468 : i32
      %jit3A_470 = arith.constant 1 : i32
      %select_n3A_471 = arith.select %eq3A_469, %jit3A_470, %jit3A_467 : i32
      %rem3A_472 = arith.remsi %add3A_369, %select_n3A_471 : i32
      %ne3A_473 = arith.constant 0 : i32
      %ne3A_474 = arith.cmpi ne, %rem3A_472, %ne3A_473 : i32
      %lt3A_475 = arith.constant 0 : i32
      %lt3A_476 = arith.cmpi slt, %rem3A_472, %lt3A_475 : i32
      %lt3A_477 = arith.constant 0 : i32
      %lt3A_478 = arith.cmpi slt, %select_n3A_471, %lt3A_477 : i32
      %ne3A_479 = arith.xori %lt3A_476, %lt3A_478 : i1
      %and3A_480 = arith.andi %ne3A_479, %ne3A_474 : i1
      %add3A_481 = arith.addi %rem3A_472, %select_n3A_471 : i32
      %select_n3A_482 = arith.select %and3A_480, %add3A_481, %rem3A_472 : i32
      %mul3A_483 = arith.constant 512 : i32
      %mul3A_484 = arith.muli %select_n3A_482, %mul3A_483 : i32
      %dma_start3A_485 = arith.constant 0 : i32
      %dma_start3A_486 = tpu.memref_slice %arg4[%dma_start3A_485, %add3A_466, %mul3A_484] : memref<4x8192x1024xf32, #tpu.memory_space<hbm>> -> memref<4x8x512xf32, #tpu.memory_space<hbm>>
      %dma_start3A_487 = arith.constant 0 : i32
      %dma_start3A_488 = tpu.memref_slice %arg4[%dma_start3A_487, %add3A_466, %mul3A_484] : memref<4x8192x1024xf32, #tpu.memory_space<hbm>> -> memref<4x8x512xf32, #tpu.memory_space<hbm>>
      tpu.enqueue_dma source(%arg17 : memref<4x8x512xf32, #tpu.memory_space<vmem>>) target(%dma_start3A_488 : memref<4x8x512xf32, #tpu.memory_space<hbm>>) target_semaphore(%arg18 : memref<!tpu.dma_semaphore, #tpu.memory_space<semaphore_mem>>)
      %add3A_489 = arith.constant 1 : i32
      %add3A_490 = arith.addi %mul3A_367, %add3A_489 : i32
      %dma_wait3A_491 = arith.constant 0 : i32
      %dma_wait3A_492 = arith.constant 0 : i32
      %dma_wait3A_493 = tpu.memref_slice %arg3[%dma_wait3A_491, %dma_wait3A_492] : memref<8192x1024xf32, #tpu.memory_space<hbm>> -> memref<8x512xf32, #tpu.memory_space<hbm>>
      %dma_wait3A_494 = arith.constant 0 : i32
      %dma_wait3A_495 = arith.constant 0 : i32
      %dma_wait3A_496 = tpu.memref_slice %arg3[%dma_wait3A_494, %dma_wait3A_495] : memref<8192x1024xf32, #tpu.memory_space<hbm>> -> memref<8x512xf32, #tpu.memory_space<hbm>>
      tpu.wait_dma2 semaphore(%arg10 : memref<!tpu.dma_semaphore, #tpu.memory_space<semaphore_mem>>) src(%dma_wait3A_496 : memref<8x512xf32, #tpu.memory_space<hbm>>) dst(%arg8 : memref<8x512xf32, #tpu.memory_space<vmem>>)
      %dma_wait3A_497 = arith.constant 0 : i32
      %dma_wait3A_498 = arith.constant 0 : i32
      %dma_wait3A_499 = arith.constant 0 : i32
      %dma_wait3A_500 = tpu.memref_slice %arg2[%dma_wait3A_497, %dma_wait3A_498, %dma_wait3A_499] : memref<4x8192x1024xf32, #tpu.memory_space<hbm>> -> memref<4x8x512xf32, #tpu.memory_space<hbm>>
      %dma_wait3A_501 = arith.constant 0 : i32
      %dma_wait3A_502 = arith.constant 0 : i32
      %dma_wait3A_503 = arith.constant 0 : i32
      %dma_wait3A_504 = tpu.memref_slice %arg2[%dma_wait3A_501, %dma_wait3A_502, %dma_wait3A_503] : memref<4x8192x1024xf32, #tpu.memory_space<hbm>> -> memref<4x8x512xf32, #tpu.memory_space<hbm>>
      tpu.wait_dma2 semaphore(%arg10 : memref<!tpu.dma_semaphore, #tpu.memory_space<semaphore_mem>>) src(%dma_wait3A_504 : memref<4x8x512xf32, #tpu.memory_space<hbm>>) dst(%arg9 : memref<4x8x512xf32, #tpu.memory_space<vmem>>)
      %add3A_505 = arith.constant 4 : i32
      %add3A_506 = arith.addi %add3A_490, %add3A_505 : i32
      %sub3A_507 = arith.constant 1 : i32
      %sub3A_508 = arith.subi %add3A_506, %sub3A_507 : i32
      %jit3A_509 = arith.constant 2 : i32
      %div3A_510 = arith.divsi %sub3A_508, %jit3A_509 : i32
      %sign3A_511 = arith.constant 0 : i32
      %sign3A_512 = arith.cmpi sgt, %sub3A_508, %sign3A_511 : i32
      %sign3A_513 = arith.extui %sign3A_512 : i1 to i32
      %sign3A_514 = arith.constant 0 : i32
      %sign3A_515 = arith.cmpi slt, %sub3A_508, %sign3A_514 : i32
      %sign3A_516 = arith.extui %sign3A_515 : i1 to i32
      %sign3A_517 = arith.subi %sign3A_513, %sign3A_516 : i32
      %sign3A_518 = arith.constant 0 : i32
      %sign3A_519 = arith.cmpi sgt, %jit3A_509, %sign3A_518 : i32
      %sign3A_520 = arith.extui %sign3A_519 : i1 to i32
      %sign3A_521 = arith.constant 0 : i32
      %sign3A_522 = arith.cmpi slt, %jit3A_509, %sign3A_521 : i32
      %sign3A_523 = arith.extui %sign3A_522 : i1 to i32
      %sign3A_524 = arith.subi %sign3A_520, %sign3A_523 : i32
      %ne3A_525 = arith.cmpi ne, %sign3A_517, %sign3A_524 : i32
      %rem3A_526 = arith.remsi %sub3A_508, %jit3A_509 : i32
      %ne3A_527 = arith.constant 0 : i32
      %ne3A_528 = arith.cmpi ne, %rem3A_526, %ne3A_527 : i32
      %and3A_529 = arith.andi %ne3A_525, %ne3A_528 : i1
      %sub3A_530 = arith.constant 1 : i32
      %sub3A_531 = arith.subi %div3A_510, %sub3A_530 : i32
      %select_n3A_532 = arith.select %and3A_529, %sub3A_531, %div3A_510 : i32
      %mul3A_533 = arith.constant 8 : i32
      %mul3A_534 = arith.muli %select_n3A_532, %mul3A_533 : i32
      %add3A_535 = arith.addi %mul3A_2, %mul3A_534 : i32
      %jit3A_536 = arith.constant 2 : i32
      %eq3A_537 = arith.constant 0 : i32
      %eq3A_538 = arith.cmpi eq, %jit3A_536, %eq3A_537 : i32
      %jit3A_539 = arith.constant 1 : i32
      %select_n3A_540 = arith.select %eq3A_538, %jit3A_539, %jit3A_536 : i32
      %rem3A_541 = arith.remsi %sub3A_508, %select_n3A_540 : i32
      %ne3A_542 = arith.constant 0 : i32
      %ne3A_543 = arith.cmpi ne, %rem3A_541, %ne3A_542 : i32
      %lt3A_544 = arith.constant 0 : i32
      %lt3A_545 = arith.cmpi slt, %rem3A_541, %lt3A_544 : i32
      %lt3A_546 = arith.constant 0 : i32
      %lt3A_547 = arith.cmpi slt, %select_n3A_540, %lt3A_546 : i32
      %ne3A_548 = arith.xori %lt3A_545, %lt3A_547 : i1
      %and3A_549 = arith.andi %ne3A_548, %ne3A_543 : i1
      %add3A_550 = arith.addi %rem3A_541, %select_n3A_540 : i32
      %select_n3A_551 = arith.select %and3A_549, %add3A_550, %rem3A_541 : i32
      %mul3A_552 = arith.constant 512 : i32
      %mul3A_553 = arith.muli %select_n3A_551, %mul3A_552 : i32
      %dma_start3A_554 = tpu.memref_slice %arg3[%add3A_535, %mul3A_553] : memref<8192x1024xf32, #tpu.memory_space<hbm>> -> memref<8x512xf32, #tpu.memory_space<hbm>>
      %dma_start3A_555 = tpu.memref_slice %arg3[%add3A_535, %mul3A_553] : memref<8192x1024xf32, #tpu.memory_space<hbm>> -> memref<8x512xf32, #tpu.memory_space<hbm>>
      tpu.enqueue_dma source(%dma_start3A_555 : memref<8x512xf32, #tpu.memory_space<hbm>>) target(%arg5 : memref<8x512xf32, #tpu.memory_space<vmem>>) target_semaphore(%arg7 : memref<!tpu.dma_semaphore, #tpu.memory_space<semaphore_mem>>)
      %dma_start3A_556 = arith.constant 0 : i32
      %dma_start3A_557 = tpu.memref_slice %arg2[%dma_start3A_556, %add3A_535, %mul3A_553] : memref<4x8192x1024xf32, #tpu.memory_space<hbm>> -> memref<4x8x512xf32, #tpu.memory_space<hbm>>
      %dma_start3A_558 = arith.constant 0 : i32
      %dma_start3A_559 = tpu.memref_slice %arg2[%dma_start3A_558, %add3A_535, %mul3A_553] : memref<4x8192x1024xf32, #tpu.memory_space<hbm>> -> memref<4x8x512xf32, #tpu.memory_space<hbm>>
      tpu.enqueue_dma source(%dma_start3A_559 : memref<4x8x512xf32, #tpu.memory_space<hbm>>) target(%arg6 : memref<4x8x512xf32, #tpu.memory_space<vmem>>) target_semaphore(%arg7 : memref<!tpu.dma_semaphore, #tpu.memory_space<semaphore_mem>>)
      %dma_wait3A_560 = arith.constant 0 : i32
      %dma_wait3A_561 = arith.constant 0 : i32
      %dma_wait3A_562 = arith.constant 0 : i32
      %dma_wait3A_563 = tpu.memref_slice %arg4[%dma_wait3A_560, %dma_wait3A_561, %dma_wait3A_562] : memref<4x8192x1024xf32, #tpu.memory_space<hbm>> -> memref<4x8x512xf32, #tpu.memory_space<hbm>>
      %dma_wait3A_564 = arith.constant 0 : i32
      %dma_wait3A_565 = arith.constant 0 : i32
      %dma_wait3A_566 = arith.constant 0 : i32
      %dma_wait3A_567 = tpu.memref_slice %arg4[%dma_wait3A_564, %dma_wait3A_565, %dma_wait3A_566] : memref<4x8192x1024xf32, #tpu.memory_space<hbm>> -> memref<4x8x512xf32, #tpu.memory_space<hbm>>
      tpu.wait_dma2 semaphore(%arg20 : memref<!tpu.dma_semaphore, #tpu.memory_space<semaphore_mem>>) src(%arg19 : memref<4x8x512xf32, #tpu.memory_space<vmem>>) dst(%dma_wait3A_567 : memref<4x8x512xf32, #tpu.memory_space<hbm>>)
      %parallel_loop3A_568 = arith.constant 0 : i32
      %parallel_loop3A_569 = arith.constant 4096 : i32
      %parallel_loop3A_570 = arith.constant 16 : i32
      scf.for %parallel_loop3A_882 = %parallel_loop3A_568 to %parallel_loop3A_569 step %parallel_loop3A_570  : i32 {
        %parallel_loop3A_883 = arith.constant 512 : i32
        %parallel_loop3A_884 = arith.divsi %parallel_loop3A_882, %parallel_loop3A_883 : i32
        %parallel_loop3A_885 = arith.constant 0 : i32
        %parallel_loop3A_886 = arith.cmpi sgt, %parallel_loop3A_882, %parallel_loop3A_885 : i32
        %parallel_loop3A_887 = arith.extui %parallel_loop3A_886 : i1 to i32
        %parallel_loop3A_888 = arith.constant 0 : i32
        %parallel_loop3A_889 = arith.cmpi slt, %parallel_loop3A_882, %parallel_loop3A_888 : i32
        %parallel_loop3A_890 = arith.extui %parallel_loop3A_889 : i1 to i32
        %parallel_loop3A_891 = arith.subi %parallel_loop3A_887, %parallel_loop3A_890 : i32
        %parallel_loop3A_892 = arith.constant 0 : i32
        %parallel_loop3A_893 = arith.cmpi sgt, %parallel_loop3A_883, %parallel_loop3A_892 : i32
        %parallel_loop3A_894 = arith.extui %parallel_loop3A_893 : i1 to i32
        %parallel_loop3A_895 = arith.constant 0 : i32
        %parallel_loop3A_896 = arith.cmpi slt, %parallel_loop3A_883, %parallel_loop3A_895 : i32
        %parallel_loop3A_897 = arith.extui %parallel_loop3A_896 : i1 to i32
        %parallel_loop3A_898 = arith.subi %parallel_loop3A_894, %parallel_loop3A_897 : i32
        %parallel_loop3A_899 = arith.cmpi ne, %parallel_loop3A_891, %parallel_loop3A_898 : i32
        %parallel_loop3A_900 = arith.remsi %parallel_loop3A_882, %parallel_loop3A_883 : i32
        %parallel_loop3A_901 = arith.constant 0 : i32
        %parallel_loop3A_902 = arith.cmpi ne, %parallel_loop3A_900, %parallel_loop3A_901 : i32
        %parallel_loop3A_903 = arith.andi %parallel_loop3A_899, %parallel_loop3A_902 : i1
        %parallel_loop3A_904 = arith.constant 1 : i32
        %parallel_loop3A_905 = arith.subi %parallel_loop3A_884, %parallel_loop3A_904 : i32
        %parallel_loop3A_906 = arith.select %parallel_loop3A_903, %parallel_loop3A_905, %parallel_loop3A_884 : i32
        %parallel_loop3A_907 = arith.constant 512 : i32
        %parallel_loop3A_908 = arith.constant 0 : i32
        %parallel_loop3A_909 = arith.cmpi eq, %parallel_loop3A_907, %parallel_loop3A_908 : i32
        %parallel_loop3A_910 = arith.constant 1 : i32
        %parallel_loop3A_911 = arith.select %parallel_loop3A_909, %parallel_loop3A_910, %parallel_loop3A_907 : i32
        %parallel_loop3A_912 = arith.remsi %parallel_loop3A_882, %parallel_loop3A_911 : i32
        %parallel_loop3A_913 = arith.constant 0 : i32
        %parallel_loop3A_914 = arith.cmpi ne, %parallel_loop3A_912, %parallel_loop3A_913 : i32
        %parallel_loop3A_915 = arith.constant 0 : i32
        %parallel_loop3A_916 = arith.cmpi slt, %parallel_loop3A_912, %parallel_loop3A_915 : i32
        %parallel_loop3A_917 = arith.constant 0 : i32
        %parallel_loop3A_918 = arith.cmpi slt, %parallel_loop3A_911, %parallel_loop3A_917 : i32
        %parallel_loop3A_919 = arith.xori %parallel_loop3A_916, %parallel_loop3A_918 : i1
        %parallel_loop3A_920 = arith.andi %parallel_loop3A_919, %parallel_loop3A_914 : i1
        %parallel_loop3A_921 = arith.addi %parallel_loop3A_912, %parallel_loop3A_911 : i32
        %parallel_loop3A_922 = arith.select %parallel_loop3A_920, %parallel_loop3A_921, %parallel_loop3A_912 : i32
        %parallel_loop3A_923 = arith.index_cast %parallel_loop3A_906 : i32 to index
        %parallel_loop3A_924 = arith.index_cast %parallel_loop3A_922 : i32 to index
        %parallel_loop3A_925 = tpu.vector_load %arg8[%parallel_loop3A_923, %parallel_loop3A_924] {strides = array<i32>} : memref<8x512xf32, #tpu.memory_space<vmem>>, vector<1x16xf32>,
        %parallel_loop3A_926 = vector.shape_cast %parallel_loop3A_925 : vector<1x16xf32> to vector<16xf32>
        %parallel_loop3A_927 = arith.constant 0 : i32
        %parallel_loop3A_928 = arith.index_cast %parallel_loop3A_927 : i32 to index
        %parallel_loop3A_929 = arith.index_cast %parallel_loop3A_906 : i32 to index
        %parallel_loop3A_930 = arith.index_cast %parallel_loop3A_922 : i32 to index
        %parallel_loop3A_931 = tpu.vector_load %arg9[%parallel_loop3A_928, %parallel_loop3A_929, %parallel_loop3A_930] {strides = array<i32>} : memref<4x8x512xf32, #tpu.memory_space<vmem>>, vector<1x1x16xf32>,
        %parallel_loop3A_932 = vector.shape_cast %parallel_loop3A_931 : vector<1x1x16xf32> to vector<16xf32>
        %parallel_loop3A_933 = arith.addf %parallel_loop3A_932, %parallel_loop3A_926 : vector<16xf32>
        %parallel_loop3A_934 = arith.constant 0 : i32
        %parallel_loop3A_935 = arith.index_cast %parallel_loop3A_934 : i32 to index
        %parallel_loop3A_936 = arith.index_cast %parallel_loop3A_906 : i32 to index
        %parallel_loop3A_937 = arith.index_cast %parallel_loop3A_922 : i32 to index
        %parallel_loop3A_938 = tpu.vector_load %arg19[%parallel_loop3A_935, %parallel_loop3A_936, %parallel_loop3A_937] {strides = array<i32>} : memref<4x8x512xf32, #tpu.memory_space<vmem>>, vector<1x1x16xf32>,
        %parallel_loop3A_939 = vector.shape_cast %parallel_loop3A_938 : vector<1x1x16xf32> to vector<16xf32>
        %parallel_loop3A_940 = vector.shape_cast %parallel_loop3A_933 : vector<16xf32> to vector<1x1x16xf32>
        tpu.vector_store %arg19[%parallel_loop3A_935, %parallel_loop3A_936, %parallel_loop3A_937], %parallel_loop3A_940 {strides = array<i32>} : memref<4x8x512xf32, #tpu.memory_space<vmem>>, vector<1x1x16xf32>,
        %parallel_loop3A_941 = arith.constant 1 : i32
        %parallel_loop3A_942 = arith.index_cast %parallel_loop3A_941 : i32 to index
        %parallel_loop3A_943 = arith.index_cast %parallel_loop3A_906 : i32 to index
        %parallel_loop3A_944 = arith.index_cast %parallel_loop3A_922 : i32 to index
        %parallel_loop3A_945 = tpu.vector_load %arg9[%parallel_loop3A_942, %parallel_loop3A_943, %parallel_loop3A_944] {strides = array<i32>} : memref<4x8x512xf32, #tpu.memory_space<vmem>>, vector<1x1x16xf32>,
        %parallel_loop3A_946 = vector.shape_cast %parallel_loop3A_945 : vector<1x1x16xf32> to vector<16xf32>
        %parallel_loop3A_947 = arith.addf %parallel_loop3A_946, %parallel_loop3A_926 : vector<16xf32>
        %parallel_loop3A_948 = arith.constant 1 : i32
        %parallel_loop3A_949 = arith.index_cast %parallel_loop3A_948 : i32 to index
        %parallel_loop3A_950 = arith.index_cast %parallel_loop3A_906 : i32 to index
        %parallel_loop3A_951 = arith.index_cast %parallel_loop3A_922 : i32 to index
        %parallel_loop3A_952 = tpu.vector_load %arg19[%parallel_loop3A_949, %parallel_loop3A_950, %parallel_loop3A_951] {strides = array<i32>} : memref<4x8x512xf32, #tpu.memory_space<vmem>>, vector<1x1x16xf32>,
        %parallel_loop3A_953 = vector.shape_cast %parallel_loop3A_952 : vector<1x1x16xf32> to vector<16xf32>
        %parallel_loop3A_954 = vector.shape_cast %parallel_loop3A_947 : vector<16xf32> to vector<1x1x16xf32>
        tpu.vector_store %arg19[%parallel_loop3A_949, %parallel_loop3A_950, %parallel_loop3A_951], %parallel_loop3A_954 {strides = array<i32>} : memref<4x8x512xf32, #tpu.memory_space<vmem>>, vector<1x1x16xf32>,
        %parallel_loop3A_955 = arith.constant 2 : i32
        %parallel_loop3A_956 = arith.index_cast %parallel_loop3A_955 : i32 to index
        %parallel_loop3A_957 = arith.index_cast %parallel_loop3A_906 : i32 to index
        %parallel_loop3A_958 = arith.index_cast %parallel_loop3A_922 : i32 to index
        %parallel_loop3A_959 = tpu.vector_load %arg9[%parallel_loop3A_956, %parallel_loop3A_957, %parallel_loop3A_958] {strides = array<i32>} : memref<4x8x512xf32, #tpu.memory_space<vmem>>, vector<1x1x16xf32>,
        %parallel_loop3A_960 = vector.shape_cast %parallel_loop3A_959 : vector<1x1x16xf32> to vector<16xf32>
        %parallel_loop3A_961 = arith.addf %parallel_loop3A_960, %parallel_loop3A_926 : vector<16xf32>
        %parallel_loop3A_962 = arith.constant 2 : i32
        %parallel_loop3A_963 = arith.index_cast %parallel_loop3A_962 : i32 to index
        %parallel_loop3A_964 = arith.index_cast %parallel_loop3A_906 : i32 to index
        %parallel_loop3A_965 = arith.index_cast %parallel_loop3A_922 : i32 to index
        %parallel_loop3A_966 = tpu.vector_load %arg19[%parallel_loop3A_963, %parallel_loop3A_964, %parallel_loop3A_965] {strides = array<i32>} : memref<4x8x512xf32, #tpu.memory_space<vmem>>, vector<1x1x16xf32>,
        %parallel_loop3A_967 = vector.shape_cast %parallel_loop3A_966 : vector<1x1x16xf32> to vector<16xf32>
        %parallel_loop3A_968 = vector.shape_cast %parallel_loop3A_961 : vector<16xf32> to vector<1x1x16xf32>
        tpu.vector_store %arg19[%parallel_loop3A_963, %parallel_loop3A_964, %parallel_loop3A_965], %parallel_loop3A_968 {strides = array<i32>} : memref<4x8x512xf32, #tpu.memory_space<vmem>>, vector<1x1x16xf32>,
        %parallel_loop3A_969 = arith.constant 3 : i32
        %parallel_loop3A_970 = arith.index_cast %parallel_loop3A_969 : i32 to index
        %parallel_loop3A_971 = arith.index_cast %parallel_loop3A_906 : i32 to index
        %parallel_loop3A_972 = arith.index_cast %parallel_loop3A_922 : i32 to index
        %parallel_loop3A_973 = tpu.vector_load %arg9[%parallel_loop3A_970, %parallel_loop3A_971, %parallel_loop3A_972] {strides = array<i32>} : memref<4x8x512xf32, #tpu.memory_space<vmem>>, vector<1x1x16xf32>,
        %parallel_loop3A_974 = vector.shape_cast %parallel_loop3A_973 : vector<1x1x16xf32> to vector<16xf32>
        %parallel_loop3A_975 = arith.addf %parallel_loop3A_974, %parallel_loop3A_926 : vector<16xf32>
        %parallel_loop3A_976 = arith.constant 3 : i32
        %parallel_loop3A_977 = arith.index_cast %parallel_loop3A_976 : i32 to index
        %parallel_loop3A_978 = arith.index_cast %parallel_loop3A_906 : i32 to index
        %parallel_loop3A_979 = arith.index_cast %parallel_loop3A_922 : i32 to index
        %parallel_loop3A_980 = tpu.vector_load %arg19[%parallel_loop3A_977, %parallel_loop3A_978, %parallel_loop3A_979] {strides = array<i32>} : memref<4x8x512xf32, #tpu.memory_space<vmem>>, vector<1x1x16xf32>,
        %parallel_loop3A_981 = vector.shape_cast %parallel_loop3A_980 : vector<1x1x16xf32> to vector<16xf32>
        %parallel_loop3A_982 = vector.shape_cast %parallel_loop3A_975 : vector<16xf32> to vector<1x1x16xf32>
        tpu.vector_store %arg19[%parallel_loop3A_977, %parallel_loop3A_978, %parallel_loop3A_979], %parallel_loop3A_982 {strides = array<i32>} : memref<4x8x512xf32, #tpu.memory_space<vmem>>, vector<1x1x16xf32>,
      } {sc.loop_unroll_factor = 8 : i64, sc.parallel_access}
      %jit3A_571 = arith.constant 2 : i32
      %div3A_572 = arith.divsi %add3A_490, %jit3A_571 : i32
      %sign3A_573 = arith.constant 0 : i32
      %sign3A_574 = arith.cmpi sgt, %add3A_490, %sign3A_573 : i32
      %sign3A_575 = arith.extui %sign3A_574 : i1 to i32
      %sign3A_576 = arith.constant 0 : i32
      %sign3A_577 = arith.cmpi slt, %add3A_490, %sign3A_576 : i32
      %sign3A_578 = arith.extui %sign3A_577 : i1 to i32
      %sign3A_579 = arith.subi %sign3A_575, %sign3A_578 : i32
      %sign3A_580 = arith.constant 0 : i32
      %sign3A_581 = arith.cmpi sgt, %jit3A_571, %sign3A_580 : i32
      %sign3A_582 = arith.extui %sign3A_581 : i1 to i32
      %sign3A_583 = arith.constant 0 : i32
      %sign3A_584 = arith.cmpi slt, %jit3A_571, %sign3A_583 : i32
      %sign3A_585 = arith.extui %sign3A_584 : i1 to i32
      %sign3A_586 = arith.subi %sign3A_582, %sign3A_585 : i32
      %ne3A_587 = arith.cmpi ne, %sign3A_579, %sign3A_586 : i32
      %rem3A_588 = arith.remsi %add3A_490, %jit3A_571 : i32
      %ne3A_589 = arith.constant 0 : i32
      %ne3A_590 = arith.cmpi ne, %rem3A_588, %ne3A_589 : i32
      %and3A_591 = arith.andi %ne3A_587, %ne3A_590 : i1
      %sub3A_592 = arith.constant 1 : i32
      %sub3A_593 = arith.subi %div3A_572, %sub3A_592 : i32
      %select_n3A_594 = arith.select %and3A_591, %sub3A_593, %div3A_572 : i32
      %mul3A_595 = arith.constant 8 : i32
      %mul3A_596 = arith.muli %select_n3A_594, %mul3A_595 : i32
      %add3A_597 = arith.addi %mul3A_2, %mul3A_596 : i32
      %jit3A_598 = arith.constant 2 : i32
      %eq3A_599 = arith.constant 0 : i32
      %eq3A_600 = arith.cmpi eq, %jit3A_598, %eq3A_599 : i32
      %jit3A_601 = arith.constant 1 : i32
      %select_n3A_602 = arith.select %eq3A_600, %jit3A_601, %jit3A_598 : i32
      %rem3A_603 = arith.remsi %add3A_490, %select_n3A_602 : i32
      %ne3A_604 = arith.constant 0 : i32
      %ne3A_605 = arith.cmpi ne, %rem3A_603, %ne3A_604 : i32
      %lt3A_606 = arith.constant 0 : i32
      %lt3A_607 = arith.cmpi slt, %rem3A_603, %lt3A_606 : i32
      %lt3A_608 = arith.constant 0 : i32
      %lt3A_609 = arith.cmpi slt, %select_n3A_602, %lt3A_608 : i32
      %ne3A_610 = arith.xori %lt3A_607, %lt3A_609 : i1
      %and3A_611 = arith.andi %ne3A_610, %ne3A_605 : i1
      %add3A_612 = arith.addi %rem3A_603, %select_n3A_602 : i32
      %select_n3A_613 = arith.select %and3A_611, %add3A_612, %rem3A_603 : i32
      %mul3A_614 = arith.constant 512 : i32
      %mul3A_615 = arith.muli %select_n3A_613, %mul3A_614 : i32
      %dma_start3A_616 = arith.constant 0 : i32
      %dma_start3A_617 = tpu.memref_slice %arg4[%dma_start3A_616, %add3A_597, %mul3A_615] : memref<4x8192x1024xf32, #tpu.memory_space<hbm>> -> memref<4x8x512xf32, #tpu.memory_space<hbm>>
      %dma_start3A_618 = arith.constant 0 : i32
      %dma_start3A_619 = tpu.memref_slice %arg4[%dma_start3A_618, %add3A_597, %mul3A_615] : memref<4x8192x1024xf32, #tpu.memory_space<hbm>> -> memref<4x8x512xf32, #tpu.memory_space<hbm>>
      tpu.enqueue_dma source(%arg19 : memref<4x8x512xf32, #tpu.memory_space<vmem>>) target(%dma_start3A_619 : memref<4x8x512xf32, #tpu.memory_space<hbm>>) target_semaphore(%arg20 : memref<!tpu.dma_semaphore, #tpu.memory_space<semaphore_mem>>)
      %add3A_620 = arith.constant 2 : i32
      %add3A_621 = arith.addi %mul3A_367, %add3A_620 : i32
      %dma_wait3A_622 = arith.constant 0 : i32
      %dma_wait3A_623 = arith.constant 0 : i32
      %dma_wait3A_624 = tpu.memref_slice %arg3[%dma_wait3A_622, %dma_wait3A_623] : memref<8192x1024xf32, #tpu.memory_space<hbm>> -> memref<8x512xf32, #tpu.memory_space<hbm>>
      %dma_wait3A_625 = arith.constant 0 : i32
      %dma_wait3A_626 = arith.constant 0 : i32
      %dma_wait3A_627 = tpu.memref_slice %arg3[%dma_wait3A_625, %dma_wait3A_626] : memref<8192x1024xf32, #tpu.memory_space<hbm>> -> memref<8x512xf32, #tpu.memory_space<hbm>>
      tpu.wait_dma2 semaphore(%arg13 : memref<!tpu.dma_semaphore, #tpu.memory_space<semaphore_mem>>) src(%dma_wait3A_627 : memref<8x512xf32, #tpu.memory_space<hbm>>) dst(%arg11 : memref<8x512xf32, #tpu.memory_space<vmem>>)
      %dma_wait3A_628 = arith.constant 0 : i32
      %dma_wait3A_629 = arith.constant 0 : i32
      %dma_wait3A_630 = arith.constant 0 : i32
      %dma_wait3A_631 = tpu.memref_slice %arg2[%dma_wait3A_628, %dma_wait3A_629, %dma_wait3A_630] : memref<4x8192x1024xf32, #tpu.memory_space<hbm>> -> memref<4x8x512xf32, #tpu.memory_space<hbm>>
      %dma_wait3A_632 = arith.constant 0 : i32
      %dma_wait3A_633 = arith.constant 0 : i32
      %dma_wait3A_634 = arith.constant 0 : i32
      %dma_wait3A_635 = tpu.memref_slice %arg2[%dma_wait3A_632, %dma_wait3A_633, %dma_wait3A_634] : memref<4x8192x1024xf32, #tpu.memory_space<hbm>> -> memref<4x8x512xf32, #tpu.memory_space<hbm>>
      tpu.wait_dma2 semaphore(%arg13 : memref<!tpu.dma_semaphore, #tpu.memory_space<semaphore_mem>>) src(%dma_wait3A_635 : memref<4x8x512xf32, #tpu.memory_space<hbm>>) dst(%arg12 : memref<4x8x512xf32, #tpu.memory_space<vmem>>)
      %add3A_636 = arith.constant 4 : i32
      %add3A_637 = arith.addi %add3A_621, %add3A_636 : i32
      %sub3A_638 = arith.constant 1 : i32
      %sub3A_639 = arith.subi %add3A_637, %sub3A_638 : i32
      %jit3A_640 = arith.constant 2 : i32
      %div3A_641 = arith.divsi %sub3A_639, %jit3A_640 : i32
      %sign3A_642 = arith.constant 0 : i32
      %sign3A_643 = arith.cmpi sgt, %sub3A_639, %sign3A_642 : i32
      %sign3A_644 = arith.extui %sign3A_643 : i1 to i32
      %sign3A_645 = arith.constant 0 : i32
      %sign3A_646 = arith.cmpi slt, %sub3A_639, %sign3A_645 : i32
      %sign3A_647 = arith.extui %sign3A_646 : i1 to i32
      %sign3A_648 = arith.subi %sign3A_644, %sign3A_647 : i32
      %sign3A_649 = arith.constant 0 : i32
      %sign3A_650 = arith.cmpi sgt, %jit3A_640, %sign3A_649 : i32
      %sign3A_651 = arith.extui %sign3A_650 : i1 to i32
      %sign3A_652 = arith.constant 0 : i32
      %sign3A_653 = arith.cmpi slt, %jit3A_640, %sign3A_652 : i32
      %sign3A_654 = arith.extui %sign3A_653 : i1 to i32
      %sign3A_655 = arith.subi %sign3A_651, %sign3A_654 : i32
      %ne3A_656 = arith.cmpi ne, %sign3A_648, %sign3A_655 : i32
      %rem3A_657 = arith.remsi %sub3A_639, %jit3A_640 : i32
      %ne3A_658 = arith.constant 0 : i32
      %ne3A_659 = arith.cmpi ne, %rem3A_657, %ne3A_658 : i32
      %and3A_660 = arith.andi %ne3A_656, %ne3A_659 : i1
      %sub3A_661 = arith.constant 1 : i32
      %sub3A_662 = arith.subi %div3A_641, %sub3A_661 : i32
      %select_n3A_663 = arith.select %and3A_660, %sub3A_662, %div3A_641 : i32
      %mul3A_664 = arith.constant 8 : i32
      %mul3A_665 = arith.muli %select_n3A_663, %mul3A_664 : i32
      %add3A_666 = arith.addi %mul3A_2, %mul3A_665 : i32
      %jit3A_667 = arith.constant 2 : i32
      %eq3A_668 = arith.constant 0 : i32
      %eq3A_669 = arith.cmpi eq, %jit3A_667, %eq3A_668 : i32
      %jit3A_670 = arith.constant 1 : i32
      %select_n3A_671 = arith.select %eq3A_669, %jit3A_670, %jit3A_667 : i32
      %rem3A_672 = arith.remsi %sub3A_639, %select_n3A_671 : i32
      %ne3A_673 = arith.constant 0 : i32
      %ne3A_674 = arith.cmpi ne, %rem3A_672, %ne3A_673 : i32
      %lt3A_675 = arith.constant 0 : i32
      %lt3A_676 = arith.cmpi slt, %rem3A_672, %lt3A_675 : i32
      %lt3A_677 = arith.constant 0 : i32
      %lt3A_678 = arith.cmpi slt, %select_n3A_671, %lt3A_677 : i32
      %ne3A_679 = arith.xori %lt3A_676, %lt3A_678 : i1
      %and3A_680 = arith.andi %ne3A_679, %ne3A_674 : i1
      %add3A_681 = arith.addi %rem3A_672, %select_n3A_671 : i32
      %select_n3A_682 = arith.select %and3A_680, %add3A_681, %rem3A_672 : i32
      %mul3A_683 = arith.constant 512 : i32
      %mul3A_684 = arith.muli %select_n3A_682, %mul3A_683 : i32
      %dma_start3A_685 = tpu.memref_slice %arg3[%add3A_666, %mul3A_684] : memref<8192x1024xf32, #tpu.memory_space<hbm>> -> memref<8x512xf32, #tpu.memory_space<hbm>>
      %dma_start3A_686 = tpu.memref_slice %arg3[%add3A_666, %mul3A_684] : memref<8192x1024xf32, #tpu.memory_space<hbm>> -> memref<8x512xf32, #tpu.memory_space<hbm>>
      tpu.enqueue_dma source(%dma_start3A_686 : memref<8x512xf32, #tpu.memory_space<hbm>>) target(%arg8 : memref<8x512xf32, #tpu.memory_space<vmem>>) target_semaphore(%arg10 : memref<!tpu.dma_semaphore, #tpu.memory_space<semaphore_mem>>)
      %dma_start3A_687 = arith.constant 0 : i32
      %dma_start3A_688 = tpu.memref_slice %arg2[%dma_start3A_687, %add3A_666, %mul3A_684] : memref<4x8192x1024xf32, #tpu.memory_space<hbm>> -> memref<4x8x512xf32, #tpu.memory_space<hbm>>
      %dma_start3A_689 = arith.constant 0 : i32
      %dma_start3A_690 = tpu.memref_slice %arg2[%dma_start3A_689, %add3A_666, %mul3A_684] : memref<4x8192x1024xf32, #tpu.memory_space<hbm>> -> memref<4x8x512xf32, #tpu.memory_space<hbm>>
      tpu.enqueue_dma source(%dma_start3A_690 : memref<4x8x512xf32, #tpu.memory_space<hbm>>) target(%arg9 : memref<4x8x512xf32, #tpu.memory_space<vmem>>) target_semaphore(%arg10 : memref<!tpu.dma_semaphore, #tpu.memory_space<semaphore_mem>>)
      %dma_wait3A_691 = arith.constant 0 : i32
      %dma_wait3A_692 = arith.constant 0 : i32
      %dma_wait3A_693 = arith.constant 0 : i32
      %dma_wait3A_694 = tpu.memref_slice %arg4[%dma_wait3A_691, %dma_wait3A_692, %dma_wait3A_693] : memref<4x8192x1024xf32, #tpu.memory_space<hbm>> -> memref<4x8x512xf32, #tpu.memory_space<hbm>>
      %dma_wait3A_695 = arith.constant 0 : i32
      %dma_wait3A_696 = arith.constant 0 : i32
      %dma_wait3A_697 = arith.constant 0 : i32
      %dma_wait3A_698 = tpu.memref_slice %arg4[%dma_wait3A_695, %dma_wait3A_696, %dma_wait3A_697] : memref<4x8192x1024xf32, #tpu.memory_space<hbm>> -> memref<4x8x512xf32, #tpu.memory_space<hbm>>
      tpu.wait_dma2 semaphore(%arg18 : memref<!tpu.dma_semaphore, #tpu.memory_space<semaphore_mem>>) src(%arg17 : memref<4x8x512xf32, #tpu.memory_space<vmem>>) dst(%dma_wait3A_698 : memref<4x8x512xf32, #tpu.memory_space<hbm>>)
      %parallel_loop3A_699 = arith.constant 0 : i32
      %parallel_loop3A_700 = arith.constant 4096 : i32
      %parallel_loop3A_701 = arith.constant 16 : i32
      scf.for %parallel_loop3A_882 = %parallel_loop3A_699 to %parallel_loop3A_700 step %parallel_loop3A_701  : i32 {
        %parallel_loop3A_883 = arith.constant 512 : i32
        %parallel_loop3A_884 = arith.divsi %parallel_loop3A_882, %parallel_loop3A_883 : i32
        %parallel_loop3A_885 = arith.constant 0 : i32
        %parallel_loop3A_886 = arith.cmpi sgt, %parallel_loop3A_882, %parallel_loop3A_885 : i32
        %parallel_loop3A_887 = arith.extui %parallel_loop3A_886 : i1 to i32
        %parallel_loop3A_888 = arith.constant 0 : i32
        %parallel_loop3A_889 = arith.cmpi slt, %parallel_loop3A_882, %parallel_loop3A_888 : i32
        %parallel_loop3A_890 = arith.extui %parallel_loop3A_889 : i1 to i32
        %parallel_loop3A_891 = arith.subi %parallel_loop3A_887, %parallel_loop3A_890 : i32
        %parallel_loop3A_892 = arith.constant 0 : i32
        %parallel_loop3A_893 = arith.cmpi sgt, %parallel_loop3A_883, %parallel_loop3A_892 : i32
        %parallel_loop3A_894 = arith.extui %parallel_loop3A_893 : i1 to i32
        %parallel_loop3A_895 = arith.constant 0 : i32
        %parallel_loop3A_896 = arith.cmpi slt, %parallel_loop3A_883, %parallel_loop3A_895 : i32
        %parallel_loop3A_897 = arith.extui %parallel_loop3A_896 : i1 to i32
        %parallel_loop3A_898 = arith.subi %parallel_loop3A_894, %parallel_loop3A_897 : i32
        %parallel_loop3A_899 = arith.cmpi ne, %parallel_loop3A_891, %parallel_loop3A_898 : i32
        %parallel_loop3A_900 = arith.remsi %parallel_loop3A_882, %parallel_loop3A_883 : i32
        %parallel_loop3A_901 = arith.constant 0 : i32
        %parallel_loop3A_902 = arith.cmpi ne, %parallel_loop3A_900, %parallel_loop3A_901 : i32
        %parallel_loop3A_903 = arith.andi %parallel_loop3A_899, %parallel_loop3A_902 : i1
        %parallel_loop3A_904 = arith.constant 1 : i32
        %parallel_loop3A_905 = arith.subi %parallel_loop3A_884, %parallel_loop3A_904 : i32
        %parallel_loop3A_906 = arith.select %parallel_loop3A_903, %parallel_loop3A_905, %parallel_loop3A_884 : i32
        %parallel_loop3A_907 = arith.constant 512 : i32
        %parallel_loop3A_908 = arith.constant 0 : i32
        %parallel_loop3A_909 = arith.cmpi eq, %parallel_loop3A_907, %parallel_loop3A_908 : i32
        %parallel_loop3A_910 = arith.constant 1 : i32
        %parallel_loop3A_911 = arith.select %parallel_loop3A_909, %parallel_loop3A_910, %parallel_loop3A_907 : i32
        %parallel_loop3A_912 = arith.remsi %parallel_loop3A_882, %parallel_loop3A_911 : i32
        %parallel_loop3A_913 = arith.constant 0 : i32
        %parallel_loop3A_914 = arith.cmpi ne, %parallel_loop3A_912, %parallel_loop3A_913 : i32
        %parallel_loop3A_915 = arith.constant 0 : i32
        %parallel_loop3A_916 = arith.cmpi slt, %parallel_loop3A_912, %parallel_loop3A_915 : i32
        %parallel_loop3A_917 = arith.constant 0 : i32
        %parallel_loop3A_918 = arith.cmpi slt, %parallel_loop3A_911, %parallel_loop3A_917 : i32
        %parallel_loop3A_919 = arith.xori %parallel_loop3A_916, %parallel_loop3A_918 : i1
        %parallel_loop3A_920 = arith.andi %parallel_loop3A_919, %parallel_loop3A_914 : i1
        %parallel_loop3A_921 = arith.addi %parallel_loop3A_912, %parallel_loop3A_911 : i32
        %parallel_loop3A_922 = arith.select %parallel_loop3A_920, %parallel_loop3A_921, %parallel_loop3A_912 : i32
        %parallel_loop3A_923 = arith.index_cast %parallel_loop3A_906 : i32 to index
        %parallel_loop3A_924 = arith.index_cast %parallel_loop3A_922 : i32 to index
        %parallel_loop3A_925 = tpu.vector_load %arg11[%parallel_loop3A_923, %parallel_loop3A_924] {strides = array<i32>} : memref<8x512xf32, #tpu.memory_space<vmem>>, vector<1x16xf32>,
        %parallel_loop3A_926 = vector.shape_cast %parallel_loop3A_925 : vector<1x16xf32> to vector<16xf32>
        %parallel_loop3A_927 = arith.constant 0 : i32
        %parallel_loop3A_928 = arith.index_cast %parallel_loop3A_927 : i32 to index
        %parallel_loop3A_929 = arith.index_cast %parallel_loop3A_906 : i32 to index
        %parallel_loop3A_930 = arith.index_cast %parallel_loop3A_922 : i32 to index
        %parallel_loop3A_931 = tpu.vector_load %arg12[%parallel_loop3A_928, %parallel_loop3A_929, %parallel_loop3A_930] {strides = array<i32>} : memref<4x8x512xf32, #tpu.memory_space<vmem>>, vector<1x1x16xf32>,
        %parallel_loop3A_932 = vector.shape_cast %parallel_loop3A_931 : vector<1x1x16xf32> to vector<16xf32>
        %parallel_loop3A_933 = arith.addf %parallel_loop3A_932, %parallel_loop3A_926 : vector<16xf32>
        %parallel_loop3A_934 = arith.constant 0 : i32
        %parallel_loop3A_935 = arith.index_cast %parallel_loop3A_934 : i32 to index
        %parallel_loop3A_936 = arith.index_cast %parallel_loop3A_906 : i32 to index
        %parallel_loop3A_937 = arith.index_cast %parallel_loop3A_922 : i32 to index
        %parallel_loop3A_938 = tpu.vector_load %arg17[%parallel_loop3A_935, %parallel_loop3A_936, %parallel_loop3A_937] {strides = array<i32>} : memref<4x8x512xf32, #tpu.memory_space<vmem>>, vector<1x1x16xf32>,
        %parallel_loop3A_939 = vector.shape_cast %parallel_loop3A_938 : vector<1x1x16xf32> to vector<16xf32>
        %parallel_loop3A_940 = vector.shape_cast %parallel_loop3A_933 : vector<16xf32> to vector<1x1x16xf32>
        tpu.vector_store %arg17[%parallel_loop3A_935, %parallel_loop3A_936, %parallel_loop3A_937], %parallel_loop3A_940 {strides = array<i32>} : memref<4x8x512xf32, #tpu.memory_space<vmem>>, vector<1x1x16xf32>,
        %parallel_loop3A_941 = arith.constant 1 : i32
        %parallel_loop3A_942 = arith.index_cast %parallel_loop3A_941 : i32 to index
        %parallel_loop3A_943 = arith.index_cast %parallel_loop3A_906 : i32 to index
        %parallel_loop3A_944 = arith.index_cast %parallel_loop3A_922 : i32 to index
        %parallel_loop3A_945 = tpu.vector_load %arg12[%parallel_loop3A_942, %parallel_loop3A_943, %parallel_loop3A_944] {strides = array<i32>} : memref<4x8x512xf32, #tpu.memory_space<vmem>>, vector<1x1x16xf32>,
        %parallel_loop3A_946 = vector.shape_cast %parallel_loop3A_945 : vector<1x1x16xf32> to vector<16xf32>
        %parallel_loop3A_947 = arith.addf %parallel_loop3A_946, %parallel_loop3A_926 : vector<16xf32>
        %parallel_loop3A_948 = arith.constant 1 : i32
        %parallel_loop3A_949 = arith.index_cast %parallel_loop3A_948 : i32 to index
        %parallel_loop3A_950 = arith.index_cast %parallel_loop3A_906 : i32 to index
        %parallel_loop3A_951 = arith.index_cast %parallel_loop3A_922 : i32 to index
        %parallel_loop3A_952 = tpu.vector_load %arg17[%parallel_loop3A_949, %parallel_loop3A_950, %parallel_loop3A_951] {strides = array<i32>} : memref<4x8x512xf32, #tpu.memory_space<vmem>>, vector<1x1x16xf32>,
        %parallel_loop3A_953 = vector.shape_cast %parallel_loop3A_952 : vector<1x1x16xf32> to vector<16xf32>
        %parallel_loop3A_954 = vector.shape_cast %parallel_loop3A_947 : vector<16xf32> to vector<1x1x16xf32>
        tpu.vector_store %arg17[%parallel_loop3A_949, %parallel_loop3A_950, %parallel_loop3A_951], %parallel_loop3A_954 {strides = array<i32>} : memref<4x8x512xf32, #tpu.memory_space<vmem>>, vector<1x1x16xf32>,
        %parallel_loop3A_955 = arith.constant 2 : i32
        %parallel_loop3A_956 = arith.index_cast %parallel_loop3A_955 : i32 to index
        %parallel_loop3A_957 = arith.index_cast %parallel_loop3A_906 : i32 to index
        %parallel_loop3A_958 = arith.index_cast %parallel_loop3A_922 : i32 to index
        %parallel_loop3A_959 = tpu.vector_load %arg12[%parallel_loop3A_956, %parallel_loop3A_957, %parallel_loop3A_958] {strides = array<i32>} : memref<4x8x512xf32, #tpu.memory_space<vmem>>, vector<1x1x16xf32>,
        %parallel_loop3A_960 = vector.shape_cast %parallel_loop3A_959 : vector<1x1x16xf32> to vector<16xf32>
        %parallel_loop3A_961 = arith.addf %parallel_loop3A_960, %parallel_loop3A_926 : vector<16xf32>
        %parallel_loop3A_962 = arith.constant 2 : i32
        %parallel_loop3A_963 = arith.index_cast %parallel_loop3A_962 : i32 to index
        %parallel_loop3A_964 = arith.index_cast %parallel_loop3A_906 : i32 to index
        %parallel_loop3A_965 = arith.index_cast %parallel_loop3A_922 : i32 to index
        %parallel_loop3A_966 = tpu.vector_load %arg17[%parallel_loop3A_963, %parallel_loop3A_964, %parallel_loop3A_965] {strides = array<i32>} : memref<4x8x512xf32, #tpu.memory_space<vmem>>, vector<1x1x16xf32>,
        %parallel_loop3A_967 = vector.shape_cast %parallel_loop3A_966 : vector<1x1x16xf32> to vector<16xf32>
        %parallel_loop3A_968 = vector.shape_cast %parallel_loop3A_961 : vector<16xf32> to vector<1x1x16xf32>
        tpu.vector_store %arg17[%parallel_loop3A_963, %parallel_loop3A_964, %parallel_loop3A_965], %parallel_loop3A_968 {strides = array<i32>} : memref<4x8x512xf32, #tpu.memory_space<vmem>>, vector<1x1x16xf32>,
        %parallel_loop3A_969 = arith.constant 3 : i32
        %parallel_loop3A_970 = arith.index_cast %parallel_loop3A_969 : i32 to index
        %parallel_loop3A_971 = arith.index_cast %parallel_loop3A_906 : i32 to index
        %parallel_loop3A_972 = arith.index_cast %parallel_loop3A_922 : i32 to index
        %parallel_loop3A_973 = tpu.vector_load %arg12[%parallel_loop3A_970, %parallel_loop3A_971, %parallel_loop3A_972] {strides = array<i32>} : memref<4x8x512xf32, #tpu.memory_space<vmem>>, vector<1x1x16xf32>,
        %parallel_loop3A_974 = vector.shape_cast %parallel_loop3A_973 : vector<1x1x16xf32> to vector<16xf32>
        %parallel_loop3A_975 = arith.addf %parallel_loop3A_974, %parallel_loop3A_926 : vector<16xf32>
        %parallel_loop3A_976 = arith.constant 3 : i32
        %parallel_loop3A_977 = arith.index_cast %parallel_loop3A_976 : i32 to index
        %parallel_loop3A_978 = arith.index_cast %parallel_loop3A_906 : i32 to index
        %parallel_loop3A_979 = arith.index_cast %parallel_loop3A_922 : i32 to index
        %parallel_loop3A_980 = tpu.vector_load %arg17[%parallel_loop3A_977, %parallel_loop3A_978, %parallel_loop3A_979] {strides = array<i32>} : memref<4x8x512xf32, #tpu.memory_space<vmem>>, vector<1x1x16xf32>,
        %parallel_loop3A_981 = vector.shape_cast %parallel_loop3A_980 : vector<1x1x16xf32> to vector<16xf32>
        %parallel_loop3A_982 = vector.shape_cast %parallel_loop3A_975 : vector<16xf32> to vector<1x1x16xf32>
        tpu.vector_store %arg17[%parallel_loop3A_977, %parallel_loop3A_978, %parallel_loop3A_979], %parallel_loop3A_982 {strides = array<i32>} : memref<4x8x512xf32, #tpu.memory_space<vmem>>, vector<1x1x16xf32>,
      } {sc.loop_unroll_factor = 8 : i64, sc.parallel_access}
      %jit3A_702 = arith.constant 2 : i32
      %div3A_703 = arith.divsi %add3A_621, %jit3A_702 : i32
      %sign3A_704 = arith.constant 0 : i32
      %sign3A_705 = arith.cmpi sgt, %add3A_621, %sign3A_704 : i32
      %sign3A_706 = arith.extui %sign3A_705 : i1 to i32
      %sign3A_707 = arith.constant 0 : i32
      %sign3A_708 = arith.cmpi slt, %add3A_621, %sign3A_707 : i32
      %sign3A_709 = arith.extui %sign3A_708 : i1 to i32
      %sign3A_710 = arith.subi %sign3A_706, %sign3A_709 : i32
      %sign3A_711 = arith.constant 0 : i32
      %sign3A_712 = arith.cmpi sgt, %jit3A_702, %sign3A_711 : i32
      %sign3A_713 = arith.extui %sign3A_712 : i1 to i32
      %sign3A_714 = arith.constant 0 : i32
      %sign3A_715 = arith.cmpi slt, %jit3A_702, %sign3A_714 : i32
      %sign3A_716 = arith.extui %sign3A_715 : i1 to i32
      %sign3A_717 = arith.subi %sign3A_713, %sign3A_716 : i32
      %ne3A_718 = arith.cmpi ne, %sign3A_710, %sign3A_717 : i32
      %rem3A_719 = arith.remsi %add3A_621, %jit3A_702 : i32
      %ne3A_720 = arith.constant 0 : i32
      %ne3A_721 = arith.cmpi ne, %rem3A_719, %ne3A_720 : i32
      %and3A_722 = arith.andi %ne3A_718, %ne3A_721 : i1
      %sub3A_723 = arith.constant 1 : i32
      %sub3A_724 = arith.subi %div3A_703, %sub3A_723 : i32
      %select_n3A_725 = arith.select %and3A_722, %sub3A_724, %div3A_703 : i32
      %mul3A_726 = arith.constant 8 : i32
      %mul3A_727 = arith.muli %select_n3A_725, %mul3A_726 : i32
      %add3A_728 = arith.addi %mul3A_2, %mul3A_727 : i32
      %jit3A_729 = arith.constant 2 : i32
      %eq3A_730 = arith.constant 0 : i32
      %eq3A_731 = arith.cmpi eq, %jit3A_729, %eq3A_730 : i32
      %jit3A_732 = arith.constant 1 : i32
      %select_n3A_733 = arith.select %eq3A_731, %jit3A_732, %jit3A_729 : i32
      %rem3A_734 = arith.remsi %add3A_621, %select_n3A_733 : i32
      %ne3A_735 = arith.constant 0 : i32
      %ne3A_736 = arith.cmpi ne, %rem3A_734, %ne3A_735 : i32
      %lt3A_737 = arith.constant 0 : i32
      %lt3A_738 = arith.cmpi slt, %rem3A_734, %lt3A_737 : i32
      %lt3A_739 = arith.constant 0 : i32
      %lt3A_740 = arith.cmpi slt, %select_n3A_733, %lt3A_739 : i32
      %ne3A_741 = arith.xori %lt3A_738, %lt3A_740 : i1
      %and3A_742 = arith.andi %ne3A_741, %ne3A_736 : i1
      %add3A_743 = arith.addi %rem3A_734, %select_n3A_733 : i32
      %select_n3A_744 = arith.select %and3A_742, %add3A_743, %rem3A_734 : i32
      %mul3A_745 = arith.constant 512 : i32
      %mul3A_746 = arith.muli %select_n3A_744, %mul3A_745 : i32
      %dma_start3A_747 = arith.constant 0 : i32
      %dma_start3A_748 = tpu.memref_slice %arg4[%dma_start3A_747, %add3A_728, %mul3A_746] : memref<4x8192x1024xf32, #tpu.memory_space<hbm>> -> memref<4x8x512xf32, #tpu.memory_space<hbm>>
      %dma_start3A_749 = arith.constant 0 : i32
      %dma_start3A_750 = tpu.memref_slice %arg4[%dma_start3A_749, %add3A_728, %mul3A_746] : memref<4x8192x1024xf32, #tpu.memory_space<hbm>> -> memref<4x8x512xf32, #tpu.memory_space<hbm>>
      tpu.enqueue_dma source(%arg17 : memref<4x8x512xf32, #tpu.memory_space<vmem>>) target(%dma_start3A_750 : memref<4x8x512xf32, #tpu.memory_space<hbm>>) target_semaphore(%arg18 : memref<!tpu.dma_semaphore, #tpu.memory_space<semaphore_mem>>)
      %add3A_751 = arith.constant 3 : i32
      %add3A_752 = arith.addi %mul3A_367, %add3A_751 : i32
      %dma_wait3A_753 = arith.constant 0 : i32
      %dma_wait3A_754 = arith.constant 0 : i32
      %dma_wait3A_755 = tpu.memref_slice %arg3[%dma_wait3A_753, %dma_wait3A_754] : memref<8192x1024xf32, #tpu.memory_space<hbm>> -> memref<8x512xf32, #tpu.memory_space<hbm>>
      %dma_wait3A_756 = arith.constant 0 : i32
      %dma_wait3A_757 = arith.constant 0 : i32
      %dma_wait3A_758 = tpu.memref_slice %arg3[%dma_wait3A_756, %dma_wait3A_757] : memref<8192x1024xf32, #tpu.memory_space<hbm>> -> memref<8x512xf32, #tpu.memory_space<hbm>>
      tpu.wait_dma2 semaphore(%arg16 : memref<!tpu.dma_semaphore, #tpu.memory_space<semaphore_mem>>) src(%dma_wait3A_758 : memref<8x512xf32, #tpu.memory_space<hbm>>) dst(%arg14 : memref<8x512xf32, #tpu.memory_space<vmem>>)
      %dma_wait3A_759 = arith.constant 0 : i32
      %dma_wait3A_760 = arith.constant 0 : i32
      %dma_wait3A_761 = arith.constant 0 : i32
      %dma_wait3A_762 = tpu.memref_slice %arg2[%dma_wait3A_759, %dma_wait3A_760, %dma_wait3A_761] : memref<4x8192x1024xf32, #tpu.memory_space<hbm>> -> memref<4x8x512xf32, #tpu.memory_space<hbm>>
      %dma_wait3A_763 = arith.constant 0 : i32
      %dma_wait3A_764 = arith.constant 0 : i32
      %dma_wait3A_765 = arith.constant 0 : i32
      %dma_wait3A_766 = tpu.memref_slice %arg2[%dma_wait3A_763, %dma_wait3A_764, %dma_wait3A_765] : memref<4x8192x1024xf32, #tpu.memory_space<hbm>> -> memref<4x8x512xf32, #tpu.memory_space<hbm>>
      tpu.wait_dma2 semaphore(%arg16 : memref<!tpu.dma_semaphore, #tpu.memory_space<semaphore_mem>>) src(%dma_wait3A_766 : memref<4x8x512xf32, #tpu.memory_space<hbm>>) dst(%arg15 : memref<4x8x512xf32, #tpu.memory_space<vmem>>)
      %add3A_767 = arith.constant 4 : i32
      %add3A_768 = arith.addi %add3A_752, %add3A_767 : i32
      %sub3A_769 = arith.constant 1 : i32
      %sub3A_770 = arith.subi %add3A_768, %sub3A_769 : i32
      %jit3A_771 = arith.constant 2 : i32
      %div3A_772 = arith.divsi %sub3A_770, %jit3A_771 : i32
      %sign3A_773 = arith.constant 0 : i32
      %sign3A_774 = arith.cmpi sgt, %sub3A_770, %sign3A_773 : i32
      %sign3A_775 = arith.extui %sign3A_774 : i1 to i32
      %sign3A_776 = arith.constant 0 : i32
      %sign3A_777 = arith.cmpi slt, %sub3A_770, %sign3A_776 : i32
      %sign3A_778 = arith.extui %sign3A_777 : i1 to i32
      %sign3A_779 = arith.subi %sign3A_775, %sign3A_778 : i32
      %sign3A_780 = arith.constant 0 : i32
      %sign3A_781 = arith.cmpi sgt, %jit3A_771, %sign3A_780 : i32
      %sign3A_782 = arith.extui %sign3A_781 : i1 to i32
      %sign3A_783 = arith.constant 0 : i32
      %sign3A_784 = arith.cmpi slt, %jit3A_771, %sign3A_783 : i32
      %sign3A_785 = arith.extui %sign3A_784 : i1 to i32
      %sign3A_786 = arith.subi %sign3A_782, %sign3A_785 : i32
      %ne3A_787 = arith.cmpi ne, %sign3A_779, %sign3A_786 : i32
      %rem3A_788 = arith.remsi %sub3A_770, %jit3A_771 : i32
      %ne3A_789 = arith.constant 0 : i32
      %ne3A_790 = arith.cmpi ne, %rem3A_788, %ne3A_789 : i32
      %and3A_791 = arith.andi %ne3A_787, %ne3A_790 : i1
      %sub3A_792 = arith.constant 1 : i32
      %sub3A_793 = arith.subi %div3A_772, %sub3A_792 : i32
      %select_n3A_794 = arith.select %and3A_791, %sub3A_793, %div3A_772 : i32
      %mul3A_795 = arith.constant 8 : i32
      %mul3A_796 = arith.muli %select_n3A_794, %mul3A_795 : i32
      %add3A_797 = arith.addi %mul3A_2, %mul3A_796 : i32
      %jit3A_798 = arith.constant 2 : i32
      %eq3A_799 = arith.constant 0 : i32
      %eq3A_800 = arith.cmpi eq, %jit3A_798, %eq3A_799 : i32
      %jit3A_801 = arith.constant 1 : i32
      %select_n3A_802 = arith.select %eq3A_800, %jit3A_801, %jit3A_798 : i32
      %rem3A_803 = arith.remsi %sub3A_770, %select_n3A_802 : i32
      %ne3A_804 = arith.constant 0 : i32
      %ne3A_805 = arith.cmpi ne, %rem3A_803, %ne3A_804 : i32
      %lt3A_806 = arith.constant 0 : i32
      %lt3A_807 = arith.cmpi slt, %rem3A_803, %lt3A_806 : i32
      %lt3A_808 = arith.constant 0 : i32
      %lt3A_809 = arith.cmpi slt, %select_n3A_802, %lt3A_808 : i32
      %ne3A_810 = arith.xori %lt3A_807, %lt3A_809 : i1
      %and3A_811 = arith.andi %ne3A_810, %ne3A_805 : i1
      %add3A_812 = arith.addi %rem3A_803, %select_n3A_802 : i32
      %select_n3A_813 = arith.select %and3A_811, %add3A_812, %rem3A_803 : i32
      %mul3A_814 = arith.constant 512 : i32
      %mul3A_815 = arith.muli %select_n3A_813, %mul3A_814 : i32
      %dma_start3A_816 = tpu.memref_slice %arg3[%add3A_797, %mul3A_815] : memref<8192x1024xf32, #tpu.memory_space<hbm>> -> memref<8x512xf32, #tpu.memory_space<hbm>>
      %dma_start3A_817 = tpu.memref_slice %arg3[%add3A_797, %mul3A_815] : memref<8192x1024xf32, #tpu.memory_space<hbm>> -> memref<8x512xf32, #tpu.memory_space<hbm>>
      tpu.enqueue_dma source(%dma_start3A_817 : memref<8x512xf32, #tpu.memory_space<hbm>>) target(%arg11 : memref<8x512xf32, #tpu.memory_space<vmem>>) target_semaphore(%arg13 : memref<!tpu.dma_semaphore, #tpu.memory_space<semaphore_mem>>)
      %dma_start3A_818 = arith.constant 0 : i32
      %dma_start3A_819 = tpu.memref_slice %arg2[%dma_start3A_818, %add3A_797, %mul3A_815] : memref<4x8192x1024xf32, #tpu.memory_space<hbm>> -> memref<4x8x512xf32, #tpu.memory_space<hbm>>
      %dma_start3A_820 = arith.constant 0 : i32
      %dma_start3A_821 = tpu.memref_slice %arg2[%dma_start3A_820, %add3A_797, %mul3A_815] : memref<4x8192x1024xf32, #tpu.memory_space<hbm>> -> memref<4x8x512xf32, #tpu.memory_space<hbm>>
      tpu.enqueue_dma source(%dma_start3A_821 : memref<4x8x512xf32, #tpu.memory_space<hbm>>) target(%arg12 : memref<4x8x512xf32, #tpu.memory_space<vmem>>) target_semaphore(%arg13 : memref<!tpu.dma_semaphore, #tpu.memory_space<semaphore_mem>>)
      %dma_wait3A_822 = arith.constant 0 : i32
      %dma_wait3A_823 = arith.constant 0 : i32
      %dma_wait3A_824 = arith.constant 0 : i32
      %dma_wait3A_825 = tpu.memref_slice %arg4[%dma_wait3A_822, %dma_wait3A_823, %dma_wait3A_824] : memref<4x8192x1024xf32, #tpu.memory_space<hbm>> -> memref<4x8x512xf32, #tpu.memory_space<hbm>>
      %dma_wait3A_826 = arith.constant 0 : i32
      %dma_wait3A_827 = arith.constant 0 : i32
      %dma_wait3A_828 = arith.constant 0 : i32
      %dma_wait3A_829 = tpu.memref_slice %arg4[%dma_wait3A_826, %dma_wait3A_827, %dma_wait3A_828] : memref<4x8192x1024xf32, #tpu.memory_space<hbm>> -> memref<4x8x512xf32, #tpu.memory_space<hbm>>
      tpu.wait_dma2 semaphore(%arg20 : memref<!tpu.dma_semaphore, #tpu.memory_space<semaphore_mem>>) src(%arg19 : memref<4x8x512xf32, #tpu.memory_space<vmem>>) dst(%dma_wait3A_829 : memref<4x8x512xf32, #tpu.memory_space<hbm>>)
      %parallel_loop3A_830 = arith.constant 0 : i32
      %parallel_loop3A_831 = arith.constant 4096 : i32
      %parallel_loop3A_832 = arith.constant 16 : i32
      scf.for %parallel_loop3A_882 = %parallel_loop3A_830 to %parallel_loop3A_831 step %parallel_loop3A_832  : i32 {
        %parallel_loop3A_883 = arith.constant 512 : i32
        %parallel_loop3A_884 = arith.divsi %parallel_loop3A_882, %parallel_loop3A_883 : i32
        %parallel_loop3A_885 = arith.constant 0 : i32
        %parallel_loop3A_886 = arith.cmpi sgt, %parallel_loop3A_882, %parallel_loop3A_885 : i32
        %parallel_loop3A_887 = arith.extui %parallel_loop3A_886 : i1 to i32
        %parallel_loop3A_888 = arith.constant 0 : i32
        %parallel_loop3A_889 = arith.cmpi slt, %parallel_loop3A_882, %parallel_loop3A_888 : i32
        %parallel_loop3A_890 = arith.extui %parallel_loop3A_889 : i1 to i32
        %parallel_loop3A_891 = arith.subi %parallel_loop3A_887, %parallel_loop3A_890 : i32
        %parallel_loop3A_892 = arith.constant 0 : i32
        %parallel_loop3A_893 = arith.cmpi sgt, %parallel_loop3A_883, %parallel_loop3A_892 : i32
        %parallel_loop3A_894 = arith.extui %parallel_loop3A_893 : i1 to i32
        %parallel_loop3A_895 = arith.constant 0 : i32
        %parallel_loop3A_896 = arith.cmpi slt, %parallel_loop3A_883, %parallel_loop3A_895 : i32
        %parallel_loop3A_897 = arith.extui %parallel_loop3A_896 : i1 to i32
        %parallel_loop3A_898 = arith.subi %parallel_loop3A_894, %parallel_loop3A_897 : i32
        %parallel_loop3A_899 = arith.cmpi ne, %parallel_loop3A_891, %parallel_loop3A_898 : i32
        %parallel_loop3A_900 = arith.remsi %parallel_loop3A_882, %parallel_loop3A_883 : i32
        %parallel_loop3A_901 = arith.constant 0 : i32
        %parallel_loop3A_902 = arith.cmpi ne, %parallel_loop3A_900, %parallel_loop3A_901 : i32
        %parallel_loop3A_903 = arith.andi %parallel_loop3A_899, %parallel_loop3A_902 : i1
        %parallel_loop3A_904 = arith.constant 1 : i32
        %parallel_loop3A_905 = arith.subi %parallel_loop3A_884, %parallel_loop3A_904 : i32
        %parallel_loop3A_906 = arith.select %parallel_loop3A_903, %parallel_loop3A_905, %parallel_loop3A_884 : i32
        %parallel_loop3A_907 = arith.constant 512 : i32
        %parallel_loop3A_908 = arith.constant 0 : i32
        %parallel_loop3A_909 = arith.cmpi eq, %parallel_loop3A_907, %parallel_loop3A_908 : i32
        %parallel_loop3A_910 = arith.constant 1 : i32
        %parallel_loop3A_911 = arith.select %parallel_loop3A_909, %parallel_loop3A_910, %parallel_loop3A_907 : i32
        %parallel_loop3A_912 = arith.remsi %parallel_loop3A_882, %parallel_loop3A_911 : i32
        %parallel_loop3A_913 = arith.constant 0 : i32
        %parallel_loop3A_914 = arith.cmpi ne, %parallel_loop3A_912, %parallel_loop3A_913 : i32
        %parallel_loop3A_915 = arith.constant 0 : i32
        %parallel_loop3A_916 = arith.cmpi slt, %parallel_loop3A_912, %parallel_loop3A_915 : i32
        %parallel_loop3A_917 = arith.constant 0 : i32
        %parallel_loop3A_918 = arith.cmpi slt, %parallel_loop3A_911, %parallel_loop3A_917 : i32
        %parallel_loop3A_919 = arith.xori %parallel_loop3A_916, %parallel_loop3A_918 : i1
        %parallel_loop3A_920 = arith.andi %parallel_loop3A_919, %parallel_loop3A_914 : i1
        %parallel_loop3A_921 = arith.addi %parallel_loop3A_912, %parallel_loop3A_911 : i32
        %parallel_loop3A_922 = arith.select %parallel_loop3A_920, %parallel_loop3A_921, %parallel_loop3A_912 : i32
        %parallel_loop3A_923 = arith.index_cast %parallel_loop3A_906 : i32 to index
        %parallel_loop3A_924 = arith.index_cast %parallel_loop3A_922 : i32 to index
        %parallel_loop3A_925 = tpu.vector_load %arg14[%parallel_loop3A_923, %parallel_loop3A_924] {strides = array<i32>} : memref<8x512xf32, #tpu.memory_space<vmem>>, vector<1x16xf32>,
        %parallel_loop3A_926 = vector.shape_cast %parallel_loop3A_925 : vector<1x16xf32> to vector<16xf32>
        %parallel_loop3A_927 = arith.constant 0 : i32
        %parallel_loop3A_928 = arith.index_cast %parallel_loop3A_927 : i32 to index
        %parallel_loop3A_929 = arith.index_cast %parallel_loop3A_906 : i32 to index
        %parallel_loop3A_930 = arith.index_cast %parallel_loop3A_922 : i32 to index
        %parallel_loop3A_931 = tpu.vector_load %arg15[%parallel_loop3A_928, %parallel_loop3A_929, %parallel_loop3A_930] {strides = array<i32>} : memref<4x8x512xf32, #tpu.memory_space<vmem>>, vector<1x1x16xf32>,
        %parallel_loop3A_932 = vector.shape_cast %parallel_loop3A_931 : vector<1x1x16xf32> to vector<16xf32>
        %parallel_loop3A_933 = arith.addf %parallel_loop3A_932, %parallel_loop3A_926 : vector<16xf32>
        %parallel_loop3A_934 = arith.constant 0 : i32
        %parallel_loop3A_935 = arith.index_cast %parallel_loop3A_934 : i32 to index
        %parallel_loop3A_936 = arith.index_cast %parallel_loop3A_906 : i32 to index
        %parallel_loop3A_937 = arith.index_cast %parallel_loop3A_922 : i32 to index
        %parallel_loop3A_938 = tpu.vector_load %arg19[%parallel_loop3A_935, %parallel_loop3A_936, %parallel_loop3A_937] {strides = array<i32>} : memref<4x8x512xf32, #tpu.memory_space<vmem>>, vector<1x1x16xf32>,
        %parallel_loop3A_939 = vector.shape_cast %parallel_loop3A_938 : vector<1x1x16xf32> to vector<16xf32>
        %parallel_loop3A_940 = vector.shape_cast %parallel_loop3A_933 : vector<16xf32> to vector<1x1x16xf32>
        tpu.vector_store %arg19[%parallel_loop3A_935, %parallel_loop3A_936, %parallel_loop3A_937], %parallel_loop3A_940 {strides = array<i32>} : memref<4x8x512xf32, #tpu.memory_space<vmem>>, vector<1x1x16xf32>,
        %parallel_loop3A_941 = arith.constant 1 : i32
        %parallel_loop3A_942 = arith.index_cast %parallel_loop3A_941 : i32 to index
        %parallel_loop3A_943 = arith.index_cast %parallel_loop3A_906 : i32 to index
        %parallel_loop3A_944 = arith.index_cast %parallel_loop3A_922 : i32 to index
        %parallel_loop3A_945 = tpu.vector_load %arg15[%parallel_loop3A_942, %parallel_loop3A_943, %parallel_loop3A_944] {strides = array<i32>} : memref<4x8x512xf32, #tpu.memory_space<vmem>>, vector<1x1x16xf32>,
        %parallel_loop3A_946 = vector.shape_cast %parallel_loop3A_945 : vector<1x1x16xf32> to vector<16xf32>
        %parallel_loop3A_947 = arith.addf %parallel_loop3A_946, %parallel_loop3A_926 : vector<16xf32>
        %parallel_loop3A_948 = arith.constant 1 : i32
        %parallel_loop3A_949 = arith.index_cast %parallel_loop3A_948 : i32 to index
        %parallel_loop3A_950 = arith.index_cast %parallel_loop3A_906 : i32 to index
        %parallel_loop3A_951 = arith.index_cast %parallel_loop3A_922 : i32 to index
        %parallel_loop3A_952 = tpu.vector_load %arg19[%parallel_loop3A_949, %parallel_loop3A_950, %parallel_loop3A_951] {strides = array<i32>} : memref<4x8x512xf32, #tpu.memory_space<vmem>>, vector<1x1x16xf32>,
        %parallel_loop3A_953 = vector.shape_cast %parallel_loop3A_952 : vector<1x1x16xf32> to vector<16xf32>
        %parallel_loop3A_954 = vector.shape_cast %parallel_loop3A_947 : vector<16xf32> to vector<1x1x16xf32>
        tpu.vector_store %arg19[%parallel_loop3A_949, %parallel_loop3A_950, %parallel_loop3A_951], %parallel_loop3A_954 {strides = array<i32>} : memref<4x8x512xf32, #tpu.memory_space<vmem>>, vector<1x1x16xf32>,
        %parallel_loop3A_955 = arith.constant 2 : i32
        %parallel_loop3A_956 = arith.index_cast %parallel_loop3A_955 : i32 to index
        %parallel_loop3A_957 = arith.index_cast %parallel_loop3A_906 : i32 to index
        %parallel_loop3A_958 = arith.index_cast %parallel_loop3A_922 : i32 to index
        %parallel_loop3A_959 = tpu.vector_load %arg15[%parallel_loop3A_956, %parallel_loop3A_957, %parallel_loop3A_958] {strides = array<i32>} : memref<4x8x512xf32, #tpu.memory_space<vmem>>, vector<1x1x16xf32>,
        %parallel_loop3A_960 = vector.shape_cast %parallel_loop3A_959 : vector<1x1x16xf32> to vector<16xf32>
        %parallel_loop3A_961 = arith.addf %parallel_loop3A_960, %parallel_loop3A_926 : vector<16xf32>
        %parallel_loop3A_962 = arith.constant 2 : i32
        %parallel_loop3A_963 = arith.index_cast %parallel_loop3A_962 : i32 to index
        %parallel_loop3A_964 = arith.index_cast %parallel_loop3A_906 : i32 to index
        %parallel_loop3A_965 = arith.index_cast %parallel_loop3A_922 : i32 to index
        %parallel_loop3A_966 = tpu.vector_load %arg19[%parallel_loop3A_963, %parallel_loop3A_964, %parallel_loop3A_965] {strides = array<i32>} : memref<4x8x512xf32, #tpu.memory_space<vmem>>, vector<1x1x16xf32>,
        %parallel_loop3A_967 = vector.shape_cast %parallel_loop3A_966 : vector<1x1x16xf32> to vector<16xf32>
        %parallel_loop3A_968 = vector.shape_cast %parallel_loop3A_961 : vector<16xf32> to vector<1x1x16xf32>
        tpu.vector_store %arg19[%parallel_loop3A_963, %parallel_loop3A_964, %parallel_loop3A_965], %parallel_loop3A_968 {strides = array<i32>} : memref<4x8x512xf32, #tpu.memory_space<vmem>>, vector<1x1x16xf32>,
        %parallel_loop3A_969 = arith.constant 3 : i32
        %parallel_loop3A_970 = arith.index_cast %parallel_loop3A_969 : i32 to index
        %parallel_loop3A_971 = arith.index_cast %parallel_loop3A_906 : i32 to index
        %parallel_loop3A_972 = arith.index_cast %parallel_loop3A_922 : i32 to index
        %parallel_loop3A_973 = tpu.vector_load %arg15[%parallel_loop3A_970, %parallel_loop3A_971, %parallel_loop3A_972] {strides = array<i32>} : memref<4x8x512xf32, #tpu.memory_space<vmem>>, vector<1x1x16xf32>,
        %parallel_loop3A_974 = vector.shape_cast %parallel_loop3A_973 : vector<1x1x16xf32> to vector<16xf32>
        %parallel_loop3A_975 = arith.addf %parallel_loop3A_974, %parallel_loop3A_926 : vector<16xf32>
        %parallel_loop3A_976 = arith.constant 3 : i32
        %parallel_loop3A_977 = arith.index_cast %parallel_loop3A_976 : i32 to index
        %parallel_loop3A_978 = arith.index_cast %parallel_loop3A_906 : i32 to index
        %parallel_loop3A_979 = arith.index_cast %parallel_loop3A_922 : i32 to index
        %parallel_loop3A_980 = tpu.vector_load %arg19[%parallel_loop3A_977, %parallel_loop3A_978, %parallel_loop3A_979] {strides = array<i32>} : memref<4x8x512xf32, #tpu.memory_space<vmem>>, vector<1x1x16xf32>,
        %parallel_loop3A_981 = vector.shape_cast %parallel_loop3A_980 : vector<1x1x16xf32> to vector<16xf32>
        %parallel_loop3A_982 = vector.shape_cast %parallel_loop3A_975 : vector<16xf32> to vector<1x1x16xf32>
        tpu.vector_store %arg19[%parallel_loop3A_977, %parallel_loop3A_978, %parallel_loop3A_979], %parallel_loop3A_982 {strides = array<i32>} : memref<4x8x512xf32, #tpu.memory_space<vmem>>, vector<1x1x16xf32>,
      } {sc.loop_unroll_factor = 8 : i64, sc.parallel_access}
      %jit3A_833 = arith.constant 2 : i32
      %div3A_834 = arith.divsi %add3A_752, %jit3A_833 : i32
      %sign3A_835 = arith.constant 0 : i32
      %sign3A_836 = arith.cmpi sgt, %add3A_752, %sign3A_835 : i32
      %sign3A_837 = arith.extui %sign3A_836 : i1 to i32
      %sign3A_838 = arith.constant 0 : i32
      %sign3A_839 = arith.cmpi slt, %add3A_752, %sign3A_838 : i32
      %sign3A_840 = arith.extui %sign3A_839 : i1 to i32
      %sign3A_841 = arith.subi %sign3A_837, %sign3A_840 : i32
      %sign3A_842 = arith.constant 0 : i32
      %sign3A_843 = arith.cmpi sgt, %jit3A_833, %sign3A_842 : i32
      %sign3A_844 = arith.extui %sign3A_843 : i1 to i32
      %sign3A_845 = arith.constant 0 : i32
      %sign3A_846 = arith.cmpi slt, %jit3A_833, %sign3A_845 : i32
      %sign3A_847 = arith.extui %sign3A_846 : i1 to i32
      %sign3A_848 = arith.subi %sign3A_844, %sign3A_847 : i32
      %ne3A_849 = arith.cmpi ne, %sign3A_841, %sign3A_848 : i32
      %rem3A_850 = arith.remsi %add3A_752, %jit3A_833 : i32
      %ne3A_851 = arith.constant 0 : i32
      %ne3A_852 = arith.cmpi ne, %rem3A_850, %ne3A_851 : i32
      %and3A_853 = arith.andi %ne3A_849, %ne3A_852 : i1
      %sub3A_854 = arith.constant 1 : i32
      %sub3A_855 = arith.subi %div3A_834, %sub3A_854 : i32
      %select_n3A_856 = arith.select %and3A_853, %sub3A_855, %div3A_834 : i32
      %mul3A_857 = arith.constant 8 : i32
      %mul3A_858 = arith.muli %select_n3A_856, %mul3A_857 : i32
      %add3A_859 = arith.addi %mul3A_2, %mul3A_858 : i32
      %jit3A_860 = arith.constant 2 : i32
      %eq3A_861 = arith.constant 0 : i32
      %eq3A_862 = arith.cmpi eq, %jit3A_860, %eq3A_861 : i32
      %jit3A_863 = arith.constant 1 : i32
      %select_n3A_864 = arith.select %eq3A_862, %jit3A_863, %jit3A_860 : i32
      %rem3A_865 = arith.remsi %add3A_752, %select_n3A_864 : i32
      %ne3A_866 = arith.constant 0 : i32
      %ne3A_867 = arith.cmpi ne, %rem3A_865, %ne3A_866 : i32
      %lt3A_868 = arith.constant 0 : i32
      %lt3A_869 = arith.cmpi slt, %rem3A_865, %lt3A_868 : i32
      %lt3A_870 = arith.constant 0 : i32
      %lt3A_871 = arith.cmpi slt, %select_n3A_864, %lt3A_870 : i32
      %ne3A_872 = arith.xori %lt3A_869, %lt3A_871 : i1
      %and3A_873 = arith.andi %ne3A_872, %ne3A_867 : i1
      %add3A_874 = arith.addi %rem3A_865, %select_n3A_864 : i32
      %select_n3A_875 = arith.select %and3A_873, %add3A_874, %rem3A_865 : i32
      %mul3A_876 = arith.constant 512 : i32
      %mul3A_877 = arith.muli %select_n3A_875, %mul3A_876 : i32
      %dma_start3A_878 = arith.constant 0 : i32
      %dma_start3A_879 = tpu.memref_slice %arg4[%dma_start3A_878, %add3A_859, %mul3A_877] : memref<4x8192x1024xf32, #tpu.memory_space<hbm>> -> memref<4x8x512xf32, #tpu.memory_space<hbm>>
      %dma_start3A_880 = arith.constant 0 : i32
      %dma_start3A_881 = tpu.memref_slice %arg4[%dma_start3A_880, %add3A_859, %mul3A_877] : memref<4x8192x1024xf32, #tpu.memory_space<hbm>> -> memref<4x8x512xf32, #tpu.memory_space<hbm>>
      tpu.enqueue_dma source(%arg19 : memref<4x8x512xf32, #tpu.memory_space<vmem>>) target(%dma_start3A_881 : memref<4x8x512xf32, #tpu.memory_space<hbm>>) target_semaphore(%arg20 : memref<!tpu.dma_semaphore, #tpu.memory_space<semaphore_mem>>)
    }
    %scan3A_204 = arith.constant 14 : i32
    %dma_wait3A_205 = arith.constant 0 : i32
    %dma_wait3A_206 = arith.constant 0 : i32
    %dma_wait3A_207 = tpu.memref_slice %arg3[%dma_wait3A_205, %dma_wait3A_206] : memref<8192x1024xf32, #tpu.memory_space<hbm>> -> memref<8x512xf32, #tpu.memory_space<hbm>>
    %dma_wait3A_208 = arith.constant 0 : i32
    %dma_wait3A_209 = arith.constant 0 : i32
    %dma_wait3A_210 = tpu.memref_slice %arg3[%dma_wait3A_208, %dma_wait3A_209] : memref<8192x1024xf32, #tpu.memory_space<hbm>> -> memref<8x512xf32, #tpu.memory_space<hbm>>
    tpu.wait_dma2 semaphore(%arg7 : memref<!tpu.dma_semaphore, #tpu.memory_space<semaphore_mem>>) src(%dma_wait3A_210 : memref<8x512xf32, #tpu.memory_space<hbm>>) dst(%arg5 : memref<8x512xf32, #tpu.memory_space<vmem>>)
    %dma_wait3A_211 = arith.constant 0 : i32
    %dma_wait3A_212 = arith.constant 0 : i32
    %dma_wait3A_213 = arith.constant 0 : i32
    %dma_wait3A_214 = tpu.memref_slice %arg2[%dma_wait3A_211, %dma_wait3A_212, %dma_wait3A_213] : memref<4x8192x1024xf32, #tpu.memory_space<hbm>> -> memref<4x8x512xf32, #tpu.memory_space<hbm>>
    %dma_wait3A_215 = arith.constant 0 : i32
    %dma_wait3A_216 = arith.constant 0 : i32
    %dma_wait3A_217 = arith.constant 0 : i32
    %dma_wait3A_218 = tpu.memref_slice %arg2[%dma_wait3A_215, %dma_wait3A_216, %dma_wait3A_217] : memref<4x8192x1024xf32, #tpu.memory_space<hbm>> -> memref<4x8x512xf32, #tpu.memory_space<hbm>>
    tpu.wait_dma2 semaphore(%arg7 : memref<!tpu.dma_semaphore, #tpu.memory_space<semaphore_mem>>) src(%dma_wait3A_218 : memref<4x8x512xf32, #tpu.memory_space<hbm>>) dst(%arg6 : memref<4x8x512xf32, #tpu.memory_space<vmem>>)
    %add3A_219 = arith.constant 248 : i32
    %add3A_220 = arith.addi %mul3A_2, %add3A_219 : i32
    %dma_start3A_221 = arith.constant 512 : i32
    %dma_start3A_222 = tpu.memref_slice %arg3[%add3A_220, %dma_start3A_221] : memref<8192x1024xf32, #tpu.memory_space<hbm>> -> memref<8x512xf32, #tpu.memory_space<hbm>>
    %dma_start3A_223 = arith.constant 512 : i32
    %dma_start3A_224 = tpu.memref_slice %arg3[%add3A_220, %dma_start3A_223] : memref<8192x1024xf32, #tpu.memory_space<hbm>> -> memref<8x512xf32, #tpu.memory_space<hbm>>
    tpu.enqueue_dma source(%dma_start3A_224 : memref<8x512xf32, #tpu.memory_space<hbm>>) target(%arg14 : memref<8x512xf32, #tpu.memory_space<vmem>>) target_semaphore(%arg16 : memref<!tpu.dma_semaphore, #tpu.memory_space<semaphore_mem>>)
    %dma_start3A_225 = arith.constant 0 : i32
    %dma_start3A_226 = arith.constant 512 : i32
    %dma_start3A_227 = tpu.memref_slice %arg2[%dma_start3A_225, %add3A_220, %dma_start3A_226] : memref<4x8192x1024xf32, #tpu.memory_space<hbm>> -> memref<4x8x512xf32, #tpu.memory_space<hbm>>
    %dma_start3A_228 = arith.constant 0 : i32
    %dma_start3A_229 = arith.constant 512 : i32
    %dma_start3A_230 = tpu.memref_slice %arg2[%dma_start3A_228, %add3A_220, %dma_start3A_229] : memref<4x8192x1024xf32, #tpu.memory_space<hbm>> -> memref<4x8x512xf32, #tpu.memory_space<hbm>>
    tpu.enqueue_dma source(%dma_start3A_230 : memref<4x8x512xf32, #tpu.memory_space<hbm>>) target(%arg15 : memref<4x8x512xf32, #tpu.memory_space<vmem>>) target_semaphore(%arg16 : memref<!tpu.dma_semaphore, #tpu.memory_space<semaphore_mem>>)
    %dma_wait3A_231 = arith.constant 0 : i32
    %dma_wait3A_232 = arith.constant 0 : i32
    %dma_wait3A_233 = arith.constant 0 : i32
    %dma_wait3A_234 = tpu.memref_slice %arg4[%dma_wait3A_231, %dma_wait3A_232, %dma_wait3A_233] : memref<4x8192x1024xf32, #tpu.memory_space<hbm>> -> memref<4x8x512xf32, #tpu.memory_space<hbm>>
    %dma_wait3A_235 = arith.constant 0 : i32
    %dma_wait3A_236 = arith.constant 0 : i32
    %dma_wait3A_237 = arith.constant 0 : i32
    %dma_wait3A_238 = tpu.memref_slice %arg4[%dma_wait3A_235, %dma_wait3A_236, %dma_wait3A_237] : memref<4x8192x1024xf32, #tpu.memory_space<hbm>> -> memref<4x8x512xf32, #tpu.memory_space<hbm>>
    tpu.wait_dma2 semaphore(%arg18 : memref<!tpu.dma_semaphore, #tpu.memory_space<semaphore_mem>>) src(%arg17 : memref<4x8x512xf32, #tpu.memory_space<vmem>>) dst(%dma_wait3A_238 : memref<4x8x512xf32, #tpu.memory_space<hbm>>)
    %parallel_loop3A_239 = arith.constant 0 : i32
    %parallel_loop3A_240 = arith.constant 4096 : i32
    %parallel_loop3A_241 = arith.constant 16 : i32
    scf.for %parallel_loop3A_365 = %parallel_loop3A_239 to %parallel_loop3A_240 step %parallel_loop3A_241  : i32 {
      %parallel_loop3A_366 = arith.constant 512 : i32
      %parallel_loop3A_367 = arith.divsi %parallel_loop3A_365, %parallel_loop3A_366 : i32
      %parallel_loop3A_368 = arith.constant 0 : i32
      %parallel_loop3A_369 = arith.cmpi sgt, %parallel_loop3A_365, %parallel_loop3A_368 : i32
      %parallel_loop3A_370 = arith.extui %parallel_loop3A_369 : i1 to i32
      %parallel_loop3A_371 = arith.constant 0 : i32
      %parallel_loop3A_372 = arith.cmpi slt, %parallel_loop3A_365, %parallel_loop3A_371 : i32
      %parallel_loop3A_373 = arith.extui %parallel_loop3A_372 : i1 to i32
      %parallel_loop3A_374 = arith.subi %parallel_loop3A_370, %parallel_loop3A_373 : i32
      %parallel_loop3A_375 = arith.constant 0 : i32
      %parallel_loop3A_376 = arith.cmpi sgt, %parallel_loop3A_366, %parallel_loop3A_375 : i32
      %parallel_loop3A_377 = arith.extui %parallel_loop3A_376 : i1 to i32
      %parallel_loop3A_378 = arith.constant 0 : i32
      %parallel_loop3A_379 = arith.cmpi slt, %parallel_loop3A_366, %parallel_loop3A_378 : i32
      %parallel_loop3A_380 = arith.extui %parallel_loop3A_379 : i1 to i32
      %parallel_loop3A_381 = arith.subi %parallel_loop3A_377, %parallel_loop3A_380 : i32
      %parallel_loop3A_382 = arith.cmpi ne, %parallel_loop3A_374, %parallel_loop3A_381 : i32
      %parallel_loop3A_383 = arith.remsi %parallel_loop3A_365, %parallel_loop3A_366 : i32
      %parallel_loop3A_384 = arith.constant 0 : i32
      %parallel_loop3A_385 = arith.cmpi ne, %parallel_loop3A_383, %parallel_loop3A_384 : i32
      %parallel_loop3A_386 = arith.andi %parallel_loop3A_382, %parallel_loop3A_385 : i1
      %parallel_loop3A_387 = arith.constant 1 : i32
      %parallel_loop3A_388 = arith.subi %parallel_loop3A_367, %parallel_loop3A_387 : i32
      %parallel_loop3A_389 = arith.select %parallel_loop3A_386, %parallel_loop3A_388, %parallel_loop3A_367 : i32
      %parallel_loop3A_390 = arith.constant 512 : i32
      %parallel_loop3A_391 = arith.constant 0 : i32
      %parallel_loop3A_392 = arith.cmpi eq, %parallel_loop3A_390, %parallel_loop3A_391 : i32
      %parallel_loop3A_393 = arith.constant 1 : i32
      %parallel_loop3A_394 = arith.select %parallel_loop3A_392, %parallel_loop3A_393, %parallel_loop3A_390 : i32
      %parallel_loop3A_395 = arith.remsi %parallel_loop3A_365, %parallel_loop3A_394 : i32
      %parallel_loop3A_396 = arith.constant 0 : i32
      %parallel_loop3A_397 = arith.cmpi ne, %parallel_loop3A_395, %parallel_loop3A_396 : i32
      %parallel_loop3A_398 = arith.constant 0 : i32
      %parallel_loop3A_399 = arith.cmpi slt, %parallel_loop3A_395, %parallel_loop3A_398 : i32
      %parallel_loop3A_400 = arith.constant 0 : i32
      %parallel_loop3A_401 = arith.cmpi slt, %parallel_loop3A_394, %parallel_loop3A_400 : i32
      %parallel_loop3A_402 = arith.xori %parallel_loop3A_399, %parallel_loop3A_401 : i1
      %parallel_loop3A_403 = arith.andi %parallel_loop3A_402, %parallel_loop3A_397 : i1
      %parallel_loop3A_404 = arith.addi %parallel_loop3A_395, %parallel_loop3A_394 : i32
      %parallel_loop3A_405 = arith.select %parallel_loop3A_403, %parallel_loop3A_404, %parallel_loop3A_395 : i32
      %parallel_loop3A_406 = arith.index_cast %parallel_loop3A_389 : i32 to index
      %parallel_loop3A_407 = arith.index_cast %parallel_loop3A_405 : i32 to index
      %parallel_loop3A_408 = tpu.vector_load %arg5[%parallel_loop3A_406, %parallel_loop3A_407] {strides = array<i32>} : memref<8x512xf32, #tpu.memory_space<vmem>>, vector<1x16xf32>,
      %parallel_loop3A_409 = vector.shape_cast %parallel_loop3A_408 : vector<1x16xf32> to vector<16xf32>
      %parallel_loop3A_410 = arith.constant 0 : i32
      %parallel_loop3A_411 = arith.index_cast %parallel_loop3A_410 : i32 to index
      %parallel_loop3A_412 = arith.index_cast %parallel_loop3A_389 : i32 to index
      %parallel_loop3A_413 = arith.index_cast %parallel_loop3A_405 : i32 to index
      %parallel_loop3A_414 = tpu.vector_load %arg6[%parallel_loop3A_411, %parallel_loop3A_412, %parallel_loop3A_413] {strides = array<i32>} : memref<4x8x512xf32, #tpu.memory_space<vmem>>, vector<1x1x16xf32>,
      %parallel_loop3A_415 = vector.shape_cast %parallel_loop3A_414 : vector<1x1x16xf32> to vector<16xf32>
      %parallel_loop3A_416 = arith.addf %parallel_loop3A_415, %parallel_loop3A_409 : vector<16xf32>
      %parallel_loop3A_417 = arith.constant 0 : i32
      %parallel_loop3A_418 = arith.index_cast %parallel_loop3A_417 : i32 to index
      %parallel_loop3A_419 = arith.index_cast %parallel_loop3A_389 : i32 to index
      %parallel_loop3A_420 = arith.index_cast %parallel_loop3A_405 : i32 to index
      %parallel_loop3A_421 = tpu.vector_load %arg17[%parallel_loop3A_418, %parallel_loop3A_419, %parallel_loop3A_420] {strides = array<i32>} : memref<4x8x512xf32, #tpu.memory_space<vmem>>, vector<1x1x16xf32>,
      %parallel_loop3A_422 = vector.shape_cast %parallel_loop3A_421 : vector<1x1x16xf32> to vector<16xf32>
      %parallel_loop3A_423 = vector.shape_cast %parallel_loop3A_416 : vector<16xf32> to vector<1x1x16xf32>
      tpu.vector_store %arg17[%parallel_loop3A_418, %parallel_loop3A_419, %parallel_loop3A_420], %parallel_loop3A_423 {strides = array<i32>} : memref<4x8x512xf32, #tpu.memory_space<vmem>>, vector<1x1x16xf32>,
      %parallel_loop3A_424 = arith.constant 1 : i32
      %parallel_loop3A_425 = arith.index_cast %parallel_loop3A_424 : i32 to index
      %parallel_loop3A_426 = arith.index_cast %parallel_loop3A_389 : i32 to index
      %parallel_loop3A_427 = arith.index_cast %parallel_loop3A_405 : i32 to index
      %parallel_loop3A_428 = tpu.vector_load %arg6[%parallel_loop3A_425, %parallel_loop3A_426, %parallel_loop3A_427] {strides = array<i32>} : memref<4x8x512xf32, #tpu.memory_space<vmem>>, vector<1x1x16xf32>,
      %parallel_loop3A_429 = vector.shape_cast %parallel_loop3A_428 : vector<1x1x16xf32> to vector<16xf32>
      %parallel_loop3A_430 = arith.addf %parallel_loop3A_429, %parallel_loop3A_409 : vector<16xf32>
      %parallel_loop3A_431 = arith.constant 1 : i32
      %parallel_loop3A_432 = arith.index_cast %parallel_loop3A_431 : i32 to index
      %parallel_loop3A_433 = arith.index_cast %parallel_loop3A_389 : i32 to index
      %parallel_loop3A_434 = arith.index_cast %parallel_loop3A_405 : i32 to index
      %parallel_loop3A_435 = tpu.vector_load %arg17[%parallel_loop3A_432, %parallel_loop3A_433, %parallel_loop3A_434] {strides = array<i32>} : memref<4x8x512xf32, #tpu.memory_space<vmem>>, vector<1x1x16xf32>,
      %parallel_loop3A_436 = vector.shape_cast %parallel_loop3A_435 : vector<1x1x16xf32> to vector<16xf32>
      %parallel_loop3A_437 = vector.shape_cast %parallel_loop3A_430 : vector<16xf32> to vector<1x1x16xf32>
      tpu.vector_store %arg17[%parallel_loop3A_432, %parallel_loop3A_433, %parallel_loop3A_434], %parallel_loop3A_437 {strides = array<i32>} : memref<4x8x512xf32, #tpu.memory_space<vmem>>, vector<1x1x16xf32>,
      %parallel_loop3A_438 = arith.constant 2 : i32
      %parallel_loop3A_439 = arith.index_cast %parallel_loop3A_438 : i32 to index
      %parallel_loop3A_440 = arith.index_cast %parallel_loop3A_389 : i32 to index
      %parallel_loop3A_441 = arith.index_cast %parallel_loop3A_405 : i32 to index
      %parallel_loop3A_442 = tpu.vector_load %arg6[%parallel_loop3A_439, %parallel_loop3A_440, %parallel_loop3A_441] {strides = array<i32>} : memref<4x8x512xf32, #tpu.memory_space<vmem>>, vector<1x1x16xf32>,
      %parallel_loop3A_443 = vector.shape_cast %parallel_loop3A_442 : vector<1x1x16xf32> to vector<16xf32>
      %parallel_loop3A_444 = arith.addf %parallel_loop3A_443, %parallel_loop3A_409 : vector<16xf32>
      %parallel_loop3A_445 = arith.constant 2 : i32
      %parallel_loop3A_446 = arith.index_cast %parallel_loop3A_445 : i32 to index
      %parallel_loop3A_447 = arith.index_cast %parallel_loop3A_389 : i32 to index
      %parallel_loop3A_448 = arith.index_cast %parallel_loop3A_405 : i32 to index
      %parallel_loop3A_449 = tpu.vector_load %arg17[%parallel_loop3A_446, %parallel_loop3A_447, %parallel_loop3A_448] {strides = array<i32>} : memref<4x8x512xf32, #tpu.memory_space<vmem>>, vector<1x1x16xf32>,
      %parallel_loop3A_450 = vector.shape_cast %parallel_loop3A_449 : vector<1x1x16xf32> to vector<16xf32>
      %parallel_loop3A_451 = vector.shape_cast %parallel_loop3A_444 : vector<16xf32> to vector<1x1x16xf32>
      tpu.vector_store %arg17[%parallel_loop3A_446, %parallel_loop3A_447, %parallel_loop3A_448], %parallel_loop3A_451 {strides = array<i32>} : memref<4x8x512xf32, #tpu.memory_space<vmem>>, vector<1x1x16xf32>,
      %parallel_loop3A_452 = arith.constant 3 : i32
      %parallel_loop3A_453 = arith.index_cast %parallel_loop3A_452 : i32 to index
      %parallel_loop3A_454 = arith.index_cast %parallel_loop3A_389 : i32 to index
      %parallel_loop3A_455 = arith.index_cast %parallel_loop3A_405 : i32 to index
      %parallel_loop3A_456 = tpu.vector_load %arg6[%parallel_loop3A_453, %parallel_loop3A_454, %parallel_loop3A_455] {strides = array<i32>} : memref<4x8x512xf32, #tpu.memory_space<vmem>>, vector<1x1x16xf32>,
      %parallel_loop3A_457 = vector.shape_cast %parallel_loop3A_456 : vector<1x1x16xf32> to vector<16xf32>
      %parallel_loop3A_458 = arith.addf %parallel_loop3A_457, %parallel_loop3A_409 : vector<16xf32>
      %parallel_loop3A_459 = arith.constant 3 : i32
      %parallel_loop3A_460 = arith.index_cast %parallel_loop3A_459 : i32 to index
      %parallel_loop3A_461 = arith.index_cast %parallel_loop3A_389 : i32 to index
      %parallel_loop3A_462 = arith.index_cast %parallel_loop3A_405 : i32 to index
      %parallel_loop3A_463 = tpu.vector_load %arg17[%parallel_loop3A_460, %parallel_loop3A_461, %parallel_loop3A_462] {strides = array<i32>} : memref<4x8x512xf32, #tpu.memory_space<vmem>>, vector<1x1x16xf32>,
      %parallel_loop3A_464 = vector.shape_cast %parallel_loop3A_463 : vector<1x1x16xf32> to vector<16xf32>
      %parallel_loop3A_465 = vector.shape_cast %parallel_loop3A_458 : vector<16xf32> to vector<1x1x16xf32>
      tpu.vector_store %arg17[%parallel_loop3A_460, %parallel_loop3A_461, %parallel_loop3A_462], %parallel_loop3A_465 {strides = array<i32>} : memref<4x8x512xf32, #tpu.memory_space<vmem>>, vector<1x1x16xf32>,
    } {sc.loop_unroll_factor = 8 : i64, sc.parallel_access}
    %add3A_242 = arith.constant 240 : i32
    %add3A_243 = arith.addi %mul3A_2, %add3A_242 : i32
    %dma_start3A_244 = arith.constant 0 : i32
    %dma_start3A_245 = arith.constant 0 : i32
    %dma_start3A_246 = tpu.memref_slice %arg4[%dma_start3A_244, %add3A_243, %dma_start3A_245] : memref<4x8192x1024xf32, #tpu.memory_space<hbm>> -> memref<4x8x512xf32, #tpu.memory_space<hbm>>
    %dma_start3A_247 = arith.constant 0 : i32
    %dma_start3A_248 = arith.constant 0 : i32
    %dma_start3A_249 = tpu.memref_slice %arg4[%dma_start3A_247, %add3A_243, %dma_start3A_248] : memref<4x8192x1024xf32, #tpu.memory_space<hbm>> -> memref<4x8x512xf32, #tpu.memory_space<hbm>>
    tpu.enqueue_dma source(%arg17 : memref<4x8x512xf32, #tpu.memory_space<vmem>>) target(%dma_start3A_249 : memref<4x8x512xf32, #tpu.memory_space<hbm>>) target_semaphore(%arg18 : memref<!tpu.dma_semaphore, #tpu.memory_space<semaphore_mem>>)
    %dma_wait3A_250 = arith.constant 0 : i32
    %dma_wait3A_251 = arith.constant 0 : i32
    %dma_wait3A_252 = tpu.memref_slice %arg3[%dma_wait3A_250, %dma_wait3A_251] : memref<8192x1024xf32, #tpu.memory_space<hbm>> -> memref<8x512xf32, #tpu.memory_space<hbm>>
    %dma_wait3A_253 = arith.constant 0 : i32
    %dma_wait3A_254 = arith.constant 0 : i32
    %dma_wait3A_255 = tpu.memref_slice %arg3[%dma_wait3A_253, %dma_wait3A_254] : memref<8192x1024xf32, #tpu.memory_space<hbm>> -> memref<8x512xf32, #tpu.memory_space<hbm>>
    tpu.wait_dma2 semaphore(%arg10 : memref<!tpu.dma_semaphore, #tpu.memory_space<semaphore_mem>>) src(%dma_wait3A_255 : memref<8x512xf32, #tpu.memory_space<hbm>>) dst(%arg8 : memref<8x512xf32, #tpu.memory_space<vmem>>)
    %dma_wait3A_256 = arith.constant 0 : i32
    %dma_wait3A_257 = arith.constant 0 : i32
    %dma_wait3A_258 = arith.constant 0 : i32
    %dma_wait3A_259 = tpu.memref_slice %arg2[%dma_wait3A_256, %dma_wait3A_257, %dma_wait3A_258] : memref<4x8192x1024xf32, #tpu.memory_space<hbm>> -> memref<4x8x512xf32, #tpu.memory_space<hbm>>
    %dma_wait3A_260 = arith.constant 0 : i32
    %dma_wait3A_261 = arith.constant 0 : i32
    %dma_wait3A_262 = arith.constant 0 : i32
    %dma_wait3A_263 = tpu.memref_slice %arg2[%dma_wait3A_260, %dma_wait3A_261, %dma_wait3A_262] : memref<4x8192x1024xf32, #tpu.memory_space<hbm>> -> memref<4x8x512xf32, #tpu.memory_space<hbm>>
    tpu.wait_dma2 semaphore(%arg10 : memref<!tpu.dma_semaphore, #tpu.memory_space<semaphore_mem>>) src(%dma_wait3A_263 : memref<4x8x512xf32, #tpu.memory_space<hbm>>) dst(%arg9 : memref<4x8x512xf32, #tpu.memory_space<vmem>>)
    %dma_wait3A_264 = arith.constant 0 : i32
    %dma_wait3A_265 = arith.constant 0 : i32
    %dma_wait3A_266 = arith.constant 0 : i32
    %dma_wait3A_267 = tpu.memref_slice %arg4[%dma_wait3A_264, %dma_wait3A_265, %dma_wait3A_266] : memref<4x8192x1024xf32, #tpu.memory_space<hbm>> -> memref<4x8x512xf32, #tpu.memory_space<hbm>>
    %dma_wait3A_268 = arith.constant 0 : i32
    %dma_wait3A_269 = arith.constant 0 : i32
    %dma_wait3A_270 = arith.constant 0 : i32
    %dma_wait3A_271 = tpu.memref_slice %arg4[%dma_wait3A_268, %dma_wait3A_269, %dma_wait3A_270] : memref<4x8192x1024xf32, #tpu.memory_space<hbm>> -> memref<4x8x512xf32, #tpu.memory_space<hbm>>
    tpu.wait_dma2 semaphore(%arg20 : memref<!tpu.dma_semaphore, #tpu.memory_space<semaphore_mem>>) src(%arg19 : memref<4x8x512xf32, #tpu.memory_space<vmem>>) dst(%dma_wait3A_271 : memref<4x8x512xf32, #tpu.memory_space<hbm>>)
    %parallel_loop3A_272 = arith.constant 0 : i32
    %parallel_loop3A_273 = arith.constant 4096 : i32
    %parallel_loop3A_274 = arith.constant 16 : i32
    scf.for %parallel_loop3A_365 = %parallel_loop3A_272 to %parallel_loop3A_273 step %parallel_loop3A_274  : i32 {
      %parallel_loop3A_366 = arith.constant 512 : i32
      %parallel_loop3A_367 = arith.divsi %parallel_loop3A_365, %parallel_loop3A_366 : i32
      %parallel_loop3A_368 = arith.constant 0 : i32
      %parallel_loop3A_369 = arith.cmpi sgt, %parallel_loop3A_365, %parallel_loop3A_368 : i32
      %parallel_loop3A_370 = arith.extui %parallel_loop3A_369 : i1 to i32
      %parallel_loop3A_371 = arith.constant 0 : i32
      %parallel_loop3A_372 = arith.cmpi slt, %parallel_loop3A_365, %parallel_loop3A_371 : i32
      %parallel_loop3A_373 = arith.extui %parallel_loop3A_372 : i1 to i32
      %parallel_loop3A_374 = arith.subi %parallel_loop3A_370, %parallel_loop3A_373 : i32
      %parallel_loop3A_375 = arith.constant 0 : i32
      %parallel_loop3A_376 = arith.cmpi sgt, %parallel_loop3A_366, %parallel_loop3A_375 : i32
      %parallel_loop3A_377 = arith.extui %parallel_loop3A_376 : i1 to i32
      %parallel_loop3A_378 = arith.constant 0 : i32
      %parallel_loop3A_379 = arith.cmpi slt, %parallel_loop3A_366, %parallel_loop3A_378 : i32
      %parallel_loop3A_380 = arith.extui %parallel_loop3A_379 : i1 to i32
      %parallel_loop3A_381 = arith.subi %parallel_loop3A_377, %parallel_loop3A_380 : i32
      %parallel_loop3A_382 = arith.cmpi ne, %parallel_loop3A_374, %parallel_loop3A_381 : i32
      %parallel_loop3A_383 = arith.remsi %parallel_loop3A_365, %parallel_loop3A_366 : i32
      %parallel_loop3A_384 = arith.constant 0 : i32
      %parallel_loop3A_385 = arith.cmpi ne, %parallel_loop3A_383, %parallel_loop3A_384 : i32
      %parallel_loop3A_386 = arith.andi %parallel_loop3A_382, %parallel_loop3A_385 : i1
      %parallel_loop3A_387 = arith.constant 1 : i32
      %parallel_loop3A_388 = arith.subi %parallel_loop3A_367, %parallel_loop3A_387 : i32
      %parallel_loop3A_389 = arith.select %parallel_loop3A_386, %parallel_loop3A_388, %parallel_loop3A_367 : i32
      %parallel_loop3A_390 = arith.constant 512 : i32
      %parallel_loop3A_391 = arith.constant 0 : i32
      %parallel_loop3A_392 = arith.cmpi eq, %parallel_loop3A_390, %parallel_loop3A_391 : i32
      %parallel_loop3A_393 = arith.constant 1 : i32
      %parallel_loop3A_394 = arith.select %parallel_loop3A_392, %parallel_loop3A_393, %parallel_loop3A_390 : i32
      %parallel_loop3A_395 = arith.remsi %parallel_loop3A_365, %parallel_loop3A_394 : i32
      %parallel_loop3A_396 = arith.constant 0 : i32
      %parallel_loop3A_397 = arith.cmpi ne, %parallel_loop3A_395, %parallel_loop3A_396 : i32
      %parallel_loop3A_398 = arith.constant 0 : i32
      %parallel_loop3A_399 = arith.cmpi slt, %parallel_loop3A_395, %parallel_loop3A_398 : i32
      %parallel_loop3A_400 = arith.constant 0 : i32
      %parallel_loop3A_401 = arith.cmpi slt, %parallel_loop3A_394, %parallel_loop3A_400 : i32
      %parallel_loop3A_402 = arith.xori %parallel_loop3A_399, %parallel_loop3A_401 : i1
      %parallel_loop3A_403 = arith.andi %parallel_loop3A_402, %parallel_loop3A_397 : i1
      %parallel_loop3A_404 = arith.addi %parallel_loop3A_395, %parallel_loop3A_394 : i32
      %parallel_loop3A_405 = arith.select %parallel_loop3A_403, %parallel_loop3A_404, %parallel_loop3A_395 : i32
      %parallel_loop3A_406 = arith.index_cast %parallel_loop3A_389 : i32 to index
      %parallel_loop3A_407 = arith.index_cast %parallel_loop3A_405 : i32 to index
      %parallel_loop3A_408 = tpu.vector_load %arg8[%parallel_loop3A_406, %parallel_loop3A_407] {strides = array<i32>} : memref<8x512xf32, #tpu.memory_space<vmem>>, vector<1x16xf32>,
      %parallel_loop3A_409 = vector.shape_cast %parallel_loop3A_408 : vector<1x16xf32> to vector<16xf32>
      %parallel_loop3A_410 = arith.constant 0 : i32
      %parallel_loop3A_411 = arith.index_cast %parallel_loop3A_410 : i32 to index
      %parallel_loop3A_412 = arith.index_cast %parallel_loop3A_389 : i32 to index
      %parallel_loop3A_413 = arith.index_cast %parallel_loop3A_405 : i32 to index
      %parallel_loop3A_414 = tpu.vector_load %arg9[%parallel_loop3A_411, %parallel_loop3A_412, %parallel_loop3A_413] {strides = array<i32>} : memref<4x8x512xf32, #tpu.memory_space<vmem>>, vector<1x1x16xf32>,
      %parallel_loop3A_415 = vector.shape_cast %parallel_loop3A_414 : vector<1x1x16xf32> to vector<16xf32>
      %parallel_loop3A_416 = arith.addf %parallel_loop3A_415, %parallel_loop3A_409 : vector<16xf32>
      %parallel_loop3A_417 = arith.constant 0 : i32
      %parallel_loop3A_418 = arith.index_cast %parallel_loop3A_417 : i32 to index
      %parallel_loop3A_419 = arith.index_cast %parallel_loop3A_389 : i32 to index
      %parallel_loop3A_420 = arith.index_cast %parallel_loop3A_405 : i32 to index
      %parallel_loop3A_421 = tpu.vector_load %arg19[%parallel_loop3A_418, %parallel_loop3A_419, %parallel_loop3A_420] {strides = array<i32>} : memref<4x8x512xf32, #tpu.memory_space<vmem>>, vector<1x1x16xf32>,
      %parallel_loop3A_422 = vector.shape_cast %parallel_loop3A_421 : vector<1x1x16xf32> to vector<16xf32>
      %parallel_loop3A_423 = vector.shape_cast %parallel_loop3A_416 : vector<16xf32> to vector<1x1x16xf32>
      tpu.vector_store %arg19[%parallel_loop3A_418, %parallel_loop3A_419, %parallel_loop3A_420], %parallel_loop3A_423 {strides = array<i32>} : memref<4x8x512xf32, #tpu.memory_space<vmem>>, vector<1x1x16xf32>,
      %parallel_loop3A_424 = arith.constant 1 : i32
      %parallel_loop3A_425 = arith.index_cast %parallel_loop3A_424 : i32 to index
      %parallel_loop3A_426 = arith.index_cast %parallel_loop3A_389 : i32 to index
      %parallel_loop3A_427 = arith.index_cast %parallel_loop3A_405 : i32 to index
      %parallel_loop3A_428 = tpu.vector_load %arg9[%parallel_loop3A_425, %parallel_loop3A_426, %parallel_loop3A_427] {strides = array<i32>} : memref<4x8x512xf32, #tpu.memory_space<vmem>>, vector<1x1x16xf32>,
      %parallel_loop3A_429 = vector.shape_cast %parallel_loop3A_428 : vector<1x1x16xf32> to vector<16xf32>
      %parallel_loop3A_430 = arith.addf %parallel_loop3A_429, %parallel_loop3A_409 : vector<16xf32>
      %parallel_loop3A_431 = arith.constant 1 : i32
      %parallel_loop3A_432 = arith.index_cast %parallel_loop3A_431 : i32 to index
      %parallel_loop3A_433 = arith.index_cast %parallel_loop3A_389 : i32 to index
      %parallel_loop3A_434 = arith.index_cast %parallel_loop3A_405 : i32 to index
      %parallel_loop3A_435 = tpu.vector_load %arg19[%parallel_loop3A_432, %parallel_loop3A_433, %parallel_loop3A_434] {strides = array<i32>} : memref<4x8x512xf32, #tpu.memory_space<vmem>>, vector<1x1x16xf32>,
      %parallel_loop3A_436 = vector.shape_cast %parallel_loop3A_435 : vector<1x1x16xf32> to vector<16xf32>
      %parallel_loop3A_437 = vector.shape_cast %parallel_loop3A_430 : vector<16xf32> to vector<1x1x16xf32>
      tpu.vector_store %arg19[%parallel_loop3A_432, %parallel_loop3A_433, %parallel_loop3A_434], %parallel_loop3A_437 {strides = array<i32>} : memref<4x8x512xf32, #tpu.memory_space<vmem>>, vector<1x1x16xf32>,
      %parallel_loop3A_438 = arith.constant 2 : i32
      %parallel_loop3A_439 = arith.index_cast %parallel_loop3A_438 : i32 to index
      %parallel_loop3A_440 = arith.index_cast %parallel_loop3A_389 : i32 to index
      %parallel_loop3A_441 = arith.index_cast %parallel_loop3A_405 : i32 to index
      %parallel_loop3A_442 = tpu.vector_load %arg9[%parallel_loop3A_439, %parallel_loop3A_440, %parallel_loop3A_441] {strides = array<i32>} : memref<4x8x512xf32, #tpu.memory_space<vmem>>, vector<1x1x16xf32>,
      %parallel_loop3A_443 = vector.shape_cast %parallel_loop3A_442 : vector<1x1x16xf32> to vector<16xf32>
      %parallel_loop3A_444 = arith.addf %parallel_loop3A_443, %parallel_loop3A_409 : vector<16xf32>
      %parallel_loop3A_445 = arith.constant 2 : i32
      %parallel_loop3A_446 = arith.index_cast %parallel_loop3A_445 : i32 to index
      %parallel_loop3A_447 = arith.index_cast %parallel_loop3A_389 : i32 to index
      %parallel_loop3A_448 = arith.index_cast %parallel_loop3A_405 : i32 to index
      %parallel_loop3A_449 = tpu.vector_load %arg19[%parallel_loop3A_446, %parallel_loop3A_447, %parallel_loop3A_448] {strides = array<i32>} : memref<4x8x512xf32, #tpu.memory_space<vmem>>, vector<1x1x16xf32>,
      %parallel_loop3A_450 = vector.shape_cast %parallel_loop3A_449 : vector<1x1x16xf32> to vector<16xf32>
      %parallel_loop3A_451 = vector.shape_cast %parallel_loop3A_444 : vector<16xf32> to vector<1x1x16xf32>
      tpu.vector_store %arg19[%parallel_loop3A_446, %parallel_loop3A_447, %parallel_loop3A_448], %parallel_loop3A_451 {strides = array<i32>} : memref<4x8x512xf32, #tpu.memory_space<vmem>>, vector<1x1x16xf32>,
      %parallel_loop3A_452 = arith.constant 3 : i32
      %parallel_loop3A_453 = arith.index_cast %parallel_loop3A_452 : i32 to index
      %parallel_loop3A_454 = arith.index_cast %parallel_loop3A_389 : i32 to index
      %parallel_loop3A_455 = arith.index_cast %parallel_loop3A_405 : i32 to index
      %parallel_loop3A_456 = tpu.vector_load %arg9[%parallel_loop3A_453, %parallel_loop3A_454, %parallel_loop3A_455] {strides = array<i32>} : memref<4x8x512xf32, #tpu.memory_space<vmem>>, vector<1x1x16xf32>,
      %parallel_loop3A_457 = vector.shape_cast %parallel_loop3A_456 : vector<1x1x16xf32> to vector<16xf32>
      %parallel_loop3A_458 = arith.addf %parallel_loop3A_457, %parallel_loop3A_409 : vector<16xf32>
      %parallel_loop3A_459 = arith.constant 3 : i32
      %parallel_loop3A_460 = arith.index_cast %parallel_loop3A_459 : i32 to index
      %parallel_loop3A_461 = arith.index_cast %parallel_loop3A_389 : i32 to index
      %parallel_loop3A_462 = arith.index_cast %parallel_loop3A_405 : i32 to index
      %parallel_loop3A_463 = tpu.vector_load %arg19[%parallel_loop3A_460, %parallel_loop3A_461, %parallel_loop3A_462] {strides = array<i32>} : memref<4x8x512xf32, #tpu.memory_space<vmem>>, vector<1x1x16xf32>,
      %parallel_loop3A_464 = vector.shape_cast %parallel_loop3A_463 : vector<1x1x16xf32> to vector<16xf32>
      %parallel_loop3A_465 = vector.shape_cast %parallel_loop3A_458 : vector<16xf32> to vector<1x1x16xf32>
      tpu.vector_store %arg19[%parallel_loop3A_460, %parallel_loop3A_461, %parallel_loop3A_462], %parallel_loop3A_465 {strides = array<i32>} : memref<4x8x512xf32, #tpu.memory_space<vmem>>, vector<1x1x16xf32>,
    } {sc.loop_unroll_factor = 8 : i64, sc.parallel_access}
    %add3A_275 = arith.constant 240 : i32
    %add3A_276 = arith.addi %mul3A_2, %add3A_275 : i32
    %dma_start3A_277 = arith.constant 0 : i32
    %dma_start3A_278 = arith.constant 512 : i32
    %dma_start3A_279 = tpu.memref_slice %arg4[%dma_start3A_277, %add3A_276, %dma_start3A_278] : memref<4x8192x1024xf32, #tpu.memory_space<hbm>> -> memref<4x8x512xf32, #tpu.memory_space<hbm>>
    %dma_start3A_280 = arith.constant 0 : i32
    %dma_start3A_281 = arith.constant 512 : i32
    %dma_start3A_282 = tpu.memref_slice %arg4[%dma_start3A_280, %add3A_276, %dma_start3A_281] : memref<4x8192x1024xf32, #tpu.memory_space<hbm>> -> memref<4x8x512xf32, #tpu.memory_space<hbm>>
    tpu.enqueue_dma source(%arg19 : memref<4x8x512xf32, #tpu.memory_space<vmem>>) target(%dma_start3A_282 : memref<4x8x512xf32, #tpu.memory_space<hbm>>) target_semaphore(%arg20 : memref<!tpu.dma_semaphore, #tpu.memory_space<semaphore_mem>>)
    %dma_wait3A_283 = arith.constant 0 : i32
    %dma_wait3A_284 = arith.constant 0 : i32
    %dma_wait3A_285 = tpu.memref_slice %arg3[%dma_wait3A_283, %dma_wait3A_284] : memref<8192x1024xf32, #tpu.memory_space<hbm>> -> memref<8x512xf32, #tpu.memory_space<hbm>>
    %dma_wait3A_286 = arith.constant 0 : i32
    %dma_wait3A_287 = arith.constant 0 : i32
    %dma_wait3A_288 = tpu.memref_slice %arg3[%dma_wait3A_286, %dma_wait3A_287] : memref<8192x1024xf32, #tpu.memory_space<hbm>> -> memref<8x512xf32, #tpu.memory_space<hbm>>
    tpu.wait_dma2 semaphore(%arg13 : memref<!tpu.dma_semaphore, #tpu.memory_space<semaphore_mem>>) src(%dma_wait3A_288 : memref<8x512xf32, #tpu.memory_space<hbm>>) dst(%arg11 : memref<8x512xf32, #tpu.memory_space<vmem>>)
    %dma_wait3A_289 = arith.constant 0 : i32
    %dma_wait3A_290 = arith.constant 0 : i32
    %dma_wait3A_291 = arith.constant 0 : i32
    %dma_wait3A_292 = tpu.memref_slice %arg2[%dma_wait3A_289, %dma_wait3A_290, %dma_wait3A_291] : memref<4x8192x1024xf32, #tpu.memory_space<hbm>> -> memref<4x8x512xf32, #tpu.memory_space<hbm>>
    %dma_wait3A_293 = arith.constant 0 : i32
    %dma_wait3A_294 = arith.constant 0 : i32
    %dma_wait3A_295 = arith.constant 0 : i32
    %dma_wait3A_296 = tpu.memref_slice %arg2[%dma_wait3A_293, %dma_wait3A_294, %dma_wait3A_295] : memref<4x8192x1024xf32, #tpu.memory_space<hbm>> -> memref<4x8x512xf32, #tpu.memory_space<hbm>>
    tpu.wait_dma2 semaphore(%arg13 : memref<!tpu.dma_semaphore, #tpu.memory_space<semaphore_mem>>) src(%dma_wait3A_296 : memref<4x8x512xf32, #tpu.memory_space<hbm>>) dst(%arg12 : memref<4x8x512xf32, #tpu.memory_space<vmem>>)
    %dma_wait3A_297 = arith.constant 0 : i32
    %dma_wait3A_298 = arith.constant 0 : i32
    %dma_wait3A_299 = arith.constant 0 : i32
    %dma_wait3A_300 = tpu.memref_slice %arg4[%dma_wait3A_297, %dma_wait3A_298, %dma_wait3A_299] : memref<4x8192x1024xf32, #tpu.memory_space<hbm>> -> memref<4x8x512xf32, #tpu.memory_space<hbm>>
    %dma_wait3A_301 = arith.constant 0 : i32
    %dma_wait3A_302 = arith.constant 0 : i32
    %dma_wait3A_303 = arith.constant 0 : i32
    %dma_wait3A_304 = tpu.memref_slice %arg4[%dma_wait3A_301, %dma_wait3A_302, %dma_wait3A_303] : memref<4x8192x1024xf32, #tpu.memory_space<hbm>> -> memref<4x8x512xf32, #tpu.memory_space<hbm>>
    tpu.wait_dma2 semaphore(%arg18 : memref<!tpu.dma_semaphore, #tpu.memory_space<semaphore_mem>>) src(%arg17 : memref<4x8x512xf32, #tpu.memory_space<vmem>>) dst(%dma_wait3A_304 : memref<4x8x512xf32, #tpu.memory_space<hbm>>)
    %parallel_loop3A_305 = arith.constant 0 : i32
    %parallel_loop3A_306 = arith.constant 4096 : i32
    %parallel_loop3A_307 = arith.constant 16 : i32
    scf.for %parallel_loop3A_365 = %parallel_loop3A_305 to %parallel_loop3A_306 step %parallel_loop3A_307  : i32 {
      %parallel_loop3A_366 = arith.constant 512 : i32
      %parallel_loop3A_367 = arith.divsi %parallel_loop3A_365, %parallel_loop3A_366 : i32
      %parallel_loop3A_368 = arith.constant 0 : i32
      %parallel_loop3A_369 = arith.cmpi sgt, %parallel_loop3A_365, %parallel_loop3A_368 : i32
      %parallel_loop3A_370 = arith.extui %parallel_loop3A_369 : i1 to i32
      %parallel_loop3A_371 = arith.constant 0 : i32
      %parallel_loop3A_372 = arith.cmpi slt, %parallel_loop3A_365, %parallel_loop3A_371 : i32
      %parallel_loop3A_373 = arith.extui %parallel_loop3A_372 : i1 to i32
      %parallel_loop3A_374 = arith.subi %parallel_loop3A_370, %parallel_loop3A_373 : i32
      %parallel_loop3A_375 = arith.constant 0 : i32
      %parallel_loop3A_376 = arith.cmpi sgt, %parallel_loop3A_366, %parallel_loop3A_375 : i32
      %parallel_loop3A_377 = arith.extui %parallel_loop3A_376 : i1 to i32
      %parallel_loop3A_378 = arith.constant 0 : i32
      %parallel_loop3A_379 = arith.cmpi slt, %parallel_loop3A_366, %parallel_loop3A_378 : i32
      %parallel_loop3A_380 = arith.extui %parallel_loop3A_379 : i1 to i32
      %parallel_loop3A_381 = arith.subi %parallel_loop3A_377, %parallel_loop3A_380 : i32
      %parallel_loop3A_382 = arith.cmpi ne, %parallel_loop3A_374, %parallel_loop3A_381 : i32
      %parallel_loop3A_383 = arith.remsi %parallel_loop3A_365, %parallel_loop3A_366 : i32
      %parallel_loop3A_384 = arith.constant 0 : i32
      %parallel_loop3A_385 = arith.cmpi ne, %parallel_loop3A_383, %parallel_loop3A_384 : i32
      %parallel_loop3A_386 = arith.andi %parallel_loop3A_382, %parallel_loop3A_385 : i1
      %parallel_loop3A_387 = arith.constant 1 : i32
      %parallel_loop3A_388 = arith.subi %parallel_loop3A_367, %parallel_loop3A_387 : i32
      %parallel_loop3A_389 = arith.select %parallel_loop3A_386, %parallel_loop3A_388, %parallel_loop3A_367 : i32
      %parallel_loop3A_390 = arith.constant 512 : i32
      %parallel_loop3A_391 = arith.constant 0 : i32
      %parallel_loop3A_392 = arith.cmpi eq, %parallel_loop3A_390, %parallel_loop3A_391 : i32
      %parallel_loop3A_393 = arith.constant 1 : i32
      %parallel_loop3A_394 = arith.select %parallel_loop3A_392, %parallel_loop3A_393, %parallel_loop3A_390 : i32
      %parallel_loop3A_395 = arith.remsi %parallel_loop3A_365, %parallel_loop3A_394 : i32
      %parallel_loop3A_396 = arith.constant 0 : i32
      %parallel_loop3A_397 = arith.cmpi ne, %parallel_loop3A_395, %parallel_loop3A_396 : i32
      %parallel_loop3A_398 = arith.constant 0 : i32
      %parallel_loop3A_399 = arith.cmpi slt, %parallel_loop3A_395, %parallel_loop3A_398 : i32
      %parallel_loop3A_400 = arith.constant 0 : i32
      %parallel_loop3A_401 = arith.cmpi slt, %parallel_loop3A_394, %parallel_loop3A_400 : i32
      %parallel_loop3A_402 = arith.xori %parallel_loop3A_399, %parallel_loop3A_401 : i1
      %parallel_loop3A_403 = arith.andi %parallel_loop3A_402, %parallel_loop3A_397 : i1
      %parallel_loop3A_404 = arith.addi %parallel_loop3A_395, %parallel_loop3A_394 : i32
      %parallel_loop3A_405 = arith.select %parallel_loop3A_403, %parallel_loop3A_404, %parallel_loop3A_395 : i32
      %parallel_loop3A_406 = arith.index_cast %parallel_loop3A_389 : i32 to index
      %parallel_loop3A_407 = arith.index_cast %parallel_loop3A_405 : i32 to index
      %parallel_loop3A_408 = tpu.vector_load %arg11[%parallel_loop3A_406, %parallel_loop3A_407] {strides = array<i32>} : memref<8x512xf32, #tpu.memory_space<vmem>>, vector<1x16xf32>,
      %parallel_loop3A_409 = vector.shape_cast %parallel_loop3A_408 : vector<1x16xf32> to vector<16xf32>
      %parallel_loop3A_410 = arith.constant 0 : i32
      %parallel_loop3A_411 = arith.index_cast %parallel_loop3A_410 : i32 to index
      %parallel_loop3A_412 = arith.index_cast %parallel_loop3A_389 : i32 to index
      %parallel_loop3A_413 = arith.index_cast %parallel_loop3A_405 : i32 to index
      %parallel_loop3A_414 = tpu.vector_load %arg12[%parallel_loop3A_411, %parallel_loop3A_412, %parallel_loop3A_413] {strides = array<i32>} : memref<4x8x512xf32, #tpu.memory_space<vmem>>, vector<1x1x16xf32>,
      %parallel_loop3A_415 = vector.shape_cast %parallel_loop3A_414 : vector<1x1x16xf32> to vector<16xf32>
      %parallel_loop3A_416 = arith.addf %parallel_loop3A_415, %parallel_loop3A_409 : vector<16xf32>
      %parallel_loop3A_417 = arith.constant 0 : i32
      %parallel_loop3A_418 = arith.index_cast %parallel_loop3A_417 : i32 to index
      %parallel_loop3A_419 = arith.index_cast %parallel_loop3A_389 : i32 to index
      %parallel_loop3A_420 = arith.index_cast %parallel_loop3A_405 : i32 to index
      %parallel_loop3A_421 = tpu.vector_load %arg17[%parallel_loop3A_418, %parallel_loop3A_419, %parallel_loop3A_420] {strides = array<i32>} : memref<4x8x512xf32, #tpu.memory_space<vmem>>, vector<1x1x16xf32>,
      %parallel_loop3A_422 = vector.shape_cast %parallel_loop3A_421 : vector<1x1x16xf32> to vector<16xf32>
      %parallel_loop3A_423 = vector.shape_cast %parallel_loop3A_416 : vector<16xf32> to vector<1x1x16xf32>
      tpu.vector_store %arg17[%parallel_loop3A_418, %parallel_loop3A_419, %parallel_loop3A_420], %parallel_loop3A_423 {strides = array<i32>} : memref<4x8x512xf32, #tpu.memory_space<vmem>>, vector<1x1x16xf32>,
      %parallel_loop3A_424 = arith.constant 1 : i32
      %parallel_loop3A_425 = arith.index_cast %parallel_loop3A_424 : i32 to index
      %parallel_loop3A_426 = arith.index_cast %parallel_loop3A_389 : i32 to index
      %parallel_loop3A_427 = arith.index_cast %parallel_loop3A_405 : i32 to index
      %parallel_loop3A_428 = tpu.vector_load %arg12[%parallel_loop3A_425, %parallel_loop3A_426, %parallel_loop3A_427] {strides = array<i32>} : memref<4x8x512xf32, #tpu.memory_space<vmem>>, vector<1x1x16xf32>,
      %parallel_loop3A_429 = vector.shape_cast %parallel_loop3A_428 : vector<1x1x16xf32> to vector<16xf32>
      %parallel_loop3A_430 = arith.addf %parallel_loop3A_429, %parallel_loop3A_409 : vector<16xf32>
      %parallel_loop3A_431 = arith.constant 1 : i32
      %parallel_loop3A_432 = arith.index_cast %parallel_loop3A_431 : i32 to index
      %parallel_loop3A_433 = arith.index_cast %parallel_loop3A_389 : i32 to index
      %parallel_loop3A_434 = arith.index_cast %parallel_loop3A_405 : i32 to index
      %parallel_loop3A_435 = tpu.vector_load %arg17[%parallel_loop3A_432, %parallel_loop3A_433, %parallel_loop3A_434] {strides = array<i32>} : memref<4x8x512xf32, #tpu.memory_space<vmem>>, vector<1x1x16xf32>,
      %parallel_loop3A_436 = vector.shape_cast %parallel_loop3A_435 : vector<1x1x16xf32> to vector<16xf32>
      %parallel_loop3A_437 = vector.shape_cast %parallel_loop3A_430 : vector<16xf32> to vector<1x1x16xf32>
      tpu.vector_store %arg17[%parallel_loop3A_432, %parallel_loop3A_433, %parallel_loop3A_434], %parallel_loop3A_437 {strides = array<i32>} : memref<4x8x512xf32, #tpu.memory_space<vmem>>, vector<1x1x16xf32>,
      %parallel_loop3A_438 = arith.constant 2 : i32
      %parallel_loop3A_439 = arith.index_cast %parallel_loop3A_438 : i32 to index
      %parallel_loop3A_440 = arith.index_cast %parallel_loop3A_389 : i32 to index
      %parallel_loop3A_441 = arith.index_cast %parallel_loop3A_405 : i32 to index
      %parallel_loop3A_442 = tpu.vector_load %arg12[%parallel_loop3A_439, %parallel_loop3A_440, %parallel_loop3A_441] {strides = array<i32>} : memref<4x8x512xf32, #tpu.memory_space<vmem>>, vector<1x1x16xf32>,
      %parallel_loop3A_443 = vector.shape_cast %parallel_loop3A_442 : vector<1x1x16xf32> to vector<16xf32>
      %parallel_loop3A_444 = arith.addf %parallel_loop3A_443, %parallel_loop3A_409 : vector<16xf32>
      %parallel_loop3A_445 = arith.constant 2 : i32
      %parallel_loop3A_446 = arith.index_cast %parallel_loop3A_445 : i32 to index
      %parallel_loop3A_447 = arith.index_cast %parallel_loop3A_389 : i32 to index
      %parallel_loop3A_448 = arith.index_cast %parallel_loop3A_405 : i32 to index
      %parallel_loop3A_449 = tpu.vector_load %arg17[%parallel_loop3A_446, %parallel_loop3A_447, %parallel_loop3A_448] {strides = array<i32>} : memref<4x8x512xf32, #tpu.memory_space<vmem>>, vector<1x1x16xf32>,
      %parallel_loop3A_450 = vector.shape_cast %parallel_loop3A_449 : vector<1x1x16xf32> to vector<16xf32>
      %parallel_loop3A_451 = vector.shape_cast %parallel_loop3A_444 : vector<16xf32> to vector<1x1x16xf32>
      tpu.vector_store %arg17[%parallel_loop3A_446, %parallel_loop3A_447, %parallel_loop3A_448], %parallel_loop3A_451 {strides = array<i32>} : memref<4x8x512xf32, #tpu.memory_space<vmem>>, vector<1x1x16xf32>,
      %parallel_loop3A_452 = arith.constant 3 : i32
      %parallel_loop3A_453 = arith.index_cast %parallel_loop3A_452 : i32 to index
      %parallel_loop3A_454 = arith.index_cast %parallel_loop3A_389 : i32 to index
      %parallel_loop3A_455 = arith.index_cast %parallel_loop3A_405 : i32 to index
      %parallel_loop3A_456 = tpu.vector_load %arg12[%parallel_loop3A_453, %parallel_loop3A_454, %parallel_loop3A_455] {strides = array<i32>} : memref<4x8x512xf32, #tpu.memory_space<vmem>>, vector<1x1x16xf32>,
      %parallel_loop3A_457 = vector.shape_cast %parallel_loop3A_456 : vector<1x1x16xf32> to vector<16xf32>
      %parallel_loop3A_458 = arith.addf %parallel_loop3A_457, %parallel_loop3A_409 : vector<16xf32>
      %parallel_loop3A_459 = arith.constant 3 : i32
      %parallel_loop3A_460 = arith.index_cast %parallel_loop3A_459 : i32 to index
      %parallel_loop3A_461 = arith.index_cast %parallel_loop3A_389 : i32 to index
      %parallel_loop3A_462 = arith.index_cast %parallel_loop3A_405 : i32 to index
      %parallel_loop3A_463 = tpu.vector_load %arg17[%parallel_loop3A_460, %parallel_loop3A_461, %parallel_loop3A_462] {strides = array<i32>} : memref<4x8x512xf32, #tpu.memory_space<vmem>>, vector<1x1x16xf32>,
      %parallel_loop3A_464 = vector.shape_cast %parallel_loop3A_463 : vector<1x1x16xf32> to vector<16xf32>
      %parallel_loop3A_465 = vector.shape_cast %parallel_loop3A_458 : vector<16xf32> to vector<1x1x16xf32>
      tpu.vector_store %arg17[%parallel_loop3A_460, %parallel_loop3A_461, %parallel_loop3A_462], %parallel_loop3A_465 {strides = array<i32>} : memref<4x8x512xf32, #tpu.memory_space<vmem>>, vector<1x1x16xf32>,
    } {sc.loop_unroll_factor = 8 : i64, sc.parallel_access}
    %add3A_308 = arith.constant 248 : i32
    %add3A_309 = arith.addi %mul3A_2, %add3A_308 : i32
    %dma_start3A_310 = arith.constant 0 : i32
    %dma_start3A_311 = arith.constant 0 : i32
    %dma_start3A_312 = tpu.memref_slice %arg4[%dma_start3A_310, %add3A_309, %dma_start3A_311] : memref<4x8192x1024xf32, #tpu.memory_space<hbm>> -> memref<4x8x512xf32, #tpu.memory_space<hbm>>
    %dma_start3A_313 = arith.constant 0 : i32
    %dma_start3A_314 = arith.constant 0 : i32
    %dma_start3A_315 = tpu.memref_slice %arg4[%dma_start3A_313, %add3A_309, %dma_start3A_314] : memref<4x8192x1024xf32, #tpu.memory_space<hbm>> -> memref<4x8x512xf32, #tpu.memory_space<hbm>>
    tpu.enqueue_dma source(%arg17 : memref<4x8x512xf32, #tpu.memory_space<vmem>>) target(%dma_start3A_315 : memref<4x8x512xf32, #tpu.memory_space<hbm>>) target_semaphore(%arg18 : memref<!tpu.dma_semaphore, #tpu.memory_space<semaphore_mem>>)
    %dma_wait3A_316 = arith.constant 0 : i32
    %dma_wait3A_317 = arith.constant 0 : i32
    %dma_wait3A_318 = tpu.memref_slice %arg3[%dma_wait3A_316, %dma_wait3A_317] : memref<8192x1024xf32, #tpu.memory_space<hbm>> -> memref<8x512xf32, #tpu.memory_space<hbm>>
    %dma_wait3A_319 = arith.constant 0 : i32
    %dma_wait3A_320 = arith.constant 0 : i32
    %dma_wait3A_321 = tpu.memref_slice %arg3[%dma_wait3A_319, %dma_wait3A_320] : memref<8192x1024xf32, #tpu.memory_space<hbm>> -> memref<8x512xf32, #tpu.memory_space<hbm>>
    tpu.wait_dma2 semaphore(%arg16 : memref<!tpu.dma_semaphore, #tpu.memory_space<semaphore_mem>>) src(%dma_wait3A_321 : memref<8x512xf32, #tpu.memory_space<hbm>>) dst(%arg14 : memref<8x512xf32, #tpu.memory_space<vmem>>)
    %dma_wait3A_322 = arith.constant 0 : i32
    %dma_wait3A_323 = arith.constant 0 : i32
    %dma_wait3A_324 = arith.constant 0 : i32
    %dma_wait3A_325 = tpu.memref_slice %arg2[%dma_wait3A_322, %dma_wait3A_323, %dma_wait3A_324] : memref<4x8192x1024xf32, #tpu.memory_space<hbm>> -> memref<4x8x512xf32, #tpu.memory_space<hbm>>
    %dma_wait3A_326 = arith.constant 0 : i32
    %dma_wait3A_327 = arith.constant 0 : i32
    %dma_wait3A_328 = arith.constant 0 : i32
    %dma_wait3A_329 = tpu.memref_slice %arg2[%dma_wait3A_326, %dma_wait3A_327, %dma_wait3A_328] : memref<4x8192x1024xf32, #tpu.memory_space<hbm>> -> memref<4x8x512xf32, #tpu.memory_space<hbm>>
    tpu.wait_dma2 semaphore(%arg16 : memref<!tpu.dma_semaphore, #tpu.memory_space<semaphore_mem>>) src(%dma_wait3A_329 : memref<4x8x512xf32, #tpu.memory_space<hbm>>) dst(%arg15 : memref<4x8x512xf32, #tpu.memory_space<vmem>>)
    %dma_wait3A_330 = arith.constant 0 : i32
    %dma_wait3A_331 = arith.constant 0 : i32
    %dma_wait3A_332 = arith.constant 0 : i32
    %dma_wait3A_333 = tpu.memref_slice %arg4[%dma_wait3A_330, %dma_wait3A_331, %dma_wait3A_332] : memref<4x8192x1024xf32, #tpu.memory_space<hbm>> -> memref<4x8x512xf32, #tpu.memory_space<hbm>>
    %dma_wait3A_334 = arith.constant 0 : i32
    %dma_wait3A_335 = arith.constant 0 : i32
    %dma_wait3A_336 = arith.constant 0 : i32
    %dma_wait3A_337 = tpu.memref_slice %arg4[%dma_wait3A_334, %dma_wait3A_335, %dma_wait3A_336] : memref<4x8192x1024xf32, #tpu.memory_space<hbm>> -> memref<4x8x512xf32, #tpu.memory_space<hbm>>
    tpu.wait_dma2 semaphore(%arg20 : memref<!tpu.dma_semaphore, #tpu.memory_space<semaphore_mem>>) src(%arg19 : memref<4x8x512xf32, #tpu.memory_space<vmem>>) dst(%dma_wait3A_337 : memref<4x8x512xf32, #tpu.memory_space<hbm>>)
    %parallel_loop3A_338 = arith.constant 0 : i32
    %parallel_loop3A_339 = arith.constant 4096 : i32
    %parallel_loop3A_340 = arith.constant 16 : i32
    scf.for %parallel_loop3A_365 = %parallel_loop3A_338 to %parallel_loop3A_339 step %parallel_loop3A_340  : i32 {
      %parallel_loop3A_366 = arith.constant 512 : i32
      %parallel_loop3A_367 = arith.divsi %parallel_loop3A_365, %parallel_loop3A_366 : i32
      %parallel_loop3A_368 = arith.constant 0 : i32
      %parallel_loop3A_369 = arith.cmpi sgt, %parallel_loop3A_365, %parallel_loop3A_368 : i32
      %parallel_loop3A_370 = arith.extui %parallel_loop3A_369 : i1 to i32
      %parallel_loop3A_371 = arith.constant 0 : i32
      %parallel_loop3A_372 = arith.cmpi slt, %parallel_loop3A_365, %parallel_loop3A_371 : i32
      %parallel_loop3A_373 = arith.extui %parallel_loop3A_372 : i1 to i32
      %parallel_loop3A_374 = arith.subi %parallel_loop3A_370, %parallel_loop3A_373 : i32
      %parallel_loop3A_375 = arith.constant 0 : i32
      %parallel_loop3A_376 = arith.cmpi sgt, %parallel_loop3A_366, %parallel_loop3A_375 : i32
      %parallel_loop3A_377 = arith.extui %parallel_loop3A_376 : i1 to i32
      %parallel_loop3A_378 = arith.constant 0 : i32
      %parallel_loop3A_379 = arith.cmpi slt, %parallel_loop3A_366, %parallel_loop3A_378 : i32
      %parallel_loop3A_380 = arith.extui %parallel_loop3A_379 : i1 to i32
      %parallel_loop3A_381 = arith.subi %parallel_loop3A_377, %parallel_loop3A_380 : i32
      %parallel_loop3A_382 = arith.cmpi ne, %parallel_loop3A_374, %parallel_loop3A_381 : i32
      %parallel_loop3A_383 = arith.remsi %parallel_loop3A_365, %parallel_loop3A_366 : i32
      %parallel_loop3A_384 = arith.constant 0 : i32
      %parallel_loop3A_385 = arith.cmpi ne, %parallel_loop3A_383, %parallel_loop3A_384 : i32
      %parallel_loop3A_386 = arith.andi %parallel_loop3A_382, %parallel_loop3A_385 : i1
      %parallel_loop3A_387 = arith.constant 1 : i32
      %parallel_loop3A_388 = arith.subi %parallel_loop3A_367, %parallel_loop3A_387 : i32
      %parallel_loop3A_389 = arith.select %parallel_loop3A_386, %parallel_loop3A_388, %parallel_loop3A_367 : i32
      %parallel_loop3A_390 = arith.constant 512 : i32
      %parallel_loop3A_391 = arith.constant 0 : i32
      %parallel_loop3A_392 = arith.cmpi eq, %parallel_loop3A_390, %parallel_loop3A_391 : i32
      %parallel_loop3A_393 = arith.constant 1 : i32
      %parallel_loop3A_394 = arith.select %parallel_loop3A_392, %parallel_loop3A_393, %parallel_loop3A_390 : i32
      %parallel_loop3A_395 = arith.remsi %parallel_loop3A_365, %parallel_loop3A_394 : i32
      %parallel_loop3A_396 = arith.constant 0 : i32
      %parallel_loop3A_397 = arith.cmpi ne, %parallel_loop3A_395, %parallel_loop3A_396 : i32
      %parallel_loop3A_398 = arith.constant 0 : i32
      %parallel_loop3A_399 = arith.cmpi slt, %parallel_loop3A_395, %parallel_loop3A_398 : i32
      %parallel_loop3A_400 = arith.constant 0 : i32
      %parallel_loop3A_401 = arith.cmpi slt, %parallel_loop3A_394, %parallel_loop3A_400 : i32
      %parallel_loop3A_402 = arith.xori %parallel_loop3A_399, %parallel_loop3A_401 : i1
      %parallel_loop3A_403 = arith.andi %parallel_loop3A_402, %parallel_loop3A_397 : i1
      %parallel_loop3A_404 = arith.addi %parallel_loop3A_395, %parallel_loop3A_394 : i32
      %parallel_loop3A_405 = arith.select %parallel_loop3A_403, %parallel_loop3A_404, %parallel_loop3A_395 : i32
      %parallel_loop3A_406 = arith.index_cast %parallel_loop3A_389 : i32 to index
      %parallel_loop3A_407 = arith.index_cast %parallel_loop3A_405 : i32 to index
      %parallel_loop3A_408 = tpu.vector_load %arg14[%parallel_loop3A_406, %parallel_loop3A_407] {strides = array<i32>} : memref<8x512xf32, #tpu.memory_space<vmem>>, vector<1x16xf32>,
      %parallel_loop3A_409 = vector.shape_cast %parallel_loop3A_408 : vector<1x16xf32> to vector<16xf32>
      %parallel_loop3A_410 = arith.constant 0 : i32
      %parallel_loop3A_411 = arith.index_cast %parallel_loop3A_410 : i32 to index
      %parallel_loop3A_412 = arith.index_cast %parallel_loop3A_389 : i32 to index
      %parallel_loop3A_413 = arith.index_cast %parallel_loop3A_405 : i32 to index
      %parallel_loop3A_414 = tpu.vector_load %arg15[%parallel_loop3A_411, %parallel_loop3A_412, %parallel_loop3A_413] {strides = array<i32>} : memref<4x8x512xf32, #tpu.memory_space<vmem>>, vector<1x1x16xf32>,
      %parallel_loop3A_415 = vector.shape_cast %parallel_loop3A_414 : vector<1x1x16xf32> to vector<16xf32>
      %parallel_loop3A_416 = arith.addf %parallel_loop3A_415, %parallel_loop3A_409 : vector<16xf32>
      %parallel_loop3A_417 = arith.constant 0 : i32
      %parallel_loop3A_418 = arith.index_cast %parallel_loop3A_417 : i32 to index
      %parallel_loop3A_419 = arith.index_cast %parallel_loop3A_389 : i32 to index
      %parallel_loop3A_420 = arith.index_cast %parallel_loop3A_405 : i32 to index
      %parallel_loop3A_421 = tpu.vector_load %arg19[%parallel_loop3A_418, %parallel_loop3A_419, %parallel_loop3A_420] {strides = array<i32>} : memref<4x8x512xf32, #tpu.memory_space<vmem>>, vector<1x1x16xf32>,
      %parallel_loop3A_422 = vector.shape_cast %parallel_loop3A_421 : vector<1x1x16xf32> to vector<16xf32>
      %parallel_loop3A_423 = vector.shape_cast %parallel_loop3A_416 : vector<16xf32> to vector<1x1x16xf32>
      tpu.vector_store %arg19[%parallel_loop3A_418, %parallel_loop3A_419, %parallel_loop3A_420], %parallel_loop3A_423 {strides = array<i32>} : memref<4x8x512xf32, #tpu.memory_space<vmem>>, vector<1x1x16xf32>,
      %parallel_loop3A_424 = arith.constant 1 : i32
      %parallel_loop3A_425 = arith.index_cast %parallel_loop3A_424 : i32 to index
      %parallel_loop3A_426 = arith.index_cast %parallel_loop3A_389 : i32 to index
      %parallel_loop3A_427 = arith.index_cast %parallel_loop3A_405 : i32 to index
      %parallel_loop3A_428 = tpu.vector_load %arg15[%parallel_loop3A_425, %parallel_loop3A_426, %parallel_loop3A_427] {strides = array<i32>} : memref<4x8x512xf32, #tpu.memory_space<vmem>>, vector<1x1x16xf32>,
      %parallel_loop3A_429 = vector.shape_cast %parallel_loop3A_428 : vector<1x1x16xf32> to vector<16xf32>
      %parallel_loop3A_430 = arith.addf %parallel_loop3A_429, %parallel_loop3A_409 : vector<16xf32>
      %parallel_loop3A_431 = arith.constant 1 : i32
      %parallel_loop3A_432 = arith.index_cast %parallel_loop3A_431 : i32 to index
      %parallel_loop3A_433 = arith.index_cast %parallel_loop3A_389 : i32 to index
      %parallel_loop3A_434 = arith.index_cast %parallel_loop3A_405 : i32 to index
      %parallel_loop3A_435 = tpu.vector_load %arg19[%parallel_loop3A_432, %parallel_loop3A_433, %parallel_loop3A_434] {strides = array<i32>} : memref<4x8x512xf32, #tpu.memory_space<vmem>>, vector<1x1x16xf32>,
      %parallel_loop3A_436 = vector.shape_cast %parallel_loop3A_435 : vector<1x1x16xf32> to vector<16xf32>
      %parallel_loop3A_437 = vector.shape_cast %parallel_loop3A_430 : vector<16xf32> to vector<1x1x16xf32>
      tpu.vector_store %arg19[%parallel_loop3A_432, %parallel_loop3A_433, %parallel_loop3A_434], %parallel_loop3A_437 {strides = array<i32>} : memref<4x8x512xf32, #tpu.memory_space<vmem>>, vector<1x1x16xf32>,
      %parallel_loop3A_438 = arith.constant 2 : i32
      %parallel_loop3A_439 = arith.index_cast %parallel_loop3A_438 : i32 to index
      %parallel_loop3A_440 = arith.index_cast %parallel_loop3A_389 : i32 to index
      %parallel_loop3A_441 = arith.index_cast %parallel_loop3A_405 : i32 to index
      %parallel_loop3A_442 = tpu.vector_load %arg15[%parallel_loop3A_439, %parallel_loop3A_440, %parallel_loop3A_441] {strides = array<i32>} : memref<4x8x512xf32, #tpu.memory_space<vmem>>, vector<1x1x16xf32>,
      %parallel_loop3A_443 = vector.shape_cast %parallel_loop3A_442 : vector<1x1x16xf32> to vector<16xf32>
      %parallel_loop3A_444 = arith.addf %parallel_loop3A_443, %parallel_loop3A_409 : vector<16xf32>
      %parallel_loop3A_445 = arith.constant 2 : i32
      %parallel_loop3A_446 = arith.index_cast %parallel_loop3A_445 : i32 to index
      %parallel_loop3A_447 = arith.index_cast %parallel_loop3A_389 : i32 to index
      %parallel_loop3A_448 = arith.index_cast %parallel_loop3A_405 : i32 to index
      %parallel_loop3A_449 = tpu.vector_load %arg19[%parallel_loop3A_446, %parallel_loop3A_447, %parallel_loop3A_448] {strides = array<i32>} : memref<4x8x512xf32, #tpu.memory_space<vmem>>, vector<1x1x16xf32>,
      %parallel_loop3A_450 = vector.shape_cast %parallel_loop3A_449 : vector<1x1x16xf32> to vector<16xf32>
      %parallel_loop3A_451 = vector.shape_cast %parallel_loop3A_444 : vector<16xf32> to vector<1x1x16xf32>
      tpu.vector_store %arg19[%parallel_loop3A_446, %parallel_loop3A_447, %parallel_loop3A_448], %parallel_loop3A_451 {strides = array<i32>} : memref<4x8x512xf32, #tpu.memory_space<vmem>>, vector<1x1x16xf32>,
      %parallel_loop3A_452 = arith.constant 3 : i32
      %parallel_loop3A_453 = arith.index_cast %parallel_loop3A_452 : i32 to index
      %parallel_loop3A_454 = arith.index_cast %parallel_loop3A_389 : i32 to index
      %parallel_loop3A_455 = arith.index_cast %parallel_loop3A_405 : i32 to index
      %parallel_loop3A_456 = tpu.vector_load %arg15[%parallel_loop3A_453, %parallel_loop3A_454, %parallel_loop3A_455] {strides = array<i32>} : memref<4x8x512xf32, #tpu.memory_space<vmem>>, vector<1x1x16xf32>,
      %parallel_loop3A_457 = vector.shape_cast %parallel_loop3A_456 : vector<1x1x16xf32> to vector<16xf32>
      %parallel_loop3A_458 = arith.addf %parallel_loop3A_457, %parallel_loop3A_409 : vector<16xf32>
      %parallel_loop3A_459 = arith.constant 3 : i32
      %parallel_loop3A_460 = arith.index_cast %parallel_loop3A_459 : i32 to index
      %parallel_loop3A_461 = arith.index_cast %parallel_loop3A_389 : i32 to index
      %parallel_loop3A_462 = arith.index_cast %parallel_loop3A_405 : i32 to index
      %parallel_loop3A_463 = tpu.vector_load %arg19[%parallel_loop3A_460, %parallel_loop3A_461, %parallel_loop3A_462] {strides = array<i32>} : memref<4x8x512xf32, #tpu.memory_space<vmem>>, vector<1x1x16xf32>,
      %parallel_loop3A_464 = vector.shape_cast %parallel_loop3A_463 : vector<1x1x16xf32> to vector<16xf32>
      %parallel_loop3A_465 = vector.shape_cast %parallel_loop3A_458 : vector<16xf32> to vector<1x1x16xf32>
      tpu.vector_store %arg19[%parallel_loop3A_460, %parallel_loop3A_461, %parallel_loop3A_462], %parallel_loop3A_465 {strides = array<i32>} : memref<4x8x512xf32, #tpu.memory_space<vmem>>, vector<1x1x16xf32>,
    } {sc.loop_unroll_factor = 8 : i64, sc.parallel_access}
    %add3A_341 = arith.constant 248 : i32
    %add3A_342 = arith.addi %mul3A_2, %add3A_341 : i32
    %dma_start3A_343 = arith.constant 0 : i32
    %dma_start3A_344 = arith.constant 512 : i32
    %dma_start3A_345 = tpu.memref_slice %arg4[%dma_start3A_343, %add3A_342, %dma_start3A_344] : memref<4x8192x1024xf32, #tpu.memory_space<hbm>> -> memref<4x8x512xf32, #tpu.memory_space<hbm>>
    %dma_start3A_346 = arith.constant 0 : i32
    %dma_start3A_347 = arith.constant 512 : i32
    %dma_start3A_348 = tpu.memref_slice %arg4[%dma_start3A_346, %add3A_342, %dma_start3A_347] : memref<4x8192x1024xf32, #tpu.memory_space<hbm>> -> memref<4x8x512xf32, #tpu.memory_space<hbm>>
    tpu.enqueue_dma source(%arg19 : memref<4x8x512xf32, #tpu.memory_space<vmem>>) target(%dma_start3A_348 : memref<4x8x512xf32, #tpu.memory_space<hbm>>) target_semaphore(%arg20 : memref<!tpu.dma_semaphore, #tpu.memory_space<semaphore_mem>>)
    %dma_wait3A_349 = arith.constant 0 : i32
    %dma_wait3A_350 = arith.constant 0 : i32
    %dma_wait3A_351 = arith.constant 0 : i32
    %dma_wait3A_352 = tpu.memref_slice %arg4[%dma_wait3A_349, %dma_wait3A_350, %dma_wait3A_351] : memref<4x8192x1024xf32, #tpu.memory_space<hbm>> -> memref<4x8x512xf32, #tpu.memory_space<hbm>>
    %dma_wait3A_353 = arith.constant 0 : i32
    %dma_wait3A_354 = arith.constant 0 : i32
    %dma_wait3A_355 = arith.constant 0 : i32
    %dma_wait3A_356 = tpu.memref_slice %arg4[%dma_wait3A_353, %dma_wait3A_354, %dma_wait3A_355] : memref<4x8192x1024xf32, #tpu.memory_space<hbm>> -> memref<4x8x512xf32, #tpu.memory_space<hbm>>
    tpu.wait_dma2 semaphore(%arg18 : memref<!tpu.dma_semaphore, #tpu.memory_space<semaphore_mem>>) src(%arg17 : memref<4x8x512xf32, #tpu.memory_space<vmem>>) dst(%dma_wait3A_356 : memref<4x8x512xf32, #tpu.memory_space<hbm>>)
    %dma_wait3A_357 = arith.constant 0 : i32
    %dma_wait3A_358 = arith.constant 0 : i32
    %dma_wait3A_359 = arith.constant 0 : i32
    %dma_wait3A_360 = tpu.memref_slice %arg4[%dma_wait3A_357, %dma_wait3A_358, %dma_wait3A_359] : memref<4x8192x1024xf32, #tpu.memory_space<hbm>> -> memref<4x8x512xf32, #tpu.memory_space<hbm>>
    %dma_wait3A_361 = arith.constant 0 : i32
    %dma_wait3A_362 = arith.constant 0 : i32
    %dma_wait3A_363 = arith.constant 0 : i32
    %dma_wait3A_364 = tpu.memref_slice %arg4[%dma_wait3A_361, %dma_wait3A_362, %dma_wait3A_363] : memref<4x8192x1024xf32, #tpu.memory_space<hbm>> -> memref<4x8x512xf32, #tpu.memory_space<hbm>>
    tpu.wait_dma2 semaphore(%arg20 : memref<!tpu.dma_semaphore, #tpu.memory_space<semaphore_mem>>) src(%arg19 : memref<4x8x512xf32, #tpu.memory_space<vmem>>) dst(%dma_wait3A_364 : memref<4x8x512xf32, #tpu.memory_space<hbm>>)
    return
  }
}

</mosaic_0001>

<sc_bundles>
// kernel: kernel.3.cloned.1.call-start
scs
__scs_entry_jumppad:
0x0: {  	(pc) =	sbr.rel $0x88, $3  }
0x1: {  	(tag) =	ssettag $0x0;
	lr =	simm.s32 $0x1  }
0x2: {  	[smem:$0x3F9F] =	sst lr;
	_ =	strace $0xD0000000  }
0x3: {  	_ = 	snop  }
0x4: {  	_ = 	snop  }
0x5: {  	_ = 	snop  }
0x6: {  	_ = 	snop  }
0x7: {  	_ = 	snop  }
__scs_overlays_trampoline_lowered:
0x8: {  	[smem:$0x3FAE] =	sst s0  }
0x9: {  	[smem:$0x3FAF] =	sst s1  }
0xa: {  	[smem:$0x3FB0] =	sst s2  }
0xb: {  	[smem:$0x3FB1] =	sst s3  }
0xc: {  	[smem:$0x3FB2] =	sst s4  }
0xd: {  	[smem:$0x3FB3] =	sst s5  }
0xe: {  	[smem:$0x3FB4] =	sst s6  }
0xf: {  	[smem:$0x3FB5] =	sst s7  }
0x10: {  	[smem:$0x3FB6] =	sst s8  }
0x11: {  	[smem:$0x3FB7] =	sst s9;
	s0 =	simm.s32 @!p0 $0x0  }
0x12: {  	s1 =	sld [smem:$0x3F9D];
	s0 =	simm.s32 @p0 $0x1  }
0x13: {  	[smem:$0x3FB8] =	sst s0;
	s0 =	simm.s32 @!p1 $0x0  }
0x14: {  	s2 =	sld [smem:$0x3F9C];
	s0 =	simm.s32 @p1 $0x1  }
0x15: {  	[smem:$0x3FB9] =	sst s0;
	s0 =	simm.s32 @!p2 $0x0  }
0x16: {  	s3 =	sld [smem:$0x3FDB];
	s0 =	simm.s32 @p2 $0x1  }
0x17: {  	s4 =	simm.s32 $0x1BF5;
	[smem:$0x3FBB] =	sst s0  }
0x18: {  	s0 =	sld [smem:$0x3F9E];
	_ =	swait.ge [sflag:s4], $0x0  }
0x19: {  	s7 =	sld [smem:$0x3F9F]  }
0x1a: {  	s8 =	sadd.s32 $0xFFFFE003, lr  }
0x1b: {  	s9 =	sadd.s32 $0xFFFFFEF7, lr;
	s5 =	simm.s32 $0xFFFFFFFF;
	p2 =	slt.u32 s8, $0xFFFFF086  }
0x1c: {  	p1 =	slt.u32 s9, $0xF7A;
	s5 =	simm.s32 @!p2 $0x0  }
0x1d: {  	s5 =	simm.s32 @p1 $0x1;
	p0 =	seq.s32 s7, s2  }
0x1e: {  	s7 =	smul.u32 @!p0 $0xF7A, s2;
	p2 =	seq.s32 @!p0 s5, $0x0  }
0x1f: {  	s9 =	smul.u32 $0xF7A, s1;
	s8 =	simm.s32 @!p0 $0x1BF5;
	p2 =	por !p2, p0  }
0x20: {  	[sflag:s8] =	ssyncset.s32 @!p0 $0xFFFFF086;
	s6 =	sadd.s32 @!p0 s3, s7;
	s7 =	simm.s32 @!p0 $0x108  }
0x21: {  	s3 =	sadd.s32 s3, s9;
	s6 =	sadd.s32 @!p0 $0x88, s6;
	s7 =	simm.s32 @p2 $0x1082  }
0x22: {  	[simem:s7], [sflag:s8] =	dma.local @!p0 [hbm:s6], $0xF7A  }
0x23: {  	s9 =	sor.u32 $0xD0000000, s2;
	s6 =	simm.s32 $0x108;
	_ =	swait.ge @!p0 [sflag:s8], $0x0  }
0x24: {  	s3 =	sadd.s32 $0x88, s3;
	s6 =	simm.s32 @!p1 $0x1082;
	[sflag:s4] =	ssyncset.s32 $0xFFFFF086  }
0x25: {  	[simem:s6], [sflag:s4] =	dma.local [hbm:s3], $0xF7A  }
0x26: {  	[smem:$0x3F9F] =	sst s1;
	(tag) =	ssettag s2;
	_ =	strace s9  }
0x27: {  	s1 =	sld [smem:$0x3FAF]  }
0x28: {  	s2 =	sld [smem:$0x3FB0]  }
0x29: {  	s4 =	sld [smem:$0x3FB2]  }
0x2a: {  	p0 =	seq.s32 s5, $0x0;
	s5 =	sld [smem:$0x3FB3]  }
0x2b: {  	s6 =	sld [smem:$0x3FB4]  }
0x2c: {  	s7 =	sld [smem:$0x3FB5]  }
0x2d: {  	s3 =	simm.s32 $0x108;
	s8 =	sld [smem:$0x3FB6]  }
0x2e: {  	s3 =	simm.s32 @!p0 $0x1082;
	s9 =	sld [smem:$0x3FB7]  }
0x2f: {  	lr =	sadd.s32 s0, s3;
	s0 =	sld [smem:$0x3FAE]  }
0x30: {  	s3 =	sld [smem:$0x3FB1]  }
0x31: {  	[smem:$0x3FBA] =	sst s10  }
0x32: {  	s10 =	sld [smem:$0x3FB8];
	_ =	sdelay $0x3  }
0x33: {  	p0 =	seq.s32 s10, $0x1;
	s10 =	sld [smem:$0x3FBA];
	_ =	sdelay $0x3  }
0x34: {  	[smem:$0x3FBA] =	sst s10  }
0x35: {  	s10 =	sld [smem:$0x3FB9];
	_ =	sdelay $0x3  }
0x36: {  	p1 =	seq.s32 s10, $0x1;
	s10 =	sld [smem:$0x3FBA];
	_ =	sdelay $0x3  }
0x37: {  	[smem:$0x3FBA] =	sst s10  }
0x38: {  	s10 =	sld [smem:$0x3FBB]  }
0x39: {  	_ = 	snop;
	(pc) =	sbr.ind lr, $3  }
0x3a: {  	_ = 	snop  }
0x3b: {  	_ = 	snop  }
0x3c: {  	p2 =	seq.s32 s10, $0x1;
	s10 =	sld [smem:$0x3FBA]  }
0x3d: {  	_ =	shalt  }
0x3e: {  	_ =	shalt  }
0x3f: {  	_ =	shalt  }
0x40: {  	_ =	shalt  }
0x41: {  	_ =	shalt  }
0x42: {  	_ =	shalt  }
0x43: {  	_ =	shalt  }
0x44: {  	_ =	shalt  }
0x45: {  	_ =	shalt  }
0x46: {  	_ =	shalt  }
0x47: {  	_ =	shalt  }
0x48: {  	_ =	shalt  }
0x49: {  	_ =	shalt  }
0x4a: {  	_ =	shalt  }
0x4b: {  	_ =	shalt  }
0x4c: {  	_ =	shalt  }
0x4d: {  	_ =	shalt  }
0x4e: {  	_ =	shalt  }
0x4f: {  	_ =	shalt  }
0x50: {  	_ =	shalt  }
0x51: {  	_ =	shalt  }
0x52: {  	_ =	shalt  }
0x53: {  	_ =	shalt  }
0x54: {  	_ =	shalt  }
0x55: {  	_ =	shalt  }
0x56: {  	_ =	shalt  }
0x57: {  	_ =	shalt  }
0x58: {  	_ =	shalt  }
0x59: {  	_ =	shalt  }
0x5a: {  	_ =	shalt  }
0x5b: {  	_ =	shalt  }
0x5c: {  	_ =	shalt  }
0x5d: {  	_ =	shalt  }
0x5e: {  	_ =	shalt  }
0x5f: {  	_ =	shalt  }
0x60: {  	_ =	shalt  }
0x61: {  	_ =	shalt  }
0x62: {  	_ =	shalt  }
0x63: {  	_ =	shalt  }
0x64: {  	_ =	shalt  }
0x65: {  	_ =	shalt  }
0x66: {  	_ =	shalt  }
0x67: {  	_ =	shalt  }
0x68: {  	_ =	shalt  }
0x69: {  	_ =	shalt  }
0x6a: {  	_ =	shalt  }
0x6b: {  	_ =	shalt  }
0x6c: {  	_ =	shalt  }
0x6d: {  	_ =	shalt  }
0x6e: {  	_ =	shalt  }
0x6f: {  	_ =	shalt  }
0x70: {  	_ =	shalt  }
0x71: {  	_ =	shalt  }
0x72: {  	_ =	shalt  }
0x73: {  	_ =	shalt  }
0x74: {  	_ =	shalt  }
0x75: {  	_ =	shalt  }
0x76: {  	_ =	shalt  }
0x77: {  	_ =	shalt  }
0x78: {  	_ =	shalt  }
0x79: {  	_ =	shalt  }
0x7a: {  	_ =	shalt  }
0x7b: {  	_ =	shalt  }
0x7c: {  	_ =	shalt  }
0x7d: {  	_ =	shalt  }
0x7e: {  	_ =	shalt  }
0x7f: {  	_ =	shalt  }
0x80: {  	_ =	shalt  }
0x81: {  	_ =	shalt  }
0x82: {  	_ =	shalt  }
0x83: {  	_ =	shalt  }
0x84: {  	_ =	shalt  }
0x85: {  	_ =	shalt  }
0x86: {  	_ =	shalt  }
0x87: {  	_ =	shalt  }
.Lfunc_end0:
.L_simem_size_0:
called_computation_lowered:
.L_overlay_start_0:
0x88: {  	s2 =	sld [smem:$0x3FD9]  }
0x89: {  	s3 =	sld [smem:$0x3FFE];
	_ =	sdelay $0x1  }
0x8a: {  	s1 =	srdreg.scid  }
0x8b: {  	s0 =	sand.u32 $0x1, s1  }
0x8c: {  	s18 =	sshll.u32 s0, $0xA;
	s2 =	sadd.s32 s3, s2  }
0x8d: {  	s2 =	sadd.s32 s2, s18  }
0x8e: {  	[smem:$0x3FC6] =	sst s2  }
0x8f: {  	_ = 	snop  }
0x90: {  	s2 =	sld [smem:$0x3FC9]  }
0x91: {  	s19 =	sld [smem:$0x3FC8]  }
0x92: {  	s4 =	sld [smem:$0x3FD0];
	(tm) =	ssettm $0x1  }
0x93: {  	s5 =	sld [smem:$0x3FFB];
	_ =	sdelay $0x3  }
0x94: {  	_ =	strace s5  }
0x95: {  	s5 =	sld [smem:$0x3FFC];
	_ =	sdelay $0x3  }
0x96: {  	_ =	strace s5  }
0x97: {  	s5 =	sld [smem:$0x3FFD];
	_ =	sdelay $0x3  }
0x98: {  	_ =	strace s5  }
0x99: {  	_ =	strace $0x8FFFFFFF  }
0x9a: {  	s20 =	sld [smem:$0x3FDB];
	_ =	sdelay $0x1  }
0x9b: {  	s6 =	simm.s32 $_scs_section_size  }
0x9c: {  	s7 =	simm.s32 $_size__tile_overlayer_lowered;
	s8 =	simm.s32 $_tile_overlayer_lowered  }
0x9d: {  	s23 =	simm.s32 $0x1BFF;
	s22 =	sshll.u32 s8, $0x1;
	s5 =	sadd.s32 s6, s20  }
0x9e: {  	s9 =	simm.s32 $0x0;
	s21 =	sshll.u32 s7, $0x1;
	s7 =	sadd.s32 s22, s5  }
0x9f: {  	[timem:s9], [sflag:s23] =	dma.local [hbm:s7], s21  }
0xa0: {  	_ =	swait.ge [sflag:s23], s21  }
0xa1: {  	s6 =	ssub.s32 $0x0, s21;
	[sflag:s23] =	ssyncset.done $0x0  }
0xa2: {  	[sflag:s23] =	ssyncadd.s32 s6;
	_ =	sdelay $0x1  }
0xa3: {  	s24 =	simm.s32 $0x1B8B  }
0xa4: {  	_ =	swait.ge [sflag:s24], $0x1  }
0xa5: {  	[sflag:s24] =	ssyncset.done $0x0  }
0xa6: {  	s25 =	simm.s32 $0x1B8E;
	[sflag:s24] =	ssyncadd.s32 $0xFFFFFFFF  }
0xa7: {  	s26 =	simm.s32 $execute0_lowered;
	[smem:$0x3FD2] =	sst s25  }
0xa8: {  	s6 =	sshll.u32 s26, $0x1;
	_ =	strace $0x80000046;
	[dreg:$0x1] =	wrdreg $0xFFFFFFFF  }
0xa9: {  	s28 =	simm.s32 $_size_execute0_lowered;
	s5 =	sadd.s32 s5, s6;
	[dreg:$0x0] =	wrdreg $0x0  }
0xaa: {  	s6 =	sshll.u32 s28, $0x1;
	[dreg:$0x2] =	wrdreg s5  }
0xab: {  	[dreg:$0x3] =	wrdreg s6  }
0xac: {  	[dreg:$0x4] =	wrdreg $0xC0  }
0xad: {  	_ =	task [dreg:s9], $0x5FFFF  }
0xae: {  	[dreg:$0x1] =	wrdreg $0xFFFFFFFF  }
0xaf: {  	[dreg:$0x0] =	wrdreg $0x60  }
0xb0: {  	[dreg:$0x2] =	wrdreg s2  }
0xb1: {  	[dreg:$0x3] =	wrdreg s19  }
0xb2: {  	[dreg:$0x4] =	wrdreg s4  }
0xb3: {  	[dreg:$0x5] =	wrdreg $0x9  }
0xb4: {  	_ =	task.clear_ibuf [dreg:s9], $0x6FFFF;
	_ =	strace $0x90000046  }
0xb5: {  	s29 =	simm.s32 $0x9;
	_ =	strace $0x80000048  }
0xb6: {  	_ =	swait.ge [sflag:s29], $0x1  }
0xb7: {  	[sflag:s29] =	ssyncadd.s32 $0xFFFFFFFF  }
0xb8: {  	_ =	strace $0x90000048  }
0xb9: {  	_ =	sfence  }
0xba: {  	s30 =	sld [smem:$0x0];
	_ =	sdelay $0x2  }
0xbb: {  	s31 =	sshll.u32 s1, $0xD;
	s1 =	sshrl.u32 s1, $0x2  }
0xbc: {  	s3 =	sand.u32 $0x4000, s31;
	s1 =	sadd.s32 s1, s30  }
0xbd: {  	s0 =	sor.u32 s3, s0;
	s1 =	sshll.u32 s1, $0x11  }
0xbe: {  	s0 =	sor.u32 s1, s0  }
0xbf: {  	s0 =	sadd.s32 $0x8F2B, s0  }
0xc0: {  	[sflag:s0] =	ssyncadd.remote.s32 $0x1  }
0xc1: {  	_ =	sfence.sel $0xFFFF  }
0xc2: {  	[dreg:$0x0] =	wrdreg $0xFFFFFFFF;
	(pc) =	sbr.abs _section_cstart, $3  }
0xc3: {  	[dreg:$0x1] =	wrdreg $0xFFFFFFFF  }
0xc4: {  	_ =	task.clear_ibuf [dreg:s9], $0x2FFFF;
	_ =	strace $0x9FFFFFFF  }
0xc5: {  	(tm) =	ssettm $0x7FFFFFFF  }
tec
execute0_lowered:
.L_overlay_start_1:
0x0: {  	(tag) =	ssettag $0x1  }
0x1: {  	s1 =	rddreg [dreg:$0x0];
	s0 =	srdreg.scid  }
0x2: {  	s3 =	rddreg [dreg:$0x1];
	s2 =	stileid.u32  }
0x3: {  	s4 =	rddreg [dreg:$0x2];
	s6 =	simm.s32 $0x0;
	s0 =	sand.u32 $0x1, s0  }
0x4: {  	s2 =	sshll.u32 s2, $0x9;
	s5 =	sshll.u32 s0, $0x8;
	s0 =	ssub.s32 $0x2, s0  }
0x5: {  	[smem:$0x7FF] =	sst s6;
	s7 =	sor.u32 s5, s2;
	s19 =	sshrl.u32 s0, $0x1  }
0x6: {  	_ =	strace $0x80000047;
	s10 =	sshll.u32 s7, $0x7;
	s0 =	ssub.s32 s0, s19  }
0x7: {  	s20 =	sor.u32 $0x200, s10;
	s0 =	smax.u32 s0, $0x1;
	[dreg:$0x4] =	wrdreg s10  }
0x8: {  	s21 =	sadd.s32 s3, s20;
	[dreg:$0x17] =	wrdreg s0  }
0x9: {  	s22 =	sor.u32 $0x400, s10;
	s23 =	sadd.s32 s1, s20;
	[dreg:$0x5] =	wrdreg s21  }
0xa: {  	s24 =	sadd.s32 s3, s22;
	[dreg:$0x6] =	wrdreg s23  }
0xb: {  	s25 =	sor.u32 $0x600, s10;
	s8 =	sadd.s32 s1, s22;
	[dreg:$0x7] =	wrdreg s24  }
0xc: {  	s26 =	sadd.s32 s3, s25;
	[dreg:$0x8] =	wrdreg s8  }
0xd: {  	s30 =	sor.u32 $0x800, s10;
	s9 =	sadd.s32 s1, s25;
	[dreg:$0x9] =	wrdreg s26  }
0xe: {  	s31 =	sadd.s32 s3, s30;
	[dreg:$0xa] =	wrdreg s9  }
0xf: {  	s11 =	sor.u32 $0xA00, s10;
	s5 =	sadd.s32 s4, s20;
	[dreg:$0xb] =	wrdreg s31  }
0x10: {  	s12 =	sadd.s32 s3, s11;
	[dreg:$0xd] =	wrdreg s5  }
0x11: {  	s13 =	sadd.s32 s1, s11;
	[dreg:$0xe] =	wrdreg s12  }
0x12: {  	s14 =	sor.u32 $0xC00, s10;
	s2 =	sadd.s32 s4, s22;
	[dreg:$0xf] =	wrdreg s13  }
0x13: {  	s15 =	sadd.s32 s3, s14;
	[dreg:$0x10] =	wrdreg s2  }
0x14: {  	s16 =	sor.u32 $0x7E00, s10;
	s17 =	sadd.s32 s4, s25;
	[dreg:$0x11] =	wrdreg s15  }
0x15: {  	s18 =	sadd.s32 s3, s16;
	[dreg:$0x13] =	wrdreg s17  }
0x16: {  	s19 =	sadd.s32 s1, s16;
	[dreg:$0x14] =	wrdreg s18  }
0x17: {  	s20 =	sadd.s32 s3, s10;
	[dreg:$0x15] =	wrdreg s19  }
0x18: {  	s25 =	sadd.s32 $0x200, s4;
	[dreg:$0x18] =	wrdreg s20  }
0x19: {  	s22 =	sadd.s32 s4, s10;
	[dreg:$0x1d] =	wrdreg s25  }
0x1a: {  	s8 =	sadd.s32 s1, s30;
	[dreg:$0x1a] =	wrdreg s22  }
0x1b: {  	s28 =	simm.s32 $0x4;
	s2 =	sadd.s32 s1, s14;
	[dreg:$0xc] =	wrdreg s8  }
0x1c: {  	s29 =	simm.s32 $0x6;
	s21 =	sadd.s32 s1, s10;
	[dreg:$0x12] =	wrdreg s2  }
0x1d: {  	s23 =	sshrl.u32 s7, $0x3;
	s24 =	sor.u32 $0x10, s7;
	[dreg:$0x19] =	wrdreg s21  }
0x1e: {  	s9 =	smov.u32 s7;
	s26 =	sor.u32 $0x18, s7;
	[dreg:$0x1c] =	wrdreg s24  }
0x1f: {  	s30 =	sadd.s32 $0x7800, s22;
	s31 =	sadd.s32 $0x7A00, s22;
	[dreg:$0x1b] =	wrdreg s23  }
0x20: {  	s0 =	sadd.s32 $0x7C00, s22;
	s13 =	simm.s32 $0x800000;
	[dreg:$0x1f] =	wrdreg s26  }
0x21: {  	s14 =	simm.s32 $0x1000;
	s19 =	simm.s32 $0x1;
	[smem:$0x7FB] =	sst s30  }
0x22: {  	s22 =	simm.s32 $0x14000;
	s25 =	simm.s32 $0x3;
	[smem:$0x7FC] =	sst s31  }
0x23: {  	s2 =	sadd.s32 s4, s16;
	[smem:$0x7FD] =	sst s0;
	s24 =	simm.s32 $0x18000  }
0x24: {  	s26 =	simm.s32 $0x5;
	[dreg:$0x16] =	wrdreg s2;
	s2 =	sor.u32 $0x2, s23  }
0x25: {  	s23 =	simm.s32 $0x2;
	[dreg:$0x1e] =	wrdreg s2;
	s2 =	simm.s32 $0x0  }
.LBB2_1:
0x26: {  	[smem:$0x7FA] =	sst s2  }
0x27: {  	s7 =	simm.s32 $0x0;
	s0 =	rddreg [dreg:$0x18]  }
0x28: {  	[tilespmem:s7], [sflag:$0x1] =	stream.linear.gather [hbm4b:s0+s7], $0x1000, $0x38;
	[tilespmem:$0x1C000] =	vst v63  }
0x29: {  	s18 =	rddreg [dreg:$0x19]  }
0x2a: {  	[tilespmem:s14], [sflag:$0x1] =	stream.strided.gather [hbm4b:s18+s14], $0x4000, s13, s14, $0x38;
	[tilespmem:$0x1C000] =	vst v63  }
0x2b: {  	s20 =	rddreg [dreg:$0x5];
	s21 =	simm.s32 $0x5000  }
0x2c: {  	[tilespmem:s21], [sflag:$0x2] =	stream.linear.gather [hbm4b:s20+s7], $0x1000, $0x38;
	[tilespmem:$0x1C000] =	vst v63  }
0x2d: {  	s30 =	rddreg [dreg:$0x6];
	s31 =	simm.s32 $0x6000  }
0x2e: {  	[tilespmem:s31], [sflag:$0x2] =	stream.strided.gather [hbm4b:s30+s14], $0x4000, s13, s14, $0x38;
	[tilespmem:$0x1C000] =	vst v63  }
0x2f: {  	s2 =	rddreg [dreg:$0x7];
	s5 =	simm.s32 $0xA000  }
0x30: {  	[tilespmem:s5], [sflag:$0x3] =	stream.linear.gather [hbm4b:s2+s7], $0x1000, $0x38;
	[tilespmem:$0x1C000] =	vst v63  }
0x31: {  	s6 =	rddreg [dreg:$0x8];
	s8 =	simm.s32 $0xB000  }
0x32: {  	[tilespmem:s8], [sflag:$0x3] =	stream.strided.gather [hbm4b:s6+s14], $0x4000, s13, s14, $0x38;
	[tilespmem:$0x1C000] =	vst v63  }
0x33: {  	_ =	swait.ge [sflag:s19], $0x1000  }
0x34: {  	[sflag:s19] =	ssyncset.done $0x0  }
0x35: {  	[sflag:s19] =	ssyncadd.s32 $0xFFFFF000  }
0x36: {  	s16 =	sand.u32 $0x3, s7;
	_ =	swait.ge [sflag:s19], $0x4000  }
0x37: {  	s11 =	simm.s32 $0xF000;
	s0 =	sshll.u32 s16, $0xA;
	[sflag:s19] =	ssyncset.done $0x0  }
0x38: {  	s0 =	sadd.s32 $0x0, s0;
	s10 =	rddreg [dreg:$0x9];
	[sflag:s19] =	ssyncadd.s32 $0xFFFFC000  }
0x39: {  	[tilespmem:s11], [sflag:$0x4] =	stream.linear.gather [hbm4b:s10+s7], $0x1000, $0x38;
	[tilespmem:$0x1C000] =	vst v63  }
0x3a: {  	s15 =	simm.s32 $0x10000;
	s17 =	sor.u32 $0x70, s0;
	s12 =	rddreg [dreg:$0xa]  }
0x3b: {  	[tilespmem:s15], [sflag:$0x4] =	stream.strided.gather [hbm4b:s12+s14], $0x4000, s13, s14, $0x38;
	[tilespmem:$0x1C000] =	vst v63  }
0x3c: {  	v1 =	vld [tilespmem:s17+$0x0]  }
0x3d: {  	s6 =	sor.u32 $0x60, s0;
	v0 =	vld [tilespmem:s17+$0x1000]  }
0x3e: {  	v2 =	vld [tilespmem:s6+$0x0]  }
0x3f: {  	s5 =	sand.u32 $0xC00, s7;
	s10 =	sand.u32 $0x380, s7;
	v3 =	vld [tilespmem:s6+$0x1000]  }
0x40: {  	s5 =	sor.u32 s10, s5  }
0x41: {  	v4 =	vld [tilespmem:s5+$0x0]  }
0x42: {  	v5 =	vld [tilespmem:s5+$0x1000]  }
0x43: {  	v6 =	vld [tilespmem:s5+$0x2000];
	v0 =	vadd.f32 v0, v1  }
0x44: {  	v7 =	vld [tilespmem:s5+$0x3000];
	v3 =	vadd.f32 v3, v2  }
0x45: {  	s18 =	sor.u32 $0x1070, s0;
	v8 =	vld [tilespmem:s5+$0x4000];
	[tilespmem:s17+$0x14000] =	vst v0  }
0x46: {  	s20 =	sor.u32 $0x1060, s0;
	[tilespmem:s6+$0x14000] =	vst v3;
	v0 =	vld [tilespmem:s18+$0x1000]  }
0x47: {  	v3 =	vld [tilespmem:s20+$0x1000]  }
0x48: {  	v9 =	vld [tilespmem:s5+$0x10]  }
0x49: {  	v10 =	vld [tilespmem:s5+$0x1010];
	v5 =	vadd.f32 v5, v4  }
0x4a: {  	v11 =	vld [tilespmem:s5+$0x2010];
	v6 =	vadd.f32 v6, v4  }
0x4b: {  	v12 =	vld [tilespmem:s5+$0x3010];
	[tilespmem:s5+$0x14000] =	vst v5;
	v0 =	vadd.f32 v0, v1  }
0x4c: {  	v59 =	vld [tilespmem:s5+$0x2020];
	[tilespmem:s5+$0x15000] =	vst v6;
	v3 =	vadd.f32 v3, v2  }
0x4d: {  	s21 =	sor.u32 $0x2070, s0;
	v5 =	vld [tilespmem:s5+$0x4010];
	[tilespmem:s18+$0x14000] =	vst v0  }
0x4e: {  	s30 =	sor.u32 $0x2060, s0;
	v7 =	vadd.f32 v7, v4;
	[tilespmem:s20+$0x14000] =	vst v3;
	v6 =	vld [tilespmem:s21+$0x1000]  }
0x4f: {  	v4 =	vadd.f32 v8, v4;
	v8 =	vld [tilespmem:s30+$0x1000]  }
0x50: {  	[tilespmem:s5+$0x16000] =	vst v7;
	v7 =	vadd.f32 v10, v9;
	v0 =	vld [tilespmem:s5+$0x20]  }
0x51: {  	[tilespmem:s5+$0x17000] =	vst v4;
	v4 =	vadd.f32 v11, v9;
	v3 =	vld [tilespmem:s5+$0x1020]  }
0x52: {  	v60 =	vld [tilespmem:s5+$0x3020];
	[tilespmem:s5+$0x14010] =	vst v7;
	v7 =	vadd.f32 v12, v9  }
0x53: {  	[tilespmem:s5+$0x15010] =	vst v4;
	v4 =	vld [tilespmem:s5+$0x4020];
	v6 =	vadd.f32 v6, v1  }
0x54: {  	[tilespmem:s5+$0x16010] =	vst v7;
	v7 =	vld [tilespmem:s5+$0x30];
	v8 =	vadd.f32 v8, v2  }
0x55: {  	v5 =	vadd.f32 v5, v9;
	[tilespmem:s21+$0x14000] =	vst v6;
	v6 =	vld [tilespmem:s5+$0x1030]  }
0x56: {  	s31 =	sor.u32 $0x3070, s0;
	v3 =	vadd.f32 v3, v0;
	[tilespmem:s30+$0x14000] =	vst v8;
	v8 =	vld [tilespmem:s5+$0x2030]  }
0x57: {  	s0 =	sor.u32 $0x3060, s0;
	[tilespmem:s5+$0x17010] =	vst v5;
	v61 =	vadd.f32 v59, v0;
	v5 =	vld [tilespmem:s31+$0x1000]  }
0x58: {  	[tilespmem:s5+$0x14020] =	vst v3;
	v3 =	vadd.f32 v60, v0;
	v62 =	vld [tilespmem:s0+$0x1000]  }
0x59: {  	[tilespmem:s5+$0x15020] =	vst v61;
	v0 =	vadd.f32 v4, v0;
	v4 =	vld [tilespmem:s5+$0x3030]  }
0x5a: {  	[tilespmem:s5+$0x16020] =	vst v3;
	v3 =	vadd.f32 v6, v7;
	v6 =	vld [tilespmem:s5+$0x4030]  }
0x5b: {  	[tilespmem:s5+$0x17020] =	vst v0;
	v0 =	vld [tilespmem:s5+$0x40];
	v8 =	vadd.f32 v8, v7  }
0x5c: {  	v1 =	vadd.f32 v5, v1;
	v5 =	vld [tilespmem:s5+$0x1040];
	[tilespmem:s5+$0x14030] =	vst v3  }
0x5d: {  	v63 =	vadd.f32 v62, v2;
	v3 =	vld [tilespmem:s5+$0x2040];
	[tilespmem:s5+$0x15030] =	vst v8  }
0x5e: {  	[tilespmem:s31+$0x14000] =	vst v1;
	v1 =	vadd.f32 v4, v7;
	v4 =	vld [tilespmem:s5+$0x3040]  }
0x5f: {  	s11 =	simm.s32 $0x400;
	v2 =	vld [tilespmem:s5+$0x4040];
	[tilespmem:s0+$0x14000] =	vst v63;
	v6 =	vadd.f32 v6, v7  }
0x60: {  	s10 =	simm.s32 $0x0;
	s12 =	simm.s32 $0x1;
	s15 =	simm.s32 $0x0;
	[tilespmem:s5+$0x16030] =	vst v1;
	v1 =	vld [tilespmem:s5+$0x50]  }
.LBB2_2:
0x61: {  	s0 =	sand.u32 $0x3, s12;
	s6 =	sand.u32 $0xC00, s11;
	[tilespmem:s5+$0x17030] =	vst v6;
	v5 =	vadd.f32 v5, v0;
	v6 =	vld [tilespmem:s5+$0x1050]  }
0x62: {  	s10 =	sadd.s32 $0x80, s10;
	s15 =	sadd.s32 $0x20, s15;
	s0 =	sshll.u32 s0, $0xA;
	v3 =	vadd.f32 v3, v0;
	v7 =	vld [tilespmem:s5+$0x2050]  }
0x63: {  	p0 =	slt.u32 s10, $0xF80;
	s17 =	sadd.s32 s0, s15;
	s0 =	sand.u32 $0x380, s15;
	[tilespmem:s5+$0x14040] =	vst v5;
	v4 =	vadd.f32 v4, v0;
	v5 =	vld [tilespmem:s5+$0x3050]  }
0x64: {  	s18 =	sor.u32 $0x60, s17;
	s2 =	sor.u32 $0x1060, s17;
	s20 =	sor.u32 $0x70, s17;
	[tilespmem:s5+$0x15040] =	vst v3;
	v0 =	vadd.f32 v2, v0;
	v2 =	vld [tilespmem:s5+$0x4050]  }
0x65: {  	s0 =	sor.u32 s0, s6;
	s6 =	sor.u32 $0x2060, s17;
	s16 =	sor.u32 $0x3060, s17;
	v3 =	vld [tilespmem:s20+$0x0];
	[tilespmem:s5+$0x16040] =	vst v4  }
0x66: {  	v4 =	vld [tilespmem:s20+$0x1000];
	[tilespmem:s5+$0x17040] =	vst v0;
	v0 =	vadd.f32 v6, v1  }
0x67: {  	v6 =	vld [tilespmem:s18+$0x0];
	v7 =	vadd.f32 v7, v1  }
0x68: {  	v8 =	vld [tilespmem:s18+$0x1000];
	[tilespmem:s5+$0x14050] =	vst v0;
	v0 =	vadd.f32 v5, v1  }
0x69: {  	v5 =	vld [tilespmem:s0+$0x0];
	[tilespmem:s5+$0x15050] =	vst v7;
	v1 =	vadd.f32 v2, v1  }
0x6a: {  	v2 =	vld [tilespmem:s0+$0x1000];
	[tilespmem:s5+$0x16050] =	vst v0  }
0x6b: {  	v0 =	vld [tilespmem:s0+$0x2000];
	v4 =	vadd.f32 v4, v3;
	[tilespmem:s5+$0x17050] =	vst v1;
	s5 =	smov.u32 s0  }
0x6c: {  	v1 =	vld [tilespmem:s5+$0x3000]  }
0x6d: {  	s0 =	sor.u32 $0x1070, s17;
	v7 =	vld [tilespmem:s5+$0x4000];
	v8 =	vadd.f32 v8, v6;
	[tilespmem:s20+$0x14000] =	vst v4  }
0x6e: {  	v4 =	vld [tilespmem:s0+$0x1000]  }
0x6f: {  	v2 =	vadd.f32 v2, v5;
	v9 =	vld [tilespmem:s5+$0x10];
	[tilespmem:s18+$0x14000] =	vst v8  }
0x70: {  	v0 =	vadd.f32 v0, v5;
	v8 =	vld [tilespmem:s2+$0x1000]  }
0x71: {  	[tilespmem:s5+$0x14000] =	vst v2;
	v1 =	vadd.f32 v1, v5;
	v2 =	vld [tilespmem:s5+$0x1010]  }
0x72: {  	[tilespmem:s5+$0x15000] =	vst v0;
	v0 =	vadd.f32 v7, v5;
	v5 =	vld [tilespmem:s5+$0x2010]  }
0x73: {  	[tilespmem:s5+$0x16000] =	vst v1;
	v1 =	vld [tilespmem:s5+$0x3010];
	v4 =	vadd.f32 v4, v3  }
0x74: {  	[tilespmem:s5+$0x17000] =	vst v0;
	v0 =	vld [tilespmem:s5+$0x4010]  }
0x75: {  	v7 =	vld [tilespmem:s5+$0x20];
	v8 =	vadd.f32 v8, v6;
	[tilespmem:s0+$0x14000] =	vst v4;
	s0 =	sor.u32 $0x2070, s17  }
0x76: {  	v2 =	vadd.f32 v2, v9;
	v4 =	vld [tilespmem:s0+$0x1000]  }
0x77: {  	v5 =	vadd.f32 v5, v9;
	v10 =	vld [tilespmem:s5+$0x1020];
	[tilespmem:s2+$0x14000] =	vst v8  }
0x78: {  	[tilespmem:s5+$0x14010] =	vst v2;
	v1 =	vadd.f32 v1, v9;
	v2 =	vld [tilespmem:s6+$0x1000]  }
0x79: {  	[tilespmem:s5+$0x15010] =	vst v5;
	v0 =	vadd.f32 v0, v9;
	v5 =	vld [tilespmem:s5+$0x2020]  }
0x7a: {  	[tilespmem:s5+$0x16010] =	vst v1;
	v1 =	vld [tilespmem:s5+$0x3020]  }
0x7b: {  	[tilespmem:s5+$0x17010] =	vst v0;
	v0 =	vld [tilespmem:s5+$0x4020];
	v4 =	vadd.f32 v4, v3  }
0x7c: {  	v8 =	vadd.f32 v10, v7;
	v9 =	vld [tilespmem:s5+$0x30]  }
0x7d: {  	v10 =	vld [tilespmem:s5+$0x1030];
	v2 =	vadd.f32 v2, v6;
	[tilespmem:s0+$0x14000] =	vst v4;
	s0 =	sor.u32 $0x3070, s17  }
0x7e: {  	[tilespmem:s5+$0x14020] =	vst v8;
	v4 =	vadd.f32 v5, v7;
	v5 =	vld [tilespmem:s0+$0x1000]  }
0x7f: {  	v1 =	vadd.f32 v1, v7;
	v8 =	vld [tilespmem:s5+$0x2030];
	[tilespmem:s6+$0x14000] =	vst v2  }
0x80: {  	[tilespmem:s5+$0x15020] =	vst v4;
	v0 =	vadd.f32 v0, v7;
	v2 =	vld [tilespmem:s16+$0x1000]  }
0x81: {  	[tilespmem:s5+$0x16020] =	vst v1;
	v1 =	vld [tilespmem:s5+$0x3030]  }
0x82: {  	[tilespmem:s5+$0x17020] =	vst v0;
	v4 =	vadd.f32 v10, v9;
	v7 =	vld [tilespmem:s5+$0x4030]  }
0x83: {  	v0 =	vld [tilespmem:s5+$0x40];
	v10 =	vadd.f32 v5, v3  }
.Ltmp0:
0x84: {  	[tilespmem:s5+$0x14030] =	vst v4;
	v4 =	vadd.f32 v8, v9;
	v5 =	vld [tilespmem:s5+$0x1040];
	(pc) =	sbr.rel @p0 .LBB2_2-.Ltmp0, $4  }
0x85: {  	v3 =	vld [tilespmem:s5+$0x2040];
	v8 =	vadd.f32 v2, v6;
	[tilespmem:s0+$0x14000] =	vst v10  }
0x86: {  	[tilespmem:s5+$0x15030] =	vst v4;
	v1 =	vadd.f32 v1, v9;
	v4 =	vld [tilespmem:s5+$0x3040]  }
0x87: {  	v6 =	vadd.f32 v7, v9;
	v2 =	vld [tilespmem:s5+$0x4040];
	[tilespmem:s16+$0x14000] =	vst v8  }
0x88: {  	s11 =	sadd.s32 $0x400, s11;
	s12 =	sadd.s32 $0x1, s12;
	[tilespmem:s5+$0x16030] =	vst v1;
	v1 =	vld [tilespmem:s5+$0x50]  }
0x89: {  	v7 =	vld [tilespmem:s5+$0x1050]  }
0x8a: {  	v5 =	vadd.f32 v5, v0;
	v8 =	vld [tilespmem:s5+$0x2050]  }
0x8b: {  	[tilespmem:s5+$0x17030] =	vst v6;
	v6 =	vld [tilespmem:s5+$0x3050];
	v3 =	vadd.f32 v3, v0  }
0x8c: {  	[tilespmem:s5+$0x14040] =	vst v5;
	v4 =	vadd.f32 v4, v0;
	v5 =	vld [tilespmem:s5+$0x4050]  }
0x8d: {  	[tilespmem:s5+$0x15040] =	vst v3;
	v0 =	vadd.f32 v2, v0  }
0x8e: {  	[tilespmem:s5+$0x16040] =	vst v4;
	v2 =	vadd.f32 v7, v1  }
0x8f: {  	[tilespmem:s5+$0x17040] =	vst v0;
	v0 =	vadd.f32 v8, v1  }
0x90: {  	[tilespmem:s5+$0x14050] =	vst v2;
	v2 =	vadd.f32 v6, v1  }
0x91: {  	[tilespmem:s5+$0x15050] =	vst v0;
	v0 =	vadd.f32 v5, v1  }
0x92: {  	[tilespmem:s5+$0x16050] =	vst v2  }
0x93: {  	[tilespmem:s5+$0x17050] =	vst v0  }
0x94: {  	s0 =	rddreg [dreg:$0x1a]  }
0x95: {  	[hbm4b:s0+s14] =	stream.strided.scatter [tilespmem:s22], [sflag:$0x5], $0x4000, s13, s14, $0x38;
	[tilespmem:$0x1C000] =	vst v63  }
0x96: {  	_ =	swait.ge [sflag:s23], $0x1000  }
0x97: {  	[sflag:s23] =	ssyncset.done $0x0  }
0x98: {  	s10 =	simm.s32 $0x0;
	[sflag:s23] =	ssyncadd.s32 $0xFFFFF000  }
0x99: {  	s16 =	sand.u32 $0x3, s10;
	_ =	swait.ge [sflag:s23], $0x4000  }
0x9a: {  	s0 =	sshll.u32 s16, $0xA;
	[sflag:s23] =	ssyncset.done $0x0  }
0x9b: {  	s0 =	sadd.s32 $0x0, s0;
	s12 =	rddreg [dreg:$0xb];
	[sflag:s23] =	ssyncadd.s32 $0xFFFFC000  }
0x9c: {  	[tilespmem:s10], [sflag:$0x1] =	stream.linear.gather [hbm4b:s12+s10], $0x1000, $0x38;
	[tilespmem:$0x1C000] =	vst v63  }
0x9d: {  	s2 =	sor.u32 $0x70, s0;
	s15 =	rddreg [dreg:$0xc]  }
0x9e: {  	[tilespmem:s14], [sflag:$0x1] =	stream.strided.gather [hbm4b:s15+s14], $0x4000, s13, s14, $0x38;
	[tilespmem:$0x1C000] =	vst v63  }
0x9f: {  	v1 =	vld [tilespmem:s2+$0x5000]  }
0xa0: {  	s6 =	sor.u32 $0x60, s0;
	v0 =	vld [tilespmem:s2+$0x6000]  }
0xa1: {  	v2 =	vld [tilespmem:s6+$0x5000]  }
0xa2: {  	s17 =	sand.u32 $0xC00, s10;
	s11 =	sand.u32 $0x380, s10;
	v3 =	vld [tilespmem:s6+$0x6000]  }
0xa3: {  	s5 =	sor.u32 s11, s17  }
0xa4: {  	v4 =	vld [tilespmem:s5+$0x5000]  }
0xa5: {  	v5 =	vld [tilespmem:s5+$0x6000]  }
0xa6: {  	v6 =	vld [tilespmem:s5+$0x7000];
	v0 =	vadd.f32 v0, v1  }
0xa7: {  	v7 =	vld [tilespmem:s5+$0x8000];
	v3 =	vadd.f32 v3, v2  }
0xa8: {  	s18 =	sor.u32 $0x1070, s0;
	v8 =	vld [tilespmem:s5+$0x9000];
	[tilespmem:s2+$0x18000] =	vst v0  }
0xa9: {  	s20 =	sor.u32 $0x1060, s0;
	[tilespmem:s6+$0x18000] =	vst v3;
	v0 =	vld [tilespmem:s18+$0x6000]  }
0xaa: {  	v3 =	vld [tilespmem:s20+$0x6000]  }
0xab: {  	v9 =	vld [tilespmem:s5+$0x5010]  }
0xac: {  	v10 =	vld [tilespmem:s5+$0x6010];
	v5 =	vadd.f32 v5, v4  }
0xad: {  	v11 =	vld [tilespmem:s5+$0x7010];
	v6 =	vadd.f32 v6, v4  }
0xae: {  	v12 =	vld [tilespmem:s5+$0x8010];
	[tilespmem:s5+$0x18000] =	vst v5;
	v0 =	vadd.f32 v0, v1  }
0xaf: {  	v59 =	vld [tilespmem:s5+$0x7020];
	[tilespmem:s5+$0x19000] =	vst v6;
	v3 =	vadd.f32 v3, v2  }
0xb0: {  	s21 =	sor.u32 $0x2070, s0;
	v5 =	vld [tilespmem:s5+$0x9010];
	[tilespmem:s18+$0x18000] =	vst v0  }
0xb1: {  	s30 =	sor.u32 $0x2060, s0;
	v7 =	vadd.f32 v7, v4;
	[tilespmem:s20+$0x18000] =	vst v3;
	v6 =	vld [tilespmem:s21+$0x6000]  }
0xb2: {  	v4 =	vadd.f32 v8, v4;
	v8 =	vld [tilespmem:s30+$0x6000]  }
0xb3: {  	[tilespmem:s5+$0x1A000] =	vst v7;
	v7 =	vadd.f32 v10, v9;
	v0 =	vld [tilespmem:s5+$0x5020]  }
0xb4: {  	[tilespmem:s5+$0x1B000] =	vst v4;
	v4 =	vadd.f32 v11, v9;
	v3 =	vld [tilespmem:s5+$0x6020]  }
0xb5: {  	v60 =	vld [tilespmem:s5+$0x8020];
	[tilespmem:s5+$0x18010] =	vst v7;
	v7 =	vadd.f32 v12, v9  }
0xb6: {  	[tilespmem:s5+$0x19010] =	vst v4;
	v4 =	vld [tilespmem:s5+$0x9020];
	v6 =	vadd.f32 v6, v1  }
0xb7: {  	[tilespmem:s5+$0x1A010] =	vst v7;
	v7 =	vld [tilespmem:s5+$0x5030];
	v8 =	vadd.f32 v8, v2  }
0xb8: {  	v5 =	vadd.f32 v5, v9;
	[tilespmem:s21+$0x18000] =	vst v6;
	v6 =	vld [tilespmem:s5+$0x6030]  }
0xb9: {  	s31 =	sor.u32 $0x3070, s0;
	v3 =	vadd.f32 v3, v0;
	[tilespmem:s30+$0x18000] =	vst v8;
	v8 =	vld [tilespmem:s5+$0x7030]  }
0xba: {  	s0 =	sor.u32 $0x3060, s0;
	[tilespmem:s5+$0x1B010] =	vst v5;
	v61 =	vadd.f32 v59, v0;
	v5 =	vld [tilespmem:s31+$0x6000]  }
0xbb: {  	[tilespmem:s5+$0x18020] =	vst v3;
	v3 =	vadd.f32 v60, v0;
	v62 =	vld [tilespmem:s0+$0x6000]  }
0xbc: {  	[tilespmem:s5+$0x19020] =	vst v61;
	v0 =	vadd.f32 v4, v0;
	v4 =	vld [tilespmem:s5+$0x8030]  }
0xbd: {  	[tilespmem:s5+$0x1A020] =	vst v3;
	v3 =	vadd.f32 v6, v7;
	v6 =	vld [tilespmem:s5+$0x9030]  }
0xbe: {  	[tilespmem:s5+$0x1B020] =	vst v0;
	v0 =	vld [tilespmem:s5+$0x5040];
	v8 =	vadd.f32 v8, v7  }
0xbf: {  	v1 =	vadd.f32 v5, v1;
	v5 =	vld [tilespmem:s5+$0x6040];
	[tilespmem:s5+$0x18030] =	vst v3  }
0xc0: {  	v63 =	vadd.f32 v62, v2;
	v3 =	vld [tilespmem:s5+$0x7040];
	[tilespmem:s5+$0x19030] =	vst v8  }
0xc1: {  	[tilespmem:s31+$0x18000] =	vst v1;
	v1 =	vadd.f32 v4, v7;
	v4 =	vld [tilespmem:s5+$0x8040]  }
0xc2: {  	v2 =	vld [tilespmem:s5+$0x9040];
	[tilespmem:s0+$0x18000] =	vst v63;
	v6 =	vadd.f32 v6, v7  }
0xc3: {  	s11 =	simm.s32 $0x0;
	s12 =	simm.s32 $0x400;
	s15 =	simm.s32 $0x1;
	[tilespmem:s5+$0x1A030] =	vst v1;
	v1 =	vld [tilespmem:s5+$0x5050]  }
.LBB2_4:
0xc4: {  	s0 =	sand.u32 $0x3, s15;
	s6 =	sand.u32 $0xC00, s12;
	[tilespmem:s5+$0x1B030] =	vst v6;
	v5 =	vadd.f32 v5, v0;
	v6 =	vld [tilespmem:s5+$0x6050]  }
0xc5: {  	s11 =	sadd.s32 $0x80, s11;
	s10 =	sadd.s32 $0x20, s10;
	s0 =	sshll.u32 s0, $0xA;
	v3 =	vadd.f32 v3, v0;
	v7 =	vld [tilespmem:s5+$0x7050]  }
0xc6: {  	p0 =	slt.u32 s11, $0xF80;
	s17 =	sadd.s32 s0, s10;
	s0 =	sand.u32 $0x380, s10;
	[tilespmem:s5+$0x18040] =	vst v5;
	v4 =	vadd.f32 v4, v0;
	v5 =	vld [tilespmem:s5+$0x8050]  }
0xc7: {  	s18 =	sor.u32 $0x60, s17;
	s2 =	sor.u32 $0x1060, s17;
	s20 =	sor.u32 $0x70, s17;
	[tilespmem:s5+$0x19040] =	vst v3;
	v0 =	vadd.f32 v2, v0;
	v2 =	vld [tilespmem:s5+$0x9050]  }
0xc8: {  	s0 =	sor.u32 s0, s6;
	s6 =	sor.u32 $0x2060, s17;
	s16 =	sor.u32 $0x3060, s17;
	v3 =	vld [tilespmem:s20+$0x5000];
	[tilespmem:s5+$0x1A040] =	vst v4  }
0xc9: {  	v4 =	vld [tilespmem:s20+$0x6000];
	[tilespmem:s5+$0x1B040] =	vst v0;
	v0 =	vadd.f32 v6, v1  }
0xca: {  	v6 =	vld [tilespmem:s18+$0x5000];
	v7 =	vadd.f32 v7, v1  }
0xcb: {  	v8 =	vld [tilespmem:s18+$0x6000];
	[tilespmem:s5+$0x18050] =	vst v0;
	v0 =	vadd.f32 v5, v1  }
0xcc: {  	v5 =	vld [tilespmem:s0+$0x5000];
	[tilespmem:s5+$0x19050] =	vst v7;
	v1 =	vadd.f32 v2, v1  }
0xcd: {  	v2 =	vld [tilespmem:s0+$0x6000];
	[tilespmem:s5+$0x1A050] =	vst v0  }
0xce: {  	v0 =	vld [tilespmem:s0+$0x7000];
	v4 =	vadd.f32 v4, v3;
	[tilespmem:s5+$0x1B050] =	vst v1;
	s5 =	smov.u32 s0  }
0xcf: {  	v1 =	vld [tilespmem:s5+$0x8000]  }
0xd0: {  	s0 =	sor.u32 $0x1070, s17;
	v7 =	vld [tilespmem:s5+$0x9000];
	v8 =	vadd.f32 v8, v6;
	[tilespmem:s20+$0x18000] =	vst v4  }
0xd1: {  	v4 =	vld [tilespmem:s0+$0x6000]  }
0xd2: {  	v2 =	vadd.f32 v2, v5;
	v9 =	vld [tilespmem:s5+$0x5010];
	[tilespmem:s18+$0x18000] =	vst v8  }
0xd3: {  	v0 =	vadd.f32 v0, v5;
	v8 =	vld [tilespmem:s2+$0x6000]  }
0xd4: {  	[tilespmem:s5+$0x18000] =	vst v2;
	v1 =	vadd.f32 v1, v5;
	v2 =	vld [tilespmem:s5+$0x6010]  }
0xd5: {  	[tilespmem:s5+$0x19000] =	vst v0;
	v0 =	vadd.f32 v7, v5;
	v5 =	vld [tilespmem:s5+$0x7010]  }
0xd6: {  	[tilespmem:s5+$0x1A000] =	vst v1;
	v1 =	vld [tilespmem:s5+$0x8010];
	v4 =	vadd.f32 v4, v3  }
0xd7: {  	[tilespmem:s5+$0x1B000] =	vst v0;
	v0 =	vld [tilespmem:s5+$0x9010]  }
0xd8: {  	v7 =	vld [tilespmem:s5+$0x5020];
	v8 =	vadd.f32 v8, v6;
	[tilespmem:s0+$0x18000] =	vst v4;
	s0 =	sor.u32 $0x2070, s17  }
0xd9: {  	v2 =	vadd.f32 v2, v9;
	v4 =	vld [tilespmem:s0+$0x6000]  }
0xda: {  	v5 =	vadd.f32 v5, v9;
	v10 =	vld [tilespmem:s5+$0x6020];
	[tilespmem:s2+$0x18000] =	vst v8  }
0xdb: {  	[tilespmem:s5+$0x18010] =	vst v2;
	v1 =	vadd.f32 v1, v9;
	v2 =	vld [tilespmem:s6+$0x6000]  }
0xdc: {  	[tilespmem:s5+$0x19010] =	vst v5;
	v0 =	vadd.f32 v0, v9;
	v5 =	vld [tilespmem:s5+$0x7020]  }
0xdd: {  	[tilespmem:s5+$0x1A010] =	vst v1;
	v1 =	vld [tilespmem:s5+$0x8020]  }
0xde: {  	[tilespmem:s5+$0x1B010] =	vst v0;
	v0 =	vld [tilespmem:s5+$0x9020];
	v4 =	vadd.f32 v4, v3  }
0xdf: {  	v8 =	vadd.f32 v10, v7;
	v9 =	vld [tilespmem:s5+$0x5030]  }
0xe0: {  	v10 =	vld [tilespmem:s5+$0x6030];
	v2 =	vadd.f32 v2, v6;
	[tilespmem:s0+$0x18000] =	vst v4;
	s0 =	sor.u32 $0x3070, s17  }
0xe1: {  	[tilespmem:s5+$0x18020] =	vst v8;
	v4 =	vadd.f32 v5, v7;
	v5 =	vld [tilespmem:s0+$0x6000]  }
0xe2: {  	v1 =	vadd.f32 v1, v7;
	v8 =	vld [tilespmem:s5+$0x7030];
	[tilespmem:s6+$0x18000] =	vst v2  }
0xe3: {  	[tilespmem:s5+$0x19020] =	vst v4;
	v0 =	vadd.f32 v0, v7;
	v2 =	vld [tilespmem:s16+$0x6000]  }
0xe4: {  	[tilespmem:s5+$0x1A020] =	vst v1;
	v1 =	vld [tilespmem:s5+$0x8030]  }
0xe5: {  	[tilespmem:s5+$0x1B020] =	vst v0;
	v4 =	vadd.f32 v10, v9;
	v7 =	vld [tilespmem:s5+$0x9030]  }
0xe6: {  	v0 =	vld [tilespmem:s5+$0x5040];
	v10 =	vadd.f32 v5, v3  }
.Ltmp1:
0xe7: {  	[tilespmem:s5+$0x18030] =	vst v4;
	v4 =	vadd.f32 v8, v9;
	v5 =	vld [tilespmem:s5+$0x6040];
	(pc) =	sbr.rel @p0 .LBB2_4-.Ltmp1, $4  }
0xe8: {  	v3 =	vld [tilespmem:s5+$0x7040];
	v8 =	vadd.f32 v2, v6;
	[tilespmem:s0+$0x18000] =	vst v10  }
0xe9: {  	[tilespmem:s5+$0x19030] =	vst v4;
	v1 =	vadd.f32 v1, v9;
	v4 =	vld [tilespmem:s5+$0x8040]  }
0xea: {  	v6 =	vadd.f32 v7, v9;
	v2 =	vld [tilespmem:s5+$0x9040];
	[tilespmem:s16+$0x18000] =	vst v8  }
0xeb: {  	s12 =	sadd.s32 $0x400, s12;
	s15 =	sadd.s32 $0x1, s15;
	[tilespmem:s5+$0x1A030] =	vst v1;
	v1 =	vld [tilespmem:s5+$0x5050]  }
0xec: {  	v7 =	vld [tilespmem:s5+$0x6050]  }
0xed: {  	v5 =	vadd.f32 v5, v0;
	v8 =	vld [tilespmem:s5+$0x7050]  }
0xee: {  	[tilespmem:s5+$0x1B030] =	vst v6;
	v6 =	vld [tilespmem:s5+$0x8050];
	v3 =	vadd.f32 v3, v0  }
0xef: {  	[tilespmem:s5+$0x18040] =	vst v5;
	v4 =	vadd.f32 v4, v0;
	v5 =	vld [tilespmem:s5+$0x9050]  }
0xf0: {  	[tilespmem:s5+$0x19040] =	vst v3;
	v0 =	vadd.f32 v2, v0  }
0xf1: {  	[tilespmem:s5+$0x1A040] =	vst v4;
	v2 =	vadd.f32 v7, v1  }
0xf2: {  	[tilespmem:s5+$0x1B040] =	vst v0;
	v0 =	vadd.f32 v8, v1  }
0xf3: {  	[tilespmem:s5+$0x18050] =	vst v2;
	v2 =	vadd.f32 v6, v1  }
0xf4: {  	[tilespmem:s5+$0x19050] =	vst v0;
	v0 =	vadd.f32 v5, v1  }
0xf5: {  	[tilespmem:s5+$0x1A050] =	vst v2  }
0xf6: {  	[tilespmem:s5+$0x1B050] =	vst v0  }
0xf7: {  	s0 =	rddreg [dreg:$0xd]  }
0xf8: {  	[hbm4b:s0+s14] =	stream.strided.scatter [tilespmem:s24], [sflag:$0x6], $0x4000, s13, s14, $0x38;
	[tilespmem:$0x1C000] =	vst v63  }
0xf9: {  	_ =	swait.ge [sflag:s25], $0x1000  }
0xfa: {  	[sflag:s25] =	ssyncset.done $0x0  }
0xfb: {  	[sflag:s25] =	ssyncadd.s32 $0xFFFFF000  }
0xfc: {  	_ =	swait.ge [sflag:s25], $0x4000  }
0xfd: {  	s10 =	simm.s32 $0x0;
	[sflag:s25] =	ssyncset.done $0x0  }
0xfe: {  	s2 =	simm.s32 $0x5000;
	s8 =	rddreg [dreg:$0xe];
	[sflag:s25] =	ssyncadd.s32 $0xFFFFC000  }
0xff: {  	[tilespmem:s2], [sflag:$0x2] =	stream.linear.gather [hbm4b:s8+s10], $0x1000, $0x38;
	[tilespmem:$0x1C000] =	vst v63  }
0x100: {  	s12 =	simm.s32 $0x6000;
	s15 =	sand.u32 $0x3, s10;
	s11 =	rddreg [dreg:$0xf]  }
0x101: {  	[tilespmem:s12], [sflag:$0x2] =	stream.strided.gather [hbm4b:s11+s14], $0x4000, s13, s14, $0x38;
	[tilespmem:$0x1C000] =	vst v63  }
0x102: {  	s0 =	sshll.u32 s15, $0xA;
	_ =	swait.ge [sflag:s26], $0x4000  }
0x103: {  	s0 =	sadd.s32 $0x0, s0;
	[sflag:s26] =	ssyncset.done $0x0  }
0x104: {  	s16 =	sor.u32 $0x70, s0;
	[sflag:s26] =	ssyncadd.s32 $0xFFFFC000  }
0x105: {  	v1 =	vld [tilespmem:s16+$0xA000]  }
0x106: {  	s6 =	sor.u32 $0x60, s0;
	v0 =	vld [tilespmem:s16+$0xB000]  }
0x107: {  	v2 =	vld [tilespmem:s6+$0xA000]  }
0x108: {  	s17 =	sand.u32 $0xC00, s10;
	s11 =	sand.u32 $0x380, s10;
	v3 =	vld [tilespmem:s6+$0xB000]  }
0x109: {  	s5 =	sor.u32 s11, s17  }
0x10a: {  	v4 =	vld [tilespmem:s5+$0xA000]  }
0x10b: {  	v5 =	vld [tilespmem:s5+$0xB000]  }
0x10c: {  	v6 =	vld [tilespmem:s5+$0xC000];
	v0 =	vadd.f32 v0, v1  }
0x10d: {  	v7 =	vld [tilespmem:s5+$0xD000];
	v3 =	vadd.f32 v3, v2  }
0x10e: {  	s18 =	sor.u32 $0x1070, s0;
	v8 =	vld [tilespmem:s5+$0xE000];
	[tilespmem:s16+$0x14000] =	vst v0  }
0x10f: {  	s20 =	sor.u32 $0x1060, s0;
	[tilespmem:s6+$0x14000] =	vst v3;
	v0 =	vld [tilespmem:s18+$0xB000]  }
0x110: {  	v3 =	vld [tilespmem:s20+$0xB000]  }
0x111: {  	v9 =	vld [tilespmem:s5+$0xA010]  }
0x112: {  	v10 =	vld [tilespmem:s5+$0xB010];
	v5 =	vadd.f32 v5, v4  }
0x113: {  	v11 =	vld [tilespmem:s5+$0xC010];
	v6 =	vadd.f32 v6, v4  }
0x114: {  	v12 =	vld [tilespmem:s5+$0xD010];
	[tilespmem:s5+$0x14000] =	vst v5;
	v0 =	vadd.f32 v0, v1  }
0x115: {  	v59 =	vld [tilespmem:s5+$0xC020];
	[tilespmem:s5+$0x15000] =	vst v6;
	v3 =	vadd.f32 v3, v2  }
0x116: {  	s21 =	sor.u32 $0x2070, s0;
	v5 =	vld [tilespmem:s5+$0xE010];
	[tilespmem:s18+$0x14000] =	vst v0  }
0x117: {  	s30 =	sor.u32 $0x2060, s0;
	v7 =	vadd.f32 v7, v4;
	[tilespmem:s20+$0x14000] =	vst v3;
	v6 =	vld [tilespmem:s21+$0xB000]  }
0x118: {  	v4 =	vadd.f32 v8, v4;
	v8 =	vld [tilespmem:s30+$0xB000]  }
0x119: {  	[tilespmem:s5+$0x16000] =	vst v7;
	v7 =	vadd.f32 v10, v9;
	v0 =	vld [tilespmem:s5+$0xA020]  }
0x11a: {  	[tilespmem:s5+$0x17000] =	vst v4;
	v4 =	vadd.f32 v11, v9;
	v3 =	vld [tilespmem:s5+$0xB020]  }
0x11b: {  	v60 =	vld [tilespmem:s5+$0xD020];
	[tilespmem:s5+$0x14010] =	vst v7;
	v7 =	vadd.f32 v12, v9  }
0x11c: {  	[tilespmem:s5+$0x15010] =	vst v4;
	v4 =	vld [tilespmem:s5+$0xE020];
	v6 =	vadd.f32 v6, v1  }
0x11d: {  	[tilespmem:s5+$0x16010] =	vst v7;
	v7 =	vld [tilespmem:s5+$0xA030];
	v8 =	vadd.f32 v8, v2  }
0x11e: {  	v5 =	vadd.f32 v5, v9;
	[tilespmem:s21+$0x14000] =	vst v6;
	v6 =	vld [tilespmem:s5+$0xB030]  }
0x11f: {  	s31 =	sor.u32 $0x3070, s0;
	v3 =	vadd.f32 v3, v0;
	[tilespmem:s30+$0x14000] =	vst v8;
	v8 =	vld [tilespmem:s5+$0xC030]  }
0x120: {  	s0 =	sor.u32 $0x3060, s0;
	[tilespmem:s5+$0x17010] =	vst v5;
	v61 =	vadd.f32 v59, v0;
	v5 =	vld [tilespmem:s31+$0xB000]  }
0x121: {  	[tilespmem:s5+$0x14020] =	vst v3;
	v3 =	vadd.f32 v60, v0;
	v62 =	vld [tilespmem:s0+$0xB000]  }
0x122: {  	[tilespmem:s5+$0x15020] =	vst v61;
	v0 =	vadd.f32 v4, v0;
	v4 =	vld [tilespmem:s5+$0xD030]  }
0x123: {  	[tilespmem:s5+$0x16020] =	vst v3;
	v3 =	vadd.f32 v6, v7;
	v6 =	vld [tilespmem:s5+$0xE030]  }
0x124: {  	[tilespmem:s5+$0x17020] =	vst v0;
	v0 =	vld [tilespmem:s5+$0xA040];
	v8 =	vadd.f32 v8, v7  }
0x125: {  	v1 =	vadd.f32 v5, v1;
	v5 =	vld [tilespmem:s5+$0xB040];
	[tilespmem:s5+$0x14030] =	vst v3  }
0x126: {  	v63 =	vadd.f32 v62, v2;
	v3 =	vld [tilespmem:s5+$0xC040];
	[tilespmem:s5+$0x15030] =	vst v8  }
0x127: {  	[tilespmem:s31+$0x14000] =	vst v1;
	v1 =	vadd.f32 v4, v7;
	v4 =	vld [tilespmem:s5+$0xD040]  }
0x128: {  	v2 =	vld [tilespmem:s5+$0xE040];
	[tilespmem:s0+$0x14000] =	vst v63;
	v6 =	vadd.f32 v6, v7  }
0x129: {  	s15 =	simm.s32 $0x1;
	s12 =	simm.s32 $0x400;
	s11 =	simm.s32 $0x0;
	[tilespmem:s5+$0x16030] =	vst v1;
	v1 =	vld [tilespmem:s5+$0xA050]  }
.LBB2_6:
0x12a: {  	s0 =	sand.u32 $0x3, s15;
	s6 =	sand.u32 $0xC00, s12;
	[tilespmem:s5+$0x17030] =	vst v6;
	v5 =	vadd.f32 v5, v0;
	v6 =	vld [tilespmem:s5+$0xB050]  }
0x12b: {  	s11 =	sadd.s32 $0x80, s11;
	s10 =	sadd.s32 $0x20, s10;
	s0 =	sshll.u32 s0, $0xA;
	v3 =	vadd.f32 v3, v0;
	v7 =	vld [tilespmem:s5+$0xC050]  }
0x12c: {  	p0 =	slt.u32 s11, $0xF80;
	s17 =	sadd.s32 s0, s10;
	s0 =	sand.u32 $0x380, s10;
	[tilespmem:s5+$0x14040] =	vst v5;
	v4 =	vadd.f32 v4, v0;
	v5 =	vld [tilespmem:s5+$0xD050]  }
0x12d: {  	s18 =	sor.u32 $0x60, s17;
	s2 =	sor.u32 $0x1060, s17;
	s20 =	sor.u32 $0x70, s17;
	[tilespmem:s5+$0x15040] =	vst v3;
	v0 =	vadd.f32 v2, v0;
	v2 =	vld [tilespmem:s5+$0xE050]  }
0x12e: {  	s0 =	sor.u32 s0, s6;
	s6 =	sor.u32 $0x2060, s17;
	s16 =	sor.u32 $0x3060, s17;
	v3 =	vld [tilespmem:s20+$0xA000];
	[tilespmem:s5+$0x16040] =	vst v4  }
0x12f: {  	v4 =	vld [tilespmem:s20+$0xB000];
	[tilespmem:s5+$0x17040] =	vst v0;
	v0 =	vadd.f32 v6, v1  }
0x130: {  	v6 =	vld [tilespmem:s18+$0xA000];
	v7 =	vadd.f32 v7, v1  }
0x131: {  	v8 =	vld [tilespmem:s18+$0xB000];
	[tilespmem:s5+$0x14050] =	vst v0;
	v0 =	vadd.f32 v5, v1  }
0x132: {  	v5 =	vld [tilespmem:s0+$0xA000];
	[tilespmem:s5+$0x15050] =	vst v7;
	v1 =	vadd.f32 v2, v1  }
0x133: {  	v2 =	vld [tilespmem:s0+$0xB000];
	[tilespmem:s5+$0x16050] =	vst v0  }
0x134: {  	v0 =	vld [tilespmem:s0+$0xC000];
	v4 =	vadd.f32 v4, v3;
	[tilespmem:s5+$0x17050] =	vst v1;
	s5 =	smov.u32 s0  }
0x135: {  	v1 =	vld [tilespmem:s5+$0xD000]  }
0x136: {  	s0 =	sor.u32 $0x1070, s17;
	v7 =	vld [tilespmem:s5+$0xE000];
	v8 =	vadd.f32 v8, v6;
	[tilespmem:s20+$0x14000] =	vst v4  }
0x137: {  	v4 =	vld [tilespmem:s0+$0xB000]  }
0x138: {  	v2 =	vadd.f32 v2, v5;
	v9 =	vld [tilespmem:s5+$0xA010];
	[tilespmem:s18+$0x14000] =	vst v8  }
0x139: {  	v0 =	vadd.f32 v0, v5;
	v8 =	vld [tilespmem:s2+$0xB000]  }
0x13a: {  	[tilespmem:s5+$0x14000] =	vst v2;
	v1 =	vadd.f32 v1, v5;
	v2 =	vld [tilespmem:s5+$0xB010]  }
0x13b: {  	[tilespmem:s5+$0x15000] =	vst v0;
	v0 =	vadd.f32 v7, v5;
	v5 =	vld [tilespmem:s5+$0xC010]  }
0x13c: {  	[tilespmem:s5+$0x16000] =	vst v1;
	v1 =	vld [tilespmem:s5+$0xD010];
	v4 =	vadd.f32 v4, v3  }
0x13d: {  	[tilespmem:s5+$0x17000] =	vst v0;
	v0 =	vld [tilespmem:s5+$0xE010]  }
0x13e: {  	v7 =	vld [tilespmem:s5+$0xA020];
	v8 =	vadd.f32 v8, v6;
	[tilespmem:s0+$0x14000] =	vst v4;
	s0 =	sor.u32 $0x2070, s17  }
0x13f: {  	v2 =	vadd.f32 v2, v9;
	v4 =	vld [tilespmem:s0+$0xB000]  }
0x140: {  	v5 =	vadd.f32 v5, v9;
	v10 =	vld [tilespmem:s5+$0xB020];
	[tilespmem:s2+$0x14000] =	vst v8  }
0x141: {  	[tilespmem:s5+$0x14010] =	vst v2;
	v1 =	vadd.f32 v1, v9;
	v2 =	vld [tilespmem:s6+$0xB000]  }
0x142: {  	[tilespmem:s5+$0x15010] =	vst v5;
	v0 =	vadd.f32 v0, v9;
	v5 =	vld [tilespmem:s5+$0xC020]  }
0x143: {  	[tilespmem:s5+$0x16010] =	vst v1;
	v1 =	vld [tilespmem:s5+$0xD020]  }
0x144: {  	[tilespmem:s5+$0x17010] =	vst v0;
	v0 =	vld [tilespmem:s5+$0xE020];
	v4 =	vadd.f32 v4, v3  }
0x145: {  	v8 =	vadd.f32 v10, v7;
	v9 =	vld [tilespmem:s5+$0xA030]  }
0x146: {  	v10 =	vld [tilespmem:s5+$0xB030];
	v2 =	vadd.f32 v2, v6;
	[tilespmem:s0+$0x14000] =	vst v4;
	s0 =	sor.u32 $0x3070, s17  }
0x147: {  	[tilespmem:s5+$0x14020] =	vst v8;
	v4 =	vadd.f32 v5, v7;
	v5 =	vld [tilespmem:s0+$0xB000]  }
0x148: {  	v1 =	vadd.f32 v1, v7;
	v8 =	vld [tilespmem:s5+$0xC030];
	[tilespmem:s6+$0x14000] =	vst v2  }
0x149: {  	[tilespmem:s5+$0x15020] =	vst v4;
	v0 =	vadd.f32 v0, v7;
	v2 =	vld [tilespmem:s16+$0xB000]  }
0x14a: {  	[tilespmem:s5+$0x16020] =	vst v1;
	v1 =	vld [tilespmem:s5+$0xD030]  }
0x14b: {  	[tilespmem:s5+$0x17020] =	vst v0;
	v4 =	vadd.f32 v10, v9;
	v7 =	vld [tilespmem:s5+$0xE030]  }
0x14c: {  	v0 =	vld [tilespmem:s5+$0xA040];
	v10 =	vadd.f32 v5, v3  }
.Ltmp2:
0x14d: {  	[tilespmem:s5+$0x14030] =	vst v4;
	v4 =	vadd.f32 v8, v9;
	v5 =	vld [tilespmem:s5+$0xB040];
	(pc) =	sbr.rel @p0 .LBB2_6-.Ltmp2, $4  }
0x14e: {  	v3 =	vld [tilespmem:s5+$0xC040];
	v8 =	vadd.f32 v2, v6;
	[tilespmem:s0+$0x14000] =	vst v10  }
0x14f: {  	[tilespmem:s5+$0x15030] =	vst v4;
	v1 =	vadd.f32 v1, v9;
	v4 =	vld [tilespmem:s5+$0xD040]  }
0x150: {  	v6 =	vadd.f32 v7, v9;
	v2 =	vld [tilespmem:s5+$0xE040];
	[tilespmem:s16+$0x14000] =	vst v8  }
0x151: {  	s12 =	sadd.s32 $0x400, s12;
	s15 =	sadd.s32 $0x1, s15;
	[tilespmem:s5+$0x16030] =	vst v1;
	v1 =	vld [tilespmem:s5+$0xA050]  }
0x152: {  	v7 =	vld [tilespmem:s5+$0xB050]  }
0x153: {  	v5 =	vadd.f32 v5, v0;
	v8 =	vld [tilespmem:s5+$0xC050]  }
0x154: {  	[tilespmem:s5+$0x17030] =	vst v6;
	v6 =	vld [tilespmem:s5+$0xD050];
	v3 =	vadd.f32 v3, v0  }
0x155: {  	[tilespmem:s5+$0x14040] =	vst v5;
	v4 =	vadd.f32 v4, v0;
	v5 =	vld [tilespmem:s5+$0xE050]  }
0x156: {  	[tilespmem:s5+$0x15040] =	vst v3;
	v0 =	vadd.f32 v2, v0  }
0x157: {  	[tilespmem:s5+$0x16040] =	vst v4;
	v2 =	vadd.f32 v7, v1  }
0x158: {  	[tilespmem:s5+$0x17040] =	vst v0;
	v0 =	vadd.f32 v8, v1  }
0x159: {  	[tilespmem:s5+$0x14050] =	vst v2;
	v2 =	vadd.f32 v6, v1  }
0x15a: {  	[tilespmem:s5+$0x15050] =	vst v0;
	v0 =	vadd.f32 v5, v1  }
0x15b: {  	[tilespmem:s5+$0x16050] =	vst v2  }
0x15c: {  	[tilespmem:s5+$0x17050] =	vst v0  }
0x15d: {  	s0 =	rddreg [dreg:$0x10]  }
0x15e: {  	[hbm4b:s0+s14] =	stream.strided.scatter [tilespmem:s22], [sflag:$0x5], $0x4000, s13, s14, $0x38;
	[tilespmem:$0x1C000] =	vst v63  }
0x15f: {  	_ =	swait.ge [sflag:s28], $0x1000  }
0x160: {  	[sflag:s28] =	ssyncset.done $0x0  }
0x161: {  	[sflag:s28] =	ssyncadd.s32 $0xFFFFF000  }
0x162: {  	_ =	swait.ge [sflag:s28], $0x4000  }
0x163: {  	s10 =	simm.s32 $0x0;
	[sflag:s28] =	ssyncset.done $0x0  }
0x164: {  	s2 =	simm.s32 $0xA000;
	s8 =	rddreg [dreg:$0x11];
	[sflag:s28] =	ssyncadd.s32 $0xFFFFC000  }
0x165: {  	[tilespmem:s2], [sflag:$0x3] =	stream.linear.gather [hbm4b:s8+s10], $0x1000, $0x38;
	[tilespmem:$0x1C000] =	vst v63  }
0x166: {  	s12 =	simm.s32 $0xB000;
	s15 =	sand.u32 $0x3, s10;
	s11 =	rddreg [dreg:$0x12]  }
0x167: {  	[tilespmem:s12], [sflag:$0x3] =	stream.strided.gather [hbm4b:s11+s14], $0x4000, s13, s14, $0x38;
	[tilespmem:$0x1C000] =	vst v63  }
0x168: {  	s0 =	sshll.u32 s15, $0xA;
	_ =	swait.ge [sflag:s29], $0x4000  }
0x169: {  	s0 =	sadd.s32 $0x0, s0;
	[sflag:s29] =	ssyncset.done $0x0  }
0x16a: {  	s16 =	sor.u32 $0x70, s0;
	[sflag:s29] =	ssyncadd.s32 $0xFFFFC000  }
0x16b: {  	v1 =	vld [tilespmem:s16+$0xF000]  }
0x16c: {  	s6 =	sor.u32 $0x60, s0;
	v0 =	vld [tilespmem:s16+$0x10000]  }
0x16d: {  	v2 =	vld [tilespmem:s6+$0xF000]  }
0x16e: {  	s17 =	sand.u32 $0xC00, s10;
	s11 =	sand.u32 $0x380, s10;
	v3 =	vld [tilespmem:s6+$0x10000]  }
0x16f: {  	s5 =	sor.u32 s11, s17  }
0x170: {  	v4 =	vld [tilespmem:s5+$0xF000]  }
0x171: {  	v5 =	vld [tilespmem:s5+$0x10000]  }
0x172: {  	v6 =	vld [tilespmem:s5+$0x11000];
	v0 =	vadd.f32 v0, v1  }
0x173: {  	v7 =	vld [tilespmem:s5+$0x12000];
	v3 =	vadd.f32 v3, v2  }
0x174: {  	s18 =	sor.u32 $0x1070, s0;
	v8 =	vld [tilespmem:s5+$0x13000];
	[tilespmem:s16+$0x18000] =	vst v0  }
0x175: {  	s20 =	sor.u32 $0x1060, s0;
	[tilespmem:s6+$0x18000] =	vst v3;
	v0 =	vld [tilespmem:s18+$0x10000]  }
0x176: {  	v3 =	vld [tilespmem:s20+$0x10000]  }
0x177: {  	v9 =	vld [tilespmem:s5+$0xF010]  }
0x178: {  	v10 =	vld [tilespmem:s5+$0x10010];
	v5 =	vadd.f32 v5, v4  }
0x179: {  	v11 =	vld [tilespmem:s5+$0x11010];
	v6 =	vadd.f32 v6, v4  }
0x17a: {  	v12 =	vld [tilespmem:s5+$0x12010];
	[tilespmem:s5+$0x18000] =	vst v5;
	v0 =	vadd.f32 v0, v1  }
0x17b: {  	v59 =	vld [tilespmem:s5+$0x11020];
	[tilespmem:s5+$0x19000] =	vst v6;
	v3 =	vadd.f32 v3, v2  }
0x17c: {  	s21 =	sor.u32 $0x2070, s0;
	v5 =	vld [tilespmem:s5+$0x13010];
	[tilespmem:s18+$0x18000] =	vst v0  }
0x17d: {  	s30 =	sor.u32 $0x2060, s0;
	v7 =	vadd.f32 v7, v4;
	[tilespmem:s20+$0x18000] =	vst v3;
	v6 =	vld [tilespmem:s21+$0x10000]  }
0x17e: {  	v4 =	vadd.f32 v8, v4;
	v8 =	vld [tilespmem:s30+$0x10000]  }
0x17f: {  	[tilespmem:s5+$0x1A000] =	vst v7;
	v7 =	vadd.f32 v10, v9;
	v0 =	vld [tilespmem:s5+$0xF020]  }
0x180: {  	[tilespmem:s5+$0x1B000] =	vst v4;
	v4 =	vadd.f32 v11, v9;
	v3 =	vld [tilespmem:s5+$0x10020]  }
0x181: {  	v60 =	vld [tilespmem:s5+$0x12020];
	[tilespmem:s5+$0x18010] =	vst v7;
	v7 =	vadd.f32 v12, v9  }
0x182: {  	[tilespmem:s5+$0x19010] =	vst v4;
	v4 =	vld [tilespmem:s5+$0x13020];
	v6 =	vadd.f32 v6, v1  }
0x183: {  	[tilespmem:s5+$0x1A010] =	vst v7;
	v7 =	vld [tilespmem:s5+$0xF030];
	v8 =	vadd.f32 v8, v2  }
0x184: {  	v5 =	vadd.f32 v5, v9;
	[tilespmem:s21+$0x18000] =	vst v6;
	v6 =	vld [tilespmem:s5+$0x10030]  }
0x185: {  	s31 =	sor.u32 $0x3070, s0;
	v3 =	vadd.f32 v3, v0;
	[tilespmem:s30+$0x18000] =	vst v8;
	v8 =	vld [tilespmem:s5+$0x11030]  }
0x186: {  	s0 =	sor.u32 $0x3060, s0;
	[tilespmem:s5+$0x1B010] =	vst v5;
	v61 =	vadd.f32 v59, v0;
	v5 =	vld [tilespmem:s31+$0x10000]  }
0x187: {  	[tilespmem:s5+$0x18020] =	vst v3;
	v3 =	vadd.f32 v60, v0;
	v62 =	vld [tilespmem:s0+$0x10000]  }
0x188: {  	[tilespmem:s5+$0x19020] =	vst v61;
	v0 =	vadd.f32 v4, v0;
	v4 =	vld [tilespmem:s5+$0x12030]  }
0x189: {  	[tilespmem:s5+$0x1A020] =	vst v3;
	v3 =	vadd.f32 v6, v7;
	v6 =	vld [tilespmem:s5+$0x13030]  }
0x18a: {  	[tilespmem:s5+$0x1B020] =	vst v0;
	v0 =	vld [tilespmem:s5+$0xF040];
	v8 =	vadd.f32 v8, v7  }
0x18b: {  	v1 =	vadd.f32 v5, v1;
	v5 =	vld [tilespmem:s5+$0x10040];
	[tilespmem:s5+$0x18030] =	vst v3  }
0x18c: {  	v63 =	vadd.f32 v62, v2;
	v3 =	vld [tilespmem:s5+$0x11040];
	[tilespmem:s5+$0x19030] =	vst v8  }
0x18d: {  	[tilespmem:s31+$0x18000] =	vst v1;
	v1 =	vadd.f32 v4, v7;
	v4 =	vld [tilespmem:s5+$0x12040]  }
0x18e: {  	v2 =	vld [tilespmem:s5+$0x13040];
	[tilespmem:s0+$0x18000] =	vst v63;
	v6 =	vadd.f32 v6, v7  }
0x18f: {  	s15 =	simm.s32 $0x1;
	s12 =	simm.s32 $0x400;
	s11 =	simm.s32 $0x0;
	[tilespmem:s5+$0x1A030] =	vst v1;
	v1 =	vld [tilespmem:s5+$0xF050]  }
.LBB2_8:
0x190: {  	s0 =	sand.u32 $0x3, s15;
	s6 =	sand.u32 $0xC00, s12;
	[tilespmem:s5+$0x1B030] =	vst v6;
	v5 =	vadd.f32 v5, v0;
	v6 =	vld [tilespmem:s5+$0x10050]  }
0x191: {  	s11 =	sadd.s32 $0x80, s11;
	s10 =	sadd.s32 $0x20, s10;
	s0 =	sshll.u32 s0, $0xA;
	v3 =	vadd.f32 v3, v0;
	v7 =	vld [tilespmem:s5+$0x11050]  }
0x192: {  	p0 =	slt.u32 s11, $0xF80;
	s17 =	sadd.s32 s0, s10;
	s0 =	sand.u32 $0x380, s10;
	[tilespmem:s5+$0x18040] =	vst v5;
	v4 =	vadd.f32 v4, v0;
	v5 =	vld [tilespmem:s5+$0x12050]  }
0x193: {  	s18 =	sor.u32 $0x60, s17;
	s2 =	sor.u32 $0x1060, s17;
	s20 =	sor.u32 $0x70, s17;
	[tilespmem:s5+$0x19040] =	vst v3;
	v0 =	vadd.f32 v2, v0;
	v2 =	vld [tilespmem:s5+$0x13050]  }
0x194: {  	s0 =	sor.u32 s0, s6;
	s6 =	sor.u32 $0x2060, s17;
	s16 =	sor.u32 $0x3060, s17;
	v3 =	vld [tilespmem:s20+$0xF000];
	[tilespmem:s5+$0x1A040] =	vst v4  }
0x195: {  	v4 =	vld [tilespmem:s20+$0x10000];
	[tilespmem:s5+$0x1B040] =	vst v0;
	v0 =	vadd.f32 v6, v1  }
0x196: {  	v6 =	vld [tilespmem:s18+$0xF000];
	v7 =	vadd.f32 v7, v1  }
0x197: {  	v8 =	vld [tilespmem:s18+$0x10000];
	[tilespmem:s5+$0x18050] =	vst v0;
	v0 =	vadd.f32 v5, v1  }
0x198: {  	v5 =	vld [tilespmem:s0+$0xF000];
	[tilespmem:s5+$0x19050] =	vst v7;
	v1 =	vadd.f32 v2, v1  }
0x199: {  	v2 =	vld [tilespmem:s0+$0x10000];
	[tilespmem:s5+$0x1A050] =	vst v0  }
0x19a: {  	v0 =	vld [tilespmem:s0+$0x11000];
	v4 =	vadd.f32 v4, v3;
	[tilespmem:s5+$0x1B050] =	vst v1;
	s5 =	smov.u32 s0  }
0x19b: {  	v1 =	vld [tilespmem:s5+$0x12000]  }
0x19c: {  	s0 =	sor.u32 $0x1070, s17;
	v7 =	vld [tilespmem:s5+$0x13000];
	v8 =	vadd.f32 v8, v6;
	[tilespmem:s20+$0x18000] =	vst v4  }
0x19d: {  	v4 =	vld [tilespmem:s0+$0x10000]  }
0x19e: {  	v2 =	vadd.f32 v2, v5;
	v9 =	vld [tilespmem:s5+$0xF010];
	[tilespmem:s18+$0x18000] =	vst v8  }
0x19f: {  	v0 =	vadd.f32 v0, v5;
	v8 =	vld [tilespmem:s2+$0x10000]  }
0x1a0: {  	[tilespmem:s5+$0x18000] =	vst v2;
	v1 =	vadd.f32 v1, v5;
	v2 =	vld [tilespmem:s5+$0x10010]  }
0x1a1: {  	[tilespmem:s5+$0x19000] =	vst v0;
	v0 =	vadd.f32 v7, v5;
	v5 =	vld [tilespmem:s5+$0x11010]  }
0x1a2: {  	[tilespmem:s5+$0x1A000] =	vst v1;
	v1 =	vld [tilespmem:s5+$0x12010];
	v4 =	vadd.f32 v4, v3  }
0x1a3: {  	[tilespmem:s5+$0x1B000] =	vst v0;
	v0 =	vld [tilespmem:s5+$0x13010]  }
0x1a4: {  	v7 =	vld [tilespmem:s5+$0xF020];
	v8 =	vadd.f32 v8, v6;
	[tilespmem:s0+$0x18000] =	vst v4;
	s0 =	sor.u32 $0x2070, s17  }
0x1a5: {  	v2 =	vadd.f32 v2, v9;
	v4 =	vld [tilespmem:s0+$0x10000]  }
0x1a6: {  	v5 =	vadd.f32 v5, v9;
	v10 =	vld [tilespmem:s5+$0x10020];
	[tilespmem:s2+$0x18000] =	vst v8  }
0x1a7: {  	[tilespmem:s5+$0x18010] =	vst v2;
	v1 =	vadd.f32 v1, v9;
	v2 =	vld [tilespmem:s6+$0x10000]  }
0x1a8: {  	[tilespmem:s5+$0x19010] =	vst v5;
	v0 =	vadd.f32 v0, v9;
	v5 =	vld [tilespmem:s5+$0x11020]  }
0x1a9: {  	[tilespmem:s5+$0x1A010] =	vst v1;
	v1 =	vld [tilespmem:s5+$0x12020]  }
0x1aa: {  	[tilespmem:s5+$0x1B010] =	vst v0;
	v0 =	vld [tilespmem:s5+$0x13020];
	v4 =	vadd.f32 v4, v3  }
0x1ab: {  	v8 =	vadd.f32 v10, v7;
	v9 =	vld [tilespmem:s5+$0xF030]  }
0x1ac: {  	v10 =	vld [tilespmem:s5+$0x10030];
	v2 =	vadd.f32 v2, v6;
	[tilespmem:s0+$0x18000] =	vst v4;
	s0 =	sor.u32 $0x3070, s17  }
0x1ad: {  	[tilespmem:s5+$0x18020] =	vst v8;
	v4 =	vadd.f32 v5, v7;
	v5 =	vld [tilespmem:s0+$0x10000]  }
0x1ae: {  	v1 =	vadd.f32 v1, v7;
	v8 =	vld [tilespmem:s5+$0x11030];
	[tilespmem:s6+$0x18000] =	vst v2  }
0x1af: {  	[tilespmem:s5+$0x19020] =	vst v4;
	v0 =	vadd.f32 v0, v7;
	v2 =	vld [tilespmem:s16+$0x10000]  }
0x1b0: {  	[tilespmem:s5+$0x1A020] =	vst v1;
	v1 =	vld [tilespmem:s5+$0x12030]  }
0x1b1: {  	[tilespmem:s5+$0x1B020] =	vst v0;
	v4 =	vadd.f32 v10, v9;
	v7 =	vld [tilespmem:s5+$0x13030]  }
0x1b2: {  	v0 =	vld [tilespmem:s5+$0xF040];
	v10 =	vadd.f32 v5, v3  }
.Ltmp3:
0x1b3: {  	[tilespmem:s5+$0x18030] =	vst v4;
	v4 =	vadd.f32 v8, v9;
	v5 =	vld [tilespmem:s5+$0x10040];
	(pc) =	sbr.rel @p0 .LBB2_8-.Ltmp3, $4  }
0x1b4: {  	v3 =	vld [tilespmem:s5+$0x11040];
	v8 =	vadd.f32 v2, v6;
	[tilespmem:s0+$0x18000] =	vst v10  }
0x1b5: {  	[tilespmem:s5+$0x19030] =	vst v4;
	v1 =	vadd.f32 v1, v9;
	v4 =	vld [tilespmem:s5+$0x12040]  }
0x1b6: {  	v6 =	vadd.f32 v7, v9;
	v2 =	vld [tilespmem:s5+$0x13040];
	[tilespmem:s16+$0x18000] =	vst v8  }
0x1b7: {  	s12 =	sadd.s32 $0x400, s12;
	s15 =	sadd.s32 $0x1, s15;
	[tilespmem:s5+$0x1A030] =	vst v1;
	v1 =	vld [tilespmem:s5+$0xF050]  }
0x1b8: {  	v7 =	vld [tilespmem:s5+$0x10050]  }
0x1b9: {  	v5 =	vadd.f32 v5, v0;
	v8 =	vld [tilespmem:s5+$0x11050]  }
0x1ba: {  	[tilespmem:s5+$0x1B030] =	vst v6;
	v57 =	vld [tilespmem:s5+$0x12050];
	v3 =	vadd.f32 v3, v0  }
0x1bb: {  	v58 =	vld [tilespmem:s5+$0x13050];
	[tilespmem:s5+$0x18040] =	vst v5;
	v4 =	vadd.f32 v4, v0  }
0x1bc: {  	[tilespmem:s5+$0x19040] =	vst v3;
	v59 =	vadd.f32 v2, v0  }
0x1bd: {  	[tilespmem:s5+$0x1A040] =	vst v4;
	v60 =	vadd.f32 v7, v1  }
0x1be: {  	[tilespmem:s5+$0x1B040] =	vst v59;
	v61 =	vadd.f32 v8, v1  }
0x1bf: {  	v62 =	vadd.f32 v57, v1;
	[tilespmem:s5+$0x18050] =	vst v60  }
0x1c0: {  	v63 =	vadd.f32 v58, v1;
	[tilespmem:s5+$0x19050] =	vst v61  }
0x1c1: {  	[tilespmem:s5+$0x1A050] =	vst v62  }
0x1c2: {  	[tilespmem:s5+$0x1B050] =	vst v63  }
0x1c3: {  	s11 =	simm.s32 $0x1;
	s0 =	rddreg [dreg:$0x13]  }
0x1c4: {  	[hbm4b:s0+s14] =	stream.strided.scatter [tilespmem:s24], [sflag:$0x6], $0x4000, s13, s14, $0x38;
	[tilespmem:$0x1C000] =	vst v63  }
.LBB2_10:
0x1c5: {  	_ =	swait.ge [sflag:s19], $0x1000  }
0x1c6: {  	s5 =	sshll.u32 s11, $0x1;
	[sflag:s19] =	ssyncset.done $0x0;
	s0 =	rddreg [dreg:$0x1b]  }
0x1c7: {  	[sflag:s19] =	ssyncadd.s32 $0xFFFFF000;
	s0 =	sadd.s32 s5, s0  }
0x1c8: {  	_ =	swait.ge [sflag:s19], $0x4000;
	s0 =	sshll.u32 s0, $0xA  }
0x1c9: {  	s10 =	simm.s32 $0x0;
	[sflag:s19] =	ssyncset.done $0x0;
	s12 =	sadd.s32 $0x600, s0  }
0x1ca: {  	s2 =	simm.s32 $0xF000;
	[sflag:s19] =	ssyncadd.s32 $0xFFFFC000;
	s0 =	sadd.s32 s3, s12  }
0x1cb: {  	[tilespmem:s2], [sflag:$0x4] =	stream.linear.gather [hbm4b:s0+s10], $0x1000, $0x38;
	[tilespmem:$0x1C000] =	vst v63  }
0x1cc: {  	s6 =	simm.s32 $0x10000;
	s7 =	sand.u32 $0x3, s10;
	s2 =	sadd.s32 s1, s12  }
0x1cd: {  	[tilespmem:s6], [sflag:$0x4] =	stream.strided.gather [hbm4b:s2+s14], $0x4000, s13, s14, $0x38;
	[tilespmem:$0x1C000] =	vst v63  }
0x1ce: {  	s0 =	sshll.u32 s7, $0xA;
	_ =	swait.ge [sflag:s26], $0x4000  }
0x1cf: {  	s0 =	sadd.s32 $0x0, s0;
	[sflag:s26] =	ssyncset.done $0x0  }
0x1d0: {  	s8 =	sor.u32 $0x70, s0;
	[sflag:s26] =	ssyncadd.s32 $0xFFFFC000  }
0x1d1: {  	v1 =	vld [tilespmem:s8+$0x0]  }
0x1d2: {  	s6 =	sor.u32 $0x60, s0;
	v0 =	vld [tilespmem:s8+$0x1000]  }
0x1d3: {  	v2 =	vld [tilespmem:s6+$0x0]  }
0x1d4: {  	s15 =	sand.u32 $0xC00, s10;
	s16 =	sand.u32 $0x380, s10;
	v3 =	vld [tilespmem:s6+$0x1000]  }
0x1d5: {  	s30 =	sor.u32 s16, s15  }
0x1d6: {  	v4 =	vld [tilespmem:s30+$0x0]  }
0x1d7: {  	v5 =	vld [tilespmem:s30+$0x1000]  }
0x1d8: {  	v6 =	vld [tilespmem:s30+$0x2000];
	v0 =	vadd.f32 v0, v1  }
0x1d9: {  	v7 =	vld [tilespmem:s30+$0x3000];
	v3 =	vadd.f32 v3, v2  }
0x1da: {  	s17 =	sor.u32 $0x1070, s0;
	v8 =	vld [tilespmem:s30+$0x4000];
	[tilespmem:s8+$0x14000] =	vst v0  }
0x1db: {  	s18 =	sor.u32 $0x1060, s0;
	[tilespmem:s6+$0x14000] =	vst v3;
	v0 =	vld [tilespmem:s17+$0x1000]  }
0x1dc: {  	v3 =	vld [tilespmem:s18+$0x1000]  }
0x1dd: {  	v9 =	vld [tilespmem:s30+$0x10]  }
0x1de: {  	v10 =	vld [tilespmem:s30+$0x1010];
	v5 =	vadd.f32 v5, v4  }
0x1df: {  	v11 =	vld [tilespmem:s30+$0x2010];
	v6 =	vadd.f32 v6, v4  }
0x1e0: {  	v12 =	vld [tilespmem:s30+$0x3010];
	[tilespmem:s30+$0x14000] =	vst v5;
	v0 =	vadd.f32 v0, v1  }
0x1e1: {  	v59 =	vld [tilespmem:s30+$0x2020];
	[tilespmem:s30+$0x15000] =	vst v6;
	v3 =	vadd.f32 v3, v2  }
0x1e2: {  	s20 =	sor.u32 $0x2070, s0;
	v5 =	vld [tilespmem:s30+$0x4010];
	[tilespmem:s17+$0x14000] =	vst v0  }
0x1e3: {  	s21 =	sor.u32 $0x2060, s0;
	v7 =	vadd.f32 v7, v4;
	[tilespmem:s18+$0x14000] =	vst v3;
	v6 =	vld [tilespmem:s20+$0x1000]  }
0x1e4: {  	v4 =	vadd.f32 v8, v4;
	v8 =	vld [tilespmem:s21+$0x1000]  }
0x1e5: {  	[tilespmem:s30+$0x16000] =	vst v7;
	v7 =	vadd.f32 v10, v9;
	v0 =	vld [tilespmem:s30+$0x20]  }
0x1e6: {  	[tilespmem:s30+$0x17000] =	vst v4;
	v4 =	vadd.f32 v11, v9;
	v3 =	vld [tilespmem:s30+$0x1020]  }
0x1e7: {  	v60 =	vld [tilespmem:s30+$0x3020];
	[tilespmem:s30+$0x14010] =	vst v7;
	v7 =	vadd.f32 v12, v9  }
0x1e8: {  	[tilespmem:s30+$0x15010] =	vst v4;
	v4 =	vld [tilespmem:s30+$0x4020];
	v6 =	vadd.f32 v6, v1  }
0x1e9: {  	[tilespmem:s30+$0x16010] =	vst v7;
	v7 =	vld [tilespmem:s30+$0x30];
	v8 =	vadd.f32 v8, v2  }
0x1ea: {  	v5 =	vadd.f32 v5, v9;
	[tilespmem:s20+$0x14000] =	vst v6;
	v6 =	vld [tilespmem:s30+$0x1030]  }
0x1eb: {  	s31 =	sor.u32 $0x3070, s0;
	v3 =	vadd.f32 v3, v0;
	[tilespmem:s21+$0x14000] =	vst v8;
	v8 =	vld [tilespmem:s30+$0x2030]  }
0x1ec: {  	s0 =	sor.u32 $0x3060, s0;
	[tilespmem:s30+$0x17010] =	vst v5;
	v61 =	vadd.f32 v59, v0;
	v5 =	vld [tilespmem:s31+$0x1000]  }
0x1ed: {  	[tilespmem:s30+$0x14020] =	vst v3;
	v3 =	vadd.f32 v60, v0;
	v62 =	vld [tilespmem:s0+$0x1000]  }
0x1ee: {  	[tilespmem:s30+$0x15020] =	vst v61;
	v0 =	vadd.f32 v4, v0;
	v4 =	vld [tilespmem:s30+$0x3030]  }
0x1ef: {  	[tilespmem:s30+$0x16020] =	vst v3;
	v3 =	vadd.f32 v6, v7;
	v6 =	vld [tilespmem:s30+$0x4030]  }
0x1f0: {  	[tilespmem:s30+$0x17020] =	vst v0;
	v0 =	vld [tilespmem:s30+$0x40];
	v8 =	vadd.f32 v8, v7  }
0x1f1: {  	v1 =	vadd.f32 v5, v1;
	v5 =	vld [tilespmem:s30+$0x1040];
	[tilespmem:s30+$0x14030] =	vst v3  }
0x1f2: {  	v63 =	vadd.f32 v62, v2;
	v3 =	vld [tilespmem:s30+$0x2040];
	[tilespmem:s30+$0x15030] =	vst v8  }
0x1f3: {  	[tilespmem:s31+$0x14000] =	vst v1;
	v1 =	vadd.f32 v4, v7;
	v4 =	vld [tilespmem:s30+$0x3040]  }
0x1f4: {  	v2 =	vld [tilespmem:s30+$0x4040];
	[tilespmem:s0+$0x14000] =	vst v63;
	v6 =	vadd.f32 v6, v7  }
0x1f5: {  	s15 =	simm.s32 $0x0;
	s16 =	simm.s32 $0x400;
	s17 =	simm.s32 $0x1;
	[tilespmem:s30+$0x16030] =	vst v1;
	v1 =	vld [tilespmem:s30+$0x50]  }
.LBB2_11:
0x1f6: {  	s0 =	sand.u32 $0x3, s17;
	s6 =	sand.u32 $0xC00, s16;
	[tilespmem:s30+$0x17030] =	vst v6;
	v5 =	vadd.f32 v5, v0;
	v6 =	vld [tilespmem:s30+$0x1050]  }
0x1f7: {  	s15 =	sadd.s32 $0x80, s15;
	s10 =	sadd.s32 $0x20, s10;
	s0 =	sshll.u32 s0, $0xA;
	v3 =	vadd.f32 v3, v0;
	v7 =	vld [tilespmem:s30+$0x2050]  }
0x1f8: {  	p0 =	slt.u32 s15, $0xF80;
	s20 =	sadd.s32 s0, s10;
	s0 =	sand.u32 $0x380, s10;
	[tilespmem:s30+$0x14040] =	vst v5;
	v4 =	vadd.f32 v4, v0;
	v5 =	vld [tilespmem:s30+$0x3050]  }
0x1f9: {  	s21 =	sor.u32 $0x60, s20;
	s2 =	sor.u32 $0x1060, s20;
	s8 =	sor.u32 $0x70, s20;
	[tilespmem:s30+$0x15040] =	vst v3;
	v0 =	vadd.f32 v2, v0;
	v2 =	vld [tilespmem:s30+$0x4050]  }
0x1fa: {  	s0 =	sor.u32 s0, s6;
	s6 =	sor.u32 $0x2060, s20;
	s18 =	sor.u32 $0x3060, s20;
	v3 =	vld [tilespmem:s8+$0x0];
	[tilespmem:s30+$0x16040] =	vst v4  }
0x1fb: {  	v4 =	vld [tilespmem:s8+$0x1000];
	[tilespmem:s30+$0x17040] =	vst v0;
	v0 =	vadd.f32 v6, v1  }
0x1fc: {  	v6 =	vld [tilespmem:s21+$0x0];
	v7 =	vadd.f32 v7, v1  }
0x1fd: {  	v8 =	vld [tilespmem:s21+$0x1000];
	[tilespmem:s30+$0x14050] =	vst v0;
	v0 =	vadd.f32 v5, v1  }
0x1fe: {  	v5 =	vld [tilespmem:s0+$0x0];
	[tilespmem:s30+$0x15050] =	vst v7;
	v1 =	vadd.f32 v2, v1  }
0x1ff: {  	v2 =	vld [tilespmem:s0+$0x1000];
	[tilespmem:s30+$0x16050] =	vst v0  }
0x200: {  	v0 =	vld [tilespmem:s0+$0x2000];
	v4 =	vadd.f32 v4, v3;
	[tilespmem:s30+$0x17050] =	vst v1;
	s30 =	smov.u32 s0  }
0x201: {  	v1 =	vld [tilespmem:s30+$0x3000]  }
0x202: {  	s0 =	sor.u32 $0x1070, s20;
	v7 =	vld [tilespmem:s30+$0x4000];
	v8 =	vadd.f32 v8, v6;
	[tilespmem:s8+$0x14000] =	vst v4  }
0x203: {  	v4 =	vld [tilespmem:s0+$0x1000]  }
0x204: {  	v2 =	vadd.f32 v2, v5;
	v9 =	vld [tilespmem:s30+$0x10];
	[tilespmem:s21+$0x14000] =	vst v8  }
0x205: {  	v0 =	vadd.f32 v0, v5;
	v8 =	vld [tilespmem:s2+$0x1000]  }
0x206: {  	[tilespmem:s30+$0x14000] =	vst v2;
	v1 =	vadd.f32 v1, v5;
	v2 =	vld [tilespmem:s30+$0x1010]  }
0x207: {  	[tilespmem:s30+$0x15000] =	vst v0;
	v0 =	vadd.f32 v7, v5;
	v5 =	vld [tilespmem:s30+$0x2010]  }
0x208: {  	[tilespmem:s30+$0x16000] =	vst v1;
	v1 =	vld [tilespmem:s30+$0x3010];
	v4 =	vadd.f32 v4, v3  }
0x209: {  	[tilespmem:s30+$0x17000] =	vst v0;
	v0 =	vld [tilespmem:s30+$0x4010]  }
0x20a: {  	v7 =	vld [tilespmem:s30+$0x20];
	v8 =	vadd.f32 v8, v6;
	[tilespmem:s0+$0x14000] =	vst v4;
	s0 =	sor.u32 $0x2070, s20  }
0x20b: {  	v2 =	vadd.f32 v2, v9;
	v4 =	vld [tilespmem:s0+$0x1000]  }
0x20c: {  	v5 =	vadd.f32 v5, v9;
	v10 =	vld [tilespmem:s30+$0x1020];
	[tilespmem:s2+$0x14000] =	vst v8  }
0x20d: {  	[tilespmem:s30+$0x14010] =	vst v2;
	v1 =	vadd.f32 v1, v9;
	v2 =	vld [tilespmem:s6+$0x1000]  }
0x20e: {  	[tilespmem:s30+$0x15010] =	vst v5;
	v0 =	vadd.f32 v0, v9;
	v5 =	vld [tilespmem:s30+$0x2020]  }
0x20f: {  	[tilespmem:s30+$0x16010] =	vst v1;
	v1 =	vld [tilespmem:s30+$0x3020]  }
0x210: {  	[tilespmem:s30+$0x17010] =	vst v0;
	v0 =	vld [tilespmem:s30+$0x4020];
	v4 =	vadd.f32 v4, v3  }
0x211: {  	v8 =	vadd.f32 v10, v7;
	v9 =	vld [tilespmem:s30+$0x30]  }
0x212: {  	v10 =	vld [tilespmem:s30+$0x1030];
	v2 =	vadd.f32 v2, v6;
	[tilespmem:s0+$0x14000] =	vst v4;
	s0 =	sor.u32 $0x3070, s20  }
0x213: {  	[tilespmem:s30+$0x14020] =	vst v8;
	v4 =	vadd.f32 v5, v7;
	v5 =	vld [tilespmem:s0+$0x1000]  }
0x214: {  	v1 =	vadd.f32 v1, v7;
	v8 =	vld [tilespmem:s30+$0x2030];
	[tilespmem:s6+$0x14000] =	vst v2  }
0x215: {  	[tilespmem:s30+$0x15020] =	vst v4;
	v0 =	vadd.f32 v0, v7;
	v2 =	vld [tilespmem:s18+$0x1000]  }
0x216: {  	[tilespmem:s30+$0x16020] =	vst v1;
	v1 =	vld [tilespmem:s30+$0x3030]  }
0x217: {  	[tilespmem:s30+$0x17020] =	vst v0;
	v4 =	vadd.f32 v10, v9;
	v7 =	vld [tilespmem:s30+$0x4030]  }
0x218: {  	v0 =	vld [tilespmem:s30+$0x40];
	v10 =	vadd.f32 v5, v3  }
.Ltmp4:
0x219: {  	[tilespmem:s30+$0x14030] =	vst v4;
	v4 =	vadd.f32 v8, v9;
	v5 =	vld [tilespmem:s30+$0x1040];
	(pc) =	sbr.rel @p0 .LBB2_11-.Ltmp4, $4  }
0x21a: {  	v3 =	vld [tilespmem:s30+$0x2040];
	v8 =	vadd.f32 v2, v6;
	[tilespmem:s0+$0x14000] =	vst v10  }
0x21b: {  	[tilespmem:s30+$0x15030] =	vst v4;
	v1 =	vadd.f32 v1, v9;
	v4 =	vld [tilespmem:s30+$0x3040]  }
0x21c: {  	v6 =	vadd.f32 v7, v9;
	v2 =	vld [tilespmem:s30+$0x4040];
	[tilespmem:s18+$0x14000] =	vst v8  }
0x21d: {  	s16 =	sadd.s32 $0x400, s16;
	s17 =	sadd.s32 $0x1, s17;
	[tilespmem:s30+$0x16030] =	vst v1;
	v1 =	vld [tilespmem:s30+$0x50]  }
0x21e: {  	v7 =	vld [tilespmem:s30+$0x1050]  }
0x21f: {  	v5 =	vadd.f32 v5, v0;
	v8 =	vld [tilespmem:s30+$0x2050]  }
0x220: {  	[tilespmem:s30+$0x17030] =	vst v6;
	v6 =	vld [tilespmem:s30+$0x3050];
	v3 =	vadd.f32 v3, v0  }
0x221: {  	[tilespmem:s30+$0x14040] =	vst v5;
	v4 =	vadd.f32 v4, v0  }
0x222: {  	[tilespmem:s30+$0x15040] =	vst v3;
	v0 =	vadd.f32 v2, v0  }
0x223: {  	v5 =	vld [tilespmem:s30+$0x4050];
	[tilespmem:s30+$0x16040] =	vst v4;
	v2 =	vadd.f32 v7, v1  }
0x224: {  	[tilespmem:s30+$0x17040] =	vst v0;
	v0 =	vadd.f32 v8, v1  }
0x225: {  	[tilespmem:s30+$0x14050] =	vst v2;
	v2 =	vadd.f32 v6, v1  }
0x226: {  	[tilespmem:s30+$0x15050] =	vst v0  }
0x227: {  	[tilespmem:s30+$0x16050] =	vst v2  }
0x228: {  	s0 =	sshll.u32 s11, $0xB;
	v0 =	vadd.f32 v5, v1;
	s2 =	rddreg [dreg:$0x4]  }
0x229: {  	s10 =	sadd.s32 s2, s0  }
0x22a: {  	[tilespmem:s30+$0x17050] =	vst v0;
	s0 =	sadd.s32 s4, s10  }
0x22b: {  	[hbm4b:s0+s14] =	stream.strided.scatter [tilespmem:s22], [sflag:$0x5], $0x4000, s13, s14, $0x38;
	[tilespmem:$0x1C000] =	vst v63  }
0x22c: {  	_ =	swait.ge [sflag:s23], $0x1000  }
0x22d: {  	[sflag:s23] =	ssyncset.done $0x0  }
0x22e: {  	[sflag:s23] =	ssyncadd.s32 $0xFFFFF000  }
0x22f: {  	_ =	swait.ge [sflag:s23], $0x4000  }
0x230: {  	s30 =	sshll.u32 s11, $0x4;
	s21 =	rddreg [dreg:$0x1c]  }
0x231: {  	s0 =	sadd.s32 s30, s21  }
0x232: {  	[sflag:s23] =	ssyncset.done $0x0;
	s0 =	sshll.u32 s0, $0x7  }
0x233: {  	s16 =	simm.s32 $0x0;
	[sflag:s23] =	ssyncadd.s32 $0xFFFFC000;
	s31 =	sadd.s32 s3, s0  }
0x234: {  	[tilespmem:s16], [sflag:$0x1] =	stream.linear.gather [hbm4b:s31+s16], $0x1000, $0x38;
	[tilespmem:$0x1C000] =	vst v63  }
0x235: {  	s6 =	sand.u32 $0x3, s16;
	s0 =	sadd.s32 s1, s0  }
0x236: {  	[tilespmem:s14], [sflag:$0x1] =	stream.strided.gather [hbm4b:s0+s14], $0x4000, s13, s14, $0x38;
	[tilespmem:$0x1C000] =	vst v63  }
0x237: {  	s0 =	sshll.u32 s6, $0xA;
	_ =	swait.ge [sflag:s29], $0x4000  }
0x238: {  	s0 =	sadd.s32 $0x0, s0;
	[sflag:s29] =	ssyncset.done $0x0  }
0x239: {  	s7 =	sor.u32 $0x70, s0;
	[sflag:s29] =	ssyncadd.s32 $0xFFFFC000  }
0x23a: {  	v1 =	vld [tilespmem:s7+$0x5000]  }
0x23b: {  	s6 =	sor.u32 $0x60, s0;
	v0 =	vld [tilespmem:s7+$0x6000]  }
0x23c: {  	v2 =	vld [tilespmem:s6+$0x5000]  }
0x23d: {  	s8 =	sand.u32 $0xC00, s16;
	s15 =	sand.u32 $0x380, s16;
	v3 =	vld [tilespmem:s6+$0x6000]  }
0x23e: {  	s15 =	sor.u32 s15, s8  }
0x23f: {  	v4 =	vld [tilespmem:s15+$0x5000]  }
0x240: {  	v5 =	vld [tilespmem:s15+$0x6000]  }
0x241: {  	v6 =	vld [tilespmem:s15+$0x7000];
	v0 =	vadd.f32 v0, v1  }
0x242: {  	v7 =	vld [tilespmem:s15+$0x8000];
	v3 =	vadd.f32 v3, v2  }
0x243: {  	s17 =	sor.u32 $0x1070, s0;
	v8 =	vld [tilespmem:s15+$0x9000];
	[tilespmem:s7+$0x18000] =	vst v0  }
0x244: {  	s18 =	sor.u32 $0x1060, s0;
	[tilespmem:s6+$0x18000] =	vst v3;
	v0 =	vld [tilespmem:s17+$0x6000]  }
0x245: {  	v3 =	vld [tilespmem:s18+$0x6000]  }
0x246: {  	v9 =	vld [tilespmem:s15+$0x5010]  }
0x247: {  	v10 =	vld [tilespmem:s15+$0x6010];
	v5 =	vadd.f32 v5, v4  }
0x248: {  	v11 =	vld [tilespmem:s15+$0x7010];
	v6 =	vadd.f32 v6, v4  }
0x249: {  	v12 =	vld [tilespmem:s15+$0x8010];
	[tilespmem:s15+$0x18000] =	vst v5;
	v0 =	vadd.f32 v0, v1  }
0x24a: {  	v59 =	vld [tilespmem:s15+$0x7020];
	[tilespmem:s15+$0x19000] =	vst v6;
	v3 =	vadd.f32 v3, v2  }
0x24b: {  	s20 =	sor.u32 $0x2070, s0;
	v5 =	vld [tilespmem:s15+$0x9010];
	[tilespmem:s17+$0x18000] =	vst v0  }
0x24c: {  	s21 =	sor.u32 $0x2060, s0;
	v7 =	vadd.f32 v7, v4;
	[tilespmem:s18+$0x18000] =	vst v3;
	v6 =	vld [tilespmem:s20+$0x6000]  }
0x24d: {  	v4 =	vadd.f32 v8, v4;
	v8 =	vld [tilespmem:s21+$0x6000]  }
0x24e: {  	[tilespmem:s15+$0x1A000] =	vst v7;
	v7 =	vadd.f32 v10, v9;
	v0 =	vld [tilespmem:s15+$0x5020]  }
0x24f: {  	[tilespmem:s15+$0x1B000] =	vst v4;
	v4 =	vadd.f32 v11, v9;
	v3 =	vld [tilespmem:s15+$0x6020]  }
0x250: {  	v60 =	vld [tilespmem:s15+$0x8020];
	[tilespmem:s15+$0x18010] =	vst v7;
	v7 =	vadd.f32 v12, v9  }
0x251: {  	[tilespmem:s15+$0x19010] =	vst v4;
	v4 =	vld [tilespmem:s15+$0x9020];
	v6 =	vadd.f32 v6, v1  }
0x252: {  	[tilespmem:s15+$0x1A010] =	vst v7;
	v7 =	vld [tilespmem:s15+$0x5030];
	v8 =	vadd.f32 v8, v2  }
0x253: {  	v5 =	vadd.f32 v5, v9;
	[tilespmem:s20+$0x18000] =	vst v6;
	v6 =	vld [tilespmem:s15+$0x6030]  }
0x254: {  	s31 =	sor.u32 $0x3070, s0;
	v3 =	vadd.f32 v3, v0;
	[tilespmem:s21+$0x18000] =	vst v8;
	v8 =	vld [tilespmem:s15+$0x7030]  }
0x255: {  	s0 =	sor.u32 $0x3060, s0;
	[tilespmem:s15+$0x1B010] =	vst v5;
	v61 =	vadd.f32 v59, v0;
	v5 =	vld [tilespmem:s31+$0x6000]  }
0x256: {  	[tilespmem:s15+$0x18020] =	vst v3;
	v3 =	vadd.f32 v60, v0;
	v62 =	vld [tilespmem:s0+$0x6000]  }
0x257: {  	[tilespmem:s15+$0x19020] =	vst v61;
	v0 =	vadd.f32 v4, v0;
	v4 =	vld [tilespmem:s15+$0x8030]  }
0x258: {  	[tilespmem:s15+$0x1A020] =	vst v3;
	v3 =	vadd.f32 v6, v7;
	v6 =	vld [tilespmem:s15+$0x9030]  }
0x259: {  	[tilespmem:s15+$0x1B020] =	vst v0;
	v0 =	vld [tilespmem:s15+$0x5040];
	v8 =	vadd.f32 v8, v7  }
0x25a: {  	v1 =	vadd.f32 v5, v1;
	v5 =	vld [tilespmem:s15+$0x6040];
	[tilespmem:s15+$0x18030] =	vst v3  }
0x25b: {  	v63 =	vadd.f32 v62, v2;
	v3 =	vld [tilespmem:s15+$0x7040];
	[tilespmem:s15+$0x19030] =	vst v8  }
0x25c: {  	[tilespmem:s31+$0x18000] =	vst v1;
	v1 =	vadd.f32 v4, v7;
	v4 =	vld [tilespmem:s15+$0x8040]  }
0x25d: {  	v2 =	vld [tilespmem:s15+$0x9040];
	[tilespmem:s0+$0x18000] =	vst v63;
	v6 =	vadd.f32 v6, v7  }
0x25e: {  	s17 =	simm.s32 $0x0;
	s18 =	simm.s32 $0x400;
	s20 =	simm.s32 $0x1;
	[tilespmem:s15+$0x1A030] =	vst v1;
	v1 =	vld [tilespmem:s15+$0x5050]  }
.LBB2_13:
0x25f: {  	s0 =	sand.u32 $0x3, s20;
	s2 =	sand.u32 $0xC00, s18;
	[tilespmem:s15+$0x1B030] =	vst v6;
	v5 =	vadd.f32 v5, v0;
	v6 =	vld [tilespmem:s15+$0x6050]  }
0x260: {  	s17 =	sadd.s32 $0x80, s17;
	s16 =	sadd.s32 $0x20, s16;
	s0 =	sshll.u32 s0, $0xA;
	v3 =	vadd.f32 v3, v0;
	v7 =	vld [tilespmem:s15+$0x7050]  }
0x261: {  	s8 =	sand.u32 $0x380, s16;
	p0 =	slt.u32 s17, $0xF80;
	s6 =	sadd.s32 s0, s16;
	[tilespmem:s15+$0x18040] =	vst v5;
	v4 =	vadd.f32 v4, v0;
	v5 =	vld [tilespmem:s15+$0x8050]  }
0x262: {  	s7 =	sor.u32 $0x60, s6;
	s0 =	sor.u32 $0x1060, s6;
	s31 =	sor.u32 $0x70, s6;
	[tilespmem:s15+$0x19040] =	vst v3;
	v0 =	vadd.f32 v2, v0;
	v2 =	vld [tilespmem:s15+$0x9050]  }
0x263: {  	s8 =	sor.u32 s8, s2;
	s2 =	sor.u32 $0x2060, s6;
	s21 =	sor.u32 $0x3060, s6;
	v3 =	vld [tilespmem:s31+$0x5000];
	[tilespmem:s15+$0x1A040] =	vst v4  }
0x264: {  	v4 =	vld [tilespmem:s31+$0x6000];
	[tilespmem:s15+$0x1B040] =	vst v0;
	v0 =	vadd.f32 v6, v1  }
0x265: {  	v6 =	vld [tilespmem:s7+$0x5000];
	v7 =	vadd.f32 v7, v1  }
0x266: {  	v8 =	vld [tilespmem:s7+$0x6000];
	[tilespmem:s15+$0x18050] =	vst v0;
	v0 =	vadd.f32 v5, v1  }
0x267: {  	v5 =	vld [tilespmem:s8+$0x5000];
	[tilespmem:s15+$0x19050] =	vst v7;
	v1 =	vadd.f32 v2, v1  }
0x268: {  	v2 =	vld [tilespmem:s8+$0x6000];
	[tilespmem:s15+$0x1A050] =	vst v0  }
0x269: {  	v0 =	vld [tilespmem:s8+$0x7000];
	v4 =	vadd.f32 v4, v3;
	[tilespmem:s15+$0x1B050] =	vst v1;
	s15 =	smov.u32 s8  }
0x26a: {  	v1 =	vld [tilespmem:s15+$0x8000]  }
0x26b: {  	s8 =	sor.u32 $0x1070, s6;
	v7 =	vld [tilespmem:s15+$0x9000];
	v8 =	vadd.f32 v8, v6;
	[tilespmem:s31+$0x18000] =	vst v4  }
0x26c: {  	v4 =	vld [tilespmem:s8+$0x6000]  }
0x26d: {  	v2 =	vadd.f32 v2, v5;
	v9 =	vld [tilespmem:s15+$0x5010];
	[tilespmem:s7+$0x18000] =	vst v8  }
0x26e: {  	v0 =	vadd.f32 v0, v5;
	v8 =	vld [tilespmem:s0+$0x6000]  }
0x26f: {  	[tilespmem:s15+$0x18000] =	vst v2;
	v1 =	vadd.f32 v1, v5;
	v2 =	vld [tilespmem:s15+$0x6010]  }
0x270: {  	[tilespmem:s15+$0x19000] =	vst v0;
	v0 =	vadd.f32 v7, v5;
	v5 =	vld [tilespmem:s15+$0x7010]  }
0x271: {  	[tilespmem:s15+$0x1A000] =	vst v1;
	v1 =	vld [tilespmem:s15+$0x8010];
	v4 =	vadd.f32 v4, v3  }
0x272: {  	[tilespmem:s15+$0x1B000] =	vst v0;
	v0 =	vld [tilespmem:s15+$0x9010]  }
0x273: {  	s7 =	sor.u32 $0x2070, s6;
	v7 =	vld [tilespmem:s15+$0x5020];
	v8 =	vadd.f32 v8, v6;
	[tilespmem:s8+$0x18000] =	vst v4  }
0x274: {  	v2 =	vadd.f32 v2, v9;
	v4 =	vld [tilespmem:s7+$0x6000]  }
0x275: {  	v5 =	vadd.f32 v5, v9;
	v10 =	vld [tilespmem:s15+$0x6020];
	[tilespmem:s0+$0x18000] =	vst v8  }
0x276: {  	[tilespmem:s15+$0x18010] =	vst v2;
	v1 =	vadd.f32 v1, v9;
	v2 =	vld [tilespmem:s2+$0x6000]  }
0x277: {  	[tilespmem:s15+$0x19010] =	vst v5;
	v0 =	vadd.f32 v0, v9;
	v5 =	vld [tilespmem:s15+$0x7020]  }
0x278: {  	[tilespmem:s15+$0x1A010] =	vst v1;
	v1 =	vld [tilespmem:s15+$0x8020]  }
0x279: {  	[tilespmem:s15+$0x1B010] =	vst v0;
	v0 =	vld [tilespmem:s15+$0x9020];
	v4 =	vadd.f32 v4, v3  }
0x27a: {  	v8 =	vadd.f32 v10, v7;
	v9 =	vld [tilespmem:s15+$0x5030]  }
0x27b: {  	s0 =	sor.u32 $0x3070, s6;
	v10 =	vld [tilespmem:s15+$0x6030];
	v2 =	vadd.f32 v2, v6;
	[tilespmem:s7+$0x18000] =	vst v4  }
0x27c: {  	[tilespmem:s15+$0x18020] =	vst v8;
	v4 =	vadd.f32 v5, v7;
	v5 =	vld [tilespmem:s0+$0x6000]  }
0x27d: {  	v1 =	vadd.f32 v1, v7;
	v8 =	vld [tilespmem:s15+$0x7030];
	[tilespmem:s2+$0x18000] =	vst v2  }
0x27e: {  	[tilespmem:s15+$0x19020] =	vst v4;
	v0 =	vadd.f32 v0, v7;
	v2 =	vld [tilespmem:s21+$0x6000]  }
0x27f: {  	[tilespmem:s15+$0x1A020] =	vst v1;
	v1 =	vld [tilespmem:s15+$0x8030]  }
0x280: {  	[tilespmem:s15+$0x1B020] =	vst v0;
	v4 =	vadd.f32 v10, v9;
	v7 =	vld [tilespmem:s15+$0x9030]  }
0x281: {  	v0 =	vld [tilespmem:s15+$0x5040];
	v10 =	vadd.f32 v5, v3  }
.Ltmp5:
0x282: {  	[tilespmem:s15+$0x18030] =	vst v4;
	v4 =	vadd.f32 v8, v9;
	v5 =	vld [tilespmem:s15+$0x6040];
	(pc) =	sbr.rel @p0 .LBB2_13-.Ltmp5, $4  }
0x283: {  	v3 =	vld [tilespmem:s15+$0x7040];
	v8 =	vadd.f32 v2, v6;
	[tilespmem:s0+$0x18000] =	vst v10  }
0x284: {  	[tilespmem:s15+$0x19030] =	vst v4;
	v1 =	vadd.f32 v1, v9;
	v4 =	vld [tilespmem:s15+$0x8040]  }
0x285: {  	v6 =	vadd.f32 v7, v9;
	v2 =	vld [tilespmem:s15+$0x9040];
	[tilespmem:s21+$0x18000] =	vst v8  }
0x286: {  	s18 =	sadd.s32 $0x400, s18;
	s20 =	sadd.s32 $0x1, s20;
	[tilespmem:s15+$0x1A030] =	vst v1;
	v1 =	vld [tilespmem:s15+$0x5050]  }
0x287: {  	v7 =	vld [tilespmem:s15+$0x6050]  }
0x288: {  	v5 =	vadd.f32 v5, v0;
	v8 =	vld [tilespmem:s15+$0x7050]  }
0x289: {  	[tilespmem:s15+$0x1B030] =	vst v6;
	v6 =	vld [tilespmem:s15+$0x8050];
	v3 =	vadd.f32 v3, v0  }
0x28a: {  	[tilespmem:s15+$0x18040] =	vst v5;
	v4 =	vadd.f32 v4, v0;
	v5 =	vld [tilespmem:s15+$0x9050]  }
0x28b: {  	[tilespmem:s15+$0x19040] =	vst v3;
	v0 =	vadd.f32 v2, v0  }
0x28c: {  	[tilespmem:s15+$0x1A040] =	vst v4;
	v2 =	vadd.f32 v7, v1  }
0x28d: {  	[tilespmem:s15+$0x1B040] =	vst v0;
	v0 =	vadd.f32 v8, v1  }
0x28e: {  	[tilespmem:s15+$0x18050] =	vst v2;
	v2 =	vadd.f32 v6, v1  }
0x28f: {  	[tilespmem:s15+$0x19050] =	vst v0;
	v0 =	vadd.f32 v5, v1  }
0x290: {  	[tilespmem:s15+$0x1A050] =	vst v2  }
0x291: {  	[tilespmem:s15+$0x1B050] =	vst v0  }
0x292: {  	s0 =	rddreg [dreg:$0x1d]  }
0x293: {  	s0 =	sadd.s32 s10, s0  }
0x294: {  	[hbm4b:s0+s14] =	stream.strided.scatter [tilespmem:s24], [sflag:$0x6], $0x4000, s13, s14, $0x38;
	[tilespmem:$0x1C000] =	vst v63  }
0x295: {  	_ =	swait.ge [sflag:s25], $0x1000  }
0x296: {  	s2 =	rddreg [dreg:$0x1e]  }
0x297: {  	[sflag:s25] =	ssyncset.done $0x0;
	s0 =	sadd.s32 s5, s2  }
0x298: {  	[sflag:s25] =	ssyncadd.s32 $0xFFFFF000;
	s0 =	sshll.u32 s0, $0xA  }
0x299: {  	_ =	swait.ge [sflag:s25], $0x4000;
	s0 =	sand.u32 $0x1FFFF800, s0  }
0x29a: {  	s6 =	simm.s32 $0x5000;
	[sflag:s25] =	ssyncset.done $0x0;
	s0 =	sor.u32 $0x200, s0  }
0x29b: {  	s10 =	simm.s32 $0x0;
	[sflag:s25] =	ssyncadd.s32 $0xFFFFC000;
	s2 =	sadd.s32 s3, s0  }
0x29c: {  	[tilespmem:s6], [sflag:$0x2] =	stream.linear.gather [hbm4b:s2+s10], $0x1000, $0x38;
	[tilespmem:$0x1C000] =	vst v63  }
0x29d: {  	s7 =	simm.s32 $0x6000;
	s8 =	sand.u32 $0x3, s10;
	s0 =	sadd.s32 s1, s0  }
0x29e: {  	[tilespmem:s7], [sflag:$0x2] =	stream.strided.gather [hbm4b:s0+s14], $0x4000, s13, s14, $0x38;
	[tilespmem:$0x1C000] =	vst v63  }
0x29f: {  	s0 =	sshll.u32 s8, $0xA;
	_ =	swait.ge [sflag:s26], $0x4000  }
0x2a0: {  	s0 =	sadd.s32 $0x0, s0;
	[sflag:s26] =	ssyncset.done $0x0  }
0x2a1: {  	s15 =	sor.u32 $0x70, s0;
	[sflag:s26] =	ssyncadd.s32 $0xFFFFC000  }
0x2a2: {  	v1 =	vld [tilespmem:s15+$0xA000]  }
0x2a3: {  	s6 =	sor.u32 $0x60, s0;
	v0 =	vld [tilespmem:s15+$0xB000]  }
0x2a4: {  	v2 =	vld [tilespmem:s6+$0xA000]  }
0x2a5: {  	s16 =	sand.u32 $0xC00, s10;
	s7 =	sand.u32 $0x380, s10;
	v3 =	vld [tilespmem:s6+$0xB000]  }
0x2a6: {  	s5 =	sor.u32 s7, s16  }
0x2a7: {  	v4 =	vld [tilespmem:s5+$0xA000]  }
0x2a8: {  	v5 =	vld [tilespmem:s5+$0xB000]  }
0x2a9: {  	v6 =	vld [tilespmem:s5+$0xC000];
	v0 =	vadd.f32 v0, v1  }
0x2aa: {  	v7 =	vld [tilespmem:s5+$0xD000];
	v3 =	vadd.f32 v3, v2  }
0x2ab: {  	s17 =	sor.u32 $0x1070, s0;
	v8 =	vld [tilespmem:s5+$0xE000];
	[tilespmem:s15+$0x14000] =	vst v0  }
0x2ac: {  	s18 =	sor.u32 $0x1060, s0;
	[tilespmem:s6+$0x14000] =	vst v3;
	v0 =	vld [tilespmem:s17+$0xB000]  }
0x2ad: {  	v3 =	vld [tilespmem:s18+$0xB000]  }
0x2ae: {  	v9 =	vld [tilespmem:s5+$0xA010]  }
0x2af: {  	v10 =	vld [tilespmem:s5+$0xB010];
	v5 =	vadd.f32 v5, v4  }
0x2b0: {  	v11 =	vld [tilespmem:s5+$0xC010];
	v6 =	vadd.f32 v6, v4  }
0x2b1: {  	v12 =	vld [tilespmem:s5+$0xD010];
	[tilespmem:s5+$0x14000] =	vst v5;
	v0 =	vadd.f32 v0, v1  }
0x2b2: {  	v59 =	vld [tilespmem:s5+$0xC020];
	[tilespmem:s5+$0x15000] =	vst v6;
	v3 =	vadd.f32 v3, v2  }
0x2b3: {  	s20 =	sor.u32 $0x2070, s0;
	v5 =	vld [tilespmem:s5+$0xE010];
	[tilespmem:s17+$0x14000] =	vst v0  }
0x2b4: {  	s21 =	sor.u32 $0x2060, s0;
	v7 =	vadd.f32 v7, v4;
	[tilespmem:s18+$0x14000] =	vst v3;
	v6 =	vld [tilespmem:s20+$0xB000]  }
0x2b5: {  	v4 =	vadd.f32 v8, v4;
	v8 =	vld [tilespmem:s21+$0xB000]  }
0x2b6: {  	[tilespmem:s5+$0x16000] =	vst v7;
	v7 =	vadd.f32 v10, v9;
	v0 =	vld [tilespmem:s5+$0xA020]  }
0x2b7: {  	[tilespmem:s5+$0x17000] =	vst v4;
	v4 =	vadd.f32 v11, v9;
	v3 =	vld [tilespmem:s5+$0xB020]  }
0x2b8: {  	v60 =	vld [tilespmem:s5+$0xD020];
	[tilespmem:s5+$0x14010] =	vst v7;
	v7 =	vadd.f32 v12, v9  }
0x2b9: {  	[tilespmem:s5+$0x15010] =	vst v4;
	v4 =	vld [tilespmem:s5+$0xE020];
	v6 =	vadd.f32 v6, v1  }
0x2ba: {  	[tilespmem:s5+$0x16010] =	vst v7;
	v7 =	vld [tilespmem:s5+$0xA030];
	v8 =	vadd.f32 v8, v2  }
0x2bb: {  	v5 =	vadd.f32 v5, v9;
	[tilespmem:s20+$0x14000] =	vst v6;
	v6 =	vld [tilespmem:s5+$0xB030]  }
0x2bc: {  	s31 =	sor.u32 $0x3070, s0;
	v3 =	vadd.f32 v3, v0;
	[tilespmem:s21+$0x14000] =	vst v8;
	v8 =	vld [tilespmem:s5+$0xC030]  }
0x2bd: {  	s0 =	sor.u32 $0x3060, s0;
	[tilespmem:s5+$0x17010] =	vst v5;
	v61 =	vadd.f32 v59, v0;
	v5 =	vld [tilespmem:s31+$0xB000]  }
0x2be: {  	[tilespmem:s5+$0x14020] =	vst v3;
	v3 =	vadd.f32 v60, v0;
	v62 =	vld [tilespmem:s0+$0xB000]  }
0x2bf: {  	[tilespmem:s5+$0x15020] =	vst v61;
	v0 =	vadd.f32 v4, v0;
	v4 =	vld [tilespmem:s5+$0xD030]  }
0x2c0: {  	[tilespmem:s5+$0x16020] =	vst v3;
	v3 =	vadd.f32 v6, v7;
	v6 =	vld [tilespmem:s5+$0xE030]  }
0x2c1: {  	[tilespmem:s5+$0x17020] =	vst v0;
	v0 =	vld [tilespmem:s5+$0xA040];
	v8 =	vadd.f32 v8, v7  }
0x2c2: {  	v1 =	vadd.f32 v5, v1;
	v5 =	vld [tilespmem:s5+$0xB040];
	[tilespmem:s5+$0x14030] =	vst v3  }
0x2c3: {  	v63 =	vadd.f32 v62, v2;
	v3 =	vld [tilespmem:s5+$0xC040];
	[tilespmem:s5+$0x15030] =	vst v8  }
0x2c4: {  	[tilespmem:s31+$0x14000] =	vst v1;
	v1 =	vadd.f32 v4, v7;
	v4 =	vld [tilespmem:s5+$0xD040]  }
0x2c5: {  	v2 =	vld [tilespmem:s5+$0xE040];
	[tilespmem:s0+$0x14000] =	vst v63;
	v6 =	vadd.f32 v6, v7  }
0x2c6: {  	s16 =	simm.s32 $0x400;
	s15 =	simm.s32 $0x0;
	s17 =	simm.s32 $0x1;
	[tilespmem:s5+$0x16030] =	vst v1;
	v1 =	vld [tilespmem:s5+$0xA050]  }
.LBB2_15:
0x2c7: {  	s0 =	sand.u32 $0x3, s17;
	s2 =	sand.u32 $0xC00, s16;
	[tilespmem:s5+$0x17030] =	vst v6;
	v5 =	vadd.f32 v5, v0;
	v6 =	vld [tilespmem:s5+$0xB050]  }
0x2c8: {  	s15 =	sadd.s32 $0x80, s15;
	s10 =	sadd.s32 $0x20, s10;
	s0 =	sshll.u32 s0, $0xA;
	v3 =	vadd.f32 v3, v0;
	v7 =	vld [tilespmem:s5+$0xC050]  }
0x2c9: {  	s7 =	sand.u32 $0x380, s10;
	p0 =	slt.u32 s15, $0xF80;
	s6 =	sadd.s32 s0, s10;
	[tilespmem:s5+$0x14040] =	vst v5;
	v4 =	vadd.f32 v4, v0;
	v5 =	vld [tilespmem:s5+$0xD050]  }
0x2ca: {  	s8 =	sor.u32 $0x60, s6;
	s0 =	sor.u32 $0x1060, s6;
	s20 =	sor.u32 $0x70, s6;
	[tilespmem:s5+$0x15040] =	vst v3;
	v0 =	vadd.f32 v2, v0;
	v2 =	vld [tilespmem:s5+$0xE050]  }
0x2cb: {  	s7 =	sor.u32 s7, s2;
	s2 =	sor.u32 $0x2060, s6;
	s18 =	sor.u32 $0x3060, s6;
	v3 =	vld [tilespmem:s20+$0xA000];
	[tilespmem:s5+$0x16040] =	vst v4  }
0x2cc: {  	v4 =	vld [tilespmem:s20+$0xB000];
	[tilespmem:s5+$0x17040] =	vst v0;
	v0 =	vadd.f32 v6, v1  }
0x2cd: {  	v6 =	vld [tilespmem:s8+$0xA000];
	v7 =	vadd.f32 v7, v1  }
0x2ce: {  	v8 =	vld [tilespmem:s8+$0xB000];
	[tilespmem:s5+$0x14050] =	vst v0;
	v0 =	vadd.f32 v5, v1  }
0x2cf: {  	v5 =	vld [tilespmem:s7+$0xA000];
	[tilespmem:s5+$0x15050] =	vst v7;
	v1 =	vadd.f32 v2, v1  }
0x2d0: {  	v2 =	vld [tilespmem:s7+$0xB000];
	[tilespmem:s5+$0x16050] =	vst v0  }
0x2d1: {  	v0 =	vld [tilespmem:s7+$0xC000];
	v4 =	vadd.f32 v4, v3;
	[tilespmem:s5+$0x17050] =	vst v1;
	s5 =	smov.u32 s7  }
0x2d2: {  	v1 =	vld [tilespmem:s5+$0xD000]  }
0x2d3: {  	s7 =	sor.u32 $0x1070, s6;
	v7 =	vld [tilespmem:s5+$0xE000];
	v8 =	vadd.f32 v8, v6;
	[tilespmem:s20+$0x14000] =	vst v4  }
0x2d4: {  	v4 =	vld [tilespmem:s7+$0xB000]  }
0x2d5: {  	v2 =	vadd.f32 v2, v5;
	v9 =	vld [tilespmem:s5+$0xA010];
	[tilespmem:s8+$0x14000] =	vst v8  }
0x2d6: {  	v0 =	vadd.f32 v0, v5;
	v8 =	vld [tilespmem:s0+$0xB000]  }
0x2d7: {  	[tilespmem:s5+$0x14000] =	vst v2;
	v1 =	vadd.f32 v1, v5;
	v2 =	vld [tilespmem:s5+$0xB010]  }
0x2d8: {  	[tilespmem:s5+$0x15000] =	vst v0;
	v0 =	vadd.f32 v7, v5;
	v5 =	vld [tilespmem:s5+$0xC010]  }
0x2d9: {  	[tilespmem:s5+$0x16000] =	vst v1;
	v1 =	vld [tilespmem:s5+$0xD010];
	v4 =	vadd.f32 v4, v3  }
0x2da: {  	[tilespmem:s5+$0x17000] =	vst v0;
	v0 =	vld [tilespmem:s5+$0xE010]  }
0x2db: {  	v7 =	vld [tilespmem:s5+$0xA020];
	v8 =	vadd.f32 v8, v6;
	[tilespmem:s7+$0x14000] =	vst v4;
	s7 =	sor.u32 $0x2070, s6  }
0x2dc: {  	v2 =	vadd.f32 v2, v9;
	v4 =	vld [tilespmem:s7+$0xB000]  }
0x2dd: {  	v5 =	vadd.f32 v5, v9;
	v10 =	vld [tilespmem:s5+$0xB020];
	[tilespmem:s0+$0x14000] =	vst v8  }
0x2de: {  	[tilespmem:s5+$0x14010] =	vst v2;
	v1 =	vadd.f32 v1, v9;
	v2 =	vld [tilespmem:s2+$0xB000]  }
0x2df: {  	[tilespmem:s5+$0x15010] =	vst v5;
	v0 =	vadd.f32 v0, v9;
	v5 =	vld [tilespmem:s5+$0xC020]  }
0x2e0: {  	[tilespmem:s5+$0x16010] =	vst v1;
	v1 =	vld [tilespmem:s5+$0xD020]  }
0x2e1: {  	[tilespmem:s5+$0x17010] =	vst v0;
	v0 =	vld [tilespmem:s5+$0xE020];
	v4 =	vadd.f32 v4, v3  }
0x2e2: {  	v8 =	vadd.f32 v10, v7;
	v9 =	vld [tilespmem:s5+$0xA030]  }
0x2e3: {  	s0 =	sor.u32 $0x3070, s6;
	v10 =	vld [tilespmem:s5+$0xB030];
	v2 =	vadd.f32 v2, v6;
	[tilespmem:s7+$0x14000] =	vst v4  }
0x2e4: {  	[tilespmem:s5+$0x14020] =	vst v8;
	v4 =	vadd.f32 v5, v7;
	v5 =	vld [tilespmem:s0+$0xB000]  }
0x2e5: {  	v1 =	vadd.f32 v1, v7;
	v8 =	vld [tilespmem:s5+$0xC030];
	[tilespmem:s2+$0x14000] =	vst v2  }
0x2e6: {  	[tilespmem:s5+$0x15020] =	vst v4;
	v0 =	vadd.f32 v0, v7;
	v2 =	vld [tilespmem:s18+$0xB000]  }
0x2e7: {  	[tilespmem:s5+$0x16020] =	vst v1;
	v1 =	vld [tilespmem:s5+$0xD030]  }
0x2e8: {  	[tilespmem:s5+$0x17020] =	vst v0;
	v4 =	vadd.f32 v10, v9;
	v7 =	vld [tilespmem:s5+$0xE030]  }
0x2e9: {  	v0 =	vld [tilespmem:s5+$0xA040];
	v10 =	vadd.f32 v5, v3  }
.Ltmp6:
0x2ea: {  	[tilespmem:s5+$0x14030] =	vst v4;
	v4 =	vadd.f32 v8, v9;
	v5 =	vld [tilespmem:s5+$0xB040];
	(pc) =	sbr.rel @p0 .LBB2_15-.Ltmp6, $4  }
0x2eb: {  	v3 =	vld [tilespmem:s5+$0xC040];
	v8 =	vadd.f32 v2, v6;
	[tilespmem:s0+$0x14000] =	vst v10  }
0x2ec: {  	[tilespmem:s5+$0x15030] =	vst v4;
	v1 =	vadd.f32 v1, v9;
	v4 =	vld [tilespmem:s5+$0xD040]  }
0x2ed: {  	v6 =	vadd.f32 v7, v9;
	v2 =	vld [tilespmem:s5+$0xE040];
	[tilespmem:s18+$0x14000] =	vst v8  }
0x2ee: {  	s16 =	sadd.s32 $0x400, s16;
	s17 =	sadd.s32 $0x1, s17;
	[tilespmem:s5+$0x16030] =	vst v1;
	v1 =	vld [tilespmem:s5+$0xA050]  }
0x2ef: {  	v7 =	vld [tilespmem:s5+$0xB050]  }
0x2f0: {  	v5 =	vadd.f32 v5, v0;
	v8 =	vld [tilespmem:s5+$0xC050]  }
0x2f1: {  	[tilespmem:s5+$0x17030] =	vst v6;
	v6 =	vld [tilespmem:s5+$0xD050];
	v3 =	vadd.f32 v3, v0  }
0x2f2: {  	[tilespmem:s5+$0x14040] =	vst v5;
	v4 =	vadd.f32 v4, v0;
	v5 =	vld [tilespmem:s5+$0xE050]  }
0x2f3: {  	[tilespmem:s5+$0x15040] =	vst v3;
	v0 =	vadd.f32 v2, v0  }
0x2f4: {  	[tilespmem:s5+$0x16040] =	vst v4;
	v2 =	vadd.f32 v7, v1  }
0x2f5: {  	[tilespmem:s5+$0x17040] =	vst v0;
	v0 =	vadd.f32 v8, v1  }
0x2f6: {  	s0 =	sadd.s32 s30, s9;
	[tilespmem:s5+$0x14050] =	vst v2;
	v2 =	vadd.f32 v6, v1  }
0x2f7: {  	s0 =	sshll.u32 s0, $0x7;
	[tilespmem:s5+$0x15050] =	vst v0;
	v0 =	vadd.f32 v5, v1  }
0x2f8: {  	s0 =	sadd.s32 s4, s0;
	[tilespmem:s5+$0x16050] =	vst v2  }
0x2f9: {  	s0 =	sadd.s32 $0x400, s0;
	[tilespmem:s5+$0x17050] =	vst v0  }
0x2fa: {  	[hbm4b:s0+s14] =	stream.strided.scatter [tilespmem:s22], [sflag:$0x5], $0x4000, s13, s14, $0x38;
	[tilespmem:$0x1C000] =	vst v63  }
0x2fb: {  	_ =	swait.ge [sflag:s28], $0x1000  }
0x2fc: {  	[sflag:s28] =	ssyncset.done $0x0  }
0x2fd: {  	[sflag:s28] =	ssyncadd.s32 $0xFFFFF000  }
0x2fe: {  	_ =	swait.ge [sflag:s28], $0x4000  }
0x2ff: {  	s6 =	rddreg [dreg:$0x1f]  }
0x300: {  	s0 =	sadd.s32 s30, s6  }
0x301: {  	s10 =	simm.s32 $0x0;
	[sflag:s28] =	ssyncset.done $0x0;
	s0 =	sshll.u32 s0, $0x7  }
0x302: {  	s7 =	simm.s32 $0xA000;
	[sflag:s28] =	ssyncadd.s32 $0xFFFFC000;
	s2 =	sadd.s32 s3, s0  }
0x303: {  	[tilespmem:s7], [sflag:$0x3] =	stream.linear.gather [hbm4b:s2+s10], $0x1000, $0x38;
	[tilespmem:$0x1C000] =	vst v63  }
0x304: {  	s8 =	simm.s32 $0xB000;
	s15 =	sand.u32 $0x3, s10;
	s0 =	sadd.s32 s1, s0  }
0x305: {  	[tilespmem:s8], [sflag:$0x3] =	stream.strided.gather [hbm4b:s0+s14], $0x4000, s13, s14, $0x38;
	[tilespmem:$0x1C000] =	vst v63  }
0x306: {  	s0 =	sshll.u32 s15, $0xA;
	_ =	swait.ge [sflag:s29], $0x4000  }
0x307: {  	s0 =	sadd.s32 $0x0, s0;
	[sflag:s29] =	ssyncset.done $0x0  }
0x308: {  	s16 =	sor.u32 $0x70, s0;
	[sflag:s29] =	ssyncadd.s32 $0xFFFFC000  }
0x309: {  	v1 =	vld [tilespmem:s16+$0xF000]  }
0x30a: {  	s6 =	sor.u32 $0x60, s0;
	v0 =	vld [tilespmem:s16+$0x10000]  }
0x30b: {  	v2 =	vld [tilespmem:s6+$0xF000]  }
0x30c: {  	s17 =	sand.u32 $0xC00, s10;
	s7 =	sand.u32 $0x380, s10;
	v3 =	vld [tilespmem:s6+$0x10000]  }
0x30d: {  	s5 =	sor.u32 s7, s17  }
0x30e: {  	v4 =	vld [tilespmem:s5+$0xF000]  }
0x30f: {  	v5 =	vld [tilespmem:s5+$0x10000]  }
0x310: {  	v6 =	vld [tilespmem:s5+$0x11000];
	v0 =	vadd.f32 v0, v1  }
0x311: {  	v7 =	vld [tilespmem:s5+$0x12000];
	v3 =	vadd.f32 v3, v2  }
0x312: {  	s18 =	sor.u32 $0x1070, s0;
	v8 =	vld [tilespmem:s5+$0x13000];
	[tilespmem:s16+$0x18000] =	vst v0  }
0x313: {  	s20 =	sor.u32 $0x1060, s0;
	[tilespmem:s6+$0x18000] =	vst v3;
	v0 =	vld [tilespmem:s18+$0x10000]  }
0x314: {  	v3 =	vld [tilespmem:s20+$0x10000]  }
0x315: {  	v9 =	vld [tilespmem:s5+$0xF010]  }
0x316: {  	v10 =	vld [tilespmem:s5+$0x10010];
	v5 =	vadd.f32 v5, v4  }
0x317: {  	v11 =	vld [tilespmem:s5+$0x11010];
	v6 =	vadd.f32 v6, v4  }
0x318: {  	v12 =	vld [tilespmem:s5+$0x12010];
	[tilespmem:s5+$0x18000] =	vst v5;
	v0 =	vadd.f32 v0, v1  }
0x319: {  	v59 =	vld [tilespmem:s5+$0x11020];
	[tilespmem:s5+$0x19000] =	vst v6;
	v3 =	vadd.f32 v3, v2  }
0x31a: {  	s21 =	sor.u32 $0x2070, s0;
	v5 =	vld [tilespmem:s5+$0x13010];
	[tilespmem:s18+$0x18000] =	vst v0  }
0x31b: {  	s30 =	sor.u32 $0x2060, s0;
	v7 =	vadd.f32 v7, v4;
	[tilespmem:s20+$0x18000] =	vst v3;
	v6 =	vld [tilespmem:s21+$0x10000]  }
0x31c: {  	v4 =	vadd.f32 v8, v4;
	v8 =	vld [tilespmem:s30+$0x10000]  }
0x31d: {  	[tilespmem:s5+$0x1A000] =	vst v7;
	v7 =	vadd.f32 v10, v9;
	v0 =	vld [tilespmem:s5+$0xF020]  }
0x31e: {  	[tilespmem:s5+$0x1B000] =	vst v4;
	v4 =	vadd.f32 v11, v9;
	v3 =	vld [tilespmem:s5+$0x10020]  }
0x31f: {  	v60 =	vld [tilespmem:s5+$0x12020];
	[tilespmem:s5+$0x18010] =	vst v7;
	v7 =	vadd.f32 v12, v9  }
0x320: {  	[tilespmem:s5+$0x19010] =	vst v4;
	v4 =	vld [tilespmem:s5+$0x13020];
	v6 =	vadd.f32 v6, v1  }
0x321: {  	[tilespmem:s5+$0x1A010] =	vst v7;
	v7 =	vld [tilespmem:s5+$0xF030];
	v8 =	vadd.f32 v8, v2  }
0x322: {  	v5 =	vadd.f32 v5, v9;
	[tilespmem:s21+$0x18000] =	vst v6;
	v6 =	vld [tilespmem:s5+$0x10030]  }
0x323: {  	s31 =	sor.u32 $0x3070, s0;
	v3 =	vadd.f32 v3, v0;
	[tilespmem:s30+$0x18000] =	vst v8;
	v8 =	vld [tilespmem:s5+$0x11030]  }
0x324: {  	s0 =	sor.u32 $0x3060, s0;
	[tilespmem:s5+$0x1B010] =	vst v5;
	v61 =	vadd.f32 v59, v0;
	v5 =	vld [tilespmem:s31+$0x10000]  }
0x325: {  	[tilespmem:s5+$0x18020] =	vst v3;
	v3 =	vadd.f32 v60, v0;
	v62 =	vld [tilespmem:s0+$0x10000]  }
0x326: {  	[tilespmem:s5+$0x19020] =	vst v61;
	v0 =	vadd.f32 v4, v0;
	v4 =	vld [tilespmem:s5+$0x12030]  }
0x327: {  	[tilespmem:s5+$0x1A020] =	vst v3;
	v3 =	vadd.f32 v6, v7;
	v6 =	vld [tilespmem:s5+$0x13030]  }
0x328: {  	[tilespmem:s5+$0x1B020] =	vst v0;
	v0 =	vld [tilespmem:s5+$0xF040];
	v8 =	vadd.f32 v8, v7  }
0x329: {  	v1 =	vadd.f32 v5, v1;
	v5 =	vld [tilespmem:s5+$0x10040];
	[tilespmem:s5+$0x18030] =	vst v3  }
0x32a: {  	v63 =	vadd.f32 v62, v2;
	v3 =	vld [tilespmem:s5+$0x11040];
	[tilespmem:s5+$0x19030] =	vst v8  }
0x32b: {  	[tilespmem:s31+$0x18000] =	vst v1;
	v1 =	vadd.f32 v4, v7;
	v4 =	vld [tilespmem:s5+$0x12040]  }
0x32c: {  	v2 =	vld [tilespmem:s5+$0x13040];
	[tilespmem:s0+$0x18000] =	vst v63;
	v6 =	vadd.f32 v6, v7  }
0x32d: {  	s17 =	simm.s32 $0x1;
	s15 =	simm.s32 $0x0;
	s16 =	simm.s32 $0x400;
	[tilespmem:s5+$0x1A030] =	vst v1;
	v1 =	vld [tilespmem:s5+$0xF050]  }
.LBB2_17:
0x32e: {  	s0 =	sand.u32 $0x3, s17;
	s2 =	sand.u32 $0xC00, s16;
	[tilespmem:s5+$0x1B030] =	vst v6;
	v5 =	vadd.f32 v5, v0;
	v6 =	vld [tilespmem:s5+$0x10050]  }
0x32f: {  	s15 =	sadd.s32 $0x80, s15;
	s10 =	sadd.s32 $0x20, s10;
	s0 =	sshll.u32 s0, $0xA;
	v3 =	vadd.f32 v3, v0;
	v7 =	vld [tilespmem:s5+$0x11050]  }
0x330: {  	s7 =	sand.u32 $0x380, s10;
	p0 =	slt.u32 s15, $0xF80;
	s6 =	sadd.s32 s0, s10;
	[tilespmem:s5+$0x18040] =	vst v5;
	v4 =	vadd.f32 v4, v0;
	v5 =	vld [tilespmem:s5+$0x12050]  }
0x331: {  	s8 =	sor.u32 $0x60, s6;
	s0 =	sor.u32 $0x1060, s6;
	s20 =	sor.u32 $0x70, s6;
	[tilespmem:s5+$0x19040] =	vst v3;
	v0 =	vadd.f32 v2, v0;
	v2 =	vld [tilespmem:s5+$0x13050]  }
0x332: {  	s7 =	sor.u32 s7, s2;
	s2 =	sor.u32 $0x2060, s6;
	s18 =	sor.u32 $0x3060, s6;
	v3 =	vld [tilespmem:s20+$0xF000];
	[tilespmem:s5+$0x1A040] =	vst v4  }
0x333: {  	v4 =	vld [tilespmem:s20+$0x10000];
	[tilespmem:s5+$0x1B040] =	vst v0;
	v0 =	vadd.f32 v6, v1  }
0x334: {  	v6 =	vld [tilespmem:s8+$0xF000];
	v7 =	vadd.f32 v7, v1  }
0x335: {  	v8 =	vld [tilespmem:s8+$0x10000];
	[tilespmem:s5+$0x18050] =	vst v0;
	v0 =	vadd.f32 v5, v1  }
0x336: {  	v5 =	vld [tilespmem:s7+$0xF000];
	[tilespmem:s5+$0x19050] =	vst v7;
	v1 =	vadd.f32 v2, v1  }
0x337: {  	v2 =	vld [tilespmem:s7+$0x10000];
	[tilespmem:s5+$0x1A050] =	vst v0  }
0x338: {  	v0 =	vld [tilespmem:s7+$0x11000];
	v4 =	vadd.f32 v4, v3;
	[tilespmem:s5+$0x1B050] =	vst v1;
	s5 =	smov.u32 s7  }
0x339: {  	v1 =	vld [tilespmem:s5+$0x12000]  }
0x33a: {  	s7 =	sor.u32 $0x1070, s6;
	v7 =	vld [tilespmem:s5+$0x13000];
	v8 =	vadd.f32 v8, v6;
	[tilespmem:s20+$0x18000] =	vst v4  }
0x33b: {  	v4 =	vld [tilespmem:s7+$0x10000]  }
0x33c: {  	v2 =	vadd.f32 v2, v5;
	v9 =	vld [tilespmem:s5+$0xF010];
	[tilespmem:s8+$0x18000] =	vst v8  }
0x33d: {  	v0 =	vadd.f32 v0, v5;
	v8 =	vld [tilespmem:s0+$0x10000]  }
0x33e: {  	[tilespmem:s5+$0x18000] =	vst v2;
	v1 =	vadd.f32 v1, v5;
	v2 =	vld [tilespmem:s5+$0x10010]  }
0x33f: {  	[tilespmem:s5+$0x19000] =	vst v0;
	v0 =	vadd.f32 v7, v5;
	v5 =	vld [tilespmem:s5+$0x11010]  }
0x340: {  	[tilespmem:s5+$0x1A000] =	vst v1;
	v1 =	vld [tilespmem:s5+$0x12010];
	v4 =	vadd.f32 v4, v3  }
0x341: {  	[tilespmem:s5+$0x1B000] =	vst v0;
	v0 =	vld [tilespmem:s5+$0x13010]  }
0x342: {  	v7 =	vld [tilespmem:s5+$0xF020];
	v8 =	vadd.f32 v8, v6;
	[tilespmem:s7+$0x18000] =	vst v4;
	s7 =	sor.u32 $0x2070, s6  }
0x343: {  	v2 =	vadd.f32 v2, v9;
	v4 =	vld [tilespmem:s7+$0x10000]  }
0x344: {  	v5 =	vadd.f32 v5, v9;
	v10 =	vld [tilespmem:s5+$0x10020];
	[tilespmem:s0+$0x18000] =	vst v8  }
0x345: {  	[tilespmem:s5+$0x18010] =	vst v2;
	v1 =	vadd.f32 v1, v9;
	v2 =	vld [tilespmem:s2+$0x10000]  }
0x346: {  	[tilespmem:s5+$0x19010] =	vst v5;
	v0 =	vadd.f32 v0, v9;
	v5 =	vld [tilespmem:s5+$0x11020]  }
0x347: {  	[tilespmem:s5+$0x1A010] =	vst v1;
	v1 =	vld [tilespmem:s5+$0x12020]  }
0x348: {  	[tilespmem:s5+$0x1B010] =	vst v0;
	v0 =	vld [tilespmem:s5+$0x13020];
	v4 =	vadd.f32 v4, v3  }
0x349: {  	v8 =	vadd.f32 v10, v7;
	v9 =	vld [tilespmem:s5+$0xF030]  }
0x34a: {  	s0 =	sor.u32 $0x3070, s6;
	v10 =	vld [tilespmem:s5+$0x10030];
	v2 =	vadd.f32 v2, v6;
	[tilespmem:s7+$0x18000] =	vst v4  }
0x34b: {  	[tilespmem:s5+$0x18020] =	vst v8;
	v4 =	vadd.f32 v5, v7;
	v5 =	vld [tilespmem:s0+$0x10000]  }
0x34c: {  	v1 =	vadd.f32 v1, v7;
	v8 =	vld [tilespmem:s5+$0x11030];
	[tilespmem:s2+$0x18000] =	vst v2  }
0x34d: {  	[tilespmem:s5+$0x19020] =	vst v4;
	v0 =	vadd.f32 v0, v7;
	v2 =	vld [tilespmem:s18+$0x10000]  }
0x34e: {  	[tilespmem:s5+$0x1A020] =	vst v1;
	v1 =	vld [tilespmem:s5+$0x12030]  }
0x34f: {  	[tilespmem:s5+$0x1B020] =	vst v0;
	v4 =	vadd.f32 v10, v9;
	v7 =	vld [tilespmem:s5+$0x13030]  }
0x350: {  	v0 =	vld [tilespmem:s5+$0xF040];
	v10 =	vadd.f32 v5, v3  }
.Ltmp7:
0x351: {  	[tilespmem:s5+$0x18030] =	vst v4;
	v4 =	vadd.f32 v8, v9;
	v5 =	vld [tilespmem:s5+$0x10040];
	(pc) =	sbr.rel @p0 .LBB2_17-.Ltmp7, $4  }
0x352: {  	v3 =	vld [tilespmem:s5+$0x11040];
	v8 =	vadd.f32 v2, v6;
	[tilespmem:s0+$0x18000] =	vst v10  }
0x353: {  	[tilespmem:s5+$0x19030] =	vst v4;
	v1 =	vadd.f32 v1, v9;
	v4 =	vld [tilespmem:s5+$0x12040]  }
0x354: {  	v6 =	vadd.f32 v7, v9;
	v2 =	vld [tilespmem:s5+$0x13040];
	[tilespmem:s18+$0x18000] =	vst v8  }
0x355: {  	s16 =	sadd.s32 $0x400, s16;
	s17 =	sadd.s32 $0x1, s17;
	[tilespmem:s5+$0x1A030] =	vst v1;
	v1 =	vld [tilespmem:s5+$0xF050]  }
0x356: {  	v7 =	vld [tilespmem:s5+$0x10050]  }
0x357: {  	v5 =	vadd.f32 v5, v0;
	v8 =	vld [tilespmem:s5+$0x11050]  }
0x358: {  	[tilespmem:s5+$0x1B030] =	vst v6;
	v57 =	vld [tilespmem:s5+$0x12050];
	v3 =	vadd.f32 v3, v0  }
0x359: {  	v58 =	vld [tilespmem:s5+$0x13050];
	[tilespmem:s5+$0x18040] =	vst v5;
	v4 =	vadd.f32 v4, v0  }
0x35a: {  	[tilespmem:s5+$0x19040] =	vst v3;
	v59 =	vadd.f32 v2, v0  }
0x35b: {  	s11 =	sadd.s32 $0x1, s11;
	[tilespmem:s5+$0x1A040] =	vst v4;
	v60 =	vadd.f32 v7, v1  }
0x35c: {  	p0 =	sne.s32 s11, $0xF;
	[tilespmem:s5+$0x1B040] =	vst v59;
	v61 =	vadd.f32 v8, v1  }
.Ltmp8:
0x35d: {  	v62 =	vadd.f32 v57, v1;
	[tilespmem:s5+$0x18050] =	vst v60;
	(pc) =	sbr.rel @p0 .LBB2_10-.Ltmp8, $4  }
0x35e: {  	v63 =	vadd.f32 v58, v1;
	[tilespmem:s5+$0x19050] =	vst v61  }
0x35f: {  	[tilespmem:s5+$0x1A050] =	vst v62  }
0x360: {  	s0 =	sadd.s32 s4, s12;
	[tilespmem:s5+$0x1B050] =	vst v63  }
0x361: {  	[hbm4b:s0+s14] =	stream.strided.scatter [tilespmem:s24], [sflag:$0x6], $0x4000, s13, s14, $0x38;
	[tilespmem:$0x1C000] =	vst v63  }
0x362: {  	_ =	swait.ge [sflag:s19], $0x1000  }
0x363: {  	[sflag:s19] =	ssyncset.done $0x0  }
0x364: {  	[sflag:s19] =	ssyncadd.s32 $0xFFFFF000  }
0x365: {  	_ =	swait.ge [sflag:s19], $0x4000  }
0x366: {  	s10 =	simm.s32 $0x0;
	[sflag:s19] =	ssyncset.done $0x0  }
0x367: {  	s2 =	simm.s32 $0xF000;
	s0 =	rddreg [dreg:$0x14];
	[sflag:s19] =	ssyncadd.s32 $0xFFFFC000  }
0x368: {  	[tilespmem:s2], [sflag:$0x4] =	stream.linear.gather [hbm4b:s0+s10], $0x1000, $0x38;
	[tilespmem:$0x1C000] =	vst v63  }
0x369: {  	s15 =	simm.s32 $0x10000;
	s16 =	sand.u32 $0x3, s10;
	s12 =	rddreg [dreg:$0x15]  }
0x36a: {  	[tilespmem:s15], [sflag:$0x4] =	stream.strided.gather [hbm4b:s12+s14], $0x4000, s13, s14, $0x38;
	[tilespmem:$0x1C000] =	vst v63  }
0x36b: {  	s0 =	sshll.u32 s16, $0xA;
	_ =	swait.ge [sflag:s26], $0x4000  }
0x36c: {  	s0 =	sadd.s32 $0x0, s0;
	[sflag:s26] =	ssyncset.done $0x0  }
0x36d: {  	s17 =	sor.u32 $0x70, s0;
	[sflag:s26] =	ssyncadd.s32 $0xFFFFC000  }
0x36e: {  	v1 =	vld [tilespmem:s17+$0x0]  }
0x36f: {  	s6 =	sor.u32 $0x60, s0;
	v0 =	vld [tilespmem:s17+$0x1000]  }
0x370: {  	v2 =	vld [tilespmem:s6+$0x0]  }
0x371: {  	s5 =	sand.u32 $0xC00, s10;
	s7 =	sand.u32 $0x380, s10;
	v3 =	vld [tilespmem:s6+$0x1000]  }
0x372: {  	s5 =	sor.u32 s7, s5  }
0x373: {  	v4 =	vld [tilespmem:s5+$0x0]  }
0x374: {  	v5 =	vld [tilespmem:s5+$0x1000]  }
0x375: {  	v6 =	vld [tilespmem:s5+$0x2000];
	v0 =	vadd.f32 v0, v1  }
0x376: {  	v7 =	vld [tilespmem:s5+$0x3000];
	v3 =	vadd.f32 v3, v2  }
0x377: {  	s18 =	sor.u32 $0x1070, s0;
	v8 =	vld [tilespmem:s5+$0x4000];
	[tilespmem:s17+$0x14000] =	vst v0  }
0x378: {  	s20 =	sor.u32 $0x1060, s0;
	[tilespmem:s6+$0x14000] =	vst v3;
	v0 =	vld [tilespmem:s18+$0x1000]  }
0x379: {  	v3 =	vld [tilespmem:s20+$0x1000]  }
0x37a: {  	v9 =	vld [tilespmem:s5+$0x10]  }
0x37b: {  	v10 =	vld [tilespmem:s5+$0x1010];
	v5 =	vadd.f32 v5, v4  }
0x37c: {  	v11 =	vld [tilespmem:s5+$0x2010];
	v6 =	vadd.f32 v6, v4  }
0x37d: {  	v12 =	vld [tilespmem:s5+$0x3010];
	[tilespmem:s5+$0x14000] =	vst v5;
	v0 =	vadd.f32 v0, v1  }
0x37e: {  	v59 =	vld [tilespmem:s5+$0x2020];
	[tilespmem:s5+$0x15000] =	vst v6;
	v3 =	vadd.f32 v3, v2  }
0x37f: {  	s21 =	sor.u32 $0x2070, s0;
	v5 =	vld [tilespmem:s5+$0x4010];
	[tilespmem:s18+$0x14000] =	vst v0  }
0x380: {  	s30 =	sor.u32 $0x2060, s0;
	v7 =	vadd.f32 v7, v4;
	[tilespmem:s20+$0x14000] =	vst v3;
	v6 =	vld [tilespmem:s21+$0x1000]  }
0x381: {  	v4 =	vadd.f32 v8, v4;
	v8 =	vld [tilespmem:s30+$0x1000]  }
0x382: {  	[tilespmem:s5+$0x16000] =	vst v7;
	v7 =	vadd.f32 v10, v9;
	v0 =	vld [tilespmem:s5+$0x20]  }
0x383: {  	[tilespmem:s5+$0x17000] =	vst v4;
	v4 =	vadd.f32 v11, v9;
	v3 =	vld [tilespmem:s5+$0x1020]  }
0x384: {  	v60 =	vld [tilespmem:s5+$0x3020];
	[tilespmem:s5+$0x14010] =	vst v7;
	v7 =	vadd.f32 v12, v9  }
0x385: {  	[tilespmem:s5+$0x15010] =	vst v4;
	v4 =	vld [tilespmem:s5+$0x4020];
	v6 =	vadd.f32 v6, v1  }
0x386: {  	[tilespmem:s5+$0x16010] =	vst v7;
	v7 =	vld [tilespmem:s5+$0x30];
	v8 =	vadd.f32 v8, v2  }
0x387: {  	v5 =	vadd.f32 v5, v9;
	[tilespmem:s21+$0x14000] =	vst v6;
	v6 =	vld [tilespmem:s5+$0x1030]  }
0x388: {  	s31 =	sor.u32 $0x3070, s0;
	v3 =	vadd.f32 v3, v0;
	[tilespmem:s30+$0x14000] =	vst v8;
	v8 =	vld [tilespmem:s5+$0x2030]  }
0x389: {  	s0 =	sor.u32 $0x3060, s0;
	[tilespmem:s5+$0x17010] =	vst v5;
	v61 =	vadd.f32 v59, v0;
	v5 =	vld [tilespmem:s31+$0x1000]  }
0x38a: {  	[tilespmem:s5+$0x14020] =	vst v3;
	v3 =	vadd.f32 v60, v0;
	v62 =	vld [tilespmem:s0+$0x1000]  }
0x38b: {  	[tilespmem:s5+$0x15020] =	vst v61;
	v0 =	vadd.f32 v4, v0;
	v4 =	vld [tilespmem:s5+$0x3030]  }
0x38c: {  	[tilespmem:s5+$0x16020] =	vst v3;
	v3 =	vadd.f32 v6, v7;
	v6 =	vld [tilespmem:s5+$0x4030]  }
0x38d: {  	[tilespmem:s5+$0x17020] =	vst v0;
	v0 =	vld [tilespmem:s5+$0x40];
	v8 =	vadd.f32 v8, v7  }
0x38e: {  	v1 =	vadd.f32 v5, v1;
	v5 =	vld [tilespmem:s5+$0x1040];
	[tilespmem:s5+$0x14030] =	vst v3  }
0x38f: {  	v63 =	vadd.f32 v62, v2;
	v3 =	vld [tilespmem:s5+$0x2040];
	[tilespmem:s5+$0x15030] =	vst v8  }
0x390: {  	[tilespmem:s31+$0x14000] =	vst v1;
	v1 =	vadd.f32 v4, v7;
	v4 =	vld [tilespmem:s5+$0x3040]  }
0x391: {  	v2 =	vld [tilespmem:s5+$0x4040];
	[tilespmem:s0+$0x14000] =	vst v63;
	v6 =	vadd.f32 v6, v7  }
0x392: {  	s11 =	simm.s32 $0x0;
	s12 =	simm.s32 $0x400;
	s15 =	simm.s32 $0x1;
	[tilespmem:s5+$0x16030] =	vst v1;
	v1 =	vld [tilespmem:s5+$0x50]  }
.LBB2_20:
0x393: {  	s0 =	sand.u32 $0x3, s15;
	s2 =	sand.u32 $0xC00, s12;
	[tilespmem:s5+$0x17030] =	vst v6;
	v5 =	vadd.f32 v5, v0;
	v6 =	vld [tilespmem:s5+$0x1050]  }
0x394: {  	s11 =	sadd.s32 $0x80, s11;
	s10 =	sadd.s32 $0x20, s10;
	s0 =	sshll.u32 s0, $0xA;
	v3 =	vadd.f32 v3, v0;
	v7 =	vld [tilespmem:s5+$0x2050]  }
0x395: {  	s7 =	sand.u32 $0x380, s10;
	p0 =	slt.u32 s11, $0xF80;
	s6 =	sadd.s32 s0, s10;
	[tilespmem:s5+$0x14040] =	vst v5;
	v4 =	vadd.f32 v4, v0;
	v5 =	vld [tilespmem:s5+$0x3050]  }
0x396: {  	s8 =	sor.u32 $0x60, s6;
	s0 =	sor.u32 $0x1060, s6;
	s17 =	sor.u32 $0x70, s6;
	[tilespmem:s5+$0x15040] =	vst v3;
	v0 =	vadd.f32 v2, v0;
	v2 =	vld [tilespmem:s5+$0x4050]  }
0x397: {  	s7 =	sor.u32 s7, s2;
	s2 =	sor.u32 $0x2060, s6;
	s16 =	sor.u32 $0x3060, s6;
	v3 =	vld [tilespmem:s17+$0x0];
	[tilespmem:s5+$0x16040] =	vst v4  }
0x398: {  	v4 =	vld [tilespmem:s17+$0x1000];
	[tilespmem:s5+$0x17040] =	vst v0;
	v0 =	vadd.f32 v6, v1  }
0x399: {  	v6 =	vld [tilespmem:s8+$0x0];
	v7 =	vadd.f32 v7, v1  }
0x39a: {  	v8 =	vld [tilespmem:s8+$0x1000];
	[tilespmem:s5+$0x14050] =	vst v0;
	v0 =	vadd.f32 v5, v1  }
0x39b: {  	v5 =	vld [tilespmem:s7+$0x0];
	[tilespmem:s5+$0x15050] =	vst v7;
	v1 =	vadd.f32 v2, v1  }
0x39c: {  	v2 =	vld [tilespmem:s7+$0x1000];
	[tilespmem:s5+$0x16050] =	vst v0  }
0x39d: {  	v0 =	vld [tilespmem:s7+$0x2000];
	v4 =	vadd.f32 v4, v3;
	[tilespmem:s5+$0x17050] =	vst v1;
	s5 =	smov.u32 s7  }
0x39e: {  	v1 =	vld [tilespmem:s5+$0x3000]  }
0x39f: {  	s7 =	sor.u32 $0x1070, s6;
	v7 =	vld [tilespmem:s5+$0x4000];
	v8 =	vadd.f32 v8, v6;
	[tilespmem:s17+$0x14000] =	vst v4  }
0x3a0: {  	v4 =	vld [tilespmem:s7+$0x1000]  }
0x3a1: {  	v2 =	vadd.f32 v2, v5;
	v9 =	vld [tilespmem:s5+$0x10];
	[tilespmem:s8+$0x14000] =	vst v8  }
0x3a2: {  	v0 =	vadd.f32 v0, v5;
	v8 =	vld [tilespmem:s0+$0x1000]  }
0x3a3: {  	[tilespmem:s5+$0x14000] =	vst v2;
	v1 =	vadd.f32 v1, v5;
	v2 =	vld [tilespmem:s5+$0x1010]  }
0x3a4: {  	[tilespmem:s5+$0x15000] =	vst v0;
	v0 =	vadd.f32 v7, v5;
	v5 =	vld [tilespmem:s5+$0x2010]  }
0x3a5: {  	[tilespmem:s5+$0x16000] =	vst v1;
	v1 =	vld [tilespmem:s5+$0x3010];
	v4 =	vadd.f32 v4, v3  }
0x3a6: {  	[tilespmem:s5+$0x17000] =	vst v0;
	v0 =	vld [tilespmem:s5+$0x4010]  }
0x3a7: {  	v7 =	vld [tilespmem:s5+$0x20];
	v8 =	vadd.f32 v8, v6;
	[tilespmem:s7+$0x14000] =	vst v4;
	s7 =	sor.u32 $0x2070, s6  }
0x3a8: {  	v2 =	vadd.f32 v2, v9;
	v4 =	vld [tilespmem:s7+$0x1000]  }
0x3a9: {  	v5 =	vadd.f32 v5, v9;
	v10 =	vld [tilespmem:s5+$0x1020];
	[tilespmem:s0+$0x14000] =	vst v8  }
0x3aa: {  	[tilespmem:s5+$0x14010] =	vst v2;
	v1 =	vadd.f32 v1, v9;
	v2 =	vld [tilespmem:s2+$0x1000]  }
0x3ab: {  	[tilespmem:s5+$0x15010] =	vst v5;
	v0 =	vadd.f32 v0, v9;
	v5 =	vld [tilespmem:s5+$0x2020]  }
0x3ac: {  	[tilespmem:s5+$0x16010] =	vst v1;
	v1 =	vld [tilespmem:s5+$0x3020]  }
0x3ad: {  	[tilespmem:s5+$0x17010] =	vst v0;
	v0 =	vld [tilespmem:s5+$0x4020];
	v4 =	vadd.f32 v4, v3  }
0x3ae: {  	v8 =	vadd.f32 v10, v7;
	v9 =	vld [tilespmem:s5+$0x30]  }
0x3af: {  	s0 =	sor.u32 $0x3070, s6;
	v10 =	vld [tilespmem:s5+$0x1030];
	v2 =	vadd.f32 v2, v6;
	[tilespmem:s7+$0x14000] =	vst v4  }
0x3b0: {  	[tilespmem:s5+$0x14020] =	vst v8;
	v4 =	vadd.f32 v5, v7;
	v5 =	vld [tilespmem:s0+$0x1000]  }
0x3b1: {  	v1 =	vadd.f32 v1, v7;
	v8 =	vld [tilespmem:s5+$0x2030];
	[tilespmem:s2+$0x14000] =	vst v2  }
0x3b2: {  	[tilespmem:s5+$0x15020] =	vst v4;
	v0 =	vadd.f32 v0, v7;
	v2 =	vld [tilespmem:s16+$0x1000]  }
0x3b3: {  	[tilespmem:s5+$0x16020] =	vst v1;
	v1 =	vld [tilespmem:s5+$0x3030]  }
0x3b4: {  	[tilespmem:s5+$0x17020] =	vst v0;
	v4 =	vadd.f32 v10, v9;
	v7 =	vld [tilespmem:s5+$0x4030]  }
0x3b5: {  	v0 =	vld [tilespmem:s5+$0x40];
	v10 =	vadd.f32 v5, v3  }
.Ltmp9:
0x3b6: {  	[tilespmem:s5+$0x14030] =	vst v4;
	v4 =	vadd.f32 v8, v9;
	v5 =	vld [tilespmem:s5+$0x1040];
	(pc) =	sbr.rel @p0 .LBB2_20-.Ltmp9, $4  }
0x3b7: {  	v3 =	vld [tilespmem:s5+$0x2040];
	v8 =	vadd.f32 v2, v6;
	[tilespmem:s0+$0x14000] =	vst v10  }
0x3b8: {  	[tilespmem:s5+$0x15030] =	vst v4;
	v1 =	vadd.f32 v1, v9;
	v4 =	vld [tilespmem:s5+$0x3040]  }
0x3b9: {  	v6 =	vadd.f32 v7, v9;
	v2 =	vld [tilespmem:s5+$0x4040];
	[tilespmem:s16+$0x14000] =	vst v8  }
0x3ba: {  	s12 =	sadd.s32 $0x400, s12;
	s15 =	sadd.s32 $0x1, s15;
	[tilespmem:s5+$0x16030] =	vst v1;
	v1 =	vld [tilespmem:s5+$0x50]  }
0x3bb: {  	v7 =	vld [tilespmem:s5+$0x1050]  }
0x3bc: {  	v5 =	vadd.f32 v5, v0;
	v8 =	vld [tilespmem:s5+$0x2050]  }
0x3bd: {  	[tilespmem:s5+$0x17030] =	vst v6;
	v6 =	vld [tilespmem:s5+$0x3050];
	v3 =	vadd.f32 v3, v0  }
0x3be: {  	[tilespmem:s5+$0x14040] =	vst v5;
	v4 =	vadd.f32 v4, v0;
	v5 =	vld [tilespmem:s5+$0x4050]  }
0x3bf: {  	[tilespmem:s5+$0x15040] =	vst v3;
	v0 =	vadd.f32 v2, v0  }
0x3c0: {  	[tilespmem:s5+$0x16040] =	vst v4;
	v2 =	vadd.f32 v7, v1  }
0x3c1: {  	[tilespmem:s5+$0x17040] =	vst v0;
	v0 =	vadd.f32 v8, v1  }
0x3c2: {  	[tilespmem:s5+$0x14050] =	vst v2;
	v2 =	vadd.f32 v6, v1  }
0x3c3: {  	[tilespmem:s5+$0x15050] =	vst v0;
	v0 =	vadd.f32 v5, v1  }
0x3c4: {  	[tilespmem:s5+$0x16050] =	vst v2  }
0x3c5: {  	[tilespmem:s5+$0x17050] =	vst v0  }
0x3c6: {  	s0 =	sld [smem:$0x7FB];
	_ =	sdelay $0x2  }
0x3c7: {  	[hbm4b:s0+s14] =	stream.strided.scatter [tilespmem:s22], [sflag:$0x5], $0x4000, s13, s14, $0x38;
	[tilespmem:$0x1C000] =	vst v63  }
0x3c8: {  	_ =	swait.ge [sflag:s23], $0x1000  }
0x3c9: {  	[sflag:s23] =	ssyncset.done $0x0  }
0x3ca: {  	[sflag:s23] =	ssyncadd.s32 $0xFFFFF000  }
0x3cb: {  	_ =	swait.ge [sflag:s23], $0x4000  }
0x3cc: {  	s10 =	simm.s32 $0x0;
	[sflag:s23] =	ssyncset.done $0x0  }
0x3cd: {  	s16 =	sand.u32 $0x3, s10;
	[sflag:s23] =	ssyncadd.s32 $0xFFFFC000  }
0x3ce: {  	s0 =	sshll.u32 s16, $0xA;
	_ =	swait.ge [sflag:s29], $0x4000  }
0x3cf: {  	s0 =	sadd.s32 $0x0, s0;
	[sflag:s29] =	ssyncset.done $0x0  }
0x3d0: {  	s2 =	sor.u32 $0x70, s0;
	[sflag:s29] =	ssyncadd.s32 $0xFFFFC000  }
0x3d1: {  	v1 =	vld [tilespmem:s2+$0x5000]  }
0x3d2: {  	s6 =	sor.u32 $0x60, s0;
	v0 =	vld [tilespmem:s2+$0x6000]  }
0x3d3: {  	v2 =	vld [tilespmem:s6+$0x5000]  }
0x3d4: {  	s17 =	sand.u32 $0xC00, s10;
	s7 =	sand.u32 $0x380, s10;
	v3 =	vld [tilespmem:s6+$0x6000]  }
0x3d5: {  	s5 =	sor.u32 s7, s17  }
0x3d6: {  	v4 =	vld [tilespmem:s5+$0x5000]  }
0x3d7: {  	v5 =	vld [tilespmem:s5+$0x6000]  }
0x3d8: {  	v6 =	vld [tilespmem:s5+$0x7000];
	v0 =	vadd.f32 v0, v1  }
0x3d9: {  	v7 =	vld [tilespmem:s5+$0x8000];
	v3 =	vadd.f32 v3, v2  }
0x3da: {  	s18 =	sor.u32 $0x1070, s0;
	v8 =	vld [tilespmem:s5+$0x9000];
	[tilespmem:s2+$0x18000] =	vst v0  }
0x3db: {  	s20 =	sor.u32 $0x1060, s0;
	[tilespmem:s6+$0x18000] =	vst v3;
	v0 =	vld [tilespmem:s18+$0x6000]  }
0x3dc: {  	v3 =	vld [tilespmem:s20+$0x6000]  }
0x3dd: {  	v9 =	vld [tilespmem:s5+$0x5010]  }
0x3de: {  	v10 =	vld [tilespmem:s5+$0x6010];
	v5 =	vadd.f32 v5, v4  }
0x3df: {  	v11 =	vld [tilespmem:s5+$0x7010];
	v6 =	vadd.f32 v6, v4  }
0x3e0: {  	v12 =	vld [tilespmem:s5+$0x8010];
	[tilespmem:s5+$0x18000] =	vst v5;
	v0 =	vadd.f32 v0, v1  }
0x3e1: {  	v59 =	vld [tilespmem:s5+$0x7020];
	[tilespmem:s5+$0x19000] =	vst v6;
	v3 =	vadd.f32 v3, v2  }
0x3e2: {  	s21 =	sor.u32 $0x2070, s0;
	v5 =	vld [tilespmem:s5+$0x9010];
	[tilespmem:s18+$0x18000] =	vst v0  }
0x3e3: {  	s30 =	sor.u32 $0x2060, s0;
	v7 =	vadd.f32 v7, v4;
	[tilespmem:s20+$0x18000] =	vst v3;
	v6 =	vld [tilespmem:s21+$0x6000]  }
0x3e4: {  	v4 =	vadd.f32 v8, v4;
	v8 =	vld [tilespmem:s30+$0x6000]  }
0x3e5: {  	[tilespmem:s5+$0x1A000] =	vst v7;
	v7 =	vadd.f32 v10, v9;
	v0 =	vld [tilespmem:s5+$0x5020]  }
0x3e6: {  	[tilespmem:s5+$0x1B000] =	vst v4;
	v4 =	vadd.f32 v11, v9;
	v3 =	vld [tilespmem:s5+$0x6020]  }
0x3e7: {  	v60 =	vld [tilespmem:s5+$0x8020];
	[tilespmem:s5+$0x18010] =	vst v7;
	v7 =	vadd.f32 v12, v9  }
0x3e8: {  	[tilespmem:s5+$0x19010] =	vst v4;
	v4 =	vld [tilespmem:s5+$0x9020];
	v6 =	vadd.f32 v6, v1  }
0x3e9: {  	[tilespmem:s5+$0x1A010] =	vst v7;
	v7 =	vld [tilespmem:s5+$0x5030];
	v8 =	vadd.f32 v8, v2  }
0x3ea: {  	v5 =	vadd.f32 v5, v9;
	[tilespmem:s21+$0x18000] =	vst v6;
	v6 =	vld [tilespmem:s5+$0x6030]  }
0x3eb: {  	s31 =	sor.u32 $0x3070, s0;
	v3 =	vadd.f32 v3, v0;
	[tilespmem:s30+$0x18000] =	vst v8;
	v8 =	vld [tilespmem:s5+$0x7030]  }
0x3ec: {  	s0 =	sor.u32 $0x3060, s0;
	[tilespmem:s5+$0x1B010] =	vst v5;
	v61 =	vadd.f32 v59, v0;
	v5 =	vld [tilespmem:s31+$0x6000]  }
0x3ed: {  	[tilespmem:s5+$0x18020] =	vst v3;
	v3 =	vadd.f32 v60, v0;
	v62 =	vld [tilespmem:s0+$0x6000]  }
0x3ee: {  	[tilespmem:s5+$0x19020] =	vst v61;
	v0 =	vadd.f32 v4, v0;
	v4 =	vld [tilespmem:s5+$0x8030]  }
0x3ef: {  	[tilespmem:s5+$0x1A020] =	vst v3;
	v3 =	vadd.f32 v6, v7;
	v6 =	vld [tilespmem:s5+$0x9030]  }
0x3f0: {  	[tilespmem:s5+$0x1B020] =	vst v0;
	v0 =	vld [tilespmem:s5+$0x5040];
	v8 =	vadd.f32 v8, v7  }
0x3f1: {  	v1 =	vadd.f32 v5, v1;
	v5 =	vld [tilespmem:s5+$0x6040];
	[tilespmem:s5+$0x18030] =	vst v3  }
0x3f2: {  	v63 =	vadd.f32 v62, v2;
	v3 =	vld [tilespmem:s5+$0x7040];
	[tilespmem:s5+$0x19030] =	vst v8  }
0x3f3: {  	[tilespmem:s31+$0x18000] =	vst v1;
	v1 =	vadd.f32 v4, v7;
	v4 =	vld [tilespmem:s5+$0x8040]  }
0x3f4: {  	v2 =	vld [tilespmem:s5+$0x9040];
	[tilespmem:s0+$0x18000] =	vst v63;
	v6 =	vadd.f32 v6, v7  }
0x3f5: {  	s11 =	simm.s32 $0x0;
	s12 =	simm.s32 $0x400;
	s15 =	simm.s32 $0x1;
	[tilespmem:s5+$0x1A030] =	vst v1;
	v1 =	vld [tilespmem:s5+$0x5050]  }
.LBB2_22:
0x3f6: {  	s0 =	sand.u32 $0x3, s15;
	s2 =	sand.u32 $0xC00, s12;
	[tilespmem:s5+$0x1B030] =	vst v6;
	v5 =	vadd.f32 v5, v0;
	v6 =	vld [tilespmem:s5+$0x6050]  }
0x3f7: {  	s11 =	sadd.s32 $0x80, s11;
	s10 =	sadd.s32 $0x20, s10;
	s0 =	sshll.u32 s0, $0xA;
	v3 =	vadd.f32 v3, v0;
	v7 =	vld [tilespmem:s5+$0x7050]  }
0x3f8: {  	s7 =	sand.u32 $0x380, s10;
	p0 =	slt.u32 s11, $0xF80;
	s6 =	sadd.s32 s0, s10;
	[tilespmem:s5+$0x18040] =	vst v5;
	v4 =	vadd.f32 v4, v0;
	v5 =	vld [tilespmem:s5+$0x8050]  }
0x3f9: {  	s8 =	sor.u32 $0x60, s6;
	s0 =	sor.u32 $0x1060, s6;
	s17 =	sor.u32 $0x70, s6;
	[tilespmem:s5+$0x19040] =	vst v3;
	v0 =	vadd.f32 v2, v0;
	v2 =	vld [tilespmem:s5+$0x9050]  }
0x3fa: {  	s7 =	sor.u32 s7, s2;
	s2 =	sor.u32 $0x2060, s6;
	s16 =	sor.u32 $0x3060, s6;
	v3 =	vld [tilespmem:s17+$0x5000];
	[tilespmem:s5+$0x1A040] =	vst v4  }
0x3fb: {  	v4 =	vld [tilespmem:s17+$0x6000];
	[tilespmem:s5+$0x1B040] =	vst v0;
	v0 =	vadd.f32 v6, v1  }
0x3fc: {  	v6 =	vld [tilespmem:s8+$0x5000];
	v7 =	vadd.f32 v7, v1  }
0x3fd: {  	v8 =	vld [tilespmem:s8+$0x6000];
	[tilespmem:s5+$0x18050] =	vst v0;
	v0 =	vadd.f32 v5, v1  }
0x3fe: {  	v5 =	vld [tilespmem:s7+$0x5000];
	[tilespmem:s5+$0x19050] =	vst v7;
	v1 =	vadd.f32 v2, v1  }
0x3ff: {  	v2 =	vld [tilespmem:s7+$0x6000];
	[tilespmem:s5+$0x1A050] =	vst v0  }
0x400: {  	v0 =	vld [tilespmem:s7+$0x7000];
	v4 =	vadd.f32 v4, v3;
	[tilespmem:s5+$0x1B050] =	vst v1;
	s5 =	smov.u32 s7  }
0x401: {  	v1 =	vld [tilespmem:s5+$0x8000]  }
0x402: {  	s7 =	sor.u32 $0x1070, s6;
	v7 =	vld [tilespmem:s5+$0x9000];
	v8 =	vadd.f32 v8, v6;
	[tilespmem:s17+$0x18000] =	vst v4  }
0x403: {  	v4 =	vld [tilespmem:s7+$0x6000]  }
0x404: {  	v2 =	vadd.f32 v2, v5;
	v9 =	vld [tilespmem:s5+$0x5010];
	[tilespmem:s8+$0x18000] =	vst v8  }
0x405: {  	v0 =	vadd.f32 v0, v5;
	v8 =	vld [tilespmem:s0+$0x6000]  }
0x406: {  	[tilespmem:s5+$0x18000] =	vst v2;
	v1 =	vadd.f32 v1, v5;
	v2 =	vld [tilespmem:s5+$0x6010]  }
0x407: {  	[tilespmem:s5+$0x19000] =	vst v0;
	v0 =	vadd.f32 v7, v5;
	v5 =	vld [tilespmem:s5+$0x7010]  }
0x408: {  	[tilespmem:s5+$0x1A000] =	vst v1;
	v1 =	vld [tilespmem:s5+$0x8010];
	v4 =	vadd.f32 v4, v3  }
0x409: {  	[tilespmem:s5+$0x1B000] =	vst v0;
	v0 =	vld [tilespmem:s5+$0x9010]  }
0x40a: {  	v7 =	vld [tilespmem:s5+$0x5020];
	v8 =	vadd.f32 v8, v6;
	[tilespmem:s7+$0x18000] =	vst v4;
	s7 =	sor.u32 $0x2070, s6  }
0x40b: {  	v2 =	vadd.f32 v2, v9;
	v4 =	vld [tilespmem:s7+$0x6000]  }
0x40c: {  	v5 =	vadd.f32 v5, v9;
	v10 =	vld [tilespmem:s5+$0x6020];
	[tilespmem:s0+$0x18000] =	vst v8  }
0x40d: {  	[tilespmem:s5+$0x18010] =	vst v2;
	v1 =	vadd.f32 v1, v9;
	v2 =	vld [tilespmem:s2+$0x6000]  }
0x40e: {  	[tilespmem:s5+$0x19010] =	vst v5;
	v0 =	vadd.f32 v0, v9;
	v5 =	vld [tilespmem:s5+$0x7020]  }
0x40f: {  	[tilespmem:s5+$0x1A010] =	vst v1;
	v1 =	vld [tilespmem:s5+$0x8020]  }
0x410: {  	[tilespmem:s5+$0x1B010] =	vst v0;
	v0 =	vld [tilespmem:s5+$0x9020];
	v4 =	vadd.f32 v4, v3  }
0x411: {  	v8 =	vadd.f32 v10, v7;
	v9 =	vld [tilespmem:s5+$0x5030]  }
0x412: {  	s0 =	sor.u32 $0x3070, s6;
	v10 =	vld [tilespmem:s5+$0x6030];
	v2 =	vadd.f32 v2, v6;
	[tilespmem:s7+$0x18000] =	vst v4  }
0x413: {  	[tilespmem:s5+$0x18020] =	vst v8;
	v4 =	vadd.f32 v5, v7;
	v5 =	vld [tilespmem:s0+$0x6000]  }
0x414: {  	v1 =	vadd.f32 v1, v7;
	v8 =	vld [tilespmem:s5+$0x7030];
	[tilespmem:s2+$0x18000] =	vst v2  }
0x415: {  	[tilespmem:s5+$0x19020] =	vst v4;
	v0 =	vadd.f32 v0, v7;
	v2 =	vld [tilespmem:s16+$0x6000]  }
0x416: {  	[tilespmem:s5+$0x1A020] =	vst v1;
	v1 =	vld [tilespmem:s5+$0x8030]  }
0x417: {  	[tilespmem:s5+$0x1B020] =	vst v0;
	v4 =	vadd.f32 v10, v9;
	v7 =	vld [tilespmem:s5+$0x9030]  }
0x418: {  	v0 =	vld [tilespmem:s5+$0x5040];
	v10 =	vadd.f32 v5, v3  }
.Ltmp10:
0x419: {  	[tilespmem:s5+$0x18030] =	vst v4;
	v4 =	vadd.f32 v8, v9;
	v5 =	vld [tilespmem:s5+$0x6040];
	(pc) =	sbr.rel @p0 .LBB2_22-.Ltmp10, $4  }
0x41a: {  	v3 =	vld [tilespmem:s5+$0x7040];
	v8 =	vadd.f32 v2, v6;
	[tilespmem:s0+$0x18000] =	vst v10  }
0x41b: {  	[tilespmem:s5+$0x19030] =	vst v4;
	v1 =	vadd.f32 v1, v9;
	v4 =	vld [tilespmem:s5+$0x8040]  }
0x41c: {  	v6 =	vadd.f32 v7, v9;
	v2 =	vld [tilespmem:s5+$0x9040];
	[tilespmem:s16+$0x18000] =	vst v8  }
0x41d: {  	s12 =	sadd.s32 $0x400, s12;
	s15 =	sadd.s32 $0x1, s15;
	[tilespmem:s5+$0x1A030] =	vst v1;
	v1 =	vld [tilespmem:s5+$0x5050]  }
0x41e: {  	v7 =	vld [tilespmem:s5+$0x6050]  }
0x41f: {  	v5 =	vadd.f32 v5, v0;
	v8 =	vld [tilespmem:s5+$0x7050]  }
0x420: {  	[tilespmem:s5+$0x1B030] =	vst v6;
	v6 =	vld [tilespmem:s5+$0x8050];
	v3 =	vadd.f32 v3, v0  }
0x421: {  	[tilespmem:s5+$0x18040] =	vst v5;
	v4 =	vadd.f32 v4, v0;
	v5 =	vld [tilespmem:s5+$0x9050]  }
0x422: {  	[tilespmem:s5+$0x19040] =	vst v3;
	v0 =	vadd.f32 v2, v0  }
0x423: {  	[tilespmem:s5+$0x1A040] =	vst v4;
	v2 =	vadd.f32 v7, v1  }
0x424: {  	[tilespmem:s5+$0x1B040] =	vst v0;
	v0 =	vadd.f32 v8, v1  }
0x425: {  	[tilespmem:s5+$0x18050] =	vst v2;
	v2 =	vadd.f32 v6, v1  }
0x426: {  	[tilespmem:s5+$0x19050] =	vst v0;
	v0 =	vadd.f32 v5, v1  }
0x427: {  	[tilespmem:s5+$0x1A050] =	vst v2  }
0x428: {  	[tilespmem:s5+$0x1B050] =	vst v0  }
0x429: {  	s0 =	sld [smem:$0x7FC];
	_ =	sdelay $0x2  }
0x42a: {  	[hbm4b:s0+s14] =	stream.strided.scatter [tilespmem:s24], [sflag:$0x6], $0x4000, s13, s14, $0x38;
	[tilespmem:$0x1C000] =	vst v63  }
0x42b: {  	_ =	swait.ge [sflag:s25], $0x1000  }
0x42c: {  	[sflag:s25] =	ssyncset.done $0x0  }
0x42d: {  	[sflag:s25] =	ssyncadd.s32 $0xFFFFF000  }
0x42e: {  	_ =	swait.ge [sflag:s25], $0x4000  }
0x42f: {  	s10 =	simm.s32 $0x0;
	[sflag:s25] =	ssyncset.done $0x0  }
0x430: {  	s16 =	sand.u32 $0x3, s10;
	[sflag:s25] =	ssyncadd.s32 $0xFFFFC000  }
0x431: {  	s0 =	sshll.u32 s16, $0xA;
	_ =	swait.ge [sflag:s26], $0x4000  }
0x432: {  	s0 =	sadd.s32 $0x0, s0;
	[sflag:s26] =	ssyncset.done $0x0  }
0x433: {  	s2 =	sor.u32 $0x70, s0;
	[sflag:s26] =	ssyncadd.s32 $0xFFFFC000  }
0x434: {  	v1 =	vld [tilespmem:s2+$0xA000]  }
0x435: {  	s6 =	sor.u32 $0x60, s0;
	v0 =	vld [tilespmem:s2+$0xB000]  }
0x436: {  	v2 =	vld [tilespmem:s6+$0xA000]  }
0x437: {  	s17 =	sand.u32 $0xC00, s10;
	s7 =	sand.u32 $0x380, s10;
	v3 =	vld [tilespmem:s6+$0xB000]  }
0x438: {  	s5 =	sor.u32 s7, s17  }
0x439: {  	v4 =	vld [tilespmem:s5+$0xA000]  }
0x43a: {  	v5 =	vld [tilespmem:s5+$0xB000]  }
0x43b: {  	v6 =	vld [tilespmem:s5+$0xC000];
	v0 =	vadd.f32 v0, v1  }
0x43c: {  	v7 =	vld [tilespmem:s5+$0xD000];
	v3 =	vadd.f32 v3, v2  }
0x43d: {  	s18 =	sor.u32 $0x1070, s0;
	v8 =	vld [tilespmem:s5+$0xE000];
	[tilespmem:s2+$0x14000] =	vst v0  }
0x43e: {  	s20 =	sor.u32 $0x1060, s0;
	[tilespmem:s6+$0x14000] =	vst v3;
	v0 =	vld [tilespmem:s18+$0xB000]  }
0x43f: {  	v3 =	vld [tilespmem:s20+$0xB000]  }
0x440: {  	v9 =	vld [tilespmem:s5+$0xA010]  }
0x441: {  	v10 =	vld [tilespmem:s5+$0xB010];
	v5 =	vadd.f32 v5, v4  }
0x442: {  	v11 =	vld [tilespmem:s5+$0xC010];
	v6 =	vadd.f32 v6, v4  }
0x443: {  	v12 =	vld [tilespmem:s5+$0xD010];
	[tilespmem:s5+$0x14000] =	vst v5;
	v0 =	vadd.f32 v0, v1  }
0x444: {  	v59 =	vld [tilespmem:s5+$0xC020];
	[tilespmem:s5+$0x15000] =	vst v6;
	v3 =	vadd.f32 v3, v2  }
0x445: {  	s21 =	sor.u32 $0x2070, s0;
	v5 =	vld [tilespmem:s5+$0xE010];
	[tilespmem:s18+$0x14000] =	vst v0  }
0x446: {  	s30 =	sor.u32 $0x2060, s0;
	v7 =	vadd.f32 v7, v4;
	[tilespmem:s20+$0x14000] =	vst v3;
	v6 =	vld [tilespmem:s21+$0xB000]  }
0x447: {  	v4 =	vadd.f32 v8, v4;
	v8 =	vld [tilespmem:s30+$0xB000]  }
0x448: {  	[tilespmem:s5+$0x16000] =	vst v7;
	v7 =	vadd.f32 v10, v9;
	v0 =	vld [tilespmem:s5+$0xA020]  }
0x449: {  	[tilespmem:s5+$0x17000] =	vst v4;
	v4 =	vadd.f32 v11, v9;
	v3 =	vld [tilespmem:s5+$0xB020]  }
0x44a: {  	v60 =	vld [tilespmem:s5+$0xD020];
	[tilespmem:s5+$0x14010] =	vst v7;
	v7 =	vadd.f32 v12, v9  }
0x44b: {  	[tilespmem:s5+$0x15010] =	vst v4;
	v4 =	vld [tilespmem:s5+$0xE020];
	v6 =	vadd.f32 v6, v1  }
0x44c: {  	[tilespmem:s5+$0x16010] =	vst v7;
	v7 =	vld [tilespmem:s5+$0xA030];
	v8 =	vadd.f32 v8, v2  }
0x44d: {  	v5 =	vadd.f32 v5, v9;
	[tilespmem:s21+$0x14000] =	vst v6;
	v6 =	vld [tilespmem:s5+$0xB030]  }
0x44e: {  	s31 =	sor.u32 $0x3070, s0;
	v3 =	vadd.f32 v3, v0;
	[tilespmem:s30+$0x14000] =	vst v8;
	v8 =	vld [tilespmem:s5+$0xC030]  }
0x44f: {  	s0 =	sor.u32 $0x3060, s0;
	[tilespmem:s5+$0x17010] =	vst v5;
	v61 =	vadd.f32 v59, v0;
	v5 =	vld [tilespmem:s31+$0xB000]  }
0x450: {  	[tilespmem:s5+$0x14020] =	vst v3;
	v3 =	vadd.f32 v60, v0;
	v62 =	vld [tilespmem:s0+$0xB000]  }
0x451: {  	[tilespmem:s5+$0x15020] =	vst v61;
	v0 =	vadd.f32 v4, v0;
	v4 =	vld [tilespmem:s5+$0xD030]  }
0x452: {  	[tilespmem:s5+$0x16020] =	vst v3;
	v3 =	vadd.f32 v6, v7;
	v6 =	vld [tilespmem:s5+$0xE030]  }
0x453: {  	[tilespmem:s5+$0x17020] =	vst v0;
	v0 =	vld [tilespmem:s5+$0xA040];
	v8 =	vadd.f32 v8, v7  }
0x454: {  	v1 =	vadd.f32 v5, v1;
	v5 =	vld [tilespmem:s5+$0xB040];
	[tilespmem:s5+$0x14030] =	vst v3  }
0x455: {  	v63 =	vadd.f32 v62, v2;
	v3 =	vld [tilespmem:s5+$0xC040];
	[tilespmem:s5+$0x15030] =	vst v8  }
0x456: {  	[tilespmem:s31+$0x14000] =	vst v1;
	v1 =	vadd.f32 v4, v7;
	v4 =	vld [tilespmem:s5+$0xD040]  }
0x457: {  	v2 =	vld [tilespmem:s5+$0xE040];
	[tilespmem:s0+$0x14000] =	vst v63;
	v6 =	vadd.f32 v6, v7  }
0x458: {  	s11 =	simm.s32 $0x0;
	s12 =	simm.s32 $0x400;
	s15 =	simm.s32 $0x1;
	[tilespmem:s5+$0x16030] =	vst v1;
	v1 =	vld [tilespmem:s5+$0xA050]  }
.LBB2_24:
0x459: {  	s0 =	sand.u32 $0x3, s15;
	s2 =	sand.u32 $0xC00, s12;
	[tilespmem:s5+$0x17030] =	vst v6;
	v5 =	vadd.f32 v5, v0;
	v6 =	vld [tilespmem:s5+$0xB050]  }
0x45a: {  	s11 =	sadd.s32 $0x80, s11;
	s10 =	sadd.s32 $0x20, s10;
	s0 =	sshll.u32 s0, $0xA;
	v3 =	vadd.f32 v3, v0;
	v7 =	vld [tilespmem:s5+$0xC050]  }
0x45b: {  	s7 =	sand.u32 $0x380, s10;
	p0 =	slt.u32 s11, $0xF80;
	s6 =	sadd.s32 s0, s10;
	[tilespmem:s5+$0x14040] =	vst v5;
	v4 =	vadd.f32 v4, v0;
	v5 =	vld [tilespmem:s5+$0xD050]  }
0x45c: {  	s8 =	sor.u32 $0x60, s6;
	s0 =	sor.u32 $0x1060, s6;
	s17 =	sor.u32 $0x70, s6;
	[tilespmem:s5+$0x15040] =	vst v3;
	v0 =	vadd.f32 v2, v0;
	v2 =	vld [tilespmem:s5+$0xE050]  }
0x45d: {  	s7 =	sor.u32 s7, s2;
	s2 =	sor.u32 $0x2060, s6;
	s16 =	sor.u32 $0x3060, s6;
	v3 =	vld [tilespmem:s17+$0xA000];
	[tilespmem:s5+$0x16040] =	vst v4  }
0x45e: {  	v4 =	vld [tilespmem:s17+$0xB000];
	[tilespmem:s5+$0x17040] =	vst v0;
	v0 =	vadd.f32 v6, v1  }
0x45f: {  	v6 =	vld [tilespmem:s8+$0xA000];
	v7 =	vadd.f32 v7, v1  }
0x460: {  	v8 =	vld [tilespmem:s8+$0xB000];
	[tilespmem:s5+$0x14050] =	vst v0;
	v0 =	vadd.f32 v5, v1  }
0x461: {  	v5 =	vld [tilespmem:s7+$0xA000];
	[tilespmem:s5+$0x15050] =	vst v7;
	v1 =	vadd.f32 v2, v1  }
0x462: {  	v2 =	vld [tilespmem:s7+$0xB000];
	[tilespmem:s5+$0x16050] =	vst v0  }
0x463: {  	v0 =	vld [tilespmem:s7+$0xC000];
	v4 =	vadd.f32 v4, v3;
	[tilespmem:s5+$0x17050] =	vst v1;
	s5 =	smov.u32 s7  }
0x464: {  	v1 =	vld [tilespmem:s5+$0xD000]  }
0x465: {  	s7 =	sor.u32 $0x1070, s6;
	v7 =	vld [tilespmem:s5+$0xE000];
	v8 =	vadd.f32 v8, v6;
	[tilespmem:s17+$0x14000] =	vst v4  }
0x466: {  	v4 =	vld [tilespmem:s7+$0xB000]  }
0x467: {  	v2 =	vadd.f32 v2, v5;
	v9 =	vld [tilespmem:s5+$0xA010];
	[tilespmem:s8+$0x14000] =	vst v8  }
0x468: {  	v0 =	vadd.f32 v0, v5;
	v8 =	vld [tilespmem:s0+$0xB000]  }
0x469: {  	[tilespmem:s5+$0x14000] =	vst v2;
	v1 =	vadd.f32 v1, v5;
	v2 =	vld [tilespmem:s5+$0xB010]  }
0x46a: {  	[tilespmem:s5+$0x15000] =	vst v0;
	v0 =	vadd.f32 v7, v5;
	v5 =	vld [tilespmem:s5+$0xC010]  }
0x46b: {  	[tilespmem:s5+$0x16000] =	vst v1;
	v1 =	vld [tilespmem:s5+$0xD010];
	v4 =	vadd.f32 v4, v3  }
0x46c: {  	[tilespmem:s5+$0x17000] =	vst v0;
	v0 =	vld [tilespmem:s5+$0xE010]  }
0x46d: {  	v7 =	vld [tilespmem:s5+$0xA020];
	v8 =	vadd.f32 v8, v6;
	[tilespmem:s7+$0x14000] =	vst v4;
	s7 =	sor.u32 $0x2070, s6  }
0x46e: {  	v2 =	vadd.f32 v2, v9;
	v4 =	vld [tilespmem:s7+$0xB000]  }
0x46f: {  	v5 =	vadd.f32 v5, v9;
	v10 =	vld [tilespmem:s5+$0xB020];
	[tilespmem:s0+$0x14000] =	vst v8  }
0x470: {  	[tilespmem:s5+$0x14010] =	vst v2;
	v1 =	vadd.f32 v1, v9;
	v2 =	vld [tilespmem:s2+$0xB000]  }
0x471: {  	[tilespmem:s5+$0x15010] =	vst v5;
	v0 =	vadd.f32 v0, v9;
	v5 =	vld [tilespmem:s5+$0xC020]  }
0x472: {  	[tilespmem:s5+$0x16010] =	vst v1;
	v1 =	vld [tilespmem:s5+$0xD020]  }
0x473: {  	[tilespmem:s5+$0x17010] =	vst v0;
	v0 =	vld [tilespmem:s5+$0xE020];
	v4 =	vadd.f32 v4, v3  }
0x474: {  	v8 =	vadd.f32 v10, v7;
	v9 =	vld [tilespmem:s5+$0xA030]  }
0x475: {  	s0 =	sor.u32 $0x3070, s6;
	v10 =	vld [tilespmem:s5+$0xB030];
	v2 =	vadd.f32 v2, v6;
	[tilespmem:s7+$0x14000] =	vst v4  }
0x476: {  	[tilespmem:s5+$0x14020] =	vst v8;
	v4 =	vadd.f32 v5, v7;
	v5 =	vld [tilespmem:s0+$0xB000]  }
0x477: {  	v1 =	vadd.f32 v1, v7;
	v8 =	vld [tilespmem:s5+$0xC030];
	[tilespmem:s2+$0x14000] =	vst v2  }
0x478: {  	[tilespmem:s5+$0x15020] =	vst v4;
	v0 =	vadd.f32 v0, v7;
	v2 =	vld [tilespmem:s16+$0xB000]  }
0x479: {  	[tilespmem:s5+$0x16020] =	vst v1;
	v1 =	vld [tilespmem:s5+$0xD030]  }
0x47a: {  	[tilespmem:s5+$0x17020] =	vst v0;
	v4 =	vadd.f32 v10, v9;
	v7 =	vld [tilespmem:s5+$0xE030]  }
0x47b: {  	v0 =	vld [tilespmem:s5+$0xA040];
	v10 =	vadd.f32 v5, v3  }
.Ltmp11:
0x47c: {  	[tilespmem:s5+$0x14030] =	vst v4;
	v4 =	vadd.f32 v8, v9;
	v5 =	vld [tilespmem:s5+$0xB040];
	(pc) =	sbr.rel @p0 .LBB2_24-.Ltmp11, $4  }
0x47d: {  	v3 =	vld [tilespmem:s5+$0xC040];
	v8 =	vadd.f32 v2, v6;
	[tilespmem:s0+$0x14000] =	vst v10  }
0x47e: {  	[tilespmem:s5+$0x15030] =	vst v4;
	v1 =	vadd.f32 v1, v9;
	v4 =	vld [tilespmem:s5+$0xD040]  }
0x47f: {  	v6 =	vadd.f32 v7, v9;
	v2 =	vld [tilespmem:s5+$0xE040];
	[tilespmem:s16+$0x14000] =	vst v8  }
0x480: {  	s12 =	sadd.s32 $0x400, s12;
	s15 =	sadd.s32 $0x1, s15;
	[tilespmem:s5+$0x16030] =	vst v1;
	v1 =	vld [tilespmem:s5+$0xA050]  }
0x481: {  	v7 =	vld [tilespmem:s5+$0xB050]  }
0x482: {  	v5 =	vadd.f32 v5, v0;
	v8 =	vld [tilespmem:s5+$0xC050]  }
0x483: {  	[tilespmem:s5+$0x17030] =	vst v6;
	v6 =	vld [tilespmem:s5+$0xD050];
	v3 =	vadd.f32 v3, v0  }
0x484: {  	[tilespmem:s5+$0x14040] =	vst v5;
	v4 =	vadd.f32 v4, v0;
	v5 =	vld [tilespmem:s5+$0xE050]  }
0x485: {  	[tilespmem:s5+$0x15040] =	vst v3;
	v0 =	vadd.f32 v2, v0  }
0x486: {  	[tilespmem:s5+$0x16040] =	vst v4;
	v2 =	vadd.f32 v7, v1  }
0x487: {  	[tilespmem:s5+$0x17040] =	vst v0;
	v0 =	vadd.f32 v8, v1  }
0x488: {  	[tilespmem:s5+$0x14050] =	vst v2;
	v2 =	vadd.f32 v6, v1  }
0x489: {  	[tilespmem:s5+$0x15050] =	vst v0;
	v0 =	vadd.f32 v5, v1  }
0x48a: {  	[tilespmem:s5+$0x16050] =	vst v2  }
0x48b: {  	[tilespmem:s5+$0x17050] =	vst v0  }
0x48c: {  	s0 =	sld [smem:$0x7FD];
	_ =	sdelay $0x2  }
0x48d: {  	[hbm4b:s0+s14] =	stream.strided.scatter [tilespmem:s22], [sflag:$0x5], $0x4000, s13, s14, $0x38;
	[tilespmem:$0x1C000] =	vst v63  }
0x48e: {  	_ =	swait.ge [sflag:s28], $0x1000  }
0x48f: {  	[sflag:s28] =	ssyncset.done $0x0  }
0x490: {  	[sflag:s28] =	ssyncadd.s32 $0xFFFFF000  }
0x491: {  	_ =	swait.ge [sflag:s28], $0x4000  }
0x492: {  	s10 =	simm.s32 $0x0;
	[sflag:s28] =	ssyncset.done $0x0  }
0x493: {  	s16 =	sand.u32 $0x3, s10;
	[sflag:s28] =	ssyncadd.s32 $0xFFFFC000  }
0x494: {  	s0 =	sshll.u32 s16, $0xA;
	_ =	swait.ge [sflag:s29], $0x4000  }
0x495: {  	s0 =	sadd.s32 $0x0, s0;
	[sflag:s29] =	ssyncset.done $0x0  }
0x496: {  	s2 =	sor.u32 $0x70, s0;
	[sflag:s29] =	ssyncadd.s32 $0xFFFFC000  }
0x497: {  	v1 =	vld [tilespmem:s2+$0xF000]  }
0x498: {  	s6 =	sor.u32 $0x60, s0;
	v0 =	vld [tilespmem:s2+$0x10000]  }
0x499: {  	v2 =	vld [tilespmem:s6+$0xF000]  }
0x49a: {  	s17 =	sand.u32 $0xC00, s10;
	s7 =	sand.u32 $0x380, s10;
	v3 =	vld [tilespmem:s6+$0x10000]  }
0x49b: {  	s5 =	sor.u32 s7, s17  }
0x49c: {  	v4 =	vld [tilespmem:s5+$0xF000]  }
0x49d: {  	v5 =	vld [tilespmem:s5+$0x10000]  }
0x49e: {  	v6 =	vld [tilespmem:s5+$0x11000];
	v0 =	vadd.f32 v0, v1  }
0x49f: {  	v7 =	vld [tilespmem:s5+$0x12000];
	v3 =	vadd.f32 v3, v2  }
0x4a0: {  	s18 =	sor.u32 $0x1070, s0;
	v8 =	vld [tilespmem:s5+$0x13000];
	[tilespmem:s2+$0x18000] =	vst v0  }
0x4a1: {  	s20 =	sor.u32 $0x1060, s0;
	[tilespmem:s6+$0x18000] =	vst v3;
	v0 =	vld [tilespmem:s18+$0x10000]  }
0x4a2: {  	v3 =	vld [tilespmem:s20+$0x10000]  }
0x4a3: {  	v9 =	vld [tilespmem:s5+$0xF010]  }
0x4a4: {  	v10 =	vld [tilespmem:s5+$0x10010];
	v5 =	vadd.f32 v5, v4  }
0x4a5: {  	v11 =	vld [tilespmem:s5+$0x11010];
	v6 =	vadd.f32 v6, v4  }
0x4a6: {  	v12 =	vld [tilespmem:s5+$0x12010];
	[tilespmem:s5+$0x18000] =	vst v5;
	v0 =	vadd.f32 v0, v1  }
0x4a7: {  	v59 =	vld [tilespmem:s5+$0x11020];
	[tilespmem:s5+$0x19000] =	vst v6;
	v3 =	vadd.f32 v3, v2  }
0x4a8: {  	s21 =	sor.u32 $0x2070, s0;
	v5 =	vld [tilespmem:s5+$0x13010];
	[tilespmem:s18+$0x18000] =	vst v0  }
0x4a9: {  	s30 =	sor.u32 $0x2060, s0;
	v7 =	vadd.f32 v7, v4;
	[tilespmem:s20+$0x18000] =	vst v3;
	v6 =	vld [tilespmem:s21+$0x10000]  }
0x4aa: {  	v4 =	vadd.f32 v8, v4;
	v8 =	vld [tilespmem:s30+$0x10000]  }
0x4ab: {  	[tilespmem:s5+$0x1A000] =	vst v7;
	v7 =	vadd.f32 v10, v9;
	v0 =	vld [tilespmem:s5+$0xF020]  }
0x4ac: {  	[tilespmem:s5+$0x1B000] =	vst v4;
	v4 =	vadd.f32 v11, v9;
	v3 =	vld [tilespmem:s5+$0x10020]  }
0x4ad: {  	v60 =	vld [tilespmem:s5+$0x12020];
	[tilespmem:s5+$0x18010] =	vst v7;
	v7 =	vadd.f32 v12, v9  }
0x4ae: {  	[tilespmem:s5+$0x19010] =	vst v4;
	v4 =	vld [tilespmem:s5+$0x13020];
	v6 =	vadd.f32 v6, v1  }
0x4af: {  	[tilespmem:s5+$0x1A010] =	vst v7;
	v7 =	vld [tilespmem:s5+$0xF030];
	v8 =	vadd.f32 v8, v2  }
0x4b0: {  	v5 =	vadd.f32 v5, v9;
	[tilespmem:s21+$0x18000] =	vst v6;
	v6 =	vld [tilespmem:s5+$0x10030]  }
0x4b1: {  	s31 =	sor.u32 $0x3070, s0;
	v3 =	vadd.f32 v3, v0;
	[tilespmem:s30+$0x18000] =	vst v8;
	v8 =	vld [tilespmem:s5+$0x11030]  }
0x4b2: {  	s0 =	sor.u32 $0x3060, s0;
	[tilespmem:s5+$0x1B010] =	vst v5;
	v61 =	vadd.f32 v59, v0;
	v5 =	vld [tilespmem:s31+$0x10000]  }
0x4b3: {  	[tilespmem:s5+$0x18020] =	vst v3;
	v3 =	vadd.f32 v60, v0;
	v62 =	vld [tilespmem:s0+$0x10000]  }
0x4b4: {  	[tilespmem:s5+$0x19020] =	vst v61;
	v0 =	vadd.f32 v4, v0;
	v4 =	vld [tilespmem:s5+$0x12030]  }
0x4b5: {  	[tilespmem:s5+$0x1A020] =	vst v3;
	v3 =	vadd.f32 v6, v7;
	v6 =	vld [tilespmem:s5+$0x13030]  }
0x4b6: {  	[tilespmem:s5+$0x1B020] =	vst v0;
	v0 =	vld [tilespmem:s5+$0xF040];
	v8 =	vadd.f32 v8, v7  }
0x4b7: {  	v1 =	vadd.f32 v5, v1;
	v5 =	vld [tilespmem:s5+$0x10040];
	[tilespmem:s5+$0x18030] =	vst v3  }
0x4b8: {  	v63 =	vadd.f32 v62, v2;
	v3 =	vld [tilespmem:s5+$0x11040];
	[tilespmem:s5+$0x19030] =	vst v8  }
0x4b9: {  	[tilespmem:s31+$0x18000] =	vst v1;
	v1 =	vadd.f32 v4, v7;
	v4 =	vld [tilespmem:s5+$0x12040]  }
0x4ba: {  	v2 =	vld [tilespmem:s5+$0x13040];
	[tilespmem:s0+$0x18000] =	vst v63;
	v6 =	vadd.f32 v6, v7  }
0x4bb: {  	s11 =	simm.s32 $0x0;
	s12 =	simm.s32 $0x400;
	s15 =	simm.s32 $0x1;
	[tilespmem:s5+$0x1A030] =	vst v1;
	v1 =	vld [tilespmem:s5+$0xF050]  }
.LBB2_26:
0x4bc: {  	s0 =	sand.u32 $0x3, s15;
	s2 =	sand.u32 $0xC00, s12;
	[tilespmem:s5+$0x1B030] =	vst v6;
	v5 =	vadd.f32 v5, v0;
	v6 =	vld [tilespmem:s5+$0x10050]  }
0x4bd: {  	s11 =	sadd.s32 $0x80, s11;
	s10 =	sadd.s32 $0x20, s10;
	s0 =	sshll.u32 s0, $0xA;
	v3 =	vadd.f32 v3, v0;
	v7 =	vld [tilespmem:s5+$0x11050]  }
0x4be: {  	s7 =	sand.u32 $0x380, s10;
	p0 =	slt.u32 s11, $0xF80;
	s6 =	sadd.s32 s0, s10;
	[tilespmem:s5+$0x18040] =	vst v5;
	v4 =	vadd.f32 v4, v0;
	v5 =	vld [tilespmem:s5+$0x12050]  }
0x4bf: {  	s8 =	sor.u32 $0x60, s6;
	s0 =	sor.u32 $0x1060, s6;
	s17 =	sor.u32 $0x70, s6;
	[tilespmem:s5+$0x19040] =	vst v3;
	v0 =	vadd.f32 v2, v0;
	v2 =	vld [tilespmem:s5+$0x13050]  }
0x4c0: {  	s7 =	sor.u32 s7, s2;
	s2 =	sor.u32 $0x2060, s6;
	s16 =	sor.u32 $0x3060, s6;
	v3 =	vld [tilespmem:s17+$0xF000];
	[tilespmem:s5+$0x1A040] =	vst v4  }
0x4c1: {  	v4 =	vld [tilespmem:s17+$0x10000];
	[tilespmem:s5+$0x1B040] =	vst v0;
	v0 =	vadd.f32 v6, v1  }
0x4c2: {  	v6 =	vld [tilespmem:s8+$0xF000];
	v7 =	vadd.f32 v7, v1  }
0x4c3: {  	v8 =	vld [tilespmem:s8+$0x10000];
	[tilespmem:s5+$0x18050] =	vst v0;
	v0 =	vadd.f32 v5, v1  }
0x4c4: {  	v5 =	vld [tilespmem:s7+$0xF000];
	[tilespmem:s5+$0x19050] =	vst v7;
	v1 =	vadd.f32 v2, v1  }
0x4c5: {  	v2 =	vld [tilespmem:s7+$0x10000];
	[tilespmem:s5+$0x1A050] =	vst v0  }
0x4c6: {  	v0 =	vld [tilespmem:s7+$0x11000];
	v4 =	vadd.f32 v4, v3;
	[tilespmem:s5+$0x1B050] =	vst v1;
	s5 =	smov.u32 s7  }
0x4c7: {  	v1 =	vld [tilespmem:s5+$0x12000]  }
0x4c8: {  	s7 =	sor.u32 $0x1070, s6;
	v7 =	vld [tilespmem:s5+$0x13000];
	v8 =	vadd.f32 v8, v6;
	[tilespmem:s17+$0x18000] =	vst v4  }
0x4c9: {  	v4 =	vld [tilespmem:s7+$0x10000]  }
0x4ca: {  	v2 =	vadd.f32 v2, v5;
	v9 =	vld [tilespmem:s5+$0xF010];
	[tilespmem:s8+$0x18000] =	vst v8  }
0x4cb: {  	v0 =	vadd.f32 v0, v5;
	v8 =	vld [tilespmem:s0+$0x10000]  }
0x4cc: {  	[tilespmem:s5+$0x18000] =	vst v2;
	v1 =	vadd.f32 v1, v5;
	v2 =	vld [tilespmem:s5+$0x10010]  }
0x4cd: {  	[tilespmem:s5+$0x19000] =	vst v0;
	v0 =	vadd.f32 v7, v5;
	v5 =	vld [tilespmem:s5+$0x11010]  }
0x4ce: {  	[tilespmem:s5+$0x1A000] =	vst v1;
	v1 =	vld [tilespmem:s5+$0x12010];
	v4 =	vadd.f32 v4, v3  }
0x4cf: {  	[tilespmem:s5+$0x1B000] =	vst v0;
	v0 =	vld [tilespmem:s5+$0x13010]  }
0x4d0: {  	v7 =	vld [tilespmem:s5+$0xF020];
	v8 =	vadd.f32 v8, v6;
	[tilespmem:s7+$0x18000] =	vst v4;
	s7 =	sor.u32 $0x2070, s6  }
0x4d1: {  	v2 =	vadd.f32 v2, v9;
	v4 =	vld [tilespmem:s7+$0x10000]  }
0x4d2: {  	v5 =	vadd.f32 v5, v9;
	v10 =	vld [tilespmem:s5+$0x10020];
	[tilespmem:s0+$0x18000] =	vst v8  }
0x4d3: {  	[tilespmem:s5+$0x18010] =	vst v2;
	v1 =	vadd.f32 v1, v9;
	v2 =	vld [tilespmem:s2+$0x10000]  }
0x4d4: {  	[tilespmem:s5+$0x19010] =	vst v5;
	v0 =	vadd.f32 v0, v9;
	v5 =	vld [tilespmem:s5+$0x11020]  }
0x4d5: {  	[tilespmem:s5+$0x1A010] =	vst v1;
	v1 =	vld [tilespmem:s5+$0x12020]  }
0x4d6: {  	[tilespmem:s5+$0x1B010] =	vst v0;
	v0 =	vld [tilespmem:s5+$0x13020];
	v4 =	vadd.f32 v4, v3  }
0x4d7: {  	v8 =	vadd.f32 v10, v7;
	v9 =	vld [tilespmem:s5+$0xF030]  }
0x4d8: {  	s0 =	sor.u32 $0x3070, s6;
	v10 =	vld [tilespmem:s5+$0x10030];
	v2 =	vadd.f32 v2, v6;
	[tilespmem:s7+$0x18000] =	vst v4  }
0x4d9: {  	[tilespmem:s5+$0x18020] =	vst v8;
	v4 =	vadd.f32 v5, v7;
	v5 =	vld [tilespmem:s0+$0x10000]  }
0x4da: {  	v1 =	vadd.f32 v1, v7;
	v8 =	vld [tilespmem:s5+$0x11030];
	[tilespmem:s2+$0x18000] =	vst v2  }
0x4db: {  	[tilespmem:s5+$0x19020] =	vst v4;
	v0 =	vadd.f32 v0, v7;
	v2 =	vld [tilespmem:s16+$0x10000]  }
0x4dc: {  	[tilespmem:s5+$0x1A020] =	vst v1;
	v1 =	vld [tilespmem:s5+$0x12030]  }
0x4dd: {  	[tilespmem:s5+$0x1B020] =	vst v0;
	v4 =	vadd.f32 v10, v9;
	v7 =	vld [tilespmem:s5+$0x13030]  }
0x4de: {  	v0 =	vld [tilespmem:s5+$0xF040];
	v10 =	vadd.f32 v5, v3  }
.Ltmp12:
0x4df: {  	[tilespmem:s5+$0x18030] =	vst v4;
	v4 =	vadd.f32 v8, v9;
	v5 =	vld [tilespmem:s5+$0x10040];
	(pc) =	sbr.rel @p0 .LBB2_26-.Ltmp12, $4  }
0x4e0: {  	v3 =	vld [tilespmem:s5+$0x11040];
	v8 =	vadd.f32 v2, v6;
	[tilespmem:s0+$0x18000] =	vst v10  }
0x4e1: {  	[tilespmem:s5+$0x19030] =	vst v4;
	v1 =	vadd.f32 v1, v9;
	v4 =	vld [tilespmem:s5+$0x12040]  }
0x4e2: {  	v6 =	vadd.f32 v7, v9;
	v2 =	vld [tilespmem:s5+$0x13040];
	[tilespmem:s16+$0x18000] =	vst v8  }
0x4e3: {  	s12 =	sadd.s32 $0x400, s12;
	s15 =	sadd.s32 $0x1, s15;
	[tilespmem:s5+$0x1A030] =	vst v1;
	v1 =	vld [tilespmem:s5+$0xF050]  }
0x4e4: {  	v7 =	vld [tilespmem:s5+$0x10050]  }
0x4e5: {  	v5 =	vadd.f32 v5, v0;
	v8 =	vld [tilespmem:s5+$0x11050]  }
0x4e6: {  	[tilespmem:s5+$0x1B030] =	vst v6;
	v57 =	vld [tilespmem:s5+$0x12050];
	v3 =	vadd.f32 v3, v0  }
0x4e7: {  	v58 =	vld [tilespmem:s5+$0x13050];
	[tilespmem:s5+$0x18040] =	vst v5;
	v4 =	vadd.f32 v4, v0  }
0x4e8: {  	[tilespmem:s5+$0x19040] =	vst v3;
	v59 =	vadd.f32 v2, v0  }
0x4e9: {  	[tilespmem:s5+$0x1A040] =	vst v4;
	v60 =	vadd.f32 v7, v1  }
0x4ea: {  	[tilespmem:s5+$0x1B040] =	vst v59;
	v61 =	vadd.f32 v8, v1  }
0x4eb: {  	v62 =	vadd.f32 v57, v1;
	[tilespmem:s5+$0x18050] =	vst v60  }
0x4ec: {  	v63 =	vadd.f32 v58, v1;
	[tilespmem:s5+$0x19050] =	vst v61  }
0x4ed: {  	[tilespmem:s5+$0x1A050] =	vst v62  }
0x4ee: {  	[tilespmem:s5+$0x1B050] =	vst v63  }
0x4ef: {  	s0 =	rddreg [dreg:$0x16]  }
0x4f0: {  	[hbm4b:s0+s14] =	stream.strided.scatter [tilespmem:s24], [sflag:$0x6], $0x4000, s13, s14, $0x38;
	[tilespmem:$0x1C000] =	vst v63  }
0x4f1: {  	_ =	swait.ge [sflag:s26], $0x4000  }
0x4f2: {  	[sflag:s26] =	ssyncset.done $0x0  }
0x4f3: {  	[sflag:s26] =	ssyncadd.s32 $0xFFFFC000  }
0x4f4: {  	_ =	swait.ge [sflag:s29], $0x4000  }
0x4f5: {  	s2 =	sld [smem:$0x7FA];
	_ =	sdelay $0x2  }
0x4f6: {  	s31 =	rddreg [dreg:$0x17];
	s2 =	sadd.s32 $0x1, s2  }
0x4f7: {  	p0 =	sne.s32 s2, s31  }
.Ltmp13:
0x4f8: {  	_ = 	snop;
	(pc) =	sbr.rel @p0 .LBB2_1-.Ltmp13, $3  }
0x4f9: {  	_ =	sdelay $0x1  }
0x4fa: {  	[sflag:s29] =	ssyncset.done $0x0  }
0x4fb: {  	[sflag:s29] =	ssyncadd.s32 $0xFFFFC000  }
0x4fc: {  	_ =	sfence.sel $0x180000  }
0x4fd: {  	[bflag:$0x0] =	sbarrier.arrive $0xFFFF  }
0x4fe: {  	_ =	strace $0x90000047  }
0x4ff: {  	s0 =	stileid.u32;
	[bflag:$0x2] =	sbarrier.arrive $0xFFFF  }
0x500: {  	p0 =	sne.s32 s0, $0x0;
	s0 =	rddreg [dreg:$0x3]  }
0x501: {  	s0 =	sadd.s32 @!p0 $0x100000, s0  }
0x502: {  	[sflag:s0] =	ssyncadd.tile.s32 @!p0 $0x1;
	_ =	shalt  }
.Lfunc_end2:
_tile_overlayer_lowered:
.L_overlay_start_2:
0x503: {  	(tag) =	ssettag $0x2  }
0x504: {  	s0 =	rddreg [dreg:$0x0];
	s2 =	stileid.u32  }
0x505: {  	s1 =	rddreg [dreg:$0x1];
	p0 =	sne.s32 s2, $0x0  }
0x506: {  	s3 =	rddreg [dreg:$0x2];
	[bflag:$0x3] =	sbarrier.arrive $0xFFFF;
	s2 =	simm.s32 @!p0 $0x1C07  }
0x507: {  	[timem:s3], [sflag:s2] =	dma.local @!p0 [hbm:s0], s1  }
0x508: {  	s0 =	simm.s32 @!p0 $0x7  }
0x509: {  	_ =	swait.ge @!p0 [sflag:s0], s1  }
0x50a: {  	s1 =	ssub.s32 @!p0 $0x0, s1;
	[sflag:s0] =	ssyncset.done @!p0 $0x0  }
0x50b: {  	[sflag:s0] =	ssyncadd.s32 @!p0 s1  }
0x50c: {  	[bflag:$0x3] =	sbarrier.arrive $0xFFFF  }
0x50d: {  	_ =	shalt  }

</sc_bundles>
